<compile_context>
chip_gen: v7x
topology: tpu7x:2x2x1
jax: 0.10.2.dev20260603
libtpu: 0.0.44.dev20260713+nightly
codegen_flags: <defaults>
</compile_context>

<pallas_src>
import functools
import math

import jax
import jax.numpy as jnp
from jax import lax
from jax.experimental import pallas as pl
from jax.experimental.pallas import tpu as pltpu
from jax.experimental.pallas import tpu_sc as plsc

N = 10000
E = 160000
D = 256
TOPK = 2048

NC = 2
NS = 16
NW = NC * NS

NH = N // NC
NT = 5120
DUMP = 5100
ROWS_PER_TILE = NT // NS

EA = E // NW
EC = E // NS
CHA = 128
CHC = 64

NDP = 10016

NEG_INF = float("-inf")
I32_MIN = -2147483648

_SC_PARAMS = pltpu.CompilerParams(
    needs_layout_passes=False, use_tc_tiling_on_sc=False)



def _sc_gather_body(from_list, with_deg, *args):
    if with_deg:
        (src_hbm, dst_hbm, p_hbm, q_hbm, fr_hbm,
         x1_hbm, x2_hbm, act_hbm, deg_out,
         fbuf, snbuf, idx_s, idx_d, bufp, bufq, abuf,
         deg_sh, onesb, z16, idx8, sem1, sem2) = args
    else:
        (src_hbm, dst_hbm, p_hbm, q_hbm, fr_hbm,
         x1_hbm, x2_hbm, act_hbm,
         fbuf, snbuf, idx_s, idx_d, bufp, bufq, abuf, sem1, sem2) = args
    c = lax.axis_index("c")
    s = lax.axis_index("s")
    wid = s * NC + c
    base = wid * EA

    ones16 = jnp.full((16,), 1.0, dtype=jnp.float32)

    if from_list:
        @pl.loop(0, N // 16)
        def _zero(i):
            fbuf[pl.ds(i * 16, 16)] = jnp.zeros((16,), jnp.float32)
        pltpu.sync_copy(fr_hbm, snbuf)

        @pl.loop(0, TOPK // 16)
        def _setf(i):
            ids = snbuf[pl.ds(i * 16, 16)]
            plsc.store_scatter(fbuf, [ids], ones16)
    else:
        pltpu.sync_copy(fr_hbm, fbuf)

    if with_deg:
        @pl.loop(0, CHA)
        def _z(r):
            col1 = jnp.where(lax.iota(jnp.int32, 16) == 0, 1.0, 0.0)
            onesb[r, pl.ds(0, 16)] = col1

        @pl.loop(0, 4)
        def _z16(r):
            z16[r, pl.ds(0, 16)] = jnp.zeros((16,), jnp.float32)

        drow0 = s * (NDP // NS)

        @pl.loop(0, (NDP // NS) // 4)
        def _zdeg(i):
            pltpu.sync_copy(z16, deg_sh.at[pl.ds(drow0 + i * 4, 4)])

        plsc.subcore_barrier()

    def chunk(e0):
        pltpu.sync_copy(src_hbm.at[pl.ds(e0, CHA)], idx_s)
        pltpu.sync_copy(dst_hbm.at[pl.ds(e0, CHA)], idx_d)
        cp1 = pltpu.async_copy(p_hbm.at[idx_s], bufp, sem1)
        cp2 = pltpu.async_copy(q_hbm.at[idx_d], bufq, sem2)
        for j in range(CHA // 16):
            ids = idx_s[pl.ds(j * 16, 16)]
            abuf[pl.ds(j * 16, 16)] = plsc.load_gather(fbuf, [ids])
        cp1.wait()
        cp2.wait()
        pltpu.sync_copy(bufp, x1_hbm.at[pl.ds(e0, CHA)])
        pltpu.sync_copy(bufq, x2_hbm.at[pl.ds(e0, CHA)])
        pltpu.sync_copy(abuf, act_hbm.at[pl.ds(e0, CHA)])
        if with_deg:
            pltpu.sync_copy(onesb, deg_sh.at[idx_s], add=True)

    @pl.loop(0, EA // CHA)
    def _main(i):
        chunk(base + pl.multiple_of(i * CHA, 8))

    if EA % CHA != 0:
        tail = EA % CHA
        e0 = base + (EA // CHA) * CHA
        pltpu.sync_copy(src_hbm.at[pl.ds(base + EA - CHA, CHA)], idx_s)
        pltpu.sync_copy(dst_hbm.at[pl.ds(base + EA - CHA, CHA)], idx_d)
        cp1 = pltpu.async_copy(p_hbm.at[idx_s], bufp, sem1)
        cp2 = pltpu.async_copy(q_hbm.at[idx_d], bufq, sem2)
        for j in range(CHA // 16):
            ids = idx_s[pl.ds(j * 16, 16)]
            abuf[pl.ds(j * 16, 16)] = plsc.load_gather(fbuf, [ids])
        cp1.wait()
        cp2.wait()
        pltpu.sync_copy(bufp, x1_hbm.at[pl.ds(base + EA - CHA, CHA)])
        pltpu.sync_copy(bufq, x2_hbm.at[pl.ds(base + EA - CHA, CHA)])
        pltpu.sync_copy(abuf, act_hbm.at[pl.ds(base + EA - CHA, CHA)])
        if with_deg:
            pltpu.sync_copy(src_hbm.at[pl.ds(e0, tail)], idx8)
            pltpu.sync_copy(onesb.at[pl.ds(0, tail)], deg_sh.at[idx8], add=True)

    if with_deg:
        plsc.subcore_barrier()
        pltpu.sync_copy(deg_sh.at[pl.ds(drow0, NDP // NS)],
                        deg_out.at[c, pl.ds(drow0, NDP // NS)])


def _sc_gather(src, dst, p, q, frontier, from_list, with_deg):
    mesh = plsc.VectorSubcoreMesh(core_axis_name="c", subcore_axis_name="s")
    out_type = [
        jax.ShapeDtypeStruct((E, D), jnp.float32),
        jax.ShapeDtypeStruct((E, D), jnp.float32),
        jax.ShapeDtypeStruct((E,), jnp.float32),
    ]
    scratch = [
        pltpu.VMEM((N,), jnp.float32),
        pltpu.VMEM((TOPK,), jnp.int32),
        pltpu.VMEM((CHA,), jnp.int32),
        pltpu.VMEM((CHA,), jnp.int32),
        pltpu.VMEM((CHA, D), jnp.float32),
        pltpu.VMEM((CHA, D), jnp.float32),
        pltpu.VMEM((CHA,), jnp.float32),
    ]
    if with_deg:
        out_type.append(jax.ShapeDtypeStruct((NC, NDP, 16), jnp.float32))
        scratch += [
            pltpu.VMEM_SHARED((NDP, 16), jnp.float32),
            pltpu.VMEM((CHA, 16), jnp.float32),
            pltpu.VMEM((4, 16), jnp.float32),
            pltpu.VMEM((EA % CHA,), jnp.int32),
        ]
    scratch += [pltpu.SemaphoreType.DMA, pltpu.SemaphoreType.DMA]
    fn = pl.kernel(
        functools.partial(_sc_gather_body, from_list, with_deg),
        out_type=out_type,
        mesh=mesh,
        compiler_params=_SC_PARAMS,
        scratch_types=scratch,
    )
    return fn(src, dst, p, q, frontier)



def _sc_scatter_body(dst_hbm, act_hbm, m_hbm,
                     agg_out, cnt_out,
                     agg_sh, cnt_sh,
                     mbuf, z16, dstv, actv, idxv, idx16, onesb):
    c = lax.axis_index("c")
    s = lax.axis_index("s")
    base = s * EC
    half0 = c * NH

    @pl.loop(0, CHC)
    def _z(r):
        for j in range(D // 16):
            mbuf[r, pl.ds(j * 16, 16)] = jnp.zeros((16,), jnp.float32)
        z16[r, pl.ds(0, 16)] = jnp.zeros((16,), jnp.float32)
        col1 = jnp.where(lax.iota(jnp.int32, 16) == 0, 1.0, 0.0)
        onesb[r, pl.ds(0, 16)] = col1

    row0 = s * ROWS_PER_TILE

    @pl.loop(0, ROWS_PER_TILE // CHC)
    def _za(i):
        pltpu.sync_copy(mbuf, agg_sh.at[pl.ds(row0 + i * CHC, CHC)])
        pltpu.sync_copy(z16, cnt_sh.at[pl.ds(row0 + i * CHC, CHC)])

    plsc.subcore_barrier()

    dump = jnp.full((16,), DUMP, dtype=jnp.int32)

    def chunk(e0, sz, ibuf):
        pltpu.sync_copy(dst_hbm.at[pl.ds(e0, sz)], dstv.at[pl.ds(0, sz)])
        pltpu.sync_copy(act_hbm.at[pl.ds(e0, sz)], actv.at[pl.ds(0, sz)])
        for j in range(sz // 16):
            d = dstv[pl.ds(j * 16, 16)]
            a = actv[pl.ds(j * 16, 16)]
            loc = d - half0
            ok = (loc >= 0) & (loc < NH) & (a > 0.0)
            ibuf[pl.ds(j * 16, 16)] = jnp.where(ok, loc, dump)
        pltpu.sync_copy(m_hbm.at[pl.ds(e0, sz)], mbuf.at[pl.ds(0, sz)])
        pltpu.sync_copy(mbuf.at[pl.ds(0, sz)], agg_sh.at[ibuf], add=True)
        pltpu.sync_copy(onesb.at[pl.ds(0, sz)], cnt_sh.at[ibuf], add=True)

    @pl.loop(0, EC // CHC)
    def _main(i):
        chunk(base + pl.multiple_of(i * CHC, 8), CHC, idxv)

    if EC % CHC != 0:
        chunk(base + (EC // CHC) * CHC, EC % CHC, idx16)

    plsc.subcore_barrier()

    pltpu.sync_copy(agg_sh.at[pl.ds(row0, ROWS_PER_TILE)],
                    agg_out.at[c, pl.ds(row0, ROWS_PER_TILE)])
    pltpu.sync_copy(cnt_sh.at[pl.ds(row0, ROWS_PER_TILE)],
                    cnt_out.at[c, pl.ds(row0, ROWS_PER_TILE)])


def _sc_scatter(dst, act, m):
    mesh = plsc.VectorSubcoreMesh(core_axis_name="c", subcore_axis_name="s")
    tail = EC % CHC if EC % CHC else 16
    fn = pl.kernel(
        _sc_scatter_body,
        out_type=[
            jax.ShapeDtypeStruct((NC, NT, D), jnp.float32),
            jax.ShapeDtypeStruct((NC, NT, 16), jnp.float32),
        ],
        mesh=mesh,
        compiler_params=_SC_PARAMS,
        scratch_types=[
            pltpu.VMEM_SHARED((NT, D), jnp.float32),
            pltpu.VMEM_SHARED((NT, 16), jnp.float32),
            pltpu.VMEM((CHC, D), jnp.float32),
            pltpu.VMEM((CHC, 16), jnp.float32),
            pltpu.VMEM((CHC,), jnp.int32),
            pltpu.VMEM((CHC,), jnp.float32),
            pltpu.VMEM((CHC,), jnp.int32),
            pltpu.VMEM((tail,), jnp.int32),
            pltpu.VMEM((CHC, 16), jnp.float32),
        ],
    )
    return fn(dst, act, m)



BN = 1000
BE = 2000


def _dot(a, b):
    return jax.lax.dot_general(a, b, (((1,), (0,)), ((), ())),
                               preferred_element_type=jnp.float32)


def _tc0_body(h, wi1, bi1, wi2, bi2, w1, learned, p, q):
    hb = h[...]
    z = jnp.maximum(_dot(hb, wi1[...]) + bi1[...], 0.0)
    lr = _dot(z, wi2[...]) + bi2[...]
    learned[...] = jnp.broadcast_to(lr, (BN, 16))
    p[...] = _dot(hb, w1[0:D, :])
    q[...] = _dot(hb, w1[D:2 * D, :])


def _tc0(h, wi1, bi1, wi2, bi2, w1):
    return pl.pallas_call(
        _tc0_body,
        grid=(N // BN,),
        in_specs=[
            pl.BlockSpec((BN, D), lambda i: (i, 0)),
            pl.BlockSpec((D, D // 2), lambda i: (0, 0)),
            pl.BlockSpec((1, D // 2), lambda i: (0, 0)),
            pl.BlockSpec((D // 2, 1), lambda i: (0, 0)),
            pl.BlockSpec((1, 1), lambda i: (0, 0)),
            pl.BlockSpec((2 * D, D), lambda i: (0, 0)),
        ],
        out_specs=[
            pl.BlockSpec((BN, 16), lambda i: (i, 0)),
            pl.BlockSpec((BN, D), lambda i: (i, 0)),
            pl.BlockSpec((BN, D), lambda i: (i, 0)),
        ],
        out_shape=[
            jax.ShapeDtypeStruct((N, 16), jnp.float32),
            jax.ShapeDtypeStruct((N, D), jnp.float32),
            jax.ShapeDtypeStruct((N, D), jnp.float32),
        ],
    )(h, wi1, bi1.reshape(1, -1), wi2, bi2.reshape(1, 1), w1)


def _tcb_body(x1, x2, b1, g, be, w2, b2, m):
    x = x1[...] + x2[...] + b1[...]
    mu = jnp.mean(x, axis=-1, keepdims=True)
    xc = x - mu
    var = jnp.mean(xc * xc, axis=-1, keepdims=True)
    xn = xc * lax.rsqrt(var + 1e-5) * g[...] + be[...]
    ge = xn * 0.5 * (1.0 + lax.erf(xn * (1.0 / math.sqrt(2.0))))
    m[...] = _dot(ge, w2[...]) + b2[...]


def _tcb(x1, x2, b1, g, be, w2, b2):
    return pl.pallas_call(
        _tcb_body,
        grid=(E // BE,),
        in_specs=[
            pl.BlockSpec((BE, D), lambda i: (i, 0)),
            pl.BlockSpec((BE, D), lambda i: (i, 0)),
            pl.BlockSpec((1, D), lambda i: (0, 0)),
            pl.BlockSpec((1, D), lambda i: (0, 0)),
            pl.BlockSpec((1, D), lambda i: (0, 0)),
            pl.BlockSpec((D, D), lambda i: (0, 0)),
            pl.BlockSpec((1, D), lambda i: (0, 0)),
        ],
        out_specs=pl.BlockSpec((BE, D), lambda i: (i, 0)),
        out_shape=jax.ShapeDtypeStruct((E, D), jnp.float32),
    )(x1, x2, b1.reshape(1, -1), g.reshape(1, -1), be.reshape(1, -1),
      w2, b2.reshape(1, -1))


def _tcd1_body(h, agg, cnt, deg0, deg1, learned, w1, h1, p, q, scores):
    cr = cnt[...][:, 0:1]
    mask = (cr > 0.0).astype(jnp.float32)
    hn = h[...] + agg[...] / (cr + 1e-6) * mask
    h1[...] = hn
    p[...] = _dot(hn, w1[0:D, :])
    q[...] = _dot(hn, w1[D:2 * D, :])
    dg = deg0[...][:, 0:1] + deg1[...][:, 0:1]
    imp = 0.7 * learned[...][:, 0:1] + 0.3 * jnp.log1p(dg)
    sc = jnp.where(cr > 0.0, imp, NEG_INF)
    scores[...] = jnp.broadcast_to(sc, (BN, 16))


def _tcd1(h, agg, cnt, deg0, deg1, learned, w1):
    return pl.pallas_call(
        _tcd1_body,
        grid=(N // BN,),
        in_specs=[
            pl.BlockSpec((BN, D), lambda i: (i, 0)),
            pl.BlockSpec((BN, D), lambda i: (i, 0)),
            pl.BlockSpec((BN, 16), lambda i: (i, 0)),
            pl.BlockSpec((BN, 16), lambda i: (i, 0)),
            pl.BlockSpec((BN, 16), lambda i: (i, 0)),
            pl.BlockSpec((BN, 16), lambda i: (i, 0)),
            pl.BlockSpec((2 * D, D), lambda i: (0, 0)),
        ],
        out_specs=[
            pl.BlockSpec((BN, D), lambda i: (i, 0)),
            pl.BlockSpec((BN, D), lambda i: (i, 0)),
            pl.BlockSpec((BN, D), lambda i: (i, 0)),
            pl.BlockSpec((BN, 16), lambda i: (i, 0)),
        ],
        out_shape=[
            jax.ShapeDtypeStruct((N, D), jnp.float32),
            jax.ShapeDtypeStruct((N, D), jnp.float32),
            jax.ShapeDtypeStruct((N, D), jnp.float32),
            jax.ShapeDtypeStruct((N, 16), jnp.float32),
        ],
    )(h, agg, cnt, deg0, deg1, learned, w1)


def _tcdf_body(h, agg, cnt, h1):
    cr = cnt[...][:, 0:1]
    mask = (cr > 0.0).astype(jnp.float32)
    h1[...] = h[...] + agg[...] / (cr + 1e-6) * mask


def _tcdf(h, agg, cnt):
    return pl.pallas_call(
        _tcdf_body,
        grid=(N // BN,),
        in_specs=[
            pl.BlockSpec((BN, D), lambda i: (i, 0)),
            pl.BlockSpec((BN, D), lambda i: (i, 0)),
            pl.BlockSpec((BN, 16), lambda i: (i, 0)),
        ],
        out_specs=pl.BlockSpec((BN, D), lambda i: (i, 0)),
        out_shape=jax.ShapeDtypeStruct((N, D), jnp.float32),
    )(h, agg, cnt)


NPAD = 10240


def _topk_body(sref, out):
    s = sref[...]
    b = lax.bitcast_convert_type(s, jnp.int32)
    k = b ^ lax.shift_right_arithmetic(b, 31) & jnp.int32(0x7FFFFFFF)

    def body(i, t):
        bit = lax.shift_left(jnp.int32(1), 31 - i)
        t2 = t | bit
        thr = t2 ^ I32_MIN
        c = jnp.sum((k >= thr).astype(jnp.int32))
        return jnp.where(c >= TOPK, t2, t)

    tu = lax.fori_loop(0, 32, body, jnp.int32(0))
    tk = tu ^ I32_MIN
    n_gt = jnp.sum((k > tk).astype(jnp.int32))
    r = (TOPK - n_gt).astype(jnp.float32)
    eq = (k == tk).astype(jnp.float32)
    cols = NPAD // 80
    um = (lax.broadcasted_iota(jnp.int32, (cols, cols), 0)
          < lax.broadcasted_iota(jnp.int32, (cols, cols), 1)).astype(jnp.float32)
    rowpre = _dot(eq, um)
    rowsum = jnp.sum(eq, axis=1, keepdims=True)
    lt = (lax.broadcasted_iota(jnp.int32, (80, 80), 1)
          < lax.broadcasted_iota(jnp.int32, (80, 80), 0)).astype(jnp.float32)
    rowoff = _dot(lt, rowsum)
    rank = rowpre + rowoff
    ind = (k > tk) | ((k == tk) & (rank < r))
    out[...] = ind.astype(jnp.float32)


def _topk(scores_col):
    pad = jnp.full((NPAD - N,), NEG_INF, dtype=jnp.float32)
    s2 = jnp.concatenate([scores_col, pad]).reshape(80, NPAD // 80)
    ind = pl.pallas_call(
        _topk_body,
        grid=(1,),
        in_specs=[pl.BlockSpec((80, NPAD // 80), lambda i: (0, 0))],
        out_specs=pl.BlockSpec((80, NPAD // 80), lambda i: (0, 0)),
        out_shape=jax.ShapeDtypeStruct((80, NPAD // 80), jnp.float32),
    )(s2)
    return ind.reshape(NPAD)[:N]



def kernel(h, edge_index, source_nodes,
           W1_0, b1_0, g_0, be_0, W2_0, b2_0,
           W1_1, b1_1, g_1, be_1, W2_1, b2_1,
           Wi1, bi1, Wi2, bi2):
    src = edge_index[0]
    dst = edge_index[1]

    learned, p0, q0 = _tc0(h, Wi1, bi1, Wi2, bi2, W1_0)

    x1, x2, act, degh = _sc_gather(src, dst, p0, q0, source_nodes,
                                   from_list=True, with_deg=True)
    m = _tcb(x1, x2, b1_0, g_0, be_0, W2_0, b2_0)
    aggh, cnth = _sc_scatter(dst, act, m)
    agg = jnp.concatenate([aggh[0, :NH], aggh[1, :NH]], axis=0)
    cnt = jnp.concatenate([cnth[0, :NH], cnth[1, :NH]], axis=0)
    h1, p1, q1, scores = _tcd1(h, agg, cnt, degh[0, :N], degh[1, :N],
                               learned, W1_1)
    frontier = _topk(scores[:, 0])

    x1b, x2b, actb = _sc_gather(src, dst, p1, q1, frontier,
                                from_list=False, with_deg=False)
    m2 = _tcb(x1b, x2b, b1_1, g_1, be_1, W2_1, b2_1)
    aggh2, cnth2 = _sc_scatter(dst, actb, m2)
    agg2 = jnp.concatenate([aggh2[0, :NH], aggh2[1, :NH]], axis=0)
    cnt2 = jnp.concatenate([cnth2[0, :NH], cnth2[1, :NH]], axis=0)
    return _tcdf(h1, agg2, cnt2)

# --- scband reference (transcript-rebuilt; emitter-appended) ---
"""Pipeline reference for scband-multi-hop-broadcast-22617297781300 (READ-ONLY COPY).

The authoritative reference and input builder live on the scoring server;
editing this copy changes nothing except your own understanding.
"""

import jax, jax.numpy as jnp
import numpy as np

N = 10000
E = 160000
D = 256
MAX_HOPS = 2
TOP_K = 2048


def _layernorm(x, g, b, eps=1e-5):
    mu = jnp.mean(x, axis=-1, keepdims=True)
    var = jnp.var(x, axis=-1, keepdims=True)
    return (x - mu) / jnp.sqrt(var + eps) * g + b


def setup_inputs(seed: int = 0) -> dict:
    key = jax.random.key(seed)
    ks = jax.random.split(key, 24)
    inp = {}
    inp["h"] = jax.random.normal(ks[0], (N, D), dtype=jnp.float32)
    inp["edge_index"] = jax.random.randint(ks[1], (2, E), 0, N, dtype=jnp.int32)
    inp["source_nodes"] = jax.random.randint(ks[2], (TOP_K,), 0, N, dtype=jnp.int32)
    s1 = 1.0 / np.sqrt(2 * D)
    s2 = 1.0 / np.sqrt(D)
    for k in range(MAX_HOPS):
        inp[f"W1_{k}"] = jax.random.normal(ks[3 + 4 * k], (2 * D, D), dtype=jnp.float32) * s1
        inp[f"b1_{k}"] = jnp.zeros((D,), jnp.float32)
        inp[f"g_{k}"] = jnp.ones((D,), jnp.float32)
        inp[f"be_{k}"] = jnp.zeros((D,), jnp.float32)
        inp[f"W2_{k}"] = jax.random.normal(ks[4 + 4 * k], (D, D), dtype=jnp.float32) * s2
        inp[f"b2_{k}"] = jnp.zeros((D,), jnp.float32)
    inp["Wi1"] = jax.random.normal(ks[12], (D, D // 2), dtype=jnp.float32) * s2
    inp["bi1"] = jnp.zeros((D // 2,), jnp.float32)
    inp["Wi2"] = jax.random.normal(ks[13], (D // 2, 1), dtype=jnp.float32) * (1.0 / np.sqrt(D // 2))
    inp["bi2"] = jnp.zeros((1,), jnp.float32)
    return inp


def reference(h, edge_index, source_nodes,
              W1_0, b1_0, g_0, be_0, W2_0, b2_0,
              W1_1, b1_1, g_1, be_1, W2_1, b2_1,
              Wi1, bi1, Wi2, bi2):
    src = edge_index[0]
    dst = edge_index[1]
    # structural importance: 0.7 * learned + 0.3 * log1p(degree)
    z = jax.nn.relu(h @ Wi1 + bi1)
    learned = (z @ Wi2 + bi2)[:, 0]
    degree = jnp.zeros((N,), jnp.float32).at[src].add(1.0)
    importance = 0.7 * learned + 0.3 * jnp.log1p(degree)
    # frontier mask for source nodes
    frontier = jnp.zeros((N,), jnp.float32).at[source_nodes].set(1.0)
    hop_params = [(W1_0, b1_0, g_0, be_0, W2_0, b2_0),
                  (W1_1, b1_1, g_1, be_1, W2_1, b2_1)]
    h_cur = h
    for (W1, b1, g, be, W2, b2) in hop_params:
        e_act = frontier[src]  # [E] edges whose source is in current frontier
        m = jnp.concatenate([h_cur[src], h_cur[dst]], axis=-1)  # [E, 2D]
        m = m @ W1 + b1
        m = _layernorm(m, g, be)
        m = jax.nn.gelu(m, approximate=False)
        m = m @ W2 + b2
        agg = jnp.zeros((N, D), jnp.float32).at[dst].add(m * e_act[:, None])
        cnt = jnp.zeros((N,), jnp.float32).at[dst].add(e_act)
        h_new = agg / (cnt[:, None] + 1e-6)  # mean aggregation
        reached = (cnt > 0).astype(jnp.float32)
        h_cur = h_cur + h_new * reached[:, None]
        # next frontier: top_k_neighbors most important reached nodes
        scores = jnp.where(cnt > 0, importance, -jnp.inf)
        _, idx = jax.lax.top_k(scores, TOP_K)
        frontier = jnp.zeros((N,), jnp.float32).at[idx].set(1.0)
    return h_cur

if __name__ == "__main__":
    import jax
    _d = setup_inputs()
    print(jax.jit(kernel)(*tuple(_d.values())))

</pallas_src>

<mosaic_0001>
#map = affine_map<(d0, d1) -> (0)>
#map1 = affine_map<(d0, d1) -> (0, 0)>
#map2 = affine_map<(d0, d1) -> (0, 0, 0)>
module attributes {stable_mosaic.version = 14 : i64} {
  func.func @_sc_gather_body(%arg0: i32, %arg1: i32, %arg2: memref<160000xi32, #tpu.memory_space<hbm>>, %arg3: memref<160000xi32, #tpu.memory_space<hbm>>, %arg4: memref<10000x256xf32, #tpu.memory_space<hbm>>, %arg5: memref<10000x256xf32, #tpu.memory_space<hbm>>, %arg6: memref<2048xi32, #tpu.memory_space<hbm>>, %arg7: memref<160000x256xf32, #tpu.memory_space<hbm>>, %arg8: memref<160000x256xf32, #tpu.memory_space<hbm>>, %arg9: memref<160000xf32, #tpu.memory_space<hbm>>, %arg10: memref<2x10016x16xf32, #tpu.memory_space<hbm>>, %arg11: memref<10000xf32, #tpu.memory_space<vmem>>, %arg12: memref<2048xi32, #tpu.memory_space<vmem>>, %arg13: memref<128xi32, #tpu.memory_space<vmem>>, %arg14: memref<128xi32, #tpu.memory_space<vmem>>, %arg15: memref<128x256xf32, #tpu.memory_space<vmem>>, %arg16: memref<128x256xf32, #tpu.memory_space<vmem>>, %arg17: memref<128xf32, #tpu.memory_space<vmem>>, %arg18: memref<10016x16xf32, #tpu.memory_space<vmem_shared>>, %arg19: memref<128x16xf32, #tpu.memory_space<vmem>>, %arg20: memref<4x16xf32, #tpu.memory_space<vmem>>, %arg21: memref<8xi32, #tpu.memory_space<vmem>>, %arg22: memref<!tpu.dma_semaphore, #tpu.memory_space<semaphore_mem>>, %arg23: memref<!tpu.dma_semaphore, #tpu.memory_space<semaphore_mem>>) attributes {dimension_semantics = [#tpu.dimension_semantics<core_parallel>, #tpu.dimension_semantics<subcore_parallel>], iteration_bounds = array<i64: 2, 16>, scalar_prefetch = 0 : i64, scratch_operands = 13 : i64, tpu.core_type = #tpu.core_type<sc_vector_subcore>, window_params = [{transform_indices = #map}, {transform_indices = #map}, {transform_indices = #map1}, {transform_indices = #map1}, {transform_indices = #map}, {transform_indices = #map1}, {transform_indices = #map1}, {transform_indices = #map}, {transform_indices = #map2}]} {
    %mul3A = arith.constant 2 : i32
    %mul3A_0 = arith.muli %arg1, %mul3A : i32
    %add3A = arith.addi %mul3A_0, %arg0 : i32
    %mul3A_1 = arith.constant 5000 : i32
    %mul3A_2 = arith.muli %add3A, %mul3A_1 : i32
    %broadcast_in_dim3A = arith.constant 1.000000e+00 : f32
    %broadcast_in_dim3A_3 = vector.broadcast %broadcast_in_dim3A : f32 to vector<16xf32>
    %scan3A = arith.constant 0 : i32
    %scan3A_4 = arith.constant 625 : i32
    %scan3A_5 = arith.addi %scan3A, %scan3A_4 : i32
    %scan3A_6 = arith.constant 1 : i32
    scf.for %scan3A_104 = %scan3A to %scan3A_5 step %scan3A_6  : i32 {
      %mul3A_105 = arith.constant 1 : i32
      %mul3A_106 = arith.muli %scan3A_104, %mul3A_105 : i32
      %add3A_107 = arith.constant 0 : i32
      %add3A_108 = arith.addi %add3A_107, %mul3A_106 : i32
      %broadcast_in_dim3A_109 = arith.constant 0.000000e+00 : f32
      %broadcast_in_dim3A_110 = vector.broadcast %broadcast_in_dim3A_109 : f32 to vector<16xf32>
      %mul3A_111 = arith.constant 16 : i32
      %mul3A_112 = arith.muli %add3A_108, %mul3A_111 : i32
      %swap3A_113 = arith.index_cast %mul3A_112 : i32 to index
      %swap3A_114 = tpu.vector_load %arg11[%swap3A_113] {strides = array<i32>} : memref<10000xf32, #tpu.memory_space<vmem>>, vector<16xf32>,
      tpu.vector_store %arg11[%swap3A_113], %broadcast_in_dim3A_110 {strides = array<i32>} : memref<10000xf32, #tpu.memory_space<vmem>>, vector<16xf32>,
    }
    %scan3A_7 = arith.constant 625 : i32
    "tpu.region"() ({
      %run_scoped3A = tpu.sem_alloc : memref<!tpu.dma_semaphore, #tpu.memory_space<semaphore_mem>>
      tpu.enqueue_dma source(%arg6 : memref<2048xi32, #tpu.memory_space<hbm>>) target(%arg12 : memref<2048xi32, #tpu.memory_space<vmem>>) target_semaphore(%run_scoped3A : memref<!tpu.dma_semaphore, #tpu.memory_space<semaphore_mem>>)
      tpu.wait_dma2 semaphore(%run_scoped3A : memref<!tpu.dma_semaphore, #tpu.memory_space<semaphore_mem>>) src(%arg6 : memref<2048xi32, #tpu.memory_space<hbm>>) dst(%arg12 : memref<2048xi32, #tpu.memory_space<vmem>>)
      tpu.yield
    }) : () -> ()
    %scan3A_8 = arith.constant 0 : i32
    %scan3A_9 = arith.constant 128 : i32
    %scan3A_10 = arith.addi %scan3A_8, %scan3A_9 : i32
    %scan3A_11 = arith.constant 1 : i32
    scf.for %scan3A_104 = %scan3A_8 to %scan3A_10 step %scan3A_11  : i32 {
      %mul3A_105 = arith.constant 1 : i32
      %mul3A_106 = arith.muli %scan3A_104, %mul3A_105 : i32
      %add3A_107 = arith.constant 0 : i32
      %add3A_108 = arith.addi %add3A_107, %mul3A_106 : i32
      %mul3A_109 = arith.constant 16 : i32
      %mul3A_110 = arith.muli %add3A_108, %mul3A_109 : i32
      %get3A_111 = arith.index_cast %mul3A_110 : i32 to index
      %get3A_112 = tpu.vector_load %arg12[%get3A_111] {strides = array<i32>} : memref<2048xi32, #tpu.memory_space<vmem>>, vector<16xi32>,
      tpu.vector_store_idx %arg11[%get3A_112], %broadcast_in_dim3A_3 : memref<10000xf32, #tpu.memory_space<vmem>>[vector<16xi32>], vector<16xf32>,
    }
    %scan3A_12 = arith.constant 128 : i32
    %scan3A_13 = arith.constant 0 : i32
    %scan3A_14 = arith.constant 128 : i32
    %scan3A_15 = arith.addi %scan3A_13, %scan3A_14 : i32
    %scan3A_16 = arith.constant 1 : i32
    scf.for %scan3A_104 = %scan3A_13 to %scan3A_15 step %scan3A_16  : i32 {
      %mul3A_105 = arith.constant 1 : i32
      %mul3A_106 = arith.muli %scan3A_104, %mul3A_105 : i32
      %add3A_107 = arith.constant 0 : i32
      %add3A_108 = arith.addi %add3A_107, %mul3A_106 : i32
      %iota3A = tpu.iota {dimensions = array<i32: 0>} : vector<16xi32>
      %eq3A = arith.constant 0 : i32
      %eq3A_109 = vector.broadcast %eq3A : i32 to vector<16xi32>
      %eq3A_110 = arith.cmpi eq, %iota3A, %eq3A_109 : vector<16xi32>
      %jit3A = arith.constant 1.000000e+00 : f32
      %jit3A_111 = arith.constant 0.000000e+00 : f32
      %broadcast_in_dim3A_112 = vector.broadcast %jit3A : f32 to vector<16xf32>
      %broadcast_in_dim3A_113 = vector.broadcast %jit3A_111 : f32 to vector<16xf32>
      %select_n3A = arith.select %eq3A_110, %broadcast_in_dim3A_112, %broadcast_in_dim3A_113 : vector<16xi1>, vector<16xf32>
      %swap3A_114 = arith.index_cast %add3A_108 : i32 to index
      %swap3A_115 = arith.constant 0 : index
      %swap3A_116 = tpu.vector_load %arg19[%swap3A_114, %swap3A_115] {strides = array<i32>} : memref<128x16xf32, #tpu.memory_space<vmem>>, vector<16xf32>,
      tpu.vector_store %arg19[%swap3A_114, %swap3A_115], %select_n3A {strides = array<i32>} : memref<128x16xf32, #tpu.memory_space<vmem>>, vector<16xf32>,
    }
    %scan3A_17 = arith.constant 128 : i32
    %scan3A_18 = arith.constant 0 : i32
    %scan3A_19 = arith.constant 4 : i32
    %scan3A_20 = arith.addi %scan3A_18, %scan3A_19 : i32
    %scan3A_21 = arith.constant 1 : i32
    scf.for %scan3A_104 = %scan3A_18 to %scan3A_20 step %scan3A_21  : i32 {
      %mul3A_105 = arith.constant 1 : i32
      %mul3A_106 = arith.muli %scan3A_104, %mul3A_105 : i32
      %add3A_107 = arith.constant 0 : i32
      %add3A_108 = arith.addi %add3A_107, %mul3A_106 : i32
      %broadcast_in_dim3A_109 = arith.constant 0.000000e+00 : f32
      %broadcast_in_dim3A_110 = vector.broadcast %broadcast_in_dim3A_109 : f32 to vector<16xf32>
      %swap3A_111 = arith.index_cast %add3A_108 : i32 to index
      %swap3A_112 = arith.constant 0 : index
      %swap3A_113 = tpu.vector_load %arg20[%swap3A_111, %swap3A_112] {strides = array<i32>} : memref<4x16xf32, #tpu.memory_space<vmem>>, vector<16xf32>,
      tpu.vector_store %arg20[%swap3A_111, %swap3A_112], %broadcast_in_dim3A_110 {strides = array<i32>} : memref<4x16xf32, #tpu.memory_space<vmem>>, vector<16xf32>,
    }
    %scan3A_22 = arith.constant 4 : i32
    %mul3A_23 = arith.constant 626 : i32
    %mul3A_24 = arith.muli %arg1, %mul3A_23 : i32
    %scan3A_25 = arith.constant 0 : i32
    %scan3A_26 = arith.constant 156 : i32
    %scan3A_27 = arith.addi %scan3A_25, %scan3A_26 : i32
    %scan3A_28 = arith.constant 1 : i32
    scf.for %scan3A_104 = %scan3A_25 to %scan3A_27 step %scan3A_28  : i32 {
      %mul3A_105 = arith.constant 1 : i32
      %mul3A_106 = arith.muli %scan3A_104, %mul3A_105 : i32
      %add3A_107 = arith.constant 0 : i32
      %add3A_108 = arith.addi %add3A_107, %mul3A_106 : i32
      %mul3A_109 = arith.constant 4 : i32
      %mul3A_110 = arith.muli %add3A_108, %mul3A_109 : i32
      %add3A_111 = arith.addi %mul3A_24, %mul3A_110 : i32
      "tpu.region"() ({
        %run_scoped3A = tpu.sem_alloc : memref<!tpu.dma_semaphore, #tpu.memory_space<semaphore_mem>>
        %dma_start3A_112 = arith.constant 0 : i32
        %dma_start3A_113 = tpu.memref_slice %arg18[%add3A_111, %dma_start3A_112] : memref<10016x16xf32, #tpu.memory_space<vmem_shared>> -> memref<4x16xf32, #tpu.memory_space<vmem_shared>>
        %dma_start3A_114 = arith.constant 0 : i32
        %dma_start3A_115 = tpu.memref_slice %arg18[%add3A_111, %dma_start3A_114] : memref<10016x16xf32, #tpu.memory_space<vmem_shared>> -> memref<4x16xf32, #tpu.memory_space<vmem_shared>>
        tpu.enqueue_dma source(%arg20 : memref<4x16xf32, #tpu.memory_space<vmem>>) target(%dma_start3A_115 : memref<4x16xf32, #tpu.memory_space<vmem_shared>>) target_semaphore(%run_scoped3A : memref<!tpu.dma_semaphore, #tpu.memory_space<semaphore_mem>>)
        %dma_wait3A_116 = arith.constant 0 : i32
        %dma_wait3A_117 = tpu.memref_slice %arg18[%add3A_111, %dma_wait3A_116] : memref<10016x16xf32, #tpu.memory_space<vmem_shared>> -> memref<4x16xf32, #tpu.memory_space<vmem_shared>>
        %dma_wait3A_118 = arith.constant 0 : i32
        %dma_wait3A_119 = tpu.memref_slice %arg18[%add3A_111, %dma_wait3A_118] : memref<10016x16xf32, #tpu.memory_space<vmem_shared>> -> memref<4x16xf32, #tpu.memory_space<vmem_shared>>
        tpu.wait_dma2 semaphore(%run_scoped3A : memref<!tpu.dma_semaphore, #tpu.memory_space<semaphore_mem>>) src(%arg20 : memref<4x16xf32, #tpu.memory_space<vmem>>) dst(%dma_wait3A_119 : memref<4x16xf32, #tpu.memory_space<vmem_shared>>)
        tpu.yield
      }) : () -> ()
    }
    %scan3A_29 = arith.constant 156 : i32
    %barrier3A = arith.constant 0 : index
    tpu.barrier barrier_id(%barrier3A)
    %scan3A_30 = arith.constant 0 : i32
    %scan3A_31 = arith.constant 39 : i32
    %scan3A_32 = arith.addi %scan3A_30, %scan3A_31 : i32
    %scan3A_33 = arith.constant 1 : i32
    scf.for %scan3A_104 = %scan3A_30 to %scan3A_32 step %scan3A_33  : i32 {
      %mul3A_105 = arith.constant 1 : i32
      %mul3A_106 = arith.muli %scan3A_104, %mul3A_105 : i32
      %add3A_107 = arith.constant 0 : i32
      %add3A_108 = arith.addi %add3A_107, %mul3A_106 : i32
      %mul3A_109 = arith.constant 128 : i32
      %mul3A_110 = arith.muli %add3A_108, %mul3A_109 : i32
      %multiple_of3A = tpu.assume_multiple %mul3A_110, 8 : i32
      %add3A_111 = arith.addi %mul3A_2, %multiple_of3A : i32
      "tpu.region"() ({
        %run_scoped3A = tpu.sem_alloc : memref<!tpu.dma_semaphore, #tpu.memory_space<semaphore_mem>>
        %dma_start3A_164 = tpu.memref_slice %arg2[%add3A_111] : memref<160000xi32, #tpu.memory_space<hbm>> -> memref<128xi32, #tpu.memory_space<hbm>>
        %dma_start3A_165 = tpu.memref_slice %arg2[%add3A_111] : memref<160000xi32, #tpu.memory_space<hbm>> -> memref<128xi32, #tpu.memory_space<hbm>>
        tpu.enqueue_dma source(%dma_start3A_165 : memref<128xi32, #tpu.memory_space<hbm>>) target(%arg13 : memref<128xi32, #tpu.memory_space<vmem>>) target_semaphore(%run_scoped3A : memref<!tpu.dma_semaphore, #tpu.memory_space<semaphore_mem>>)
        %dma_wait3A_166 = tpu.memref_slice %arg2[%add3A_111] : memref<160000xi32, #tpu.memory_space<hbm>> -> memref<128xi32, #tpu.memory_space<hbm>>
        %dma_wait3A_167 = tpu.memref_slice %arg2[%add3A_111] : memref<160000xi32, #tpu.memory_space<hbm>> -> memref<128xi32, #tpu.memory_space<hbm>>
        tpu.wait_dma2 semaphore(%run_scoped3A : memref<!tpu.dma_semaphore, #tpu.memory_space<semaphore_mem>>) src(%dma_wait3A_167 : memref<128xi32, #tpu.memory_space<hbm>>) dst(%arg13 : memref<128xi32, #tpu.memory_space<vmem>>)
        tpu.yield
      }) : () -> ()
      "tpu.region"() ({
        %run_scoped3A = tpu.sem_alloc : memref<!tpu.dma_semaphore, #tpu.memory_space<semaphore_mem>>
        %dma_start3A_164 = tpu.memref_slice %arg3[%add3A_111] : memref<160000xi32, #tpu.memory_space<hbm>> -> memref<128xi32, #tpu.memory_space<hbm>>
        %dma_start3A_165 = tpu.memref_slice %arg3[%add3A_111] : memref<160000xi32, #tpu.memory_space<hbm>> -> memref<128xi32, #tpu.memory_space<hbm>>
        tpu.enqueue_dma source(%dma_start3A_165 : memref<128xi32, #tpu.memory_space<hbm>>) target(%arg14 : memref<128xi32, #tpu.memory_space<vmem>>) target_semaphore(%run_scoped3A : memref<!tpu.dma_semaphore, #tpu.memory_space<semaphore_mem>>)
        %dma_wait3A_166 = tpu.memref_slice %arg3[%add3A_111] : memref<160000xi32, #tpu.memory_space<hbm>> -> memref<128xi32, #tpu.memory_space<hbm>>
        %dma_wait3A_167 = tpu.memref_slice %arg3[%add3A_111] : memref<160000xi32, #tpu.memory_space<hbm>> -> memref<128xi32, #tpu.memory_space<hbm>>
        tpu.wait_dma2 semaphore(%run_scoped3A : memref<!tpu.dma_semaphore, #tpu.memory_space<semaphore_mem>>) src(%dma_wait3A_167 : memref<128xi32, #tpu.memory_space<hbm>>) dst(%arg14 : memref<128xi32, #tpu.memory_space<vmem>>)
        tpu.yield
      }) : () -> ()
      %dma_start3A_112 = arith.constant 0 : i32
      %dma_start3A_113 = arith.constant 0 : i32
      %dma_start3A_114 = tpu.memref_slice %arg4[%dma_start3A_112, %dma_start3A_113] : memref<10000x256xf32, #tpu.memory_space<hbm>> -> memref<10000x256xf32, #tpu.memory_space<hbm>>
      tpu.enqueue_indirect_dma source(%dma_start3A_114 : memref<10000x256xf32, #tpu.memory_space<hbm>>) target(%arg15 : memref<128x256xf32, #tpu.memory_space<vmem>>) offsets(%arg13 : memref<128xi32, #tpu.memory_space<vmem>>) semaphore(%arg22 : memref<!tpu.dma_semaphore, #tpu.memory_space<semaphore_mem>>)
      %dma_start3A_115 = arith.constant 0 : i32
      %dma_start3A_116 = arith.constant 0 : i32
      %dma_start3A_117 = tpu.memref_slice %arg5[%dma_start3A_115, %dma_start3A_116] : memref<10000x256xf32, #tpu.memory_space<hbm>> -> memref<10000x256xf32, #tpu.memory_space<hbm>>
      tpu.enqueue_indirect_dma source(%dma_start3A_117 : memref<10000x256xf32, #tpu.memory_space<hbm>>) target(%arg16 : memref<128x256xf32, #tpu.memory_space<vmem>>) offsets(%arg14 : memref<128xi32, #tpu.memory_space<vmem>>) semaphore(%arg23 : memref<!tpu.dma_semaphore, #tpu.memory_space<semaphore_mem>>)
      %get3A_118 = arith.constant 0 : index
      %get3A_119 = tpu.vector_load %arg13[%get3A_118] {strides = array<i32>} : memref<128xi32, #tpu.memory_space<vmem>>, vector<16xi32>,
      %gather3A_120 = tpu.vector_load_idx %arg11[%get3A_119] : memref<10000xf32, #tpu.memory_space<vmem>>[vector<16xi32>], vector<16xf32>,
      %swap3A_121 = arith.constant 0 : index
      %swap3A_122 = tpu.vector_load %arg17[%swap3A_121] {strides = array<i32>} : memref<128xf32, #tpu.memory_space<vmem>>, vector<16xf32>,
      tpu.vector_store %arg17[%swap3A_121], %gather3A_120 {strides = array<i32>} : memref<128xf32, #tpu.memory_space<vmem>>, vector<16xf32>,
      %get3A_123 = arith.constant 16 : index
      %get3A_124 = tpu.vector_load %arg13[%get3A_123] {strides = array<i32>} : memref<128xi32, #tpu.memory_space<vmem>>, vector<16xi32>,
      %gather3A_125 = tpu.vector_load_idx %arg11[%get3A_124] : memref<10000xf32, #tpu.memory_space<vmem>>[vector<16xi32>], vector<16xf32>,
      %swap3A_126 = arith.constant 16 : index
      %swap3A_127 = tpu.vector_load %arg17[%swap3A_126] {strides = array<i32>} : memref<128xf32, #tpu.memory_space<vmem>>, vector<16xf32>,
      tpu.vector_store %arg17[%swap3A_126], %gather3A_125 {strides = array<i32>} : memref<128xf32, #tpu.memory_space<vmem>>, vector<16xf32>,
      %get3A_128 = arith.constant 32 : index
      %get3A_129 = tpu.vector_load %arg13[%get3A_128] {strides = array<i32>} : memref<128xi32, #tpu.memory_space<vmem>>, vector<16xi32>,
      %gather3A_130 = tpu.vector_load_idx %arg11[%get3A_129] : memref<10000xf32, #tpu.memory_space<vmem>>[vector<16xi32>], vector<16xf32>,
      %swap3A_131 = arith.constant 32 : index
      %swap3A_132 = tpu.vector_load %arg17[%swap3A_131] {strides = array<i32>} : memref<128xf32, #tpu.memory_space<vmem>>, vector<16xf32>,
      tpu.vector_store %arg17[%swap3A_131], %gather3A_130 {strides = array<i32>} : memref<128xf32, #tpu.memory_space<vmem>>, vector<16xf32>,
      %get3A_133 = arith.constant 48 : index
      %get3A_134 = tpu.vector_load %arg13[%get3A_133] {strides = array<i32>} : memref<128xi32, #tpu.memory_space<vmem>>, vector<16xi32>,
      %gather3A_135 = tpu.vector_load_idx %arg11[%get3A_134] : memref<10000xf32, #tpu.memory_space<vmem>>[vector<16xi32>], vector<16xf32>,
      %swap3A_136 = arith.constant 48 : index
      %swap3A_137 = tpu.vector_load %arg17[%swap3A_136] {strides = array<i32>} : memref<128xf32, #tpu.memory_space<vmem>>, vector<16xf32>,
      tpu.vector_store %arg17[%swap3A_136], %gather3A_135 {strides = array<i32>} : memref<128xf32, #tpu.memory_space<vmem>>, vector<16xf32>,
      %get3A_138 = arith.constant 64 : index
      %get3A_139 = tpu.vector_load %arg13[%get3A_138] {strides = array<i32>} : memref<128xi32, #tpu.memory_space<vmem>>, vector<16xi32>,
      %gather3A_140 = tpu.vector_load_idx %arg11[%get3A_139] : memref<10000xf32, #tpu.memory_space<vmem>>[vector<16xi32>], vector<16xf32>,
      %swap3A_141 = arith.constant 64 : index
      %swap3A_142 = tpu.vector_load %arg17[%swap3A_141] {strides = array<i32>} : memref<128xf32, #tpu.memory_space<vmem>>, vector<16xf32>,
      tpu.vector_store %arg17[%swap3A_141], %gather3A_140 {strides = array<i32>} : memref<128xf32, #tpu.memory_space<vmem>>, vector<16xf32>,
      %get3A_143 = arith.constant 80 : index
      %get3A_144 = tpu.vector_load %arg13[%get3A_143] {strides = array<i32>} : memref<128xi32, #tpu.memory_space<vmem>>, vector<16xi32>,
      %gather3A_145 = tpu.vector_load_idx %arg11[%get3A_144] : memref<10000xf32, #tpu.memory_space<vmem>>[vector<16xi32>], vector<16xf32>,
      %swap3A_146 = arith.constant 80 : index
      %swap3A_147 = tpu.vector_load %arg17[%swap3A_146] {strides = array<i32>} : memref<128xf32, #tpu.memory_space<vmem>>, vector<16xf32>,
      tpu.vector_store %arg17[%swap3A_146], %gather3A_145 {strides = array<i32>} : memref<128xf32, #tpu.memory_space<vmem>>, vector<16xf32>,
      %get3A_148 = arith.constant 96 : index
      %get3A_149 = tpu.vector_load %arg13[%get3A_148] {strides = array<i32>} : memref<128xi32, #tpu.memory_space<vmem>>, vector<16xi32>,
      %gather3A_150 = tpu.vector_load_idx %arg11[%get3A_149] : memref<10000xf32, #tpu.memory_space<vmem>>[vector<16xi32>], vector<16xf32>,
      %swap3A_151 = arith.constant 96 : index
      %swap3A_152 = tpu.vector_load %arg17[%swap3A_151] {strides = array<i32>} : memref<128xf32, #tpu.memory_space<vmem>>, vector<16xf32>,
      tpu.vector_store %arg17[%swap3A_151], %gather3A_150 {strides = array<i32>} : memref<128xf32, #tpu.memory_space<vmem>>, vector<16xf32>,
      %get3A_153 = arith.constant 112 : index
      %get3A_154 = tpu.vector_load %arg13[%get3A_153] {strides = array<i32>} : memref<128xi32, #tpu.memory_space<vmem>>, vector<16xi32>,
      %gather3A_155 = tpu.vector_load_idx %arg11[%get3A_154] : memref<10000xf32, #tpu.memory_space<vmem>>[vector<16xi32>], vector<16xf32>,
      %swap3A_156 = arith.constant 112 : index
      %swap3A_157 = tpu.vector_load %arg17[%swap3A_156] {strides = array<i32>} : memref<128xf32, #tpu.memory_space<vmem>>, vector<16xf32>,
      tpu.vector_store %arg17[%swap3A_156], %gather3A_155 {strides = array<i32>} : memref<128xf32, #tpu.memory_space<vmem>>, vector<16xf32>,
      %dma_wait3A_158 = arith.constant 0 : i32
      %dma_wait3A_159 = arith.constant 0 : i32
      %dma_wait3A_160 = tpu.memref_slice %arg4[%dma_wait3A_158, %dma_wait3A_159] : memref<10000x256xf32, #tpu.memory_space<hbm>> -> memref<10000x256xf32, #tpu.memory_space<hbm>>
      tpu.wait_indirect_dma semaphore(%arg22 : memref<!tpu.dma_semaphore, #tpu.memory_space<semaphore_mem>>) src(%dma_wait3A_160 : memref<10000x256xf32, #tpu.memory_space<hbm>>) dst(%arg15 : memref<128x256xf32, #tpu.memory_space<vmem>>)
      %dma_wait3A_161 = arith.constant 0 : i32
      %dma_wait3A_162 = arith.constant 0 : i32
      %dma_wait3A_163 = tpu.memref_slice %arg5[%dma_wait3A_161, %dma_wait3A_162] : memref<10000x256xf32, #tpu.memory_space<hbm>> -> memref<10000x256xf32, #tpu.memory_space<hbm>>
      tpu.wait_indirect_dma semaphore(%arg23 : memref<!tpu.dma_semaphore, #tpu.memory_space<semaphore_mem>>) src(%dma_wait3A_163 : memref<10000x256xf32, #tpu.memory_space<hbm>>) dst(%arg16 : memref<128x256xf32, #tpu.memory_space<vmem>>)
      "tpu.region"() ({
        %run_scoped3A = tpu.sem_alloc : memref<!tpu.dma_semaphore, #tpu.memory_space<semaphore_mem>>
        %dma_start3A_164 = arith.constant 0 : i32
        %dma_start3A_165 = tpu.memref_slice %arg7[%add3A_111, %dma_start3A_164] : memref<160000x256xf32, #tpu.memory_space<hbm>> -> memref<128x256xf32, #tpu.memory_space<hbm>>
        %dma_start3A_166 = arith.constant 0 : i32
        %dma_start3A_167 = tpu.memref_slice %arg7[%add3A_111, %dma_start3A_166] : memref<160000x256xf32, #tpu.memory_space<hbm>> -> memref<128x256xf32, #tpu.memory_space<hbm>>
        tpu.enqueue_dma source(%arg15 : memref<128x256xf32, #tpu.memory_space<vmem>>) target(%dma_start3A_167 : memref<128x256xf32, #tpu.memory_space<hbm>>) target_semaphore(%run_scoped3A : memref<!tpu.dma_semaphore, #tpu.memory_space<semaphore_mem>>)
        %dma_wait3A_168 = arith.constant 0 : i32
        %dma_wait3A_169 = tpu.memref_slice %arg7[%add3A_111, %dma_wait3A_168] : memref<160000x256xf32, #tpu.memory_space<hbm>> -> memref<128x256xf32, #tpu.memory_space<hbm>>
        %dma_wait3A_170 = arith.constant 0 : i32
        %dma_wait3A_171 = tpu.memref_slice %arg7[%add3A_111, %dma_wait3A_170] : memref<160000x256xf32, #tpu.memory_space<hbm>> -> memref<128x256xf32, #tpu.memory_space<hbm>>
        tpu.wait_dma2 semaphore(%run_scoped3A : memref<!tpu.dma_semaphore, #tpu.memory_space<semaphore_mem>>) src(%arg15 : memref<128x256xf32, #tpu.memory_space<vmem>>) dst(%dma_wait3A_171 : memref<128x256xf32, #tpu.memory_space<hbm>>)
        tpu.yield
      }) : () -> ()
      "tpu.region"() ({
        %run_scoped3A = tpu.sem_alloc : memref<!tpu.dma_semaphore, #tpu.memory_space<semaphore_mem>>
        %dma_start3A_164 = arith.constant 0 : i32
        %dma_start3A_165 = tpu.memref_slice %arg8[%add3A_111, %dma_start3A_164] : memref<160000x256xf32, #tpu.memory_space<hbm>> -> memref<128x256xf32, #tpu.memory_space<hbm>>
        %dma_start3A_166 = arith.constant 0 : i32
        %dma_start3A_167 = tpu.memref_slice %arg8[%add3A_111, %dma_start3A_166] : memref<160000x256xf32, #tpu.memory_space<hbm>> -> memref<128x256xf32, #tpu.memory_space<hbm>>
        tpu.enqueue_dma source(%arg16 : memref<128x256xf32, #tpu.memory_space<vmem>>) target(%dma_start3A_167 : memref<128x256xf32, #tpu.memory_space<hbm>>) target_semaphore(%run_scoped3A : memref<!tpu.dma_semaphore, #tpu.memory_space<semaphore_mem>>)
        %dma_wait3A_168 = arith.constant 0 : i32
        %dma_wait3A_169 = tpu.memref_slice %arg8[%add3A_111, %dma_wait3A_168] : memref<160000x256xf32, #tpu.memory_space<hbm>> -> memref<128x256xf32, #tpu.memory_space<hbm>>
        %dma_wait3A_170 = arith.constant 0 : i32
        %dma_wait3A_171 = tpu.memref_slice %arg8[%add3A_111, %dma_wait3A_170] : memref<160000x256xf32, #tpu.memory_space<hbm>> -> memref<128x256xf32, #tpu.memory_space<hbm>>
        tpu.wait_dma2 semaphore(%run_scoped3A : memref<!tpu.dma_semaphore, #tpu.memory_space<semaphore_mem>>) src(%arg16 : memref<128x256xf32, #tpu.memory_space<vmem>>) dst(%dma_wait3A_171 : memref<128x256xf32, #tpu.memory_space<hbm>>)
        tpu.yield
      }) : () -> ()
      "tpu.region"() ({
        %run_scoped3A = tpu.sem_alloc : memref<!tpu.dma_semaphore, #tpu.memory_space<semaphore_mem>>
        %dma_start3A_164 = tpu.memref_slice %arg9[%add3A_111] : memref<160000xf32, #tpu.memory_space<hbm>> -> memref<128xf32, #tpu.memory_space<hbm>>
        %dma_start3A_165 = tpu.memref_slice %arg9[%add3A_111] : memref<160000xf32, #tpu.memory_space<hbm>> -> memref<128xf32, #tpu.memory_space<hbm>>
        tpu.enqueue_dma source(%arg17 : memref<128xf32, #tpu.memory_space<vmem>>) target(%dma_start3A_165 : memref<128xf32, #tpu.memory_space<hbm>>) target_semaphore(%run_scoped3A : memref<!tpu.dma_semaphore, #tpu.memory_space<semaphore_mem>>)
        %dma_wait3A_166 = tpu.memref_slice %arg9[%add3A_111] : memref<160000xf32, #tpu.memory_space<hbm>> -> memref<128xf32, #tpu.memory_space<hbm>>
        %dma_wait3A_167 = tpu.memref_slice %arg9[%add3A_111] : memref<160000xf32, #tpu.memory_space<hbm>> -> memref<128xf32, #tpu.memory_space<hbm>>
        tpu.wait_dma2 semaphore(%run_scoped3A : memref<!tpu.dma_semaphore, #tpu.memory_space<semaphore_mem>>) src(%arg17 : memref<128xf32, #tpu.memory_space<vmem>>) dst(%dma_wait3A_167 : memref<128xf32, #tpu.memory_space<hbm>>)
        tpu.yield
      }) : () -> ()
      "tpu.region"() ({
        %run_scoped3A = tpu.sem_alloc : memref<!tpu.dma_semaphore, #tpu.memory_space<semaphore_mem>>
        %dma_start3A_164 = arith.constant 0 : i32
        %dma_start3A_165 = arith.constant 0 : i32
        %dma_start3A_166 = tpu.memref_slice %arg18[%dma_start3A_164, %dma_start3A_165] : memref<10016x16xf32, #tpu.memory_space<vmem_shared>> -> memref<10016x16xf32, #tpu.memory_space<vmem_shared>>
        tpu.enqueue_indirect_dma source(%arg19 : memref<128x16xf32, #tpu.memory_space<vmem>>) target(%dma_start3A_166 : memref<10016x16xf32, #tpu.memory_space<vmem_shared>>) offsets(%arg13 : memref<128xi32, #tpu.memory_space<vmem>>) semaphore(%run_scoped3A : memref<!tpu.dma_semaphore, #tpu.memory_space<semaphore_mem>>) {add = true}
        %dma_wait3A_167 = arith.constant 0 : i32
        %dma_wait3A_168 = arith.constant 0 : i32
        %dma_wait3A_169 = tpu.memref_slice %arg18[%dma_wait3A_167, %dma_wait3A_168] : memref<10016x16xf32, #tpu.memory_space<vmem_shared>> -> memref<10016x16xf32, #tpu.memory_space<vmem_shared>>
        tpu.wait_indirect_dma semaphore(%run_scoped3A : memref<!tpu.dma_semaphore, #tpu.memory_space<semaphore_mem>>) src(%arg19 : memref<128x16xf32, #tpu.memory_space<vmem>>) dst(%dma_wait3A_169 : memref<10016x16xf32, #tpu.memory_space<vmem_shared>>)
        tpu.yield
      }) : () -> ()
    }
    %scan3A_34 = arith.constant 39 : i32
    %add3A_35 = arith.constant 4992 : i32
    %add3A_36 = arith.addi %mul3A_2, %add3A_35 : i32
    %add3A_37 = arith.constant 5000 : i32
    %add3A_38 = arith.addi %mul3A_2, %add3A_37 : i32
    %sub3A = arith.constant 128 : i32
    %sub3A_39 = arith.subi %add3A_38, %sub3A : i32
    "tpu.region"() ({
      %run_scoped3A = tpu.sem_alloc : memref<!tpu.dma_semaphore, #tpu.memory_space<semaphore_mem>>
      %dma_start3A_104 = tpu.memref_slice %arg2[%sub3A_39] : memref<160000xi32, #tpu.memory_space<hbm>> -> memref<128xi32, #tpu.memory_space<hbm>>
      %dma_start3A_105 = tpu.memref_slice %arg2[%sub3A_39] : memref<160000xi32, #tpu.memory_space<hbm>> -> memref<128xi32, #tpu.memory_space<hbm>>
      tpu.enqueue_dma source(%dma_start3A_105 : memref<128xi32, #tpu.memory_space<hbm>>) target(%arg13 : memref<128xi32, #tpu.memory_space<vmem>>) target_semaphore(%run_scoped3A : memref<!tpu.dma_semaphore, #tpu.memory_space<semaphore_mem>>)
      %dma_wait3A_106 = tpu.memref_slice %arg2[%sub3A_39] : memref<160000xi32, #tpu.memory_space<hbm>> -> memref<128xi32, #tpu.memory_space<hbm>>
      %dma_wait3A_107 = tpu.memref_slice %arg2[%sub3A_39] : memref<160000xi32, #tpu.memory_space<hbm>> -> memref<128xi32, #tpu.memory_space<hbm>>
      tpu.wait_dma2 semaphore(%run_scoped3A : memref<!tpu.dma_semaphore, #tpu.memory_space<semaphore_mem>>) src(%dma_wait3A_107 : memref<128xi32, #tpu.memory_space<hbm>>) dst(%arg13 : memref<128xi32, #tpu.memory_space<vmem>>)
      tpu.yield
    }) : () -> ()
    %add3A_40 = arith.constant 5000 : i32
    %add3A_41 = arith.addi %mul3A_2, %add3A_40 : i32
    %sub3A_42 = arith.constant 128 : i32
    %sub3A_43 = arith.subi %add3A_41, %sub3A_42 : i32
    "tpu.region"() ({
      %run_scoped3A = tpu.sem_alloc : memref<!tpu.dma_semaphore, #tpu.memory_space<semaphore_mem>>
      %dma_start3A_104 = tpu.memref_slice %arg3[%sub3A_43] : memref<160000xi32, #tpu.memory_space<hbm>> -> memref<128xi32, #tpu.memory_space<hbm>>
      %dma_start3A_105 = tpu.memref_slice %arg3[%sub3A_43] : memref<160000xi32, #tpu.memory_space<hbm>> -> memref<128xi32, #tpu.memory_space<hbm>>
      tpu.enqueue_dma source(%dma_start3A_105 : memref<128xi32, #tpu.memory_space<hbm>>) target(%arg14 : memref<128xi32, #tpu.memory_space<vmem>>) target_semaphore(%run_scoped3A : memref<!tpu.dma_semaphore, #tpu.memory_space<semaphore_mem>>)
      %dma_wait3A_106 = tpu.memref_slice %arg3[%sub3A_43] : memref<160000xi32, #tpu.memory_space<hbm>> -> memref<128xi32, #tpu.memory_space<hbm>>
      %dma_wait3A_107 = tpu.memref_slice %arg3[%sub3A_43] : memref<160000xi32, #tpu.memory_space<hbm>> -> memref<128xi32, #tpu.memory_space<hbm>>
      tpu.wait_dma2 semaphore(%run_scoped3A : memref<!tpu.dma_semaphore, #tpu.memory_space<semaphore_mem>>) src(%dma_wait3A_107 : memref<128xi32, #tpu.memory_space<hbm>>) dst(%arg14 : memref<128xi32, #tpu.memory_space<vmem>>)
      tpu.yield
    }) : () -> ()
    %dma_start3A = arith.constant 0 : i32
    %dma_start3A_44 = arith.constant 0 : i32
    %dma_start3A_45 = tpu.memref_slice %arg4[%dma_start3A, %dma_start3A_44] : memref<10000x256xf32, #tpu.memory_space<hbm>> -> memref<10000x256xf32, #tpu.memory_space<hbm>>
    tpu.enqueue_indirect_dma source(%dma_start3A_45 : memref<10000x256xf32, #tpu.memory_space<hbm>>) target(%arg15 : memref<128x256xf32, #tpu.memory_space<vmem>>) offsets(%arg13 : memref<128xi32, #tpu.memory_space<vmem>>) semaphore(%arg22 : memref<!tpu.dma_semaphore, #tpu.memory_space<semaphore_mem>>)
    %dma_start3A_46 = arith.constant 0 : i32
    %dma_start3A_47 = arith.constant 0 : i32
    %dma_start3A_48 = tpu.memref_slice %arg5[%dma_start3A_46, %dma_start3A_47] : memref<10000x256xf32, #tpu.memory_space<hbm>> -> memref<10000x256xf32, #tpu.memory_space<hbm>>
    tpu.enqueue_indirect_dma source(%dma_start3A_48 : memref<10000x256xf32, #tpu.memory_space<hbm>>) target(%arg16 : memref<128x256xf32, #tpu.memory_space<vmem>>) offsets(%arg14 : memref<128xi32, #tpu.memory_space<vmem>>) semaphore(%arg23 : memref<!tpu.dma_semaphore, #tpu.memory_space<semaphore_mem>>)
    %get3A = arith.constant 0 : index
    %get3A_49 = tpu.vector_load %arg13[%get3A] {strides = array<i32>} : memref<128xi32, #tpu.memory_space<vmem>>, vector<16xi32>,
    %gather3A = tpu.vector_load_idx %arg11[%get3A_49] : memref<10000xf32, #tpu.memory_space<vmem>>[vector<16xi32>], vector<16xf32>,
    %swap3A = arith.constant 0 : index
    %swap3A_50 = tpu.vector_load %arg17[%swap3A] {strides = array<i32>} : memref<128xf32, #tpu.memory_space<vmem>>, vector<16xf32>,
    tpu.vector_store %arg17[%swap3A], %gather3A {strides = array<i32>} : memref<128xf32, #tpu.memory_space<vmem>>, vector<16xf32>,
    %get3A_51 = arith.constant 16 : index
    %get3A_52 = tpu.vector_load %arg13[%get3A_51] {strides = array<i32>} : memref<128xi32, #tpu.memory_space<vmem>>, vector<16xi32>,
    %gather3A_53 = tpu.vector_load_idx %arg11[%get3A_52] : memref<10000xf32, #tpu.memory_space<vmem>>[vector<16xi32>], vector<16xf32>,
    %swap3A_54 = arith.constant 16 : index
    %swap3A_55 = tpu.vector_load %arg17[%swap3A_54] {strides = array<i32>} : memref<128xf32, #tpu.memory_space<vmem>>, vector<16xf32>,
    tpu.vector_store %arg17[%swap3A_54], %gather3A_53 {strides = array<i32>} : memref<128xf32, #tpu.memory_space<vmem>>, vector<16xf32>,
    %get3A_56 = arith.constant 32 : index
    %get3A_57 = tpu.vector_load %arg13[%get3A_56] {strides = array<i32>} : memref<128xi32, #tpu.memory_space<vmem>>, vector<16xi32>,
    %gather3A_58 = tpu.vector_load_idx %arg11[%get3A_57] : memref<10000xf32, #tpu.memory_space<vmem>>[vector<16xi32>], vector<16xf32>,
    %swap3A_59 = arith.constant 32 : index
    %swap3A_60 = tpu.vector_load %arg17[%swap3A_59] {strides = array<i32>} : memref<128xf32, #tpu.memory_space<vmem>>, vector<16xf32>,
    tpu.vector_store %arg17[%swap3A_59], %gather3A_58 {strides = array<i32>} : memref<128xf32, #tpu.memory_space<vmem>>, vector<16xf32>,
    %get3A_61 = arith.constant 48 : index
    %get3A_62 = tpu.vector_load %arg13[%get3A_61] {strides = array<i32>} : memref<128xi32, #tpu.memory_space<vmem>>, vector<16xi32>,
    %gather3A_63 = tpu.vector_load_idx %arg11[%get3A_62] : memref<10000xf32, #tpu.memory_space<vmem>>[vector<16xi32>], vector<16xf32>,
    %swap3A_64 = arith.constant 48 : index
    %swap3A_65 = tpu.vector_load %arg17[%swap3A_64] {strides = array<i32>} : memref<128xf32, #tpu.memory_space<vmem>>, vector<16xf32>,
    tpu.vector_store %arg17[%swap3A_64], %gather3A_63 {strides = array<i32>} : memref<128xf32, #tpu.memory_space<vmem>>, vector<16xf32>,
    %get3A_66 = arith.constant 64 : index
    %get3A_67 = tpu.vector_load %arg13[%get3A_66] {strides = array<i32>} : memref<128xi32, #tpu.memory_space<vmem>>, vector<16xi32>,
    %gather3A_68 = tpu.vector_load_idx %arg11[%get3A_67] : memref<10000xf32, #tpu.memory_space<vmem>>[vector<16xi32>], vector<16xf32>,
    %swap3A_69 = arith.constant 64 : index
    %swap3A_70 = tpu.vector_load %arg17[%swap3A_69] {strides = array<i32>} : memref<128xf32, #tpu.memory_space<vmem>>, vector<16xf32>,
    tpu.vector_store %arg17[%swap3A_69], %gather3A_68 {strides = array<i32>} : memref<128xf32, #tpu.memory_space<vmem>>, vector<16xf32>,
    %get3A_71 = arith.constant 80 : index
    %get3A_72 = tpu.vector_load %arg13[%get3A_71] {strides = array<i32>} : memref<128xi32, #tpu.memory_space<vmem>>, vector<16xi32>,
    %gather3A_73 = tpu.vector_load_idx %arg11[%get3A_72] : memref<10000xf32, #tpu.memory_space<vmem>>[vector<16xi32>], vector<16xf32>,
    %swap3A_74 = arith.constant 80 : index
    %swap3A_75 = tpu.vector_load %arg17[%swap3A_74] {strides = array<i32>} : memref<128xf32, #tpu.memory_space<vmem>>, vector<16xf32>,
    tpu.vector_store %arg17[%swap3A_74], %gather3A_73 {strides = array<i32>} : memref<128xf32, #tpu.memory_space<vmem>>, vector<16xf32>,
    %get3A_76 = arith.constant 96 : index
    %get3A_77 = tpu.vector_load %arg13[%get3A_76] {strides = array<i32>} : memref<128xi32, #tpu.memory_space<vmem>>, vector<16xi32>,
    %gather3A_78 = tpu.vector_load_idx %arg11[%get3A_77] : memref<10000xf32, #tpu.memory_space<vmem>>[vector<16xi32>], vector<16xf32>,
    %swap3A_79 = arith.constant 96 : index
    %swap3A_80 = tpu.vector_load %arg17[%swap3A_79] {strides = array<i32>} : memref<128xf32, #tpu.memory_space<vmem>>, vector<16xf32>,
    tpu.vector_store %arg17[%swap3A_79], %gather3A_78 {strides = array<i32>} : memref<128xf32, #tpu.memory_space<vmem>>, vector<16xf32>,
    %get3A_81 = arith.constant 112 : index
    %get3A_82 = tpu.vector_load %arg13[%get3A_81] {strides = array<i32>} : memref<128xi32, #tpu.memory_space<vmem>>, vector<16xi32>,
    %gather3A_83 = tpu.vector_load_idx %arg11[%get3A_82] : memref<10000xf32, #tpu.memory_space<vmem>>[vector<16xi32>], vector<16xf32>,
    %swap3A_84 = arith.constant 112 : index
    %swap3A_85 = tpu.vector_load %arg17[%swap3A_84] {strides = array<i32>} : memref<128xf32, #tpu.memory_space<vmem>>, vector<16xf32>,
    tpu.vector_store %arg17[%swap3A_84], %gather3A_83 {strides = array<i32>} : memref<128xf32, #tpu.memory_space<vmem>>, vector<16xf32>,
    %dma_wait3A = arith.constant 0 : i32
    %dma_wait3A_86 = arith.constant 0 : i32
    %dma_wait3A_87 = tpu.memref_slice %arg4[%dma_wait3A, %dma_wait3A_86] : memref<10000x256xf32, #tpu.memory_space<hbm>> -> memref<10000x256xf32, #tpu.memory_space<hbm>>
    tpu.wait_indirect_dma semaphore(%arg22 : memref<!tpu.dma_semaphore, #tpu.memory_space<semaphore_mem>>) src(%dma_wait3A_87 : memref<10000x256xf32, #tpu.memory_space<hbm>>) dst(%arg15 : memref<128x256xf32, #tpu.memory_space<vmem>>)
    %dma_wait3A_88 = arith.constant 0 : i32
    %dma_wait3A_89 = arith.constant 0 : i32
    %dma_wait3A_90 = tpu.memref_slice %arg5[%dma_wait3A_88, %dma_wait3A_89] : memref<10000x256xf32, #tpu.memory_space<hbm>> -> memref<10000x256xf32, #tpu.memory_space<hbm>>
    tpu.wait_indirect_dma semaphore(%arg23 : memref<!tpu.dma_semaphore, #tpu.memory_space<semaphore_mem>>) src(%dma_wait3A_90 : memref<10000x256xf32, #tpu.memory_space<hbm>>) dst(%arg16 : memref<128x256xf32, #tpu.memory_space<vmem>>)
    %add3A_91 = arith.constant 5000 : i32
    %add3A_92 = arith.addi %mul3A_2, %add3A_91 : i32
    %sub3A_93 = arith.constant 128 : i32
    %sub3A_94 = arith.subi %add3A_92, %sub3A_93 : i32
    "tpu.region"() ({
      %run_scoped3A = tpu.sem_alloc : memref<!tpu.dma_semaphore, #tpu.memory_space<semaphore_mem>>
      %dma_start3A_104 = arith.constant 0 : i32
      %dma_start3A_105 = tpu.memref_slice %arg7[%sub3A_94, %dma_start3A_104] : memref<160000x256xf32, #tpu.memory_space<hbm>> -> memref<128x256xf32, #tpu.memory_space<hbm>>
      %dma_start3A_106 = arith.constant 0 : i32
      %dma_start3A_107 = tpu.memref_slice %arg7[%sub3A_94, %dma_start3A_106] : memref<160000x256xf32, #tpu.memory_space<hbm>> -> memref<128x256xf32, #tpu.memory_space<hbm>>
      tpu.enqueue_dma source(%arg15 : memref<128x256xf32, #tpu.memory_space<vmem>>) target(%dma_start3A_107 : memref<128x256xf32, #tpu.memory_space<hbm>>) target_semaphore(%run_scoped3A : memref<!tpu.dma_semaphore, #tpu.memory_space<semaphore_mem>>)
      %dma_wait3A_108 = arith.constant 0 : i32
      %dma_wait3A_109 = tpu.memref_slice %arg7[%sub3A_94, %dma_wait3A_108] : memref<160000x256xf32, #tpu.memory_space<hbm>> -> memref<128x256xf32, #tpu.memory_space<hbm>>
      %dma_wait3A_110 = arith.constant 0 : i32
      %dma_wait3A_111 = tpu.memref_slice %arg7[%sub3A_94, %dma_wait3A_110] : memref<160000x256xf32, #tpu.memory_space<hbm>> -> memref<128x256xf32, #tpu.memory_space<hbm>>
      tpu.wait_dma2 semaphore(%run_scoped3A : memref<!tpu.dma_semaphore, #tpu.memory_space<semaphore_mem>>) src(%arg15 : memref<128x256xf32, #tpu.memory_space<vmem>>) dst(%dma_wait3A_111 : memref<128x256xf32, #tpu.memory_space<hbm>>)
      tpu.yield
    }) : () -> ()
    %add3A_95 = arith.constant 5000 : i32
    %add3A_96 = arith.addi %mul3A_2, %add3A_95 : i32
    %sub3A_97 = arith.constant 128 : i32
    %sub3A_98 = arith.subi %add3A_96, %sub3A_97 : i32
    "tpu.region"() ({
      %run_scoped3A = tpu.sem_alloc : memref<!tpu.dma_semaphore, #tpu.memory_space<semaphore_mem>>
      %dma_start3A_104 = arith.constant 0 : i32
      %dma_start3A_105 = tpu.memref_slice %arg8[%sub3A_98, %dma_start3A_104] : memref<160000x256xf32, #tpu.memory_space<hbm>> -> memref<128x256xf32, #tpu.memory_space<hbm>>
      %dma_start3A_106 = arith.constant 0 : i32
      %dma_start3A_107 = tpu.memref_slice %arg8[%sub3A_98, %dma_start3A_106] : memref<160000x256xf32, #tpu.memory_space<hbm>> -> memref<128x256xf32, #tpu.memory_space<hbm>>
      tpu.enqueue_dma source(%arg16 : memref<128x256xf32, #tpu.memory_space<vmem>>) target(%dma_start3A_107 : memref<128x256xf32, #tpu.memory_space<hbm>>) target_semaphore(%run_scoped3A : memref<!tpu.dma_semaphore, #tpu.memory_space<semaphore_mem>>)
      %dma_wait3A_108 = arith.constant 0 : i32
      %dma_wait3A_109 = tpu.memref_slice %arg8[%sub3A_98, %dma_wait3A_108] : memref<160000x256xf32, #tpu.memory_space<hbm>> -> memref<128x256xf32, #tpu.memory_space<hbm>>
      %dma_wait3A_110 = arith.constant 0 : i32
      %dma_wait3A_111 = tpu.memref_slice %arg8[%sub3A_98, %dma_wait3A_110] : memref<160000x256xf32, #tpu.memory_space<hbm>> -> memref<128x256xf32, #tpu.memory_space<hbm>>
      tpu.wait_dma2 semaphore(%run_scoped3A : memref<!tpu.dma_semaphore, #tpu.memory_space<semaphore_mem>>) src(%arg16 : memref<128x256xf32, #tpu.memory_space<vmem>>) dst(%dma_wait3A_111 : memref<128x256xf32, #tpu.memory_space<hbm>>)
      tpu.yield
    }) : () -> ()
    %add3A_99 = arith.constant 5000 : i32
    %add3A_100 = arith.addi %mul3A_2, %add3A_99 : i32
    %sub3A_101 = arith.constant 128 : i32
    %sub3A_102 = arith.subi %add3A_100, %sub3A_101 : i32
    "tpu.region"() ({
      %run_scoped3A = tpu.sem_alloc : memref<!tpu.dma_semaphore, #tpu.memory_space<semaphore_mem>>
      %dma_start3A_104 = tpu.memref_slice %arg9[%sub3A_102] : memref<160000xf32, #tpu.memory_space<hbm>> -> memref<128xf32, #tpu.memory_space<hbm>>
      %dma_start3A_105 = tpu.memref_slice %arg9[%sub3A_102] : memref<160000xf32, #tpu.memory_space<hbm>> -> memref<128xf32, #tpu.memory_space<hbm>>
      tpu.enqueue_dma source(%arg17 : memref<128xf32, #tpu.memory_space<vmem>>) target(%dma_start3A_105 : memref<128xf32, #tpu.memory_space<hbm>>) target_semaphore(%run_scoped3A : memref<!tpu.dma_semaphore, #tpu.memory_space<semaphore_mem>>)
      %dma_wait3A_106 = tpu.memref_slice %arg9[%sub3A_102] : memref<160000xf32, #tpu.memory_space<hbm>> -> memref<128xf32, #tpu.memory_space<hbm>>
      %dma_wait3A_107 = tpu.memref_slice %arg9[%sub3A_102] : memref<160000xf32, #tpu.memory_space<hbm>> -> memref<128xf32, #tpu.memory_space<hbm>>
      tpu.wait_dma2 semaphore(%run_scoped3A : memref<!tpu.dma_semaphore, #tpu.memory_space<semaphore_mem>>) src(%arg17 : memref<128xf32, #tpu.memory_space<vmem>>) dst(%dma_wait3A_107 : memref<128xf32, #tpu.memory_space<hbm>>)
      tpu.yield
    }) : () -> ()
    "tpu.region"() ({
      %run_scoped3A = tpu.sem_alloc : memref<!tpu.dma_semaphore, #tpu.memory_space<semaphore_mem>>
      %dma_start3A_104 = tpu.memref_slice %arg2[%add3A_36] : memref<160000xi32, #tpu.memory_space<hbm>> -> memref<8xi32, #tpu.memory_space<hbm>>
      %dma_start3A_105 = tpu.memref_slice %arg2[%add3A_36] : memref<160000xi32, #tpu.memory_space<hbm>> -> memref<8xi32, #tpu.memory_space<hbm>>
      tpu.enqueue_dma source(%dma_start3A_105 : memref<8xi32, #tpu.memory_space<hbm>>) target(%arg21 : memref<8xi32, #tpu.memory_space<vmem>>) target_semaphore(%run_scoped3A : memref<!tpu.dma_semaphore, #tpu.memory_space<semaphore_mem>>)
      %dma_wait3A_106 = tpu.memref_slice %arg2[%add3A_36] : memref<160000xi32, #tpu.memory_space<hbm>> -> memref<8xi32, #tpu.memory_space<hbm>>
      %dma_wait3A_107 = tpu.memref_slice %arg2[%add3A_36] : memref<160000xi32, #tpu.memory_space<hbm>> -> memref<8xi32, #tpu.memory_space<hbm>>
      tpu.wait_dma2 semaphore(%run_scoped3A : memref<!tpu.dma_semaphore, #tpu.memory_space<semaphore_mem>>) src(%dma_wait3A_107 : memref<8xi32, #tpu.memory_space<hbm>>) dst(%arg21 : memref<8xi32, #tpu.memory_space<vmem>>)
      tpu.yield
    }) : () -> ()
    "tpu.region"() ({
      %run_scoped3A = tpu.sem_alloc : memref<!tpu.dma_semaphore, #tpu.memory_space<semaphore_mem>>
      %dma_start3A_104 = arith.constant 0 : i32
      %dma_start3A_105 = arith.constant 0 : i32
      %dma_start3A_106 = tpu.memref_slice %arg19[%dma_start3A_104, %dma_start3A_105] : memref<128x16xf32, #tpu.memory_space<vmem>> -> memref<8x16xf32, #tpu.memory_space<vmem>>
      %dma_start3A_107 = arith.constant 0 : i32
      %dma_start3A_108 = arith.constant 0 : i32
      %dma_start3A_109 = tpu.memref_slice %arg18[%dma_start3A_107, %dma_start3A_108] : memref<10016x16xf32, #tpu.memory_space<vmem_shared>> -> memref<10016x16xf32, #tpu.memory_space<vmem_shared>>
      tpu.enqueue_indirect_dma source(%dma_start3A_106 : memref<8x16xf32, #tpu.memory_space<vmem>>) target(%dma_start3A_109 : memref<10016x16xf32, #tpu.memory_space<vmem_shared>>) offsets(%arg21 : memref<8xi32, #tpu.memory_space<vmem>>) semaphore(%run_scoped3A : memref<!tpu.dma_semaphore, #tpu.memory_space<semaphore_mem>>) {add = true}
      %dma_wait3A_110 = arith.constant 0 : i32
      %dma_wait3A_111 = arith.constant 0 : i32
      %dma_wait3A_112 = tpu.memref_slice %arg19[%dma_wait3A_110, %dma_wait3A_111] : memref<128x16xf32, #tpu.memory_space<vmem>> -> memref<8x16xf32, #tpu.memory_space<vmem>>
      %dma_wait3A_113 = arith.constant 0 : i32
      %dma_wait3A_114 = arith.constant 0 : i32
      %dma_wait3A_115 = tpu.memref_slice %arg18[%dma_wait3A_113, %dma_wait3A_114] : memref<10016x16xf32, #tpu.memory_space<vmem_shared>> -> memref<10016x16xf32, #tpu.memory_space<vmem_shared>>
      tpu.wait_indirect_dma semaphore(%run_scoped3A : memref<!tpu.dma_semaphore, #tpu.memory_space<semaphore_mem>>) src(%dma_wait3A_112 : memref<8x16xf32, #tpu.memory_space<vmem>>) dst(%dma_wait3A_115 : memref<10016x16xf32, #tpu.memory_space<vmem_shared>>)
      tpu.yield
    }) : () -> ()
    %barrier3A_103 = arith.constant 0 : index
    tpu.barrier barrier_id(%barrier3A_103)
    "tpu.region"() ({
      %run_scoped3A = tpu.sem_alloc : memref<!tpu.dma_semaphore, #tpu.memory_space<semaphore_mem>>
      %dma_start3A_104 = arith.constant 0 : i32
      %dma_start3A_105 = tpu.memref_slice %arg10[%arg0, %mul3A_24, %dma_start3A_104] : memref<2x10016x16xf32, #tpu.memory_space<hbm>> -> memref<1x626x16xf32, #tpu.memory_space<hbm>>
      %dma_start3A_106 = tpu.memref_squeeze %dma_start3A_105 : memref<1x626x16xf32, #tpu.memory_space<hbm>> -> memref<626x16xf32, #tpu.memory_space<hbm>>
      %dma_start3A_107 = arith.constant 0 : i32
      %dma_start3A_108 = tpu.memref_slice %arg18[%mul3A_24, %dma_start3A_107] : memref<10016x16xf32, #tpu.memory_space<vmem_shared>> -> memref<626x16xf32, #tpu.memory_space<vmem_shared>>
      tpu.enqueue_dma source(%dma_start3A_108 : memref<626x16xf32, #tpu.memory_space<vmem_shared>>) target(%dma_start3A_106 : memref<626x16xf32, #tpu.memory_space<hbm>>) target_semaphore(%run_scoped3A : memref<!tpu.dma_semaphore, #tpu.memory_space<semaphore_mem>>)
      %dma_wait3A_109 = arith.constant 0 : i32
      %dma_wait3A_110 = tpu.memref_slice %arg10[%arg0, %mul3A_24, %dma_wait3A_109] : memref<2x10016x16xf32, #tpu.memory_space<hbm>> -> memref<1x626x16xf32, #tpu.memory_space<hbm>>
      %dma_wait3A_111 = tpu.memref_squeeze %dma_wait3A_110 : memref<1x626x16xf32, #tpu.memory_space<hbm>> -> memref<626x16xf32, #tpu.memory_space<hbm>>
      %dma_wait3A_112 = arith.constant 0 : i32
      %dma_wait3A_113 = tpu.memref_slice %arg18[%mul3A_24, %dma_wait3A_112] : memref<10016x16xf32, #tpu.memory_space<vmem_shared>> -> memref<626x16xf32, #tpu.memory_space<vmem_shared>>
      tpu.wait_dma2 semaphore(%run_scoped3A : memref<!tpu.dma_semaphore, #tpu.memory_space<semaphore_mem>>) src(%dma_wait3A_113 : memref<626x16xf32, #tpu.memory_space<vmem_shared>>) dst(%dma_wait3A_111 : memref<626x16xf32, #tpu.memory_space<hbm>>)
      tpu.yield
    }) : () -> ()
    return
  }
}

#map = affine_map<(d0, d1) -> (0)>
#map1 = affine_map<(d0, d1) -> (0, 0)>
module attributes {stable_mosaic.version = 14 : i64} {
  func.func @_sc_gather_body(%arg0: i32, %arg1: i32, %arg2: memref<160000xi32, #tpu.memory_space<hbm>>, %arg3: memref<160000xi32, #tpu.memory_space<hbm>>, %arg4: memref<10000x256xf32, #tpu.memory_space<hbm>>, %arg5: memref<10000x256xf32, #tpu.memory_space<hbm>>, %arg6: memref<10000xf32, #tpu.memory_space<hbm>>, %arg7: memref<160000x256xf32, #tpu.memory_space<hbm>>, %arg8: memref<160000x256xf32, #tpu.memory_space<hbm>>, %arg9: memref<160000xf32, #tpu.memory_space<hbm>>, %arg10: memref<10000xf32, #tpu.memory_space<vmem>>, %arg11: memref<2048xi32, #tpu.memory_space<vmem>>, %arg12: memref<128xi32, #tpu.memory_space<vmem>>, %arg13: memref<128xi32, #tpu.memory_space<vmem>>, %arg14: memref<128x256xf32, #tpu.memory_space<vmem>>, %arg15: memref<128x256xf32, #tpu.memory_space<vmem>>, %arg16: memref<128xf32, #tpu.memory_space<vmem>>, %arg17: memref<!tpu.dma_semaphore, #tpu.memory_space<semaphore_mem>>, %arg18: memref<!tpu.dma_semaphore, #tpu.memory_space<semaphore_mem>>) attributes {dimension_semantics = [#tpu.dimension_semantics<core_parallel>, #tpu.dimension_semantics<subcore_parallel>], iteration_bounds = array<i64: 2, 16>, scalar_prefetch = 0 : i64, scratch_operands = 9 : i64, tpu.core_type = #tpu.core_type<sc_vector_subcore>, window_params = [{transform_indices = #map}, {transform_indices = #map}, {transform_indices = #map1}, {transform_indices = #map1}, {transform_indices = #map}, {transform_indices = #map1}, {transform_indices = #map1}, {transform_indices = #map}]} {
    %mul3A = arith.constant 2 : i32
    %mul3A_0 = arith.muli %arg1, %mul3A : i32
    %add3A = arith.addi %mul3A_0, %arg0 : i32
    %mul3A_1 = arith.constant 5000 : i32
    %mul3A_2 = arith.muli %add3A, %mul3A_1 : i32
    %broadcast_in_dim3A = arith.constant 1.000000e+00 : f32
    %broadcast_in_dim3A_3 = vector.broadcast %broadcast_in_dim3A : f32 to vector<16xf32>
    "tpu.region"() ({
      %run_scoped3A = tpu.sem_alloc : memref<!tpu.dma_semaphore, #tpu.memory_space<semaphore_mem>>
      tpu.enqueue_dma source(%arg6 : memref<10000xf32, #tpu.memory_space<hbm>>) target(%arg10 : memref<10000xf32, #tpu.memory_space<vmem>>) target_semaphore(%run_scoped3A : memref<!tpu.dma_semaphore, #tpu.memory_space<semaphore_mem>>)
      tpu.wait_dma2 semaphore(%run_scoped3A : memref<!tpu.dma_semaphore, #tpu.memory_space<semaphore_mem>>) src(%arg6 : memref<10000xf32, #tpu.memory_space<hbm>>) dst(%arg10 : memref<10000xf32, #tpu.memory_space<vmem>>)
      tpu.yield
    }) : () -> ()
    %scan3A = arith.constant 0 : i32
    %scan3A_4 = arith.constant 39 : i32
    %scan3A_5 = arith.addi %scan3A, %scan3A_4 : i32
    %scan3A_6 = arith.constant 1 : i32
    scf.for %scan3A_76 = %scan3A to %scan3A_5 step %scan3A_6  : i32 {
      %mul3A_77 = arith.constant 1 : i32
      %mul3A_78 = arith.muli %scan3A_76, %mul3A_77 : i32
      %add3A_79 = arith.constant 0 : i32
      %add3A_80 = arith.addi %add3A_79, %mul3A_78 : i32
      %mul3A_81 = arith.constant 128 : i32
      %mul3A_82 = arith.muli %add3A_80, %mul3A_81 : i32
      %multiple_of3A = tpu.assume_multiple %mul3A_82, 8 : i32
      %add3A_83 = arith.addi %mul3A_2, %multiple_of3A : i32
      "tpu.region"() ({
        %run_scoped3A = tpu.sem_alloc : memref<!tpu.dma_semaphore, #tpu.memory_space<semaphore_mem>>
        %dma_start3A_136 = tpu.memref_slice %arg2[%add3A_83] : memref<160000xi32, #tpu.memory_space<hbm>> -> memref<128xi32, #tpu.memory_space<hbm>>
        %dma_start3A_137 = tpu.memref_slice %arg2[%add3A_83] : memref<160000xi32, #tpu.memory_space<hbm>> -> memref<128xi32, #tpu.memory_space<hbm>>
        tpu.enqueue_dma source(%dma_start3A_137 : memref<128xi32, #tpu.memory_space<hbm>>) target(%arg12 : memref<128xi32, #tpu.memory_space<vmem>>) target_semaphore(%run_scoped3A : memref<!tpu.dma_semaphore, #tpu.memory_space<semaphore_mem>>)
        %dma_wait3A_138 = tpu.memref_slice %arg2[%add3A_83] : memref<160000xi32, #tpu.memory_space<hbm>> -> memref<128xi32, #tpu.memory_space<hbm>>
        %dma_wait3A_139 = tpu.memref_slice %arg2[%add3A_83] : memref<160000xi32, #tpu.memory_space<hbm>> -> memref<128xi32, #tpu.memory_space<hbm>>
        tpu.wait_dma2 semaphore(%run_scoped3A : memref<!tpu.dma_semaphore, #tpu.memory_space<semaphore_mem>>) src(%dma_wait3A_139 : memref<128xi32, #tpu.memory_space<hbm>>) dst(%arg12 : memref<128xi32, #tpu.memory_space<vmem>>)
        tpu.yield
      }) : () -> ()
      "tpu.region"() ({
        %run_scoped3A = tpu.sem_alloc : memref<!tpu.dma_semaphore, #tpu.memory_space<semaphore_mem>>
        %dma_start3A_136 = tpu.memref_slice %arg3[%add3A_83] : memref<160000xi32, #tpu.memory_space<hbm>> -> memref<128xi32, #tpu.memory_space<hbm>>
        %dma_start3A_137 = tpu.memref_slice %arg3[%add3A_83] : memref<160000xi32, #tpu.memory_space<hbm>> -> memref<128xi32, #tpu.memory_space<hbm>>
        tpu.enqueue_dma source(%dma_start3A_137 : memref<128xi32, #tpu.memory_space<hbm>>) target(%arg13 : memref<128xi32, #tpu.memory_space<vmem>>) target_semaphore(%run_scoped3A : memref<!tpu.dma_semaphore, #tpu.memory_space<semaphore_mem>>)
        %dma_wait3A_138 = tpu.memref_slice %arg3[%add3A_83] : memref<160000xi32, #tpu.memory_space<hbm>> -> memref<128xi32, #tpu.memory_space<hbm>>
        %dma_wait3A_139 = tpu.memref_slice %arg3[%add3A_83] : memref<160000xi32, #tpu.memory_space<hbm>> -> memref<128xi32, #tpu.memory_space<hbm>>
        tpu.wait_dma2 semaphore(%run_scoped3A : memref<!tpu.dma_semaphore, #tpu.memory_space<semaphore_mem>>) src(%dma_wait3A_139 : memref<128xi32, #tpu.memory_space<hbm>>) dst(%arg13 : memref<128xi32, #tpu.memory_space<vmem>>)
        tpu.yield
      }) : () -> ()
      %dma_start3A_84 = arith.constant 0 : i32
      %dma_start3A_85 = arith.constant 0 : i32
      %dma_start3A_86 = tpu.memref_slice %arg4[%dma_start3A_84, %dma_start3A_85] : memref<10000x256xf32, #tpu.memory_space<hbm>> -> memref<10000x256xf32, #tpu.memory_space<hbm>>
      tpu.enqueue_indirect_dma source(%dma_start3A_86 : memref<10000x256xf32, #tpu.memory_space<hbm>>) target(%arg14 : memref<128x256xf32, #tpu.memory_space<vmem>>) offsets(%arg12 : memref<128xi32, #tpu.memory_space<vmem>>) semaphore(%arg17 : memref<!tpu.dma_semaphore, #tpu.memory_space<semaphore_mem>>)
      %dma_start3A_87 = arith.constant 0 : i32
      %dma_start3A_88 = arith.constant 0 : i32
      %dma_start3A_89 = tpu.memref_slice %arg5[%dma_start3A_87, %dma_start3A_88] : memref<10000x256xf32, #tpu.memory_space<hbm>> -> memref<10000x256xf32, #tpu.memory_space<hbm>>
      tpu.enqueue_indirect_dma source(%dma_start3A_89 : memref<10000x256xf32, #tpu.memory_space<hbm>>) target(%arg15 : memref<128x256xf32, #tpu.memory_space<vmem>>) offsets(%arg13 : memref<128xi32, #tpu.memory_space<vmem>>) semaphore(%arg18 : memref<!tpu.dma_semaphore, #tpu.memory_space<semaphore_mem>>)
      %get3A_90 = arith.constant 0 : index
      %get3A_91 = tpu.vector_load %arg12[%get3A_90] {strides = array<i32>} : memref<128xi32, #tpu.memory_space<vmem>>, vector<16xi32>,
      %gather3A_92 = tpu.vector_load_idx %arg10[%get3A_91] : memref<10000xf32, #tpu.memory_space<vmem>>[vector<16xi32>], vector<16xf32>,
      %swap3A_93 = arith.constant 0 : index
      %swap3A_94 = tpu.vector_load %arg16[%swap3A_93] {strides = array<i32>} : memref<128xf32, #tpu.memory_space<vmem>>, vector<16xf32>,
      tpu.vector_store %arg16[%swap3A_93], %gather3A_92 {strides = array<i32>} : memref<128xf32, #tpu.memory_space<vmem>>, vector<16xf32>,
      %get3A_95 = arith.constant 16 : index
      %get3A_96 = tpu.vector_load %arg12[%get3A_95] {strides = array<i32>} : memref<128xi32, #tpu.memory_space<vmem>>, vector<16xi32>,
      %gather3A_97 = tpu.vector_load_idx %arg10[%get3A_96] : memref<10000xf32, #tpu.memory_space<vmem>>[vector<16xi32>], vector<16xf32>,
      %swap3A_98 = arith.constant 16 : index
      %swap3A_99 = tpu.vector_load %arg16[%swap3A_98] {strides = array<i32>} : memref<128xf32, #tpu.memory_space<vmem>>, vector<16xf32>,
      tpu.vector_store %arg16[%swap3A_98], %gather3A_97 {strides = array<i32>} : memref<128xf32, #tpu.memory_space<vmem>>, vector<16xf32>,
      %get3A_100 = arith.constant 32 : index
      %get3A_101 = tpu.vector_load %arg12[%get3A_100] {strides = array<i32>} : memref<128xi32, #tpu.memory_space<vmem>>, vector<16xi32>,
      %gather3A_102 = tpu.vector_load_idx %arg10[%get3A_101] : memref<10000xf32, #tpu.memory_space<vmem>>[vector<16xi32>], vector<16xf32>,
      %swap3A_103 = arith.constant 32 : index
      %swap3A_104 = tpu.vector_load %arg16[%swap3A_103] {strides = array<i32>} : memref<128xf32, #tpu.memory_space<vmem>>, vector<16xf32>,
      tpu.vector_store %arg16[%swap3A_103], %gather3A_102 {strides = array<i32>} : memref<128xf32, #tpu.memory_space<vmem>>, vector<16xf32>,
      %get3A_105 = arith.constant 48 : index
      %get3A_106 = tpu.vector_load %arg12[%get3A_105] {strides = array<i32>} : memref<128xi32, #tpu.memory_space<vmem>>, vector<16xi32>,
      %gather3A_107 = tpu.vector_load_idx %arg10[%get3A_106] : memref<10000xf32, #tpu.memory_space<vmem>>[vector<16xi32>], vector<16xf32>,
      %swap3A_108 = arith.constant 48 : index
      %swap3A_109 = tpu.vector_load %arg16[%swap3A_108] {strides = array<i32>} : memref<128xf32, #tpu.memory_space<vmem>>, vector<16xf32>,
      tpu.vector_store %arg16[%swap3A_108], %gather3A_107 {strides = array<i32>} : memref<128xf32, #tpu.memory_space<vmem>>, vector<16xf32>,
      %get3A_110 = arith.constant 64 : index
      %get3A_111 = tpu.vector_load %arg12[%get3A_110] {strides = array<i32>} : memref<128xi32, #tpu.memory_space<vmem>>, vector<16xi32>,
      %gather3A_112 = tpu.vector_load_idx %arg10[%get3A_111] : memref<10000xf32, #tpu.memory_space<vmem>>[vector<16xi32>], vector<16xf32>,
      %swap3A_113 = arith.constant 64 : index
      %swap3A_114 = tpu.vector_load %arg16[%swap3A_113] {strides = array<i32>} : memref<128xf32, #tpu.memory_space<vmem>>, vector<16xf32>,
      tpu.vector_store %arg16[%swap3A_113], %gather3A_112 {strides = array<i32>} : memref<128xf32, #tpu.memory_space<vmem>>, vector<16xf32>,
      %get3A_115 = arith.constant 80 : index
      %get3A_116 = tpu.vector_load %arg12[%get3A_115] {strides = array<i32>} : memref<128xi32, #tpu.memory_space<vmem>>, vector<16xi32>,
      %gather3A_117 = tpu.vector_load_idx %arg10[%get3A_116] : memref<10000xf32, #tpu.memory_space<vmem>>[vector<16xi32>], vector<16xf32>,
      %swap3A_118 = arith.constant 80 : index
      %swap3A_119 = tpu.vector_load %arg16[%swap3A_118] {strides = array<i32>} : memref<128xf32, #tpu.memory_space<vmem>>, vector<16xf32>,
      tpu.vector_store %arg16[%swap3A_118], %gather3A_117 {strides = array<i32>} : memref<128xf32, #tpu.memory_space<vmem>>, vector<16xf32>,
      %get3A_120 = arith.constant 96 : index
      %get3A_121 = tpu.vector_load %arg12[%get3A_120] {strides = array<i32>} : memref<128xi32, #tpu.memory_space<vmem>>, vector<16xi32>,
      %gather3A_122 = tpu.vector_load_idx %arg10[%get3A_121] : memref<10000xf32, #tpu.memory_space<vmem>>[vector<16xi32>], vector<16xf32>,
      %swap3A_123 = arith.constant 96 : index
      %swap3A_124 = tpu.vector_load %arg16[%swap3A_123] {strides = array<i32>} : memref<128xf32, #tpu.memory_space<vmem>>, vector<16xf32>,
      tpu.vector_store %arg16[%swap3A_123], %gather3A_122 {strides = array<i32>} : memref<128xf32, #tpu.memory_space<vmem>>, vector<16xf32>,
      %get3A_125 = arith.constant 112 : index
      %get3A_126 = tpu.vector_load %arg12[%get3A_125] {strides = array<i32>} : memref<128xi32, #tpu.memory_space<vmem>>, vector<16xi32>,
      %gather3A_127 = tpu.vector_load_idx %arg10[%get3A_126] : memref<10000xf32, #tpu.memory_space<vmem>>[vector<16xi32>], vector<16xf32>,
      %swap3A_128 = arith.constant 112 : index
      %swap3A_129 = tpu.vector_load %arg16[%swap3A_128] {strides = array<i32>} : memref<128xf32, #tpu.memory_space<vmem>>, vector<16xf32>,
      tpu.vector_store %arg16[%swap3A_128], %gather3A_127 {strides = array<i32>} : memref<128xf32, #tpu.memory_space<vmem>>, vector<16xf32>,
      %dma_wait3A_130 = arith.constant 0 : i32
      %dma_wait3A_131 = arith.constant 0 : i32
      %dma_wait3A_132 = tpu.memref_slice %arg4[%dma_wait3A_130, %dma_wait3A_131] : memref<10000x256xf32, #tpu.memory_space<hbm>> -> memref<10000x256xf32, #tpu.memory_space<hbm>>
      tpu.wait_indirect_dma semaphore(%arg17 : memref<!tpu.dma_semaphore, #tpu.memory_space<semaphore_mem>>) src(%dma_wait3A_132 : memref<10000x256xf32, #tpu.memory_space<hbm>>) dst(%arg14 : memref<128x256xf32, #tpu.memory_space<vmem>>)
      %dma_wait3A_133 = arith.constant 0 : i32
      %dma_wait3A_134 = arith.constant 0 : i32
      %dma_wait3A_135 = tpu.memref_slice %arg5[%dma_wait3A_133, %dma_wait3A_134] : memref<10000x256xf32, #tpu.memory_space<hbm>> -> memref<10000x256xf32, #tpu.memory_space<hbm>>
      tpu.wait_indirect_dma semaphore(%arg18 : memref<!tpu.dma_semaphore, #tpu.memory_space<semaphore_mem>>) src(%dma_wait3A_135 : memref<10000x256xf32, #tpu.memory_space<hbm>>) dst(%arg15 : memref<128x256xf32, #tpu.memory_space<vmem>>)
      "tpu.region"() ({
        %run_scoped3A = tpu.sem_alloc : memref<!tpu.dma_semaphore, #tpu.memory_space<semaphore_mem>>
        %dma_start3A_136 = arith.constant 0 : i32
        %dma_start3A_137 = tpu.memref_slice %arg7[%add3A_83, %dma_start3A_136] : memref<160000x256xf32, #tpu.memory_space<hbm>> -> memref<128x256xf32, #tpu.memory_space<hbm>>
        %dma_start3A_138 = arith.constant 0 : i32
        %dma_start3A_139 = tpu.memref_slice %arg7[%add3A_83, %dma_start3A_138] : memref<160000x256xf32, #tpu.memory_space<hbm>> -> memref<128x256xf32, #tpu.memory_space<hbm>>
        tpu.enqueue_dma source(%arg14 : memref<128x256xf32, #tpu.memory_space<vmem>>) target(%dma_start3A_139 : memref<128x256xf32, #tpu.memory_space<hbm>>) target_semaphore(%run_scoped3A : memref<!tpu.dma_semaphore, #tpu.memory_space<semaphore_mem>>)
        %dma_wait3A_140 = arith.constant 0 : i32
        %dma_wait3A_141 = tpu.memref_slice %arg7[%add3A_83, %dma_wait3A_140] : memref<160000x256xf32, #tpu.memory_space<hbm>> -> memref<128x256xf32, #tpu.memory_space<hbm>>
        %dma_wait3A_142 = arith.constant 0 : i32
        %dma_wait3A_143 = tpu.memref_slice %arg7[%add3A_83, %dma_wait3A_142] : memref<160000x256xf32, #tpu.memory_space<hbm>> -> memref<128x256xf32, #tpu.memory_space<hbm>>
        tpu.wait_dma2 semaphore(%run_scoped3A : memref<!tpu.dma_semaphore, #tpu.memory_space<semaphore_mem>>) src(%arg14 : memref<128x256xf32, #tpu.memory_space<vmem>>) dst(%dma_wait3A_143 : memref<128x256xf32, #tpu.memory_space<hbm>>)
        tpu.yield
      }) : () -> ()
      "tpu.region"() ({
        %run_scoped3A = tpu.sem_alloc : memref<!tpu.dma_semaphore, #tpu.memory_space<semaphore_mem>>
        %dma_start3A_136 = arith.constant 0 : i32
        %dma_start3A_137 = tpu.memref_slice %arg8[%add3A_83, %dma_start3A_136] : memref<160000x256xf32, #tpu.memory_space<hbm>> -> memref<128x256xf32, #tpu.memory_space<hbm>>
        %dma_start3A_138 = arith.constant 0 : i32
        %dma_start3A_139 = tpu.memref_slice %arg8[%add3A_83, %dma_start3A_138] : memref<160000x256xf32, #tpu.memory_space<hbm>> -> memref<128x256xf32, #tpu.memory_space<hbm>>
        tpu.enqueue_dma source(%arg15 : memref<128x256xf32, #tpu.memory_space<vmem>>) target(%dma_start3A_139 : memref<128x256xf32, #tpu.memory_space<hbm>>) target_semaphore(%run_scoped3A : memref<!tpu.dma_semaphore, #tpu.memory_space<semaphore_mem>>)
        %dma_wait3A_140 = arith.constant 0 : i32
        %dma_wait3A_141 = tpu.memref_slice %arg8[%add3A_83, %dma_wait3A_140] : memref<160000x256xf32, #tpu.memory_space<hbm>> -> memref<128x256xf32, #tpu.memory_space<hbm>>
        %dma_wait3A_142 = arith.constant 0 : i32
        %dma_wait3A_143 = tpu.memref_slice %arg8[%add3A_83, %dma_wait3A_142] : memref<160000x256xf32, #tpu.memory_space<hbm>> -> memref<128x256xf32, #tpu.memory_space<hbm>>
        tpu.wait_dma2 semaphore(%run_scoped3A : memref<!tpu.dma_semaphore, #tpu.memory_space<semaphore_mem>>) src(%arg15 : memref<128x256xf32, #tpu.memory_space<vmem>>) dst(%dma_wait3A_143 : memref<128x256xf32, #tpu.memory_space<hbm>>)
        tpu.yield
      }) : () -> ()
      "tpu.region"() ({
        %run_scoped3A = tpu.sem_alloc : memref<!tpu.dma_semaphore, #tpu.memory_space<semaphore_mem>>
        %dma_start3A_136 = tpu.memref_slice %arg9[%add3A_83] : memref<160000xf32, #tpu.memory_space<hbm>> -> memref<128xf32, #tpu.memory_space<hbm>>
        %dma_start3A_137 = tpu.memref_slice %arg9[%add3A_83] : memref<160000xf32, #tpu.memory_space<hbm>> -> memref<128xf32, #tpu.memory_space<hbm>>
        tpu.enqueue_dma source(%arg16 : memref<128xf32, #tpu.memory_space<vmem>>) target(%dma_start3A_137 : memref<128xf32, #tpu.memory_space<hbm>>) target_semaphore(%run_scoped3A : memref<!tpu.dma_semaphore, #tpu.memory_space<semaphore_mem>>)
        %dma_wait3A_138 = tpu.memref_slice %arg9[%add3A_83] : memref<160000xf32, #tpu.memory_space<hbm>> -> memref<128xf32, #tpu.memory_space<hbm>>
        %dma_wait3A_139 = tpu.memref_slice %arg9[%add3A_83] : memref<160000xf32, #tpu.memory_space<hbm>> -> memref<128xf32, #tpu.memory_space<hbm>>
        tpu.wait_dma2 semaphore(%run_scoped3A : memref<!tpu.dma_semaphore, #tpu.memory_space<semaphore_mem>>) src(%arg16 : memref<128xf32, #tpu.memory_space<vmem>>) dst(%dma_wait3A_139 : memref<128xf32, #tpu.memory_space<hbm>>)
        tpu.yield
      }) : () -> ()
    }
    %scan3A_7 = arith.constant 39 : i32
    %add3A_8 = arith.constant 4992 : i32
    %add3A_9 = arith.addi %mul3A_2, %add3A_8 : i32
    %add3A_10 = arith.constant 5000 : i32
    %add3A_11 = arith.addi %mul3A_2, %add3A_10 : i32
    %sub3A = arith.constant 128 : i32
    %sub3A_12 = arith.subi %add3A_11, %sub3A : i32
    "tpu.region"() ({
      %run_scoped3A = tpu.sem_alloc : memref<!tpu.dma_semaphore, #tpu.memory_space<semaphore_mem>>
      %dma_start3A_76 = tpu.memref_slice %arg2[%sub3A_12] : memref<160000xi32, #tpu.memory_space<hbm>> -> memref<128xi32, #tpu.memory_space<hbm>>
      %dma_start3A_77 = tpu.memref_slice %arg2[%sub3A_12] : memref<160000xi32, #tpu.memory_space<hbm>> -> memref<128xi32, #tpu.memory_space<hbm>>
      tpu.enqueue_dma source(%dma_start3A_77 : memref<128xi32, #tpu.memory_space<hbm>>) target(%arg12 : memref<128xi32, #tpu.memory_space<vmem>>) target_semaphore(%run_scoped3A : memref<!tpu.dma_semaphore, #tpu.memory_space<semaphore_mem>>)
      %dma_wait3A_78 = tpu.memref_slice %arg2[%sub3A_12] : memref<160000xi32, #tpu.memory_space<hbm>> -> memref<128xi32, #tpu.memory_space<hbm>>
      %dma_wait3A_79 = tpu.memref_slice %arg2[%sub3A_12] : memref<160000xi32, #tpu.memory_space<hbm>> -> memref<128xi32, #tpu.memory_space<hbm>>
      tpu.wait_dma2 semaphore(%run_scoped3A : memref<!tpu.dma_semaphore, #tpu.memory_space<semaphore_mem>>) src(%dma_wait3A_79 : memref<128xi32, #tpu.memory_space<hbm>>) dst(%arg12 : memref<128xi32, #tpu.memory_space<vmem>>)
      tpu.yield
    }) : () -> ()
    %add3A_13 = arith.constant 5000 : i32
    %add3A_14 = arith.addi %mul3A_2, %add3A_13 : i32
    %sub3A_15 = arith.constant 128 : i32
    %sub3A_16 = arith.subi %add3A_14, %sub3A_15 : i32
    "tpu.region"() ({
      %run_scoped3A = tpu.sem_alloc : memref<!tpu.dma_semaphore, #tpu.memory_space<semaphore_mem>>
      %dma_start3A_76 = tpu.memref_slice %arg3[%sub3A_16] : memref<160000xi32, #tpu.memory_space<hbm>> -> memref<128xi32, #tpu.memory_space<hbm>>
      %dma_start3A_77 = tpu.memref_slice %arg3[%sub3A_16] : memref<160000xi32, #tpu.memory_space<hbm>> -> memref<128xi32, #tpu.memory_space<hbm>>
      tpu.enqueue_dma source(%dma_start3A_77 : memref<128xi32, #tpu.memory_space<hbm>>) target(%arg13 : memref<128xi32, #tpu.memory_space<vmem>>) target_semaphore(%run_scoped3A : memref<!tpu.dma_semaphore, #tpu.memory_space<semaphore_mem>>)
      %dma_wait3A_78 = tpu.memref_slice %arg3[%sub3A_16] : memref<160000xi32, #tpu.memory_space<hbm>> -> memref<128xi32, #tpu.memory_space<hbm>>
      %dma_wait3A_79 = tpu.memref_slice %arg3[%sub3A_16] : memref<160000xi32, #tpu.memory_space<hbm>> -> memref<128xi32, #tpu.memory_space<hbm>>
      tpu.wait_dma2 semaphore(%run_scoped3A : memref<!tpu.dma_semaphore, #tpu.memory_space<semaphore_mem>>) src(%dma_wait3A_79 : memref<128xi32, #tpu.memory_space<hbm>>) dst(%arg13 : memref<128xi32, #tpu.memory_space<vmem>>)
      tpu.yield
    }) : () -> ()
    %dma_start3A = arith.constant 0 : i32
    %dma_start3A_17 = arith.constant 0 : i32
    %dma_start3A_18 = tpu.memref_slice %arg4[%dma_start3A, %dma_start3A_17] : memref<10000x256xf32, #tpu.memory_space<hbm>> -> memref<10000x256xf32, #tpu.memory_space<hbm>>
    tpu.enqueue_indirect_dma source(%dma_start3A_18 : memref<10000x256xf32, #tpu.memory_space<hbm>>) target(%arg14 : memref<128x256xf32, #tpu.memory_space<vmem>>) offsets(%arg12 : memref<128xi32, #tpu.memory_space<vmem>>) semaphore(%arg17 : memref<!tpu.dma_semaphore, #tpu.memory_space<semaphore_mem>>)
    %dma_start3A_19 = arith.constant 0 : i32
    %dma_start3A_20 = arith.constant 0 : i32
    %dma_start3A_21 = tpu.memref_slice %arg5[%dma_start3A_19, %dma_start3A_20] : memref<10000x256xf32, #tpu.memory_space<hbm>> -> memref<10000x256xf32, #tpu.memory_space<hbm>>
    tpu.enqueue_indirect_dma source(%dma_start3A_21 : memref<10000x256xf32, #tpu.memory_space<hbm>>) target(%arg15 : memref<128x256xf32, #tpu.memory_space<vmem>>) offsets(%arg13 : memref<128xi32, #tpu.memory_space<vmem>>) semaphore(%arg18 : memref<!tpu.dma_semaphore, #tpu.memory_space<semaphore_mem>>)
    %get3A = arith.constant 0 : index
    %get3A_22 = tpu.vector_load %arg12[%get3A] {strides = array<i32>} : memref<128xi32, #tpu.memory_space<vmem>>, vector<16xi32>,
    %gather3A = tpu.vector_load_idx %arg10[%get3A_22] : memref<10000xf32, #tpu.memory_space<vmem>>[vector<16xi32>], vector<16xf32>,
    %swap3A = arith.constant 0 : index
    %swap3A_23 = tpu.vector_load %arg16[%swap3A] {strides = array<i32>} : memref<128xf32, #tpu.memory_space<vmem>>, vector<16xf32>,
    tpu.vector_store %arg16[%swap3A], %gather3A {strides = array<i32>} : memref<128xf32, #tpu.memory_space<vmem>>, vector<16xf32>,
    %get3A_24 = arith.constant 16 : index
    %get3A_25 = tpu.vector_load %arg12[%get3A_24] {strides = array<i32>} : memref<128xi32, #tpu.memory_space<vmem>>, vector<16xi32>,
    %gather3A_26 = tpu.vector_load_idx %arg10[%get3A_25] : memref<10000xf32, #tpu.memory_space<vmem>>[vector<16xi32>], vector<16xf32>,
    %swap3A_27 = arith.constant 16 : index
    %swap3A_28 = tpu.vector_load %arg16[%swap3A_27] {strides = array<i32>} : memref<128xf32, #tpu.memory_space<vmem>>, vector<16xf32>,
    tpu.vector_store %arg16[%swap3A_27], %gather3A_26 {strides = array<i32>} : memref<128xf32, #tpu.memory_space<vmem>>, vector<16xf32>,
    %get3A_29 = arith.constant 32 : index
    %get3A_30 = tpu.vector_load %arg12[%get3A_29] {strides = array<i32>} : memref<128xi32, #tpu.memory_space<vmem>>, vector<16xi32>,
    %gather3A_31 = tpu.vector_load_idx %arg10[%get3A_30] : memref<10000xf32, #tpu.memory_space<vmem>>[vector<16xi32>], vector<16xf32>,
    %swap3A_32 = arith.constant 32 : index
    %swap3A_33 = tpu.vector_load %arg16[%swap3A_32] {strides = array<i32>} : memref<128xf32, #tpu.memory_space<vmem>>, vector<16xf32>,
    tpu.vector_store %arg16[%swap3A_32], %gather3A_31 {strides = array<i32>} : memref<128xf32, #tpu.memory_space<vmem>>, vector<16xf32>,
    %get3A_34 = arith.constant 48 : index
    %get3A_35 = tpu.vector_load %arg12[%get3A_34] {strides = array<i32>} : memref<128xi32, #tpu.memory_space<vmem>>, vector<16xi32>,
    %gather3A_36 = tpu.vector_load_idx %arg10[%get3A_35] : memref<10000xf32, #tpu.memory_space<vmem>>[vector<16xi32>], vector<16xf32>,
    %swap3A_37 = arith.constant 48 : index
    %swap3A_38 = tpu.vector_load %arg16[%swap3A_37] {strides = array<i32>} : memref<128xf32, #tpu.memory_space<vmem>>, vector<16xf32>,
    tpu.vector_store %arg16[%swap3A_37], %gather3A_36 {strides = array<i32>} : memref<128xf32, #tpu.memory_space<vmem>>, vector<16xf32>,
    %get3A_39 = arith.constant 64 : index
    %get3A_40 = tpu.vector_load %arg12[%get3A_39] {strides = array<i32>} : memref<128xi32, #tpu.memory_space<vmem>>, vector<16xi32>,
    %gather3A_41 = tpu.vector_load_idx %arg10[%get3A_40] : memref<10000xf32, #tpu.memory_space<vmem>>[vector<16xi32>], vector<16xf32>,
    %swap3A_42 = arith.constant 64 : index
    %swap3A_43 = tpu.vector_load %arg16[%swap3A_42] {strides = array<i32>} : memref<128xf32, #tpu.memory_space<vmem>>, vector<16xf32>,
    tpu.vector_store %arg16[%swap3A_42], %gather3A_41 {strides = array<i32>} : memref<128xf32, #tpu.memory_space<vmem>>, vector<16xf32>,
    %get3A_44 = arith.constant 80 : index
    %get3A_45 = tpu.vector_load %arg12[%get3A_44] {strides = array<i32>} : memref<128xi32, #tpu.memory_space<vmem>>, vector<16xi32>,
    %gather3A_46 = tpu.vector_load_idx %arg10[%get3A_45] : memref<10000xf32, #tpu.memory_space<vmem>>[vector<16xi32>], vector<16xf32>,
    %swap3A_47 = arith.constant 80 : index
    %swap3A_48 = tpu.vector_load %arg16[%swap3A_47] {strides = array<i32>} : memref<128xf32, #tpu.memory_space<vmem>>, vector<16xf32>,
    tpu.vector_store %arg16[%swap3A_47], %gather3A_46 {strides = array<i32>} : memref<128xf32, #tpu.memory_space<vmem>>, vector<16xf32>,
    %get3A_49 = arith.constant 96 : index
    %get3A_50 = tpu.vector_load %arg12[%get3A_49] {strides = array<i32>} : memref<128xi32, #tpu.memory_space<vmem>>, vector<16xi32>,
    %gather3A_51 = tpu.vector_load_idx %arg10[%get3A_50] : memref<10000xf32, #tpu.memory_space<vmem>>[vector<16xi32>], vector<16xf32>,
    %swap3A_52 = arith.constant 96 : index
    %swap3A_53 = tpu.vector_load %arg16[%swap3A_52] {strides = array<i32>} : memref<128xf32, #tpu.memory_space<vmem>>, vector<16xf32>,
    tpu.vector_store %arg16[%swap3A_52], %gather3A_51 {strides = array<i32>} : memref<128xf32, #tpu.memory_space<vmem>>, vector<16xf32>,
    %get3A_54 = arith.constant 112 : index
    %get3A_55 = tpu.vector_load %arg12[%get3A_54] {strides = array<i32>} : memref<128xi32, #tpu.memory_space<vmem>>, vector<16xi32>,
    %gather3A_56 = tpu.vector_load_idx %arg10[%get3A_55] : memref<10000xf32, #tpu.memory_space<vmem>>[vector<16xi32>], vector<16xf32>,
    %swap3A_57 = arith.constant 112 : index
    %swap3A_58 = tpu.vector_load %arg16[%swap3A_57] {strides = array<i32>} : memref<128xf32, #tpu.memory_space<vmem>>, vector<16xf32>,
    tpu.vector_store %arg16[%swap3A_57], %gather3A_56 {strides = array<i32>} : memref<128xf32, #tpu.memory_space<vmem>>, vector<16xf32>,
    %dma_wait3A = arith.constant 0 : i32
    %dma_wait3A_59 = arith.constant 0 : i32
    %dma_wait3A_60 = tpu.memref_slice %arg4[%dma_wait3A, %dma_wait3A_59] : memref<10000x256xf32, #tpu.memory_space<hbm>> -> memref<10000x256xf32, #tpu.memory_space<hbm>>
    tpu.wait_indirect_dma semaphore(%arg17 : memref<!tpu.dma_semaphore, #tpu.memory_space<semaphore_mem>>) src(%dma_wait3A_60 : memref<10000x256xf32, #tpu.memory_space<hbm>>) dst(%arg14 : memref<128x256xf32, #tpu.memory_space<vmem>>)
    %dma_wait3A_61 = arith.constant 0 : i32
    %dma_wait3A_62 = arith.constant 0 : i32
    %dma_wait3A_63 = tpu.memref_slice %arg5[%dma_wait3A_61, %dma_wait3A_62] : memref<10000x256xf32, #tpu.memory_space<hbm>> -> memref<10000x256xf32, #tpu.memory_space<hbm>>
    tpu.wait_indirect_dma semaphore(%arg18 : memref<!tpu.dma_semaphore, #tpu.memory_space<semaphore_mem>>) src(%dma_wait3A_63 : memref<10000x256xf32, #tpu.memory_space<hbm>>) dst(%arg15 : memref<128x256xf32, #tpu.memory_space<vmem>>)
    %add3A_64 = arith.constant 5000 : i32
    %add3A_65 = arith.addi %mul3A_2, %add3A_64 : i32
    %sub3A_66 = arith.constant 128 : i32
    %sub3A_67 = arith.subi %add3A_65, %sub3A_66 : i32
    "tpu.region"() ({
      %run_scoped3A = tpu.sem_alloc : memref<!tpu.dma_semaphore, #tpu.memory_space<semaphore_mem>>
      %dma_start3A_76 = arith.constant 0 : i32
      %dma_start3A_77 = tpu.memref_slice %arg7[%sub3A_67, %dma_start3A_76] : memref<160000x256xf32, #tpu.memory_space<hbm>> -> memref<128x256xf32, #tpu.memory_space<hbm>>
      %dma_start3A_78 = arith.constant 0 : i32
      %dma_start3A_79 = tpu.memref_slice %arg7[%sub3A_67, %dma_start3A_78] : memref<160000x256xf32, #tpu.memory_space<hbm>> -> memref<128x256xf32, #tpu.memory_space<hbm>>
      tpu.enqueue_dma source(%arg14 : memref<128x256xf32, #tpu.memory_space<vmem>>) target(%dma_start3A_79 : memref<128x256xf32, #tpu.memory_space<hbm>>) target_semaphore(%run_scoped3A : memref<!tpu.dma_semaphore, #tpu.memory_space<semaphore_mem>>)
      %dma_wait3A_80 = arith.constant 0 : i32
      %dma_wait3A_81 = tpu.memref_slice %arg7[%sub3A_67, %dma_wait3A_80] : memref<160000x256xf32, #tpu.memory_space<hbm>> -> memref<128x256xf32, #tpu.memory_space<hbm>>
      %dma_wait3A_82 = arith.constant 0 : i32
      %dma_wait3A_83 = tpu.memref_slice %arg7[%sub3A_67, %dma_wait3A_82] : memref<160000x256xf32, #tpu.memory_space<hbm>> -> memref<128x256xf32, #tpu.memory_space<hbm>>
      tpu.wait_dma2 semaphore(%run_scoped3A : memref<!tpu.dma_semaphore, #tpu.memory_space<semaphore_mem>>) src(%arg14 : memref<128x256xf32, #tpu.memory_space<vmem>>) dst(%dma_wait3A_83 : memref<128x256xf32, #tpu.memory_space<hbm>>)
      tpu.yield
    }) : () -> ()
    %add3A_68 = arith.constant 5000 : i32
    %add3A_69 = arith.addi %mul3A_2, %add3A_68 : i32
    %sub3A_70 = arith.constant 128 : i32
    %sub3A_71 = arith.subi %add3A_69, %sub3A_70 : i32
    "tpu.region"() ({
      %run_scoped3A = tpu.sem_alloc : memref<!tpu.dma_semaphore, #tpu.memory_space<semaphore_mem>>
      %dma_start3A_76 = arith.constant 0 : i32
      %dma_start3A_77 = tpu.memref_slice %arg8[%sub3A_71, %dma_start3A_76] : memref<160000x256xf32, #tpu.memory_space<hbm>> -> memref<128x256xf32, #tpu.memory_space<hbm>>
      %dma_start3A_78 = arith.constant 0 : i32
      %dma_start3A_79 = tpu.memref_slice %arg8[%sub3A_71, %dma_start3A_78] : memref<160000x256xf32, #tpu.memory_space<hbm>> -> memref<128x256xf32, #tpu.memory_space<hbm>>
      tpu.enqueue_dma source(%arg15 : memref<128x256xf32, #tpu.memory_space<vmem>>) target(%dma_start3A_79 : memref<128x256xf32, #tpu.memory_space<hbm>>) target_semaphore(%run_scoped3A : memref<!tpu.dma_semaphore, #tpu.memory_space<semaphore_mem>>)
      %dma_wait3A_80 = arith.constant 0 : i32
      %dma_wait3A_81 = tpu.memref_slice %arg8[%sub3A_71, %dma_wait3A_80] : memref<160000x256xf32, #tpu.memory_space<hbm>> -> memref<128x256xf32, #tpu.memory_space<hbm>>
      %dma_wait3A_82 = arith.constant 0 : i32
      %dma_wait3A_83 = tpu.memref_slice %arg8[%sub3A_71, %dma_wait3A_82] : memref<160000x256xf32, #tpu.memory_space<hbm>> -> memref<128x256xf32, #tpu.memory_space<hbm>>
      tpu.wait_dma2 semaphore(%run_scoped3A : memref<!tpu.dma_semaphore, #tpu.memory_space<semaphore_mem>>) src(%arg15 : memref<128x256xf32, #tpu.memory_space<vmem>>) dst(%dma_wait3A_83 : memref<128x256xf32, #tpu.memory_space<hbm>>)
      tpu.yield
    }) : () -> ()
    %add3A_72 = arith.constant 5000 : i32
    %add3A_73 = arith.addi %mul3A_2, %add3A_72 : i32
    %sub3A_74 = arith.constant 128 : i32
    %sub3A_75 = arith.subi %add3A_73, %sub3A_74 : i32
    "tpu.region"() ({
      %run_scoped3A = tpu.sem_alloc : memref<!tpu.dma_semaphore, #tpu.memory_space<semaphore_mem>>
      %dma_start3A_76 = tpu.memref_slice %arg9[%sub3A_75] : memref<160000xf32, #tpu.memory_space<hbm>> -> memref<128xf32, #tpu.memory_space<hbm>>
      %dma_start3A_77 = tpu.memref_slice %arg9[%sub3A_75] : memref<160000xf32, #tpu.memory_space<hbm>> -> memref<128xf32, #tpu.memory_space<hbm>>
      tpu.enqueue_dma source(%arg16 : memref<128xf32, #tpu.memory_space<vmem>>) target(%dma_start3A_77 : memref<128xf32, #tpu.memory_space<hbm>>) target_semaphore(%run_scoped3A : memref<!tpu.dma_semaphore, #tpu.memory_space<semaphore_mem>>)
      %dma_wait3A_78 = tpu.memref_slice %arg9[%sub3A_75] : memref<160000xf32, #tpu.memory_space<hbm>> -> memref<128xf32, #tpu.memory_space<hbm>>
      %dma_wait3A_79 = tpu.memref_slice %arg9[%sub3A_75] : memref<160000xf32, #tpu.memory_space<hbm>> -> memref<128xf32, #tpu.memory_space<hbm>>
      tpu.wait_dma2 semaphore(%run_scoped3A : memref<!tpu.dma_semaphore, #tpu.memory_space<semaphore_mem>>) src(%arg16 : memref<128xf32, #tpu.memory_space<vmem>>) dst(%dma_wait3A_79 : memref<128xf32, #tpu.memory_space<hbm>>)
      tpu.yield
    }) : () -> ()
    return
  }
}

#map = affine_map<(d0, d1) -> (0)>
#map1 = affine_map<(d0, d1) -> (0, 0)>
#map2 = affine_map<(d0, d1) -> (0, 0, 0)>
module attributes {stable_mosaic.version = 14 : i64} {
  func.func @_sc_scatter_body(%arg0: i32, %arg1: i32, %arg2: memref<160000xi32, #tpu.memory_space<hbm>>, %arg3: memref<160000xf32, #tpu.memory_space<hbm>>, %arg4: memref<160000x256xf32, #tpu.memory_space<hbm>>, %arg5: memref<2x5120x256xf32, #tpu.memory_space<hbm>>, %arg6: memref<2x5120x16xf32, #tpu.memory_space<hbm>>, %arg7: memref<5120x256xf32, #tpu.memory_space<vmem_shared>>, %arg8: memref<5120x16xf32, #tpu.memory_space<vmem_shared>>, %arg9: memref<64x256xf32, #tpu.memory_space<vmem>>, %arg10: memref<64x16xf32, #tpu.memory_space<vmem>>, %arg11: memref<64xi32, #tpu.memory_space<vmem>>, %arg12: memref<64xf32, #tpu.memory_space<vmem>>, %arg13: memref<64xi32, #tpu.memory_space<vmem>>, %arg14: memref<16xi32, #tpu.memory_space<vmem>>, %arg15: memref<64x16xf32, #tpu.memory_space<vmem>>) attributes {dimension_semantics = [#tpu.dimension_semantics<core_parallel>, #tpu.dimension_semantics<subcore_parallel>], iteration_bounds = array<i64: 2, 16>, scalar_prefetch = 0 : i64, scratch_operands = 9 : i64, tpu.core_type = #tpu.core_type<sc_vector_subcore>, window_params = [{transform_indices = #map}, {transform_indices = #map}, {transform_indices = #map1}, {transform_indices = #map2}, {transform_indices = #map2}]} {
    %mul3A = arith.constant 10000 : i32
    %mul3A_0 = arith.muli %arg1, %mul3A : i32
    %mul3A_1 = arith.constant 5000 : i32
    %mul3A_2 = arith.muli %arg0, %mul3A_1 : i32
    %scan3A = arith.constant 0 : i32
    %scan3A_3 = arith.constant 64 : i32
    %scan3A_4 = arith.addi %scan3A, %scan3A_3 : i32
    %scan3A_5 = arith.constant 1 : i32
    scf.for %scan3A_34 = %scan3A to %scan3A_4 step %scan3A_5  : i32 {
      %mul3A_35 = arith.constant 1 : i32
      %mul3A_36 = arith.muli %scan3A_34, %mul3A_35 : i32
      %add3A_37 = arith.constant 0 : i32
      %add3A_38 = arith.addi %add3A_37, %mul3A_36 : i32
      %broadcast_in_dim3A_39 = arith.constant 0.000000e+00 : f32
      %broadcast_in_dim3A_40 = vector.broadcast %broadcast_in_dim3A_39 : f32 to vector<16xf32>
      %swap3A_41 = arith.index_cast %add3A_38 : i32 to index
      %swap3A_42 = arith.constant 0 : index
      %swap3A_43 = tpu.vector_load %arg9[%swap3A_41, %swap3A_42] {strides = array<i32>} : memref<64x256xf32, #tpu.memory_space<vmem>>, vector<16xf32>,
      tpu.vector_store %arg9[%swap3A_41, %swap3A_42], %broadcast_in_dim3A_40 {strides = array<i32>} : memref<64x256xf32, #tpu.memory_space<vmem>>, vector<16xf32>,
      %broadcast_in_dim3A_44 = arith.constant 0.000000e+00 : f32
      %broadcast_in_dim3A_45 = vector.broadcast %broadcast_in_dim3A_44 : f32 to vector<16xf32>
      %swap3A_46 = arith.index_cast %add3A_38 : i32 to index
      %swap3A_47 = arith.constant 16 : index
      %swap3A_48 = tpu.vector_load %arg9[%swap3A_46, %swap3A_47] {strides = array<i32>} : memref<64x256xf32, #tpu.memory_space<vmem>>, vector<16xf32>,
      tpu.vector_store %arg9[%swap3A_46, %swap3A_47], %broadcast_in_dim3A_45 {strides = array<i32>} : memref<64x256xf32, #tpu.memory_space<vmem>>, vector<16xf32>,
      %broadcast_in_dim3A_49 = arith.constant 0.000000e+00 : f32
      %broadcast_in_dim3A_50 = vector.broadcast %broadcast_in_dim3A_49 : f32 to vector<16xf32>
      %swap3A_51 = arith.index_cast %add3A_38 : i32 to index
      %swap3A_52 = arith.constant 32 : index
      %swap3A_53 = tpu.vector_load %arg9[%swap3A_51, %swap3A_52] {strides = array<i32>} : memref<64x256xf32, #tpu.memory_space<vmem>>, vector<16xf32>,
      tpu.vector_store %arg9[%swap3A_51, %swap3A_52], %broadcast_in_dim3A_50 {strides = array<i32>} : memref<64x256xf32, #tpu.memory_space<vmem>>, vector<16xf32>,
      %broadcast_in_dim3A_54 = arith.constant 0.000000e+00 : f32
      %broadcast_in_dim3A_55 = vector.broadcast %broadcast_in_dim3A_54 : f32 to vector<16xf32>
      %swap3A_56 = arith.index_cast %add3A_38 : i32 to index
      %swap3A_57 = arith.constant 48 : index
      %swap3A_58 = tpu.vector_load %arg9[%swap3A_56, %swap3A_57] {strides = array<i32>} : memref<64x256xf32, #tpu.memory_space<vmem>>, vector<16xf32>,
      tpu.vector_store %arg9[%swap3A_56, %swap3A_57], %broadcast_in_dim3A_55 {strides = array<i32>} : memref<64x256xf32, #tpu.memory_space<vmem>>, vector<16xf32>,
      %broadcast_in_dim3A_59 = arith.constant 0.000000e+00 : f32
      %broadcast_in_dim3A_60 = vector.broadcast %broadcast_in_dim3A_59 : f32 to vector<16xf32>
      %swap3A_61 = arith.index_cast %add3A_38 : i32 to index
      %swap3A_62 = arith.constant 64 : index
      %swap3A_63 = tpu.vector_load %arg9[%swap3A_61, %swap3A_62] {strides = array<i32>} : memref<64x256xf32, #tpu.memory_space<vmem>>, vector<16xf32>,
      tpu.vector_store %arg9[%swap3A_61, %swap3A_62], %broadcast_in_dim3A_60 {strides = array<i32>} : memref<64x256xf32, #tpu.memory_space<vmem>>, vector<16xf32>,
      %broadcast_in_dim3A_64 = arith.constant 0.000000e+00 : f32
      %broadcast_in_dim3A_65 = vector.broadcast %broadcast_in_dim3A_64 : f32 to vector<16xf32>
      %swap3A_66 = arith.index_cast %add3A_38 : i32 to index
      %swap3A_67 = arith.constant 80 : index
      %swap3A_68 = tpu.vector_load %arg9[%swap3A_66, %swap3A_67] {strides = array<i32>} : memref<64x256xf32, #tpu.memory_space<vmem>>, vector<16xf32>,
      tpu.vector_store %arg9[%swap3A_66, %swap3A_67], %broadcast_in_dim3A_65 {strides = array<i32>} : memref<64x256xf32, #tpu.memory_space<vmem>>, vector<16xf32>,
      %broadcast_in_dim3A_69 = arith.constant 0.000000e+00 : f32
      %broadcast_in_dim3A_70 = vector.broadcast %broadcast_in_dim3A_69 : f32 to vector<16xf32>
      %swap3A_71 = arith.index_cast %add3A_38 : i32 to index
      %swap3A_72 = arith.constant 96 : index
      %swap3A_73 = tpu.vector_load %arg9[%swap3A_71, %swap3A_72] {strides = array<i32>} : memref<64x256xf32, #tpu.memory_space<vmem>>, vector<16xf32>,
      tpu.vector_store %arg9[%swap3A_71, %swap3A_72], %broadcast_in_dim3A_70 {strides = array<i32>} : memref<64x256xf32, #tpu.memory_space<vmem>>, vector<16xf32>,
      %broadcast_in_dim3A_74 = arith.constant 0.000000e+00 : f32
      %broadcast_in_dim3A_75 = vector.broadcast %broadcast_in_dim3A_74 : f32 to vector<16xf32>
      %swap3A_76 = arith.index_cast %add3A_38 : i32 to index
      %swap3A_77 = arith.constant 112 : index
      %swap3A_78 = tpu.vector_load %arg9[%swap3A_76, %swap3A_77] {strides = array<i32>} : memref<64x256xf32, #tpu.memory_space<vmem>>, vector<16xf32>,
      tpu.vector_store %arg9[%swap3A_76, %swap3A_77], %broadcast_in_dim3A_75 {strides = array<i32>} : memref<64x256xf32, #tpu.memory_space<vmem>>, vector<16xf32>,
      %broadcast_in_dim3A_79 = arith.constant 0.000000e+00 : f32
      %broadcast_in_dim3A_80 = vector.broadcast %broadcast_in_dim3A_79 : f32 to vector<16xf32>
      %swap3A_81 = arith.index_cast %add3A_38 : i32 to index
      %swap3A_82 = arith.constant 128 : index
      %swap3A_83 = tpu.vector_load %arg9[%swap3A_81, %swap3A_82] {strides = array<i32>} : memref<64x256xf32, #tpu.memory_space<vmem>>, vector<16xf32>,
      tpu.vector_store %arg9[%swap3A_81, %swap3A_82], %broadcast_in_dim3A_80 {strides = array<i32>} : memref<64x256xf32, #tpu.memory_space<vmem>>, vector<16xf32>,
      %broadcast_in_dim3A_84 = arith.constant 0.000000e+00 : f32
      %broadcast_in_dim3A_85 = vector.broadcast %broadcast_in_dim3A_84 : f32 to vector<16xf32>
      %swap3A_86 = arith.index_cast %add3A_38 : i32 to index
      %swap3A_87 = arith.constant 144 : index
      %swap3A_88 = tpu.vector_load %arg9[%swap3A_86, %swap3A_87] {strides = array<i32>} : memref<64x256xf32, #tpu.memory_space<vmem>>, vector<16xf32>,
      tpu.vector_store %arg9[%swap3A_86, %swap3A_87], %broadcast_in_dim3A_85 {strides = array<i32>} : memref<64x256xf32, #tpu.memory_space<vmem>>, vector<16xf32>,
      %broadcast_in_dim3A_89 = arith.constant 0.000000e+00 : f32
      %broadcast_in_dim3A_90 = vector.broadcast %broadcast_in_dim3A_89 : f32 to vector<16xf32>
      %swap3A_91 = arith.index_cast %add3A_38 : i32 to index
      %swap3A_92 = arith.constant 160 : index
      %swap3A_93 = tpu.vector_load %arg9[%swap3A_91, %swap3A_92] {strides = array<i32>} : memref<64x256xf32, #tpu.memory_space<vmem>>, vector<16xf32>,
      tpu.vector_store %arg9[%swap3A_91, %swap3A_92], %broadcast_in_dim3A_90 {strides = array<i32>} : memref<64x256xf32, #tpu.memory_space<vmem>>, vector<16xf32>,
      %broadcast_in_dim3A_94 = arith.constant 0.000000e+00 : f32
      %broadcast_in_dim3A_95 = vector.broadcast %broadcast_in_dim3A_94 : f32 to vector<16xf32>
      %swap3A_96 = arith.index_cast %add3A_38 : i32 to index
      %swap3A_97 = arith.constant 176 : index
      %swap3A_98 = tpu.vector_load %arg9[%swap3A_96, %swap3A_97] {strides = array<i32>} : memref<64x256xf32, #tpu.memory_space<vmem>>, vector<16xf32>,
      tpu.vector_store %arg9[%swap3A_96, %swap3A_97], %broadcast_in_dim3A_95 {strides = array<i32>} : memref<64x256xf32, #tpu.memory_space<vmem>>, vector<16xf32>,
      %broadcast_in_dim3A_99 = arith.constant 0.000000e+00 : f32
      %broadcast_in_dim3A_100 = vector.broadcast %broadcast_in_dim3A_99 : f32 to vector<16xf32>
      %swap3A_101 = arith.index_cast %add3A_38 : i32 to index
      %swap3A_102 = arith.constant 192 : index
      %swap3A_103 = tpu.vector_load %arg9[%swap3A_101, %swap3A_102] {strides = array<i32>} : memref<64x256xf32, #tpu.memory_space<vmem>>, vector<16xf32>,
      tpu.vector_store %arg9[%swap3A_101, %swap3A_102], %broadcast_in_dim3A_100 {strides = array<i32>} : memref<64x256xf32, #tpu.memory_space<vmem>>, vector<16xf32>,
      %broadcast_in_dim3A_104 = arith.constant 0.000000e+00 : f32
      %broadcast_in_dim3A_105 = vector.broadcast %broadcast_in_dim3A_104 : f32 to vector<16xf32>
      %swap3A_106 = arith.index_cast %add3A_38 : i32 to index
      %swap3A_107 = arith.constant 208 : index
      %swap3A_108 = tpu.vector_load %arg9[%swap3A_106, %swap3A_107] {strides = array<i32>} : memref<64x256xf32, #tpu.memory_space<vmem>>, vector<16xf32>,
      tpu.vector_store %arg9[%swap3A_106, %swap3A_107], %broadcast_in_dim3A_105 {strides = array<i32>} : memref<64x256xf32, #tpu.memory_space<vmem>>, vector<16xf32>,
      %broadcast_in_dim3A_109 = arith.constant 0.000000e+00 : f32
      %broadcast_in_dim3A_110 = vector.broadcast %broadcast_in_dim3A_109 : f32 to vector<16xf32>
      %swap3A_111 = arith.index_cast %add3A_38 : i32 to index
      %swap3A_112 = arith.constant 224 : index
      %swap3A_113 = tpu.vector_load %arg9[%swap3A_111, %swap3A_112] {strides = array<i32>} : memref<64x256xf32, #tpu.memory_space<vmem>>, vector<16xf32>,
      tpu.vector_store %arg9[%swap3A_111, %swap3A_112], %broadcast_in_dim3A_110 {strides = array<i32>} : memref<64x256xf32, #tpu.memory_space<vmem>>, vector<16xf32>,
      %broadcast_in_dim3A_114 = arith.constant 0.000000e+00 : f32
      %broadcast_in_dim3A_115 = vector.broadcast %broadcast_in_dim3A_114 : f32 to vector<16xf32>
      %swap3A_116 = arith.index_cast %add3A_38 : i32 to index
      %swap3A_117 = arith.constant 240 : index
      %swap3A_118 = tpu.vector_load %arg9[%swap3A_116, %swap3A_117] {strides = array<i32>} : memref<64x256xf32, #tpu.memory_space<vmem>>, vector<16xf32>,
      tpu.vector_store %arg9[%swap3A_116, %swap3A_117], %broadcast_in_dim3A_115 {strides = array<i32>} : memref<64x256xf32, #tpu.memory_space<vmem>>, vector<16xf32>,
      %broadcast_in_dim3A_119 = arith.constant 0.000000e+00 : f32
      %broadcast_in_dim3A_120 = vector.broadcast %broadcast_in_dim3A_119 : f32 to vector<16xf32>
      %swap3A_121 = arith.index_cast %add3A_38 : i32 to index
      %swap3A_122 = arith.constant 0 : index
      %swap3A_123 = tpu.vector_load %arg10[%swap3A_121, %swap3A_122] {strides = array<i32>} : memref<64x16xf32, #tpu.memory_space<vmem>>, vector<16xf32>,
      tpu.vector_store %arg10[%swap3A_121, %swap3A_122], %broadcast_in_dim3A_120 {strides = array<i32>} : memref<64x16xf32, #tpu.memory_space<vmem>>, vector<16xf32>,
      %iota3A = tpu.iota {dimensions = array<i32: 0>} : vector<16xi32>
      %eq3A = arith.constant 0 : i32
      %eq3A_124 = vector.broadcast %eq3A : i32 to vector<16xi32>
      %eq3A_125 = arith.cmpi eq, %iota3A, %eq3A_124 : vector<16xi32>
      %jit3A = arith.constant 1.000000e+00 : f32
      %jit3A_126 = arith.constant 0.000000e+00 : f32
      %broadcast_in_dim3A_127 = vector.broadcast %jit3A : f32 to vector<16xf32>
      %broadcast_in_dim3A_128 = vector.broadcast %jit3A_126 : f32 to vector<16xf32>
      %select_n3A_129 = arith.select %eq3A_125, %broadcast_in_dim3A_127, %broadcast_in_dim3A_128 : vector<16xi1>, vector<16xf32>
      %swap3A_130 = arith.index_cast %add3A_38 : i32 to index
      %swap3A_131 = arith.constant 0 : index
      %swap3A_132 = tpu.vector_load %arg15[%swap3A_130, %swap3A_131] {strides = array<i32>} : memref<64x16xf32, #tpu.memory_space<vmem>>, vector<16xf32>,
      tpu.vector_store %arg15[%swap3A_130, %swap3A_131], %select_n3A_129 {strides = array<i32>} : memref<64x16xf32, #tpu.memory_space<vmem>>, vector<16xf32>,
    }
    %scan3A_6 = arith.constant 64 : i32
    %mul3A_7 = arith.constant 320 : i32
    %mul3A_8 = arith.muli %arg1, %mul3A_7 : i32
    %scan3A_9 = arith.constant 0 : i32
    %scan3A_10 = arith.constant 5 : i32
    %scan3A_11 = arith.addi %scan3A_9, %scan3A_10 : i32
    %scan3A_12 = arith.constant 1 : i32
    scf.for %scan3A_34 = %scan3A_9 to %scan3A_11 step %scan3A_12  : i32 {
      %mul3A_35 = arith.constant 1 : i32
      %mul3A_36 = arith.muli %scan3A_34, %mul3A_35 : i32
      %add3A_37 = arith.constant 0 : i32
      %add3A_38 = arith.addi %add3A_37, %mul3A_36 : i32
      %mul3A_39 = arith.constant 64 : i32
      %mul3A_40 = arith.muli %add3A_38, %mul3A_39 : i32
      %add3A_41 = arith.addi %mul3A_8, %mul3A_40 : i32
      "tpu.region"() ({
        %run_scoped3A = tpu.sem_alloc : memref<!tpu.dma_semaphore, #tpu.memory_space<semaphore_mem>>
        %dma_start3A = arith.constant 0 : i32
        %dma_start3A_45 = tpu.memref_slice %arg7[%add3A_41, %dma_start3A] : memref<5120x256xf32, #tpu.memory_space<vmem_shared>> -> memref<64x256xf32, #tpu.memory_space<vmem_shared>>
        %dma_start3A_46 = arith.constant 0 : i32
        %dma_start3A_47 = tpu.memref_slice %arg7[%add3A_41, %dma_start3A_46] : memref<5120x256xf32, #tpu.memory_space<vmem_shared>> -> memref<64x256xf32, #tpu.memory_space<vmem_shared>>
        tpu.enqueue_dma source(%arg9 : memref<64x256xf32, #tpu.memory_space<vmem>>) target(%dma_start3A_47 : memref<64x256xf32, #tpu.memory_space<vmem_shared>>) target_semaphore(%run_scoped3A : memref<!tpu.dma_semaphore, #tpu.memory_space<semaphore_mem>>)
        %dma_wait3A = arith.constant 0 : i32
        %dma_wait3A_48 = tpu.memref_slice %arg7[%add3A_41, %dma_wait3A] : memref<5120x256xf32, #tpu.memory_space<vmem_shared>> -> memref<64x256xf32, #tpu.memory_space<vmem_shared>>
        %dma_wait3A_49 = arith.constant 0 : i32
        %dma_wait3A_50 = tpu.memref_slice %arg7[%add3A_41, %dma_wait3A_49] : memref<5120x256xf32, #tpu.memory_space<vmem_shared>> -> memref<64x256xf32, #tpu.memory_space<vmem_shared>>
        tpu.wait_dma2 semaphore(%run_scoped3A : memref<!tpu.dma_semaphore, #tpu.memory_space<semaphore_mem>>) src(%arg9 : memref<64x256xf32, #tpu.memory_space<vmem>>) dst(%dma_wait3A_50 : memref<64x256xf32, #tpu.memory_space<vmem_shared>>)
        tpu.yield
      }) : () -> ()
      %mul3A_42 = arith.constant 64 : i32
      %mul3A_43 = arith.muli %add3A_38, %mul3A_42 : i32
      %add3A_44 = arith.addi %mul3A_8, %mul3A_43 : i32
      "tpu.region"() ({
        %run_scoped3A = tpu.sem_alloc : memref<!tpu.dma_semaphore, #tpu.memory_space<semaphore_mem>>
        %dma_start3A = arith.constant 0 : i32
        %dma_start3A_45 = tpu.memref_slice %arg8[%add3A_44, %dma_start3A] : memref<5120x16xf32, #tpu.memory_space<vmem_shared>> -> memref<64x16xf32, #tpu.memory_space<vmem_shared>>
        %dma_start3A_46 = arith.constant 0 : i32
        %dma_start3A_47 = tpu.memref_slice %arg8[%add3A_44, %dma_start3A_46] : memref<5120x16xf32, #tpu.memory_space<vmem_shared>> -> memref<64x16xf32, #tpu.memory_space<vmem_shared>>
        tpu.enqueue_dma source(%arg10 : memref<64x16xf32, #tpu.memory_space<vmem>>) target(%dma_start3A_47 : memref<64x16xf32, #tpu.memory_space<vmem_shared>>) target_semaphore(%run_scoped3A : memref<!tpu.dma_semaphore, #tpu.memory_space<semaphore_mem>>)
        %dma_wait3A = arith.constant 0 : i32
        %dma_wait3A_48 = tpu.memref_slice %arg8[%add3A_44, %dma_wait3A] : memref<5120x16xf32, #tpu.memory_space<vmem_shared>> -> memref<64x16xf32, #tpu.memory_space<vmem_shared>>
        %dma_wait3A_49 = arith.constant 0 : i32
        %dma_wait3A_50 = tpu.memref_slice %arg8[%add3A_44, %dma_wait3A_49] : memref<5120x16xf32, #tpu.memory_space<vmem_shared>> -> memref<64x16xf32, #tpu.memory_space<vmem_shared>>
        tpu.wait_dma2 semaphore(%run_scoped3A : memref<!tpu.dma_semaphore, #tpu.memory_space<semaphore_mem>>) src(%arg10 : memref<64x16xf32, #tpu.memory_space<vmem>>) dst(%dma_wait3A_50 : memref<64x16xf32, #tpu.memory_space<vmem_shared>>)
        tpu.yield
      }) : () -> ()
    }
    %scan3A_13 = arith.constant 5 : i32
    %barrier3A = arith.constant 0 : index
    tpu.barrier barrier_id(%barrier3A)
    %broadcast_in_dim3A = arith.constant 5100 : i32
    %broadcast_in_dim3A_14 = vector.broadcast %broadcast_in_dim3A : i32 to vector<16xi32>
    %scan3A_15 = arith.constant 0 : i32
    %scan3A_16 = arith.constant 156 : i32
    %scan3A_17 = arith.addi %scan3A_15, %scan3A_16 : i32
    %scan3A_18 = arith.constant 1 : i32
    scf.for %scan3A_34 = %scan3A_15 to %scan3A_17 step %scan3A_18  : i32 {
      %mul3A_35 = arith.constant 1 : i32
      %mul3A_36 = arith.muli %scan3A_34, %mul3A_35 : i32
      %add3A_37 = arith.constant 0 : i32
      %add3A_38 = arith.addi %add3A_37, %mul3A_36 : i32
      %mul3A_39 = arith.constant 64 : i32
      %mul3A_40 = arith.muli %add3A_38, %mul3A_39 : i32
      %multiple_of3A = tpu.assume_multiple %mul3A_40, 8 : i32
      %add3A_41 = arith.addi %mul3A_0, %multiple_of3A : i32
      "tpu.region"() ({
        %run_scoped3A = tpu.sem_alloc : memref<!tpu.dma_semaphore, #tpu.memory_space<semaphore_mem>>
        %dma_start3A = arith.constant 0 : i32
        %dma_start3A_122 = tpu.memref_slice %arg11[%dma_start3A] : memref<64xi32, #tpu.memory_space<vmem>> -> memref<64xi32, #tpu.memory_space<vmem>>
        %dma_start3A_123 = tpu.memref_slice %arg2[%add3A_41] : memref<160000xi32, #tpu.memory_space<hbm>> -> memref<64xi32, #tpu.memory_space<hbm>>
        %dma_start3A_124 = arith.constant 0 : i32
        %dma_start3A_125 = tpu.memref_slice %arg11[%dma_start3A_124] : memref<64xi32, #tpu.memory_space<vmem>> -> memref<64xi32, #tpu.memory_space<vmem>>
        %dma_start3A_126 = tpu.memref_slice %arg2[%add3A_41] : memref<160000xi32, #tpu.memory_space<hbm>> -> memref<64xi32, #tpu.memory_space<hbm>>
        tpu.enqueue_dma source(%dma_start3A_126 : memref<64xi32, #tpu.memory_space<hbm>>) target(%dma_start3A_125 : memref<64xi32, #tpu.memory_space<vmem>>) target_semaphore(%run_scoped3A : memref<!tpu.dma_semaphore, #tpu.memory_space<semaphore_mem>>)
        %dma_wait3A = arith.constant 0 : i32
        %dma_wait3A_127 = tpu.memref_slice %arg11[%dma_wait3A] : memref<64xi32, #tpu.memory_space<vmem>> -> memref<64xi32, #tpu.memory_space<vmem>>
        %dma_wait3A_128 = tpu.memref_slice %arg2[%add3A_41] : memref<160000xi32, #tpu.memory_space<hbm>> -> memref<64xi32, #tpu.memory_space<hbm>>
        %dma_wait3A_129 = arith.constant 0 : i32
        %dma_wait3A_130 = tpu.memref_slice %arg11[%dma_wait3A_129] : memref<64xi32, #tpu.memory_space<vmem>> -> memref<64xi32, #tpu.memory_space<vmem>>
        %dma_wait3A_131 = tpu.memref_slice %arg2[%add3A_41] : memref<160000xi32, #tpu.memory_space<hbm>> -> memref<64xi32, #tpu.memory_space<hbm>>
        tpu.wait_dma2 semaphore(%run_scoped3A : memref<!tpu.dma_semaphore, #tpu.memory_space<semaphore_mem>>) src(%dma_wait3A_131 : memref<64xi32, #tpu.memory_space<hbm>>) dst(%dma_wait3A_130 : memref<64xi32, #tpu.memory_space<vmem>>)
        tpu.yield
      }) : () -> ()
      "tpu.region"() ({
        %run_scoped3A = tpu.sem_alloc : memref<!tpu.dma_semaphore, #tpu.memory_space<semaphore_mem>>
        %dma_start3A = arith.constant 0 : i32
        %dma_start3A_122 = tpu.memref_slice %arg12[%dma_start3A] : memref<64xf32, #tpu.memory_space<vmem>> -> memref<64xf32, #tpu.memory_space<vmem>>
        %dma_start3A_123 = tpu.memref_slice %arg3[%add3A_41] : memref<160000xf32, #tpu.memory_space<hbm>> -> memref<64xf32, #tpu.memory_space<hbm>>
        %dma_start3A_124 = arith.constant 0 : i32
        %dma_start3A_125 = tpu.memref_slice %arg12[%dma_start3A_124] : memref<64xf32, #tpu.memory_space<vmem>> -> memref<64xf32, #tpu.memory_space<vmem>>
        %dma_start3A_126 = tpu.memref_slice %arg3[%add3A_41] : memref<160000xf32, #tpu.memory_space<hbm>> -> memref<64xf32, #tpu.memory_space<hbm>>
        tpu.enqueue_dma source(%dma_start3A_126 : memref<64xf32, #tpu.memory_space<hbm>>) target(%dma_start3A_125 : memref<64xf32, #tpu.memory_space<vmem>>) target_semaphore(%run_scoped3A : memref<!tpu.dma_semaphore, #tpu.memory_space<semaphore_mem>>)
        %dma_wait3A = arith.constant 0 : i32
        %dma_wait3A_127 = tpu.memref_slice %arg12[%dma_wait3A] : memref<64xf32, #tpu.memory_space<vmem>> -> memref<64xf32, #tpu.memory_space<vmem>>
        %dma_wait3A_128 = tpu.memref_slice %arg3[%add3A_41] : memref<160000xf32, #tpu.memory_space<hbm>> -> memref<64xf32, #tpu.memory_space<hbm>>
        %dma_wait3A_129 = arith.constant 0 : i32
        %dma_wait3A_130 = tpu.memref_slice %arg12[%dma_wait3A_129] : memref<64xf32, #tpu.memory_space<vmem>> -> memref<64xf32, #tpu.memory_space<vmem>>
        %dma_wait3A_131 = tpu.memref_slice %arg3[%add3A_41] : memref<160000xf32, #tpu.memory_space<hbm>> -> memref<64xf32, #tpu.memory_space<hbm>>
        tpu.wait_dma2 semaphore(%run_scoped3A : memref<!tpu.dma_semaphore, #tpu.memory_space<semaphore_mem>>) src(%dma_wait3A_131 : memref<64xf32, #tpu.memory_space<hbm>>) dst(%dma_wait3A_130 : memref<64xf32, #tpu.memory_space<vmem>>)
        tpu.yield
      }) : () -> ()
      %get3A_42 = arith.constant 0 : index
      %get3A_43 = tpu.vector_load %arg11[%get3A_42] {strides = array<i32>} : memref<64xi32, #tpu.memory_space<vmem>>, vector<16xi32>,
      %get3A_44 = arith.constant 0 : index
      %get3A_45 = tpu.vector_load %arg12[%get3A_44] {strides = array<i32>} : memref<64xf32, #tpu.memory_space<vmem>>, vector<16xf32>,
      %sub3A_46 = vector.broadcast %mul3A_2 : i32 to vector<16xi32>
      %sub3A_47 = arith.subi %get3A_43, %sub3A_46 : vector<16xi32>
      %ge3A_48 = arith.constant 0 : i32
      %ge3A_49 = vector.broadcast %ge3A_48 : i32 to vector<16xi32>
      %ge3A_50 = arith.cmpi sge, %sub3A_47, %ge3A_49 : vector<16xi32>
      %lt3A_51 = arith.constant 5000 : i32
      %lt3A_52 = vector.broadcast %lt3A_51 : i32 to vector<16xi32>
      %lt3A_53 = arith.cmpi slt, %sub3A_47, %lt3A_52 : vector<16xi32>
      %and3A_54 = arith.andi %ge3A_50, %lt3A_53 : vector<16xi1>
      %gt3A_55 = arith.constant 0.000000e+00 : f32
      %gt3A_56 = vector.broadcast %gt3A_55 : f32 to vector<16xf32>
      %gt3A_57 = arith.cmpf ogt, %get3A_45, %gt3A_56 : vector<16xf32>
      %and3A_58 = arith.andi %and3A_54, %gt3A_57 : vector<16xi1>
      %select_n3A_59 = arith.select %and3A_58, %sub3A_47, %broadcast_in_dim3A_14 : vector<16xi1>, vector<16xi32>
      %swap3A_60 = arith.constant 0 : index
      %swap3A_61 = tpu.vector_load %arg13[%swap3A_60] {strides = array<i32>} : memref<64xi32, #tpu.memory_space<vmem>>, vector<16xi32>,
      tpu.vector_store %arg13[%swap3A_60], %select_n3A_59 {strides = array<i32>} : memref<64xi32, #tpu.memory_space<vmem>>, vector<16xi32>,
      %get3A_62 = arith.constant 16 : index
      %get3A_63 = tpu.vector_load %arg11[%get3A_62] {strides = array<i32>} : memref<64xi32, #tpu.memory_space<vmem>>, vector<16xi32>,
      %get3A_64 = arith.constant 16 : index
      %get3A_65 = tpu.vector_load %arg12[%get3A_64] {strides = array<i32>} : memref<64xf32, #tpu.memory_space<vmem>>, vector<16xf32>,
      %sub3A_66 = vector.broadcast %mul3A_2 : i32 to vector<16xi32>
      %sub3A_67 = arith.subi %get3A_63, %sub3A_66 : vector<16xi32>
      %ge3A_68 = arith.constant 0 : i32
      %ge3A_69 = vector.broadcast %ge3A_68 : i32 to vector<16xi32>
      %ge3A_70 = arith.cmpi sge, %sub3A_67, %ge3A_69 : vector<16xi32>
      %lt3A_71 = arith.constant 5000 : i32
      %lt3A_72 = vector.broadcast %lt3A_71 : i32 to vector<16xi32>
      %lt3A_73 = arith.cmpi slt, %sub3A_67, %lt3A_72 : vector<16xi32>
      %and3A_74 = arith.andi %ge3A_70, %lt3A_73 : vector<16xi1>
      %gt3A_75 = arith.constant 0.000000e+00 : f32
      %gt3A_76 = vector.broadcast %gt3A_75 : f32 to vector<16xf32>
      %gt3A_77 = arith.cmpf ogt, %get3A_65, %gt3A_76 : vector<16xf32>
      %and3A_78 = arith.andi %and3A_74, %gt3A_77 : vector<16xi1>
      %select_n3A_79 = arith.select %and3A_78, %sub3A_67, %broadcast_in_dim3A_14 : vector<16xi1>, vector<16xi32>
      %swap3A_80 = arith.constant 16 : index
      %swap3A_81 = tpu.vector_load %arg13[%swap3A_80] {strides = array<i32>} : memref<64xi32, #tpu.memory_space<vmem>>, vector<16xi32>,
      tpu.vector_store %arg13[%swap3A_80], %select_n3A_79 {strides = array<i32>} : memref<64xi32, #tpu.memory_space<vmem>>, vector<16xi32>,
      %get3A_82 = arith.constant 32 : index
      %get3A_83 = tpu.vector_load %arg11[%get3A_82] {strides = array<i32>} : memref<64xi32, #tpu.memory_space<vmem>>, vector<16xi32>,
      %get3A_84 = arith.constant 32 : index
      %get3A_85 = tpu.vector_load %arg12[%get3A_84] {strides = array<i32>} : memref<64xf32, #tpu.memory_space<vmem>>, vector<16xf32>,
      %sub3A_86 = vector.broadcast %mul3A_2 : i32 to vector<16xi32>
      %sub3A_87 = arith.subi %get3A_83, %sub3A_86 : vector<16xi32>
      %ge3A_88 = arith.constant 0 : i32
      %ge3A_89 = vector.broadcast %ge3A_88 : i32 to vector<16xi32>
      %ge3A_90 = arith.cmpi sge, %sub3A_87, %ge3A_89 : vector<16xi32>
      %lt3A_91 = arith.constant 5000 : i32
      %lt3A_92 = vector.broadcast %lt3A_91 : i32 to vector<16xi32>
      %lt3A_93 = arith.cmpi slt, %sub3A_87, %lt3A_92 : vector<16xi32>
      %and3A_94 = arith.andi %ge3A_90, %lt3A_93 : vector<16xi1>
      %gt3A_95 = arith.constant 0.000000e+00 : f32
      %gt3A_96 = vector.broadcast %gt3A_95 : f32 to vector<16xf32>
      %gt3A_97 = arith.cmpf ogt, %get3A_85, %gt3A_96 : vector<16xf32>
      %and3A_98 = arith.andi %and3A_94, %gt3A_97 : vector<16xi1>
      %select_n3A_99 = arith.select %and3A_98, %sub3A_87, %broadcast_in_dim3A_14 : vector<16xi1>, vector<16xi32>
      %swap3A_100 = arith.constant 32 : index
      %swap3A_101 = tpu.vector_load %arg13[%swap3A_100] {strides = array<i32>} : memref<64xi32, #tpu.memory_space<vmem>>, vector<16xi32>,
      tpu.vector_store %arg13[%swap3A_100], %select_n3A_99 {strides = array<i32>} : memref<64xi32, #tpu.memory_space<vmem>>, vector<16xi32>,
      %get3A_102 = arith.constant 48 : index
      %get3A_103 = tpu.vector_load %arg11[%get3A_102] {strides = array<i32>} : memref<64xi32, #tpu.memory_space<vmem>>, vector<16xi32>,
      %get3A_104 = arith.constant 48 : index
      %get3A_105 = tpu.vector_load %arg12[%get3A_104] {strides = array<i32>} : memref<64xf32, #tpu.memory_space<vmem>>, vector<16xf32>,
      %sub3A_106 = vector.broadcast %mul3A_2 : i32 to vector<16xi32>
      %sub3A_107 = arith.subi %get3A_103, %sub3A_106 : vector<16xi32>
      %ge3A_108 = arith.constant 0 : i32
      %ge3A_109 = vector.broadcast %ge3A_108 : i32 to vector<16xi32>
      %ge3A_110 = arith.cmpi sge, %sub3A_107, %ge3A_109 : vector<16xi32>
      %lt3A_111 = arith.constant 5000 : i32
      %lt3A_112 = vector.broadcast %lt3A_111 : i32 to vector<16xi32>
      %lt3A_113 = arith.cmpi slt, %sub3A_107, %lt3A_112 : vector<16xi32>
      %and3A_114 = arith.andi %ge3A_110, %lt3A_113 : vector<16xi1>
      %gt3A_115 = arith.constant 0.000000e+00 : f32
      %gt3A_116 = vector.broadcast %gt3A_115 : f32 to vector<16xf32>
      %gt3A_117 = arith.cmpf ogt, %get3A_105, %gt3A_116 : vector<16xf32>
      %and3A_118 = arith.andi %and3A_114, %gt3A_117 : vector<16xi1>
      %select_n3A_119 = arith.select %and3A_118, %sub3A_107, %broadcast_in_dim3A_14 : vector<16xi1>, vector<16xi32>
      %swap3A_120 = arith.constant 48 : index
      %swap3A_121 = tpu.vector_load %arg13[%swap3A_120] {strides = array<i32>} : memref<64xi32, #tpu.memory_space<vmem>>, vector<16xi32>,
      tpu.vector_store %arg13[%swap3A_120], %select_n3A_119 {strides = array<i32>} : memref<64xi32, #tpu.memory_space<vmem>>, vector<16xi32>,
      "tpu.region"() ({
        %run_scoped3A = tpu.sem_alloc : memref<!tpu.dma_semaphore, #tpu.memory_space<semaphore_mem>>
        %dma_start3A = arith.constant 0 : i32
        %dma_start3A_122 = arith.constant 0 : i32
        %dma_start3A_123 = tpu.memref_slice %arg9[%dma_start3A, %dma_start3A_122] : memref<64x256xf32, #tpu.memory_space<vmem>> -> memref<64x256xf32, #tpu.memory_space<vmem>>
        %dma_start3A_124 = arith.constant 0 : i32
        %dma_start3A_125 = tpu.memref_slice %arg4[%add3A_41, %dma_start3A_124] : memref<160000x256xf32, #tpu.memory_space<hbm>> -> memref<64x256xf32, #tpu.memory_space<hbm>>
        %dma_start3A_126 = arith.constant 0 : i32
        %dma_start3A_127 = arith.constant 0 : i32
        %dma_start3A_128 = tpu.memref_slice %arg9[%dma_start3A_126, %dma_start3A_127] : memref<64x256xf32, #tpu.memory_space<vmem>> -> memref<64x256xf32, #tpu.memory_space<vmem>>
        %dma_start3A_129 = arith.constant 0 : i32
        %dma_start3A_130 = tpu.memref_slice %arg4[%add3A_41, %dma_start3A_129] : memref<160000x256xf32, #tpu.memory_space<hbm>> -> memref<64x256xf32, #tpu.memory_space<hbm>>
        tpu.enqueue_dma source(%dma_start3A_130 : memref<64x256xf32, #tpu.memory_space<hbm>>) target(%dma_start3A_128 : memref<64x256xf32, #tpu.memory_space<vmem>>) target_semaphore(%run_scoped3A : memref<!tpu.dma_semaphore, #tpu.memory_space<semaphore_mem>>)
        %dma_wait3A = arith.constant 0 : i32
        %dma_wait3A_131 = arith.constant 0 : i32
        %dma_wait3A_132 = tpu.memref_slice %arg9[%dma_wait3A, %dma_wait3A_131] : memref<64x256xf32, #tpu.memory_space<vmem>> -> memref<64x256xf32, #tpu.memory_space<vmem>>
        %dma_wait3A_133 = arith.constant 0 : i32
        %dma_wait3A_134 = tpu.memref_slice %arg4[%add3A_41, %dma_wait3A_133] : memref<160000x256xf32, #tpu.memory_space<hbm>> -> memref<64x256xf32, #tpu.memory_space<hbm>>
        %dma_wait3A_135 = arith.constant 0 : i32
        %dma_wait3A_136 = arith.constant 0 : i32
        %dma_wait3A_137 = tpu.memref_slice %arg9[%dma_wait3A_135, %dma_wait3A_136] : memref<64x256xf32, #tpu.memory_space<vmem>> -> memref<64x256xf32, #tpu.memory_space<vmem>>
        %dma_wait3A_138 = arith.constant 0 : i32
        %dma_wait3A_139 = tpu.memref_slice %arg4[%add3A_41, %dma_wait3A_138] : memref<160000x256xf32, #tpu.memory_space<hbm>> -> memref<64x256xf32, #tpu.memory_space<hbm>>
        tpu.wait_dma2 semaphore(%run_scoped3A : memref<!tpu.dma_semaphore, #tpu.memory_space<semaphore_mem>>) src(%dma_wait3A_139 : memref<64x256xf32, #tpu.memory_space<hbm>>) dst(%dma_wait3A_137 : memref<64x256xf32, #tpu.memory_space<vmem>>)
        tpu.yield
      }) : () -> ()
      "tpu.region"() ({
        %run_scoped3A = tpu.sem_alloc : memref<!tpu.dma_semaphore, #tpu.memory_space<semaphore_mem>>
        %dma_start3A = arith.constant 0 : i32
        %dma_start3A_122 = arith.constant 0 : i32
        %dma_start3A_123 = tpu.memref_slice %arg9[%dma_start3A, %dma_start3A_122] : memref<64x256xf32, #tpu.memory_space<vmem>> -> memref<64x256xf32, #tpu.memory_space<vmem>>
        %dma_start3A_124 = arith.constant 0 : i32
        %dma_start3A_125 = arith.constant 0 : i32
        %dma_start3A_126 = tpu.memref_slice %arg7[%dma_start3A_124, %dma_start3A_125] : memref<5120x256xf32, #tpu.memory_space<vmem_shared>> -> memref<5120x256xf32, #tpu.memory_space<vmem_shared>>
        tpu.enqueue_indirect_dma source(%dma_start3A_123 : memref<64x256xf32, #tpu.memory_space<vmem>>) target(%dma_start3A_126 : memref<5120x256xf32, #tpu.memory_space<vmem_shared>>) offsets(%arg13 : memref<64xi32, #tpu.memory_space<vmem>>) semaphore(%run_scoped3A : memref<!tpu.dma_semaphore, #tpu.memory_space<semaphore_mem>>) {add = true}
        %dma_wait3A = arith.constant 0 : i32
        %dma_wait3A_127 = arith.constant 0 : i32
        %dma_wait3A_128 = tpu.memref_slice %arg9[%dma_wait3A, %dma_wait3A_127] : memref<64x256xf32, #tpu.memory_space<vmem>> -> memref<64x256xf32, #tpu.memory_space<vmem>>
        %dma_wait3A_129 = arith.constant 0 : i32
        %dma_wait3A_130 = arith.constant 0 : i32
        %dma_wait3A_131 = tpu.memref_slice %arg7[%dma_wait3A_129, %dma_wait3A_130] : memref<5120x256xf32, #tpu.memory_space<vmem_shared>> -> memref<5120x256xf32, #tpu.memory_space<vmem_shared>>
        tpu.wait_indirect_dma semaphore(%run_scoped3A : memref<!tpu.dma_semaphore, #tpu.memory_space<semaphore_mem>>) src(%dma_wait3A_128 : memref<64x256xf32, #tpu.memory_space<vmem>>) dst(%dma_wait3A_131 : memref<5120x256xf32, #tpu.memory_space<vmem_shared>>)
        tpu.yield
      }) : () -> ()
      "tpu.region"() ({
        %run_scoped3A = tpu.sem_alloc : memref<!tpu.dma_semaphore, #tpu.memory_space<semaphore_mem>>
        %dma_start3A = arith.constant 0 : i32
        %dma_start3A_122 = arith.constant 0 : i32
        %dma_start3A_123 = tpu.memref_slice %arg15[%dma_start3A, %dma_start3A_122] : memref<64x16xf32, #tpu.memory_space<vmem>> -> memref<64x16xf32, #tpu.memory_space<vmem>>
        %dma_start3A_124 = arith.constant 0 : i32
        %dma_start3A_125 = arith.constant 0 : i32
        %dma_start3A_126 = tpu.memref_slice %arg8[%dma_start3A_124, %dma_start3A_125] : memref<5120x16xf32, #tpu.memory_space<vmem_shared>> -> memref<5120x16xf32, #tpu.memory_space<vmem_shared>>
        tpu.enqueue_indirect_dma source(%dma_start3A_123 : memref<64x16xf32, #tpu.memory_space<vmem>>) target(%dma_start3A_126 : memref<5120x16xf32, #tpu.memory_space<vmem_shared>>) offsets(%arg13 : memref<64xi32, #tpu.memory_space<vmem>>) semaphore(%run_scoped3A : memref<!tpu.dma_semaphore, #tpu.memory_space<semaphore_mem>>) {add = true}
        %dma_wait3A = arith.constant 0 : i32
        %dma_wait3A_127 = arith.constant 0 : i32
        %dma_wait3A_128 = tpu.memref_slice %arg15[%dma_wait3A, %dma_wait3A_127] : memref<64x16xf32, #tpu.memory_space<vmem>> -> memref<64x16xf32, #tpu.memory_space<vmem>>
        %dma_wait3A_129 = arith.constant 0 : i32
        %dma_wait3A_130 = arith.constant 0 : i32
        %dma_wait3A_131 = tpu.memref_slice %arg8[%dma_wait3A_129, %dma_wait3A_130] : memref<5120x16xf32, #tpu.memory_space<vmem_shared>> -> memref<5120x16xf32, #tpu.memory_space<vmem_shared>>
        tpu.wait_indirect_dma semaphore(%run_scoped3A : memref<!tpu.dma_semaphore, #tpu.memory_space<semaphore_mem>>) src(%dma_wait3A_128 : memref<64x16xf32, #tpu.memory_space<vmem>>) dst(%dma_wait3A_131 : memref<5120x16xf32, #tpu.memory_space<vmem_shared>>)
        tpu.yield
      }) : () -> ()
    }
    %scan3A_19 = arith.constant 156 : i32
    %add3A = arith.constant 9984 : i32
    %add3A_20 = arith.addi %mul3A_0, %add3A : i32
    "tpu.region"() ({
      %run_scoped3A = tpu.sem_alloc : memref<!tpu.dma_semaphore, #tpu.memory_space<semaphore_mem>>
      %dma_start3A = arith.constant 0 : i32
      %dma_start3A_34 = tpu.memref_slice %arg11[%dma_start3A] : memref<64xi32, #tpu.memory_space<vmem>> -> memref<16xi32, #tpu.memory_space<vmem>>
      %dma_start3A_35 = tpu.memref_slice %arg2[%add3A_20] : memref<160000xi32, #tpu.memory_space<hbm>> -> memref<16xi32, #tpu.memory_space<hbm>>
      %dma_start3A_36 = arith.constant 0 : i32
      %dma_start3A_37 = tpu.memref_slice %arg11[%dma_start3A_36] : memref<64xi32, #tpu.memory_space<vmem>> -> memref<16xi32, #tpu.memory_space<vmem>>
      %dma_start3A_38 = tpu.memref_slice %arg2[%add3A_20] : memref<160000xi32, #tpu.memory_space<hbm>> -> memref<16xi32, #tpu.memory_space<hbm>>
      tpu.enqueue_dma source(%dma_start3A_38 : memref<16xi32, #tpu.memory_space<hbm>>) target(%dma_start3A_37 : memref<16xi32, #tpu.memory_space<vmem>>) target_semaphore(%run_scoped3A : memref<!tpu.dma_semaphore, #tpu.memory_space<semaphore_mem>>)
      %dma_wait3A = arith.constant 0 : i32
      %dma_wait3A_39 = tpu.memref_slice %arg11[%dma_wait3A] : memref<64xi32, #tpu.memory_space<vmem>> -> memref<16xi32, #tpu.memory_space<vmem>>
      %dma_wait3A_40 = tpu.memref_slice %arg2[%add3A_20] : memref<160000xi32, #tpu.memory_space<hbm>> -> memref<16xi32, #tpu.memory_space<hbm>>
      %dma_wait3A_41 = arith.constant 0 : i32
      %dma_wait3A_42 = tpu.memref_slice %arg11[%dma_wait3A_41] : memref<64xi32, #tpu.memory_space<vmem>> -> memref<16xi32, #tpu.memory_space<vmem>>
      %dma_wait3A_43 = tpu.memref_slice %arg2[%add3A_20] : memref<160000xi32, #tpu.memory_space<hbm>> -> memref<16xi32, #tpu.memory_space<hbm>>
      tpu.wait_dma2 semaphore(%run_scoped3A : memref<!tpu.dma_semaphore, #tpu.memory_space<semaphore_mem>>) src(%dma_wait3A_43 : memref<16xi32, #tpu.memory_space<hbm>>) dst(%dma_wait3A_42 : memref<16xi32, #tpu.memory_space<vmem>>)
      tpu.yield
    }) : () -> ()
    "tpu.region"() ({
      %run_scoped3A = tpu.sem_alloc : memref<!tpu.dma_semaphore, #tpu.memory_space<semaphore_mem>>
      %dma_start3A = arith.constant 0 : i32
      %dma_start3A_34 = tpu.memref_slice %arg12[%dma_start3A] : memref<64xf32, #tpu.memory_space<vmem>> -> memref<16xf32, #tpu.memory_space<vmem>>
      %dma_start3A_35 = tpu.memref_slice %arg3[%add3A_20] : memref<160000xf32, #tpu.memory_space<hbm>> -> memref<16xf32, #tpu.memory_space<hbm>>
      %dma_start3A_36 = arith.constant 0 : i32
      %dma_start3A_37 = tpu.memref_slice %arg12[%dma_start3A_36] : memref<64xf32, #tpu.memory_space<vmem>> -> memref<16xf32, #tpu.memory_space<vmem>>
      %dma_start3A_38 = tpu.memref_slice %arg3[%add3A_20] : memref<160000xf32, #tpu.memory_space<hbm>> -> memref<16xf32, #tpu.memory_space<hbm>>
      tpu.enqueue_dma source(%dma_start3A_38 : memref<16xf32, #tpu.memory_space<hbm>>) target(%dma_start3A_37 : memref<16xf32, #tpu.memory_space<vmem>>) target_semaphore(%run_scoped3A : memref<!tpu.dma_semaphore, #tpu.memory_space<semaphore_mem>>)
      %dma_wait3A = arith.constant 0 : i32
      %dma_wait3A_39 = tpu.memref_slice %arg12[%dma_wait3A] : memref<64xf32, #tpu.memory_space<vmem>> -> memref<16xf32, #tpu.memory_space<vmem>>
      %dma_wait3A_40 = tpu.memref_slice %arg3[%add3A_20] : memref<160000xf32, #tpu.memory_space<hbm>> -> memref<16xf32, #tpu.memory_space<hbm>>
      %dma_wait3A_41 = arith.constant 0 : i32
      %dma_wait3A_42 = tpu.memref_slice %arg12[%dma_wait3A_41] : memref<64xf32, #tpu.memory_space<vmem>> -> memref<16xf32, #tpu.memory_space<vmem>>
      %dma_wait3A_43 = tpu.memref_slice %arg3[%add3A_20] : memref<160000xf32, #tpu.memory_space<hbm>> -> memref<16xf32, #tpu.memory_space<hbm>>
      tpu.wait_dma2 semaphore(%run_scoped3A : memref<!tpu.dma_semaphore, #tpu.memory_space<semaphore_mem>>) src(%dma_wait3A_43 : memref<16xf32, #tpu.memory_space<hbm>>) dst(%dma_wait3A_42 : memref<16xf32, #tpu.memory_space<vmem>>)
      tpu.yield
    }) : () -> ()
    %get3A = arith.constant 0 : index
    %get3A_21 = tpu.vector_load %arg11[%get3A] {strides = array<i32>} : memref<64xi32, #tpu.memory_space<vmem>>, vector<16xi32>,
    %get3A_22 = arith.constant 0 : index
    %get3A_23 = tpu.vector_load %arg12[%get3A_22] {strides = array<i32>} : memref<64xf32, #tpu.memory_space<vmem>>, vector<16xf32>,
    %sub3A = vector.broadcast %mul3A_2 : i32 to vector<16xi32>
    %sub3A_24 = arith.subi %get3A_21, %sub3A : vector<16xi32>
    %ge3A = arith.constant 0 : i32
    %ge3A_25 = vector.broadcast %ge3A : i32 to vector<16xi32>
    %ge3A_26 = arith.cmpi sge, %sub3A_24, %ge3A_25 : vector<16xi32>
    %lt3A = arith.constant 5000 : i32
    %lt3A_27 = vector.broadcast %lt3A : i32 to vector<16xi32>
    %lt3A_28 = arith.cmpi slt, %sub3A_24, %lt3A_27 : vector<16xi32>
    %and3A = arith.andi %ge3A_26, %lt3A_28 : vector<16xi1>
    %gt3A = arith.constant 0.000000e+00 : f32
    %gt3A_29 = vector.broadcast %gt3A : f32 to vector<16xf32>
    %gt3A_30 = arith.cmpf ogt, %get3A_23, %gt3A_29 : vector<16xf32>
    %and3A_31 = arith.andi %and3A, %gt3A_30 : vector<16xi1>
    %select_n3A = arith.select %and3A_31, %sub3A_24, %broadcast_in_dim3A_14 : vector<16xi1>, vector<16xi32>
    %swap3A = arith.constant 0 : index
    %swap3A_32 = tpu.vector_load %arg14[%swap3A] {strides = array<i32>} : memref<16xi32, #tpu.memory_space<vmem>>, vector<16xi32>,
    tpu.vector_store %arg14[%swap3A], %select_n3A {strides = array<i32>} : memref<16xi32, #tpu.memory_space<vmem>>, vector<16xi32>,
    "tpu.region"() ({
      %run_scoped3A = tpu.sem_alloc : memref<!tpu.dma_semaphore, #tpu.memory_space<semaphore_mem>>
      %dma_start3A = arith.constant 0 : i32
      %dma_start3A_34 = arith.constant 0 : i32
      %dma_start3A_35 = tpu.memref_slice %arg9[%dma_start3A, %dma_start3A_34] : memref<64x256xf32, #tpu.memory_space<vmem>> -> memref<16x256xf32, #tpu.memory_space<vmem>>
      %dma_start3A_36 = arith.constant 0 : i32
      %dma_start3A_37 = tpu.memref_slice %arg4[%add3A_20, %dma_start3A_36] : memref<160000x256xf32, #tpu.memory_space<hbm>> -> memref<16x256xf32, #tpu.memory_space<hbm>>
      %dma_start3A_38 = arith.constant 0 : i32
      %dma_start3A_39 = arith.constant 0 : i32
      %dma_start3A_40 = tpu.memref_slice %arg9[%dma_start3A_38, %dma_start3A_39] : memref<64x256xf32, #tpu.memory_space<vmem>> -> memref<16x256xf32, #tpu.memory_space<vmem>>
      %dma_start3A_41 = arith.constant 0 : i32
      %dma_start3A_42 = tpu.memref_slice %arg4[%add3A_20, %dma_start3A_41] : memref<160000x256xf32, #tpu.memory_space<hbm>> -> memref<16x256xf32, #tpu.memory_space<hbm>>
      tpu.enqueue_dma source(%dma_start3A_42 : memref<16x256xf32, #tpu.memory_space<hbm>>) target(%dma_start3A_40 : memref<16x256xf32, #tpu.memory_space<vmem>>) target_semaphore(%run_scoped3A : memref<!tpu.dma_semaphore, #tpu.memory_space<semaphore_mem>>)
      %dma_wait3A = arith.constant 0 : i32
      %dma_wait3A_43 = arith.constant 0 : i32
      %dma_wait3A_44 = tpu.memref_slice %arg9[%dma_wait3A, %dma_wait3A_43] : memref<64x256xf32, #tpu.memory_space<vmem>> -> memref<16x256xf32, #tpu.memory_space<vmem>>
      %dma_wait3A_45 = arith.constant 0 : i32
      %dma_wait3A_46 = tpu.memref_slice %arg4[%add3A_20, %dma_wait3A_45] : memref<160000x256xf32, #tpu.memory_space<hbm>> -> memref<16x256xf32, #tpu.memory_space<hbm>>
      %dma_wait3A_47 = arith.constant 0 : i32
      %dma_wait3A_48 = arith.constant 0 : i32
      %dma_wait3A_49 = tpu.memref_slice %arg9[%dma_wait3A_47, %dma_wait3A_48] : memref<64x256xf32, #tpu.memory_space<vmem>> -> memref<16x256xf32, #tpu.memory_space<vmem>>
      %dma_wait3A_50 = arith.constant 0 : i32
      %dma_wait3A_51 = tpu.memref_slice %arg4[%add3A_20, %dma_wait3A_50] : memref<160000x256xf32, #tpu.memory_space<hbm>> -> memref<16x256xf32, #tpu.memory_space<hbm>>
      tpu.wait_dma2 semaphore(%run_scoped3A : memref<!tpu.dma_semaphore, #tpu.memory_space<semaphore_mem>>) src(%dma_wait3A_51 : memref<16x256xf32, #tpu.memory_space<hbm>>) dst(%dma_wait3A_49 : memref<16x256xf32, #tpu.memory_space<vmem>>)
      tpu.yield
    }) : () -> ()
    "tpu.region"() ({
      %run_scoped3A = tpu.sem_alloc : memref<!tpu.dma_semaphore, #tpu.memory_space<semaphore_mem>>
      %dma_start3A = arith.constant 0 : i32
      %dma_start3A_34 = arith.constant 0 : i32
      %dma_start3A_35 = tpu.memref_slice %arg9[%dma_start3A, %dma_start3A_34] : memref<64x256xf32, #tpu.memory_space<vmem>> -> memref<16x256xf32, #tpu.memory_space<vmem>>
      %dma_start3A_36 = arith.constant 0 : i32
      %dma_start3A_37 = arith.constant 0 : i32
      %dma_start3A_38 = tpu.memref_slice %arg7[%dma_start3A_36, %dma_start3A_37] : memref<5120x256xf32, #tpu.memory_space<vmem_shared>> -> memref<5120x256xf32, #tpu.memory_space<vmem_shared>>
      tpu.enqueue_indirect_dma source(%dma_start3A_35 : memref<16x256xf32, #tpu.memory_space<vmem>>) target(%dma_start3A_38 : memref<5120x256xf32, #tpu.memory_space<vmem_shared>>) offsets(%arg14 : memref<16xi32, #tpu.memory_space<vmem>>) semaphore(%run_scoped3A : memref<!tpu.dma_semaphore, #tpu.memory_space<semaphore_mem>>) {add = true}
      %dma_wait3A = arith.constant 0 : i32
      %dma_wait3A_39 = arith.constant 0 : i32
      %dma_wait3A_40 = tpu.memref_slice %arg9[%dma_wait3A, %dma_wait3A_39] : memref<64x256xf32, #tpu.memory_space<vmem>> -> memref<16x256xf32, #tpu.memory_space<vmem>>
      %dma_wait3A_41 = arith.constant 0 : i32
      %dma_wait3A_42 = arith.constant 0 : i32
      %dma_wait3A_43 = tpu.memref_slice %arg7[%dma_wait3A_41, %dma_wait3A_42] : memref<5120x256xf32, #tpu.memory_space<vmem_shared>> -> memref<5120x256xf32, #tpu.memory_space<vmem_shared>>
      tpu.wait_indirect_dma semaphore(%run_scoped3A : memref<!tpu.dma_semaphore, #tpu.memory_space<semaphore_mem>>) src(%dma_wait3A_40 : memref<16x256xf32, #tpu.memory_space<vmem>>) dst(%dma_wait3A_43 : memref<5120x256xf32, #tpu.memory_space<vmem_shared>>)
      tpu.yield
    }) : () -> ()
    "tpu.region"() ({
      %run_scoped3A = tpu.sem_alloc : memref<!tpu.dma_semaphore, #tpu.memory_space<semaphore_mem>>
      %dma_start3A = arith.constant 0 : i32
      %dma_start3A_34 = arith.constant 0 : i32
      %dma_start3A_35 = tpu.memref_slice %arg15[%dma_start3A, %dma_start3A_34] : memref<64x16xf32, #tpu.memory_space<vmem>> -> memref<16x16xf32, #tpu.memory_space<vmem>>
      %dma_start3A_36 = arith.constant 0 : i32
      %dma_start3A_37 = arith.constant 0 : i32
      %dma_start3A_38 = tpu.memref_slice %arg8[%dma_start3A_36, %dma_start3A_37] : memref<5120x16xf32, #tpu.memory_space<vmem_shared>> -> memref<5120x16xf32, #tpu.memory_space<vmem_shared>>
      tpu.enqueue_indirect_dma source(%dma_start3A_35 : memref<16x16xf32, #tpu.memory_space<vmem>>) target(%dma_start3A_38 : memref<5120x16xf32, #tpu.memory_space<vmem_shared>>) offsets(%arg14 : memref<16xi32, #tpu.memory_space<vmem>>) semaphore(%run_scoped3A : memref<!tpu.dma_semaphore, #tpu.memory_space<semaphore_mem>>) {add = true}
      %dma_wait3A = arith.constant 0 : i32
      %dma_wait3A_39 = arith.constant 0 : i32
      %dma_wait3A_40 = tpu.memref_slice %arg15[%dma_wait3A, %dma_wait3A_39] : memref<64x16xf32, #tpu.memory_space<vmem>> -> memref<16x16xf32, #tpu.memory_space<vmem>>
      %dma_wait3A_41 = arith.constant 0 : i32
      %dma_wait3A_42 = arith.constant 0 : i32
      %dma_wait3A_43 = tpu.memref_slice %arg8[%dma_wait3A_41, %dma_wait3A_42] : memref<5120x16xf32, #tpu.memory_space<vmem_shared>> -> memref<5120x16xf32, #tpu.memory_space<vmem_shared>>
      tpu.wait_indirect_dma semaphore(%run_scoped3A : memref<!tpu.dma_semaphore, #tpu.memory_space<semaphore_mem>>) src(%dma_wait3A_40 : memref<16x16xf32, #tpu.memory_space<vmem>>) dst(%dma_wait3A_43 : memref<5120x16xf32, #tpu.memory_space<vmem_shared>>)
      tpu.yield
    }) : () -> ()
    %barrier3A_33 = arith.constant 0 : index
    tpu.barrier barrier_id(%barrier3A_33)
    "tpu.region"() ({
      %run_scoped3A = tpu.sem_alloc : memref<!tpu.dma_semaphore, #tpu.memory_space<semaphore_mem>>
      %dma_start3A = arith.constant 0 : i32
      %dma_start3A_34 = tpu.memref_slice %arg5[%arg0, %mul3A_8, %dma_start3A] : memref<2x5120x256xf32, #tpu.memory_space<hbm>> -> memref<1x320x256xf32, #tpu.memory_space<hbm>>
      %dma_start3A_35 = tpu.memref_squeeze %dma_start3A_34 : memref<1x320x256xf32, #tpu.memory_space<hbm>> -> memref<320x256xf32, #tpu.memory_space<hbm>>
      %dma_start3A_36 = arith.constant 0 : i32
      %dma_start3A_37 = tpu.memref_slice %arg7[%mul3A_8, %dma_start3A_36] : memref<5120x256xf32, #tpu.memory_space<vmem_shared>> -> memref<320x256xf32, #tpu.memory_space<vmem_shared>>
      tpu.enqueue_dma source(%dma_start3A_37 : memref<320x256xf32, #tpu.memory_space<vmem_shared>>) target(%dma_start3A_35 : memref<320x256xf32, #tpu.memory_space<hbm>>) target_semaphore(%run_scoped3A : memref<!tpu.dma_semaphore, #tpu.memory_space<semaphore_mem>>)
      %dma_wait3A = arith.constant 0 : i32
      %dma_wait3A_38 = tpu.memref_slice %arg5[%arg0, %mul3A_8, %dma_wait3A] : memref<2x5120x256xf32, #tpu.memory_space<hbm>> -> memref<1x320x256xf32, #tpu.memory_space<hbm>>
      %dma_wait3A_39 = tpu.memref_squeeze %dma_wait3A_38 : memref<1x320x256xf32, #tpu.memory_space<hbm>> -> memref<320x256xf32, #tpu.memory_space<hbm>>
      %dma_wait3A_40 = arith.constant 0 : i32
      %dma_wait3A_41 = tpu.memref_slice %arg7[%mul3A_8, %dma_wait3A_40] : memref<5120x256xf32, #tpu.memory_space<vmem_shared>> -> memref<320x256xf32, #tpu.memory_space<vmem_shared>>
      tpu.wait_dma2 semaphore(%run_scoped3A : memref<!tpu.dma_semaphore, #tpu.memory_space<semaphore_mem>>) src(%dma_wait3A_41 : memref<320x256xf32, #tpu.memory_space<vmem_shared>>) dst(%dma_wait3A_39 : memref<320x256xf32, #tpu.memory_space<hbm>>)
      tpu.yield
    }) : () -> ()
    "tpu.region"() ({
      %run_scoped3A = tpu.sem_alloc : memref<!tpu.dma_semaphore, #tpu.memory_space<semaphore_mem>>
      %dma_start3A = arith.constant 0 : i32
      %dma_start3A_34 = tpu.memref_slice %arg6[%arg0, %mul3A_8, %dma_start3A] : memref<2x5120x16xf32, #tpu.memory_space<hbm>> -> memref<1x320x16xf32, #tpu.memory_space<hbm>>
      %dma_start3A_35 = tpu.memref_squeeze %dma_start3A_34 : memref<1x320x16xf32, #tpu.memory_space<hbm>> -> memref<320x16xf32, #tpu.memory_space<hbm>>
      %dma_start3A_36 = arith.constant 0 : i32
      %dma_start3A_37 = tpu.memref_slice %arg8[%mul3A_8, %dma_start3A_36] : memref<5120x16xf32, #tpu.memory_space<vmem_shared>> -> memref<320x16xf32, #tpu.memory_space<vmem_shared>>
      tpu.enqueue_dma source(%dma_start3A_37 : memref<320x16xf32, #tpu.memory_space<vmem_shared>>) target(%dma_start3A_35 : memref<320x16xf32, #tpu.memory_space<hbm>>) target_semaphore(%run_scoped3A : memref<!tpu.dma_semaphore, #tpu.memory_space<semaphore_mem>>)
      %dma_wait3A = arith.constant 0 : i32
      %dma_wait3A_38 = tpu.memref_slice %arg6[%arg0, %mul3A_8, %dma_wait3A] : memref<2x5120x16xf32, #tpu.memory_space<hbm>> -> memref<1x320x16xf32, #tpu.memory_space<hbm>>
      %dma_wait3A_39 = tpu.memref_squeeze %dma_wait3A_38 : memref<1x320x16xf32, #tpu.memory_space<hbm>> -> memref<320x16xf32, #tpu.memory_space<hbm>>
      %dma_wait3A_40 = arith.constant 0 : i32
      %dma_wait3A_41 = tpu.memref_slice %arg8[%mul3A_8, %dma_wait3A_40] : memref<5120x16xf32, #tpu.memory_space<vmem_shared>> -> memref<320x16xf32, #tpu.memory_space<vmem_shared>>
      tpu.wait_dma2 semaphore(%run_scoped3A : memref<!tpu.dma_semaphore, #tpu.memory_space<semaphore_mem>>) src(%dma_wait3A_41 : memref<320x16xf32, #tpu.memory_space<vmem_shared>>) dst(%dma_wait3A_39 : memref<320x16xf32, #tpu.memory_space<hbm>>)
      tpu.yield
    }) : () -> ()
    return
  }
}

#map = affine_map<(d0, d1) -> (0)>
#map1 = affine_map<(d0, d1) -> (0, 0)>
#map2 = affine_map<(d0, d1) -> (0, 0, 0)>
module attributes {stable_mosaic.version = 14 : i64} {
  func.func @_sc_scatter_body(%arg0: i32, %arg1: i32, %arg2: memref<160000xi32, #tpu.memory_space<hbm>>, %arg3: memref<160000xf32, #tpu.memory_space<hbm>>, %arg4: memref<160000x256xf32, #tpu.memory_space<hbm>>, %arg5: memref<2x5120x256xf32, #tpu.memory_space<hbm>>, %arg6: memref<2x5120x16xf32, #tpu.memory_space<hbm>>, %arg7: memref<5120x256xf32, #tpu.memory_space<vmem_shared>>, %arg8: memref<5120x16xf32, #tpu.memory_space<vmem_shared>>, %arg9: memref<64x256xf32, #tpu.memory_space<vmem>>, %arg10: memref<64x16xf32, #tpu.memory_space<vmem>>, %arg11: memref<64xi32, #tpu.memory_space<vmem>>, %arg12: memref<64xf32, #tpu.memory_space<vmem>>, %arg13: memref<64xi32, #tpu.memory_space<vmem>>, %arg14: memref<16xi32, #tpu.memory_space<vmem>>, %arg15: memref<64x16xf32, #tpu.memory_space<vmem>>) attributes {dimension_semantics = [#tpu.dimension_semantics<core_parallel>, #tpu.dimension_semantics<subcore_parallel>], iteration_bounds = array<i64: 2, 16>, scalar_prefetch = 0 : i64, scratch_operands = 9 : i64, tpu.core_type = #tpu.core_type<sc_vector_subcore>, window_params = [{transform_indices = #map}, {transform_indices = #map}, {transform_indices = #map1}, {transform_indices = #map2}, {transform_indices = #map2}]} {
    %mul3A = arith.constant 10000 : i32
    %mul3A_0 = arith.muli %arg1, %mul3A : i32
    %mul3A_1 = arith.constant 5000 : i32
    %mul3A_2 = arith.muli %arg0, %mul3A_1 : i32
    %scan3A = arith.constant 0 : i32
    %scan3A_3 = arith.constant 64 : i32
    %scan3A_4 = arith.addi %scan3A, %scan3A_3 : i32
    %scan3A_5 = arith.constant 1 : i32
    scf.for %scan3A_34 = %scan3A to %scan3A_4 step %scan3A_5  : i32 {
      %mul3A_35 = arith.constant 1 : i32
      %mul3A_36 = arith.muli %scan3A_34, %mul3A_35 : i32
      %add3A_37 = arith.constant 0 : i32
      %add3A_38 = arith.addi %add3A_37, %mul3A_36 : i32
      %broadcast_in_dim3A_39 = arith.constant 0.000000e+00 : f32
      %broadcast_in_dim3A_40 = vector.broadcast %broadcast_in_dim3A_39 : f32 to vector<16xf32>
      %swap3A_41 = arith.index_cast %add3A_38 : i32 to index
      %swap3A_42 = arith.constant 0 : index
      %swap3A_43 = tpu.vector_load %arg9[%swap3A_41, %swap3A_42] {strides = array<i32>} : memref<64x256xf32, #tpu.memory_space<vmem>>, vector<16xf32>,
      tpu.vector_store %arg9[%swap3A_41, %swap3A_42], %broadcast_in_dim3A_40 {strides = array<i32>} : memref<64x256xf32, #tpu.memory_space<vmem>>, vector<16xf32>,
      %broadcast_in_dim3A_44 = arith.constant 0.000000e+00 : f32
      %broadcast_in_dim3A_45 = vector.broadcast %broadcast_in_dim3A_44 : f32 to vector<16xf32>
      %swap3A_46 = arith.index_cast %add3A_38 : i32 to index
      %swap3A_47 = arith.constant 16 : index
      %swap3A_48 = tpu.vector_load %arg9[%swap3A_46, %swap3A_47] {strides = array<i32>} : memref<64x256xf32, #tpu.memory_space<vmem>>, vector<16xf32>,
      tpu.vector_store %arg9[%swap3A_46, %swap3A_47], %broadcast_in_dim3A_45 {strides = array<i32>} : memref<64x256xf32, #tpu.memory_space<vmem>>, vector<16xf32>,
      %broadcast_in_dim3A_49 = arith.constant 0.000000e+00 : f32
      %broadcast_in_dim3A_50 = vector.broadcast %broadcast_in_dim3A_49 : f32 to vector<16xf32>
      %swap3A_51 = arith.index_cast %add3A_38 : i32 to index
      %swap3A_52 = arith.constant 32 : index
      %swap3A_53 = tpu.vector_load %arg9[%swap3A_51, %swap3A_52] {strides = array<i32>} : memref<64x256xf32, #tpu.memory_space<vmem>>, vector<16xf32>,
      tpu.vector_store %arg9[%swap3A_51, %swap3A_52], %broadcast_in_dim3A_50 {strides = array<i32>} : memref<64x256xf32, #tpu.memory_space<vmem>>, vector<16xf32>,
      %broadcast_in_dim3A_54 = arith.constant 0.000000e+00 : f32
      %broadcast_in_dim3A_55 = vector.broadcast %broadcast_in_dim3A_54 : f32 to vector<16xf32>
      %swap3A_56 = arith.index_cast %add3A_38 : i32 to index
      %swap3A_57 = arith.constant 48 : index
      %swap3A_58 = tpu.vector_load %arg9[%swap3A_56, %swap3A_57] {strides = array<i32>} : memref<64x256xf32, #tpu.memory_space<vmem>>, vector<16xf32>,
      tpu.vector_store %arg9[%swap3A_56, %swap3A_57], %broadcast_in_dim3A_55 {strides = array<i32>} : memref<64x256xf32, #tpu.memory_space<vmem>>, vector<16xf32>,
      %broadcast_in_dim3A_59 = arith.constant 0.000000e+00 : f32
      %broadcast_in_dim3A_60 = vector.broadcast %broadcast_in_dim3A_59 : f32 to vector<16xf32>
      %swap3A_61 = arith.index_cast %add3A_38 : i32 to index
      %swap3A_62 = arith.constant 64 : index
      %swap3A_63 = tpu.vector_load %arg9[%swap3A_61, %swap3A_62] {strides = array<i32>} : memref<64x256xf32, #tpu.memory_space<vmem>>, vector<16xf32>,
      tpu.vector_store %arg9[%swap3A_61, %swap3A_62], %broadcast_in_dim3A_60 {strides = array<i32>} : memref<64x256xf32, #tpu.memory_space<vmem>>, vector<16xf32>,
      %broadcast_in_dim3A_64 = arith.constant 0.000000e+00 : f32
      %broadcast_in_dim3A_65 = vector.broadcast %broadcast_in_dim3A_64 : f32 to vector<16xf32>
      %swap3A_66 = arith.index_cast %add3A_38 : i32 to index
      %swap3A_67 = arith.constant 80 : index
      %swap3A_68 = tpu.vector_load %arg9[%swap3A_66, %swap3A_67] {strides = array<i32>} : memref<64x256xf32, #tpu.memory_space<vmem>>, vector<16xf32>,
      tpu.vector_store %arg9[%swap3A_66, %swap3A_67], %broadcast_in_dim3A_65 {strides = array<i32>} : memref<64x256xf32, #tpu.memory_space<vmem>>, vector<16xf32>,
      %broadcast_in_dim3A_69 = arith.constant 0.000000e+00 : f32
      %broadcast_in_dim3A_70 = vector.broadcast %broadcast_in_dim3A_69 : f32 to vector<16xf32>
      %swap3A_71 = arith.index_cast %add3A_38 : i32 to index
      %swap3A_72 = arith.constant 96 : index
      %swap3A_73 = tpu.vector_load %arg9[%swap3A_71, %swap3A_72] {strides = array<i32>} : memref<64x256xf32, #tpu.memory_space<vmem>>, vector<16xf32>,
      tpu.vector_store %arg9[%swap3A_71, %swap3A_72], %broadcast_in_dim3A_70 {strides = array<i32>} : memref<64x256xf32, #tpu.memory_space<vmem>>, vector<16xf32>,
      %broadcast_in_dim3A_74 = arith.constant 0.000000e+00 : f32
      %broadcast_in_dim3A_75 = vector.broadcast %broadcast_in_dim3A_74 : f32 to vector<16xf32>
      %swap3A_76 = arith.index_cast %add3A_38 : i32 to index
      %swap3A_77 = arith.constant 112 : index
      %swap3A_78 = tpu.vector_load %arg9[%swap3A_76, %swap3A_77] {strides = array<i32>} : memref<64x256xf32, #tpu.memory_space<vmem>>, vector<16xf32>,
      tpu.vector_store %arg9[%swap3A_76, %swap3A_77], %broadcast_in_dim3A_75 {strides = array<i32>} : memref<64x256xf32, #tpu.memory_space<vmem>>, vector<16xf32>,
      %broadcast_in_dim3A_79 = arith.constant 0.000000e+00 : f32
      %broadcast_in_dim3A_80 = vector.broadcast %broadcast_in_dim3A_79 : f32 to vector<16xf32>
      %swap3A_81 = arith.index_cast %add3A_38 : i32 to index
      %swap3A_82 = arith.constant 128 : index
      %swap3A_83 = tpu.vector_load %arg9[%swap3A_81, %swap3A_82] {strides = array<i32>} : memref<64x256xf32, #tpu.memory_space<vmem>>, vector<16xf32>,
      tpu.vector_store %arg9[%swap3A_81, %swap3A_82], %broadcast_in_dim3A_80 {strides = array<i32>} : memref<64x256xf32, #tpu.memory_space<vmem>>, vector<16xf32>,
      %broadcast_in_dim3A_84 = arith.constant 0.000000e+00 : f32
      %broadcast_in_dim3A_85 = vector.broadcast %broadcast_in_dim3A_84 : f32 to vector<16xf32>
      %swap3A_86 = arith.index_cast %add3A_38 : i32 to index
      %swap3A_87 = arith.constant 144 : index
      %swap3A_88 = tpu.vector_load %arg9[%swap3A_86, %swap3A_87] {strides = array<i32>} : memref<64x256xf32, #tpu.memory_space<vmem>>, vector<16xf32>,
      tpu.vector_store %arg9[%swap3A_86, %swap3A_87], %broadcast_in_dim3A_85 {strides = array<i32>} : memref<64x256xf32, #tpu.memory_space<vmem>>, vector<16xf32>,
      %broadcast_in_dim3A_89 = arith.constant 0.000000e+00 : f32
      %broadcast_in_dim3A_90 = vector.broadcast %broadcast_in_dim3A_89 : f32 to vector<16xf32>
      %swap3A_91 = arith.index_cast %add3A_38 : i32 to index
      %swap3A_92 = arith.constant 160 : index
      %swap3A_93 = tpu.vector_load %arg9[%swap3A_91, %swap3A_92] {strides = array<i32>} : memref<64x256xf32, #tpu.memory_space<vmem>>, vector<16xf32>,
      tpu.vector_store %arg9[%swap3A_91, %swap3A_92], %broadcast_in_dim3A_90 {strides = array<i32>} : memref<64x256xf32, #tpu.memory_space<vmem>>, vector<16xf32>,
      %broadcast_in_dim3A_94 = arith.constant 0.000000e+00 : f32
      %broadcast_in_dim3A_95 = vector.broadcast %broadcast_in_dim3A_94 : f32 to vector<16xf32>
      %swap3A_96 = arith.index_cast %add3A_38 : i32 to index
      %swap3A_97 = arith.constant 176 : index
      %swap3A_98 = tpu.vector_load %arg9[%swap3A_96, %swap3A_97] {strides = array<i32>} : memref<64x256xf32, #tpu.memory_space<vmem>>, vector<16xf32>,
      tpu.vector_store %arg9[%swap3A_96, %swap3A_97], %broadcast_in_dim3A_95 {strides = array<i32>} : memref<64x256xf32, #tpu.memory_space<vmem>>, vector<16xf32>,
      %broadcast_in_dim3A_99 = arith.constant 0.000000e+00 : f32
      %broadcast_in_dim3A_100 = vector.broadcast %broadcast_in_dim3A_99 : f32 to vector<16xf32>
      %swap3A_101 = arith.index_cast %add3A_38 : i32 to index
      %swap3A_102 = arith.constant 192 : index
      %swap3A_103 = tpu.vector_load %arg9[%swap3A_101, %swap3A_102] {strides = array<i32>} : memref<64x256xf32, #tpu.memory_space<vmem>>, vector<16xf32>,
      tpu.vector_store %arg9[%swap3A_101, %swap3A_102], %broadcast_in_dim3A_100 {strides = array<i32>} : memref<64x256xf32, #tpu.memory_space<vmem>>, vector<16xf32>,
      %broadcast_in_dim3A_104 = arith.constant 0.000000e+00 : f32
      %broadcast_in_dim3A_105 = vector.broadcast %broadcast_in_dim3A_104 : f32 to vector<16xf32>
      %swap3A_106 = arith.index_cast %add3A_38 : i32 to index
      %swap3A_107 = arith.constant 208 : index
      %swap3A_108 = tpu.vector_load %arg9[%swap3A_106, %swap3A_107] {strides = array<i32>} : memref<64x256xf32, #tpu.memory_space<vmem>>, vector<16xf32>,
      tpu.vector_store %arg9[%swap3A_106, %swap3A_107], %broadcast_in_dim3A_105 {strides = array<i32>} : memref<64x256xf32, #tpu.memory_space<vmem>>, vector<16xf32>,
      %broadcast_in_dim3A_109 = arith.constant 0.000000e+00 : f32
      %broadcast_in_dim3A_110 = vector.broadcast %broadcast_in_dim3A_109 : f32 to vector<16xf32>
      %swap3A_111 = arith.index_cast %add3A_38 : i32 to index
      %swap3A_112 = arith.constant 224 : index
      %swap3A_113 = tpu.vector_load %arg9[%swap3A_111, %swap3A_112] {strides = array<i32>} : memref<64x256xf32, #tpu.memory_space<vmem>>, vector<16xf32>,
      tpu.vector_store %arg9[%swap3A_111, %swap3A_112], %broadcast_in_dim3A_110 {strides = array<i32>} : memref<64x256xf32, #tpu.memory_space<vmem>>, vector<16xf32>,
      %broadcast_in_dim3A_114 = arith.constant 0.000000e+00 : f32
      %broadcast_in_dim3A_115 = vector.broadcast %broadcast_in_dim3A_114 : f32 to vector<16xf32>
      %swap3A_116 = arith.index_cast %add3A_38 : i32 to index
      %swap3A_117 = arith.constant 240 : index
      %swap3A_118 = tpu.vector_load %arg9[%swap3A_116, %swap3A_117] {strides = array<i32>} : memref<64x256xf32, #tpu.memory_space<vmem>>, vector<16xf32>,
      tpu.vector_store %arg9[%swap3A_116, %swap3A_117], %broadcast_in_dim3A_115 {strides = array<i32>} : memref<64x256xf32, #tpu.memory_space<vmem>>, vector<16xf32>,
      %broadcast_in_dim3A_119 = arith.constant 0.000000e+00 : f32
      %broadcast_in_dim3A_120 = vector.broadcast %broadcast_in_dim3A_119 : f32 to vector<16xf32>
      %swap3A_121 = arith.index_cast %add3A_38 : i32 to index
      %swap3A_122 = arith.constant 0 : index
      %swap3A_123 = tpu.vector_load %arg10[%swap3A_121, %swap3A_122] {strides = array<i32>} : memref<64x16xf32, #tpu.memory_space<vmem>>, vector<16xf32>,
      tpu.vector_store %arg10[%swap3A_121, %swap3A_122], %broadcast_in_dim3A_120 {strides = array<i32>} : memref<64x16xf32, #tpu.memory_space<vmem>>, vector<16xf32>,
      %iota3A = tpu.iota {dimensions = array<i32: 0>} : vector<16xi32>
      %eq3A = arith.constant 0 : i32
      %eq3A_124 = vector.broadcast %eq3A : i32 to vector<16xi32>
      %eq3A_125 = arith.cmpi eq, %iota3A, %eq3A_124 : vector<16xi32>
      %jit3A = arith.constant 1.000000e+00 : f32
      %jit3A_126 = arith.constant 0.000000e+00 : f32
      %broadcast_in_dim3A_127 = vector.broadcast %jit3A : f32 to vector<16xf32>
      %broadcast_in_dim3A_128 = vector.broadcast %jit3A_126 : f32 to vector<16xf32>
      %select_n3A_129 = arith.select %eq3A_125, %broadcast_in_dim3A_127, %broadcast_in_dim3A_128 : vector<16xi1>, vector<16xf32>
      %swap3A_130 = arith.index_cast %add3A_38 : i32 to index
      %swap3A_131 = arith.constant 0 : index
      %swap3A_132 = tpu.vector_load %arg15[%swap3A_130, %swap3A_131] {strides = array<i32>} : memref<64x16xf32, #tpu.memory_space<vmem>>, vector<16xf32>,
      tpu.vector_store %arg15[%swap3A_130, %swap3A_131], %select_n3A_129 {strides = array<i32>} : memref<64x16xf32, #tpu.memory_space<vmem>>, vector<16xf32>,
    }
    %scan3A_6 = arith.constant 64 : i32
    %mul3A_7 = arith.constant 320 : i32
    %mul3A_8 = arith.muli %arg1, %mul3A_7 : i32
    %scan3A_9 = arith.constant 0 : i32
    %scan3A_10 = arith.constant 5 : i32
    %scan3A_11 = arith.addi %scan3A_9, %scan3A_10 : i32
    %scan3A_12 = arith.constant 1 : i32
    scf.for %scan3A_34 = %scan3A_9 to %scan3A_11 step %scan3A_12  : i32 {
      %mul3A_35 = arith.constant 1 : i32
      %mul3A_36 = arith.muli %scan3A_34, %mul3A_35 : i32
      %add3A_37 = arith.constant 0 : i32
      %add3A_38 = arith.addi %add3A_37, %mul3A_36 : i32
      %mul3A_39 = arith.constant 64 : i32
      %mul3A_40 = arith.muli %add3A_38, %mul3A_39 : i32
      %add3A_41 = arith.addi %mul3A_8, %mul3A_40 : i32
      "tpu.region"() ({
        %run_scoped3A = tpu.sem_alloc : memref<!tpu.dma_semaphore, #tpu.memory_space<semaphore_mem>>
        %dma_start3A = arith.constant 0 : i32
        %dma_start3A_45 = tpu.memref_slice %arg7[%add3A_41, %dma_start3A] : memref<5120x256xf32, #tpu.memory_space<vmem_shared>> -> memref<64x256xf32, #tpu.memory_space<vmem_shared>>
        %dma_start3A_46 = arith.constant 0 : i32
        %dma_start3A_47 = tpu.memref_slice %arg7[%add3A_41, %dma_start3A_46] : memref<5120x256xf32, #tpu.memory_space<vmem_shared>> -> memref<64x256xf32, #tpu.memory_space<vmem_shared>>
        tpu.enqueue_dma source(%arg9 : memref<64x256xf32, #tpu.memory_space<vmem>>) target(%dma_start3A_47 : memref<64x256xf32, #tpu.memory_space<vmem_shared>>) target_semaphore(%run_scoped3A : memref<!tpu.dma_semaphore, #tpu.memory_space<semaphore_mem>>)
        %dma_wait3A = arith.constant 0 : i32
        %dma_wait3A_48 = tpu.memref_slice %arg7[%add3A_41, %dma_wait3A] : memref<5120x256xf32, #tpu.memory_space<vmem_shared>> -> memref<64x256xf32, #tpu.memory_space<vmem_shared>>
        %dma_wait3A_49 = arith.constant 0 : i32
        %dma_wait3A_50 = tpu.memref_slice %arg7[%add3A_41, %dma_wait3A_49] : memref<5120x256xf32, #tpu.memory_space<vmem_shared>> -> memref<64x256xf32, #tpu.memory_space<vmem_shared>>
        tpu.wait_dma2 semaphore(%run_scoped3A : memref<!tpu.dma_semaphore, #tpu.memory_space<semaphore_mem>>) src(%arg9 : memref<64x256xf32, #tpu.memory_space<vmem>>) dst(%dma_wait3A_50 : memref<64x256xf32, #tpu.memory_space<vmem_shared>>)
        tpu.yield
      }) : () -> ()
      %mul3A_42 = arith.constant 64 : i32
      %mul3A_43 = arith.muli %add3A_38, %mul3A_42 : i32
      %add3A_44 = arith.addi %mul3A_8, %mul3A_43 : i32
      "tpu.region"() ({
        %run_scoped3A = tpu.sem_alloc : memref<!tpu.dma_semaphore, #tpu.memory_space<semaphore_mem>>
        %dma_start3A = arith.constant 0 : i32
        %dma_start3A_45 = tpu.memref_slice %arg8[%add3A_44, %dma_start3A] : memref<5120x16xf32, #tpu.memory_space<vmem_shared>> -> memref<64x16xf32, #tpu.memory_space<vmem_shared>>
        %dma_start3A_46 = arith.constant 0 : i32
        %dma_start3A_47 = tpu.memref_slice %arg8[%add3A_44, %dma_start3A_46] : memref<5120x16xf32, #tpu.memory_space<vmem_shared>> -> memref<64x16xf32, #tpu.memory_space<vmem_shared>>
        tpu.enqueue_dma source(%arg10 : memref<64x16xf32, #tpu.memory_space<vmem>>) target(%dma_start3A_47 : memref<64x16xf32, #tpu.memory_space<vmem_shared>>) target_semaphore(%run_scoped3A : memref<!tpu.dma_semaphore, #tpu.memory_space<semaphore_mem>>)
        %dma_wait3A = arith.constant 0 : i32
        %dma_wait3A_48 = tpu.memref_slice %arg8[%add3A_44, %dma_wait3A] : memref<5120x16xf32, #tpu.memory_space<vmem_shared>> -> memref<64x16xf32, #tpu.memory_space<vmem_shared>>
        %dma_wait3A_49 = arith.constant 0 : i32
        %dma_wait3A_50 = tpu.memref_slice %arg8[%add3A_44, %dma_wait3A_49] : memref<5120x16xf32, #tpu.memory_space<vmem_shared>> -> memref<64x16xf32, #tpu.memory_space<vmem_shared>>
        tpu.wait_dma2 semaphore(%run_scoped3A : memref<!tpu.dma_semaphore, #tpu.memory_space<semaphore_mem>>) src(%arg10 : memref<64x16xf32, #tpu.memory_space<vmem>>) dst(%dma_wait3A_50 : memref<64x16xf32, #tpu.memory_space<vmem_shared>>)
        tpu.yield
      }) : () -> ()
    }
    %scan3A_13 = arith.constant 5 : i32
    %barrier3A = arith.constant 0 : index
    tpu.barrier barrier_id(%barrier3A)
    %broadcast_in_dim3A = arith.constant 5100 : i32
    %broadcast_in_dim3A_14 = vector.broadcast %broadcast_in_dim3A : i32 to vector<16xi32>
    %scan3A_15 = arith.constant 0 : i32
    %scan3A_16 = arith.constant 156 : i32
    %scan3A_17 = arith.addi %scan3A_15, %scan3A_16 : i32
    %scan3A_18 = arith.constant 1 : i32
    scf.for %scan3A_34 = %scan3A_15 to %scan3A_17 step %scan3A_18  : i32 {
      %mul3A_35 = arith.constant 1 : i32
      %mul3A_36 = arith.muli %scan3A_34, %mul3A_35 : i32
      %add3A_37 = arith.constant 0 : i32
      %add3A_38 = arith.addi %add3A_37, %mul3A_36 : i32
      %mul3A_39 = arith.constant 64 : i32
      %mul3A_40 = arith.muli %add3A_38, %mul3A_39 : i32
      %multiple_of3A = tpu.assume_multiple %mul3A_40, 8 : i32
      %add3A_41 = arith.addi %mul3A_0, %multiple_of3A : i32
      "tpu.region"() ({
        %run_scoped3A = tpu.sem_alloc : memref<!tpu.dma_semaphore, #tpu.memory_space<semaphore_mem>>
        %dma_start3A = arith.constant 0 : i32
        %dma_start3A_122 = tpu.memref_slice %arg11[%dma_start3A] : memref<64xi32, #tpu.memory_space<vmem>> -> memref<64xi32, #tpu.memory_space<vmem>>
        %dma_start3A_123 = tpu.memref_slice %arg2[%add3A_41] : memref<160000xi32, #tpu.memory_space<hbm>> -> memref<64xi32, #tpu.memory_space<hbm>>
        %dma_start3A_124 = arith.constant 0 : i32
        %dma_start3A_125 = tpu.memref_slice %arg11[%dma_start3A_124] : memref<64xi32, #tpu.memory_space<vmem>> -> memref<64xi32, #tpu.memory_space<vmem>>
        %dma_start3A_126 = tpu.memref_slice %arg2[%add3A_41] : memref<160000xi32, #tpu.memory_space<hbm>> -> memref<64xi32, #tpu.memory_space<hbm>>
        tpu.enqueue_dma source(%dma_start3A_126 : memref<64xi32, #tpu.memory_space<hbm>>) target(%dma_start3A_125 : memref<64xi32, #tpu.memory_space<vmem>>) target_semaphore(%run_scoped3A : memref<!tpu.dma_semaphore, #tpu.memory_space<semaphore_mem>>)
        %dma_wait3A = arith.constant 0 : i32
        %dma_wait3A_127 = tpu.memref_slice %arg11[%dma_wait3A] : memref<64xi32, #tpu.memory_space<vmem>> -> memref<64xi32, #tpu.memory_space<vmem>>
        %dma_wait3A_128 = tpu.memref_slice %arg2[%add3A_41] : memref<160000xi32, #tpu.memory_space<hbm>> -> memref<64xi32, #tpu.memory_space<hbm>>
        %dma_wait3A_129 = arith.constant 0 : i32
        %dma_wait3A_130 = tpu.memref_slice %arg11[%dma_wait3A_129] : memref<64xi32, #tpu.memory_space<vmem>> -> memref<64xi32, #tpu.memory_space<vmem>>
        %dma_wait3A_131 = tpu.memref_slice %arg2[%add3A_41] : memref<160000xi32, #tpu.memory_space<hbm>> -> memref<64xi32, #tpu.memory_space<hbm>>
        tpu.wait_dma2 semaphore(%run_scoped3A : memref<!tpu.dma_semaphore, #tpu.memory_space<semaphore_mem>>) src(%dma_wait3A_131 : memref<64xi32, #tpu.memory_space<hbm>>) dst(%dma_wait3A_130 : memref<64xi32, #tpu.memory_space<vmem>>)
        tpu.yield
      }) : () -> ()
      "tpu.region"() ({
        %run_scoped3A = tpu.sem_alloc : memref<!tpu.dma_semaphore, #tpu.memory_space<semaphore_mem>>
        %dma_start3A = arith.constant 0 : i32
        %dma_start3A_122 = tpu.memref_slice %arg12[%dma_start3A] : memref<64xf32, #tpu.memory_space<vmem>> -> memref<64xf32, #tpu.memory_space<vmem>>
        %dma_start3A_123 = tpu.memref_slice %arg3[%add3A_41] : memref<160000xf32, #tpu.memory_space<hbm>> -> memref<64xf32, #tpu.memory_space<hbm>>
        %dma_start3A_124 = arith.constant 0 : i32
        %dma_start3A_125 = tpu.memref_slice %arg12[%dma_start3A_124] : memref<64xf32, #tpu.memory_space<vmem>> -> memref<64xf32, #tpu.memory_space<vmem>>
        %dma_start3A_126 = tpu.memref_slice %arg3[%add3A_41] : memref<160000xf32, #tpu.memory_space<hbm>> -> memref<64xf32, #tpu.memory_space<hbm>>
        tpu.enqueue_dma source(%dma_start3A_126 : memref<64xf32, #tpu.memory_space<hbm>>) target(%dma_start3A_125 : memref<64xf32, #tpu.memory_space<vmem>>) target_semaphore(%run_scoped3A : memref<!tpu.dma_semaphore, #tpu.memory_space<semaphore_mem>>)
        %dma_wait3A = arith.constant 0 : i32
        %dma_wait3A_127 = tpu.memref_slice %arg12[%dma_wait3A] : memref<64xf32, #tpu.memory_space<vmem>> -> memref<64xf32, #tpu.memory_space<vmem>>
        %dma_wait3A_128 = tpu.memref_slice %arg3[%add3A_41] : memref<160000xf32, #tpu.memory_space<hbm>> -> memref<64xf32, #tpu.memory_space<hbm>>
        %dma_wait3A_129 = arith.constant 0 : i32
        %dma_wait3A_130 = tpu.memref_slice %arg12[%dma_wait3A_129] : memref<64xf32, #tpu.memory_space<vmem>> -> memref<64xf32, #tpu.memory_space<vmem>>
        %dma_wait3A_131 = tpu.memref_slice %arg3[%add3A_41] : memref<160000xf32, #tpu.memory_space<hbm>> -> memref<64xf32, #tpu.memory_space<hbm>>
        tpu.wait_dma2 semaphore(%run_scoped3A : memref<!tpu.dma_semaphore, #tpu.memory_space<semaphore_mem>>) src(%dma_wait3A_131 : memref<64xf32, #tpu.memory_space<hbm>>) dst(%dma_wait3A_130 : memref<64xf32, #tpu.memory_space<vmem>>)
        tpu.yield
      }) : () -> ()
      %get3A_42 = arith.constant 0 : index
      %get3A_43 = tpu.vector_load %arg11[%get3A_42] {strides = array<i32>} : memref<64xi32, #tpu.memory_space<vmem>>, vector<16xi32>,
      %get3A_44 = arith.constant 0 : index
      %get3A_45 = tpu.vector_load %arg12[%get3A_44] {strides = array<i32>} : memref<64xf32, #tpu.memory_space<vmem>>, vector<16xf32>,
      %sub3A_46 = vector.broadcast %mul3A_2 : i32 to vector<16xi32>
      %sub3A_47 = arith.subi %get3A_43, %sub3A_46 : vector<16xi32>
      %ge3A_48 = arith.constant 0 : i32
      %ge3A_49 = vector.broadcast %ge3A_48 : i32 to vector<16xi32>
      %ge3A_50 = arith.cmpi sge, %sub3A_47, %ge3A_49 : vector<16xi32>
      %lt3A_51 = arith.constant 5000 : i32
      %lt3A_52 = vector.broadcast %lt3A_51 : i32 to vector<16xi32>
      %lt3A_53 = arith.cmpi slt, %sub3A_47, %lt3A_52 : vector<16xi32>
      %and3A_54 = arith.andi %ge3A_50, %lt3A_53 : vector<16xi1>
      %gt3A_55 = arith.constant 0.000000e+00 : f32
      %gt3A_56 = vector.broadcast %gt3A_55 : f32 to vector<16xf32>
      %gt3A_57 = arith.cmpf ogt, %get3A_45, %gt3A_56 : vector<16xf32>
      %and3A_58 = arith.andi %and3A_54, %gt3A_57 : vector<16xi1>
      %select_n3A_59 = arith.select %and3A_58, %sub3A_47, %broadcast_in_dim3A_14 : vector<16xi1>, vector<16xi32>
      %swap3A_60 = arith.constant 0 : index
      %swap3A_61 = tpu.vector_load %arg13[%swap3A_60] {strides = array<i32>} : memref<64xi32, #tpu.memory_space<vmem>>, vector<16xi32>,
      tpu.vector_store %arg13[%swap3A_60], %select_n3A_59 {strides = array<i32>} : memref<64xi32, #tpu.memory_space<vmem>>, vector<16xi32>,
      %get3A_62 = arith.constant 16 : index
      %get3A_63 = tpu.vector_load %arg11[%get3A_62] {strides = array<i32>} : memref<64xi32, #tpu.memory_space<vmem>>, vector<16xi32>,
      %get3A_64 = arith.constant 16 : index
      %get3A_65 = tpu.vector_load %arg12[%get3A_64] {strides = array<i32>} : memref<64xf32, #tpu.memory_space<vmem>>, vector<16xf32>,
      %sub3A_66 = vector.broadcast %mul3A_2 : i32 to vector<16xi32>
      %sub3A_67 = arith.subi %get3A_63, %sub3A_66 : vector<16xi32>
      %ge3A_68 = arith.constant 0 : i32
      %ge3A_69 = vector.broadcast %ge3A_68 : i32 to vector<16xi32>
      %ge3A_70 = arith.cmpi sge, %sub3A_67, %ge3A_69 : vector<16xi32>
      %lt3A_71 = arith.constant 5000 : i32
      %lt3A_72 = vector.broadcast %lt3A_71 : i32 to vector<16xi32>
      %lt3A_73 = arith.cmpi slt, %sub3A_67, %lt3A_72 : vector<16xi32>
      %and3A_74 = arith.andi %ge3A_70, %lt3A_73 : vector<16xi1>
      %gt3A_75 = arith.constant 0.000000e+00 : f32
      %gt3A_76 = vector.broadcast %gt3A_75 : f32 to vector<16xf32>
      %gt3A_77 = arith.cmpf ogt, %get3A_65, %gt3A_76 : vector<16xf32>
      %and3A_78 = arith.andi %and3A_74, %gt3A_77 : vector<16xi1>
      %select_n3A_79 = arith.select %and3A_78, %sub3A_67, %broadcast_in_dim3A_14 : vector<16xi1>, vector<16xi32>
      %swap3A_80 = arith.constant 16 : index
      %swap3A_81 = tpu.vector_load %arg13[%swap3A_80] {strides = array<i32>} : memref<64xi32, #tpu.memory_space<vmem>>, vector<16xi32>,
      tpu.vector_store %arg13[%swap3A_80], %select_n3A_79 {strides = array<i32>} : memref<64xi32, #tpu.memory_space<vmem>>, vector<16xi32>,
      %get3A_82 = arith.constant 32 : index
      %get3A_83 = tpu.vector_load %arg11[%get3A_82] {strides = array<i32>} : memref<64xi32, #tpu.memory_space<vmem>>, vector<16xi32>,
      %get3A_84 = arith.constant 32 : index
      %get3A_85 = tpu.vector_load %arg12[%get3A_84] {strides = array<i32>} : memref<64xf32, #tpu.memory_space<vmem>>, vector<16xf32>,
      %sub3A_86 = vector.broadcast %mul3A_2 : i32 to vector<16xi32>
      %sub3A_87 = arith.subi %get3A_83, %sub3A_86 : vector<16xi32>
      %ge3A_88 = arith.constant 0 : i32
      %ge3A_89 = vector.broadcast %ge3A_88 : i32 to vector<16xi32>
      %ge3A_90 = arith.cmpi sge, %sub3A_87, %ge3A_89 : vector<16xi32>
      %lt3A_91 = arith.constant 5000 : i32
      %lt3A_92 = vector.broadcast %lt3A_91 : i32 to vector<16xi32>
      %lt3A_93 = arith.cmpi slt, %sub3A_87, %lt3A_92 : vector<16xi32>
      %and3A_94 = arith.andi %ge3A_90, %lt3A_93 : vector<16xi1>
      %gt3A_95 = arith.constant 0.000000e+00 : f32
      %gt3A_96 = vector.broadcast %gt3A_95 : f32 to vector<16xf32>
      %gt3A_97 = arith.cmpf ogt, %get3A_85, %gt3A_96 : vector<16xf32>
      %and3A_98 = arith.andi %and3A_94, %gt3A_97 : vector<16xi1>
      %select_n3A_99 = arith.select %and3A_98, %sub3A_87, %broadcast_in_dim3A_14 : vector<16xi1>, vector<16xi32>
      %swap3A_100 = arith.constant 32 : index
      %swap3A_101 = tpu.vector_load %arg13[%swap3A_100] {strides = array<i32>} : memref<64xi32, #tpu.memory_space<vmem>>, vector<16xi32>,
      tpu.vector_store %arg13[%swap3A_100], %select_n3A_99 {strides = array<i32>} : memref<64xi32, #tpu.memory_space<vmem>>, vector<16xi32>,
      %get3A_102 = arith.constant 48 : index
      %get3A_103 = tpu.vector_load %arg11[%get3A_102] {strides = array<i32>} : memref<64xi32, #tpu.memory_space<vmem>>, vector<16xi32>,
      %get3A_104 = arith.constant 48 : index
      %get3A_105 = tpu.vector_load %arg12[%get3A_104] {strides = array<i32>} : memref<64xf32, #tpu.memory_space<vmem>>, vector<16xf32>,
      %sub3A_106 = vector.broadcast %mul3A_2 : i32 to vector<16xi32>
      %sub3A_107 = arith.subi %get3A_103, %sub3A_106 : vector<16xi32>
      %ge3A_108 = arith.constant 0 : i32
      %ge3A_109 = vector.broadcast %ge3A_108 : i32 to vector<16xi32>
      %ge3A_110 = arith.cmpi sge, %sub3A_107, %ge3A_109 : vector<16xi32>
      %lt3A_111 = arith.constant 5000 : i32
      %lt3A_112 = vector.broadcast %lt3A_111 : i32 to vector<16xi32>
      %lt3A_113 = arith.cmpi slt, %sub3A_107, %lt3A_112 : vector<16xi32>
      %and3A_114 = arith.andi %ge3A_110, %lt3A_113 : vector<16xi1>
      %gt3A_115 = arith.constant 0.000000e+00 : f32
      %gt3A_116 = vector.broadcast %gt3A_115 : f32 to vector<16xf32>
      %gt3A_117 = arith.cmpf ogt, %get3A_105, %gt3A_116 : vector<16xf32>
      %and3A_118 = arith.andi %and3A_114, %gt3A_117 : vector<16xi1>
      %select_n3A_119 = arith.select %and3A_118, %sub3A_107, %broadcast_in_dim3A_14 : vector<16xi1>, vector<16xi32>
      %swap3A_120 = arith.constant 48 : index
      %swap3A_121 = tpu.vector_load %arg13[%swap3A_120] {strides = array<i32>} : memref<64xi32, #tpu.memory_space<vmem>>, vector<16xi32>,
      tpu.vector_store %arg13[%swap3A_120], %select_n3A_119 {strides = array<i32>} : memref<64xi32, #tpu.memory_space<vmem>>, vector<16xi32>,
      "tpu.region"() ({
        %run_scoped3A = tpu.sem_alloc : memref<!tpu.dma_semaphore, #tpu.memory_space<semaphore_mem>>
        %dma_start3A = arith.constant 0 : i32
        %dma_start3A_122 = arith.constant 0 : i32
        %dma_start3A_123 = tpu.memref_slice %arg9[%dma_start3A, %dma_start3A_122] : memref<64x256xf32, #tpu.memory_space<vmem>> -> memref<64x256xf32, #tpu.memory_space<vmem>>
        %dma_start3A_124 = arith.constant 0 : i32
        %dma_start3A_125 = tpu.memref_slice %arg4[%add3A_41, %dma_start3A_124] : memref<160000x256xf32, #tpu.memory_space<hbm>> -> memref<64x256xf32, #tpu.memory_space<hbm>>
        %dma_start3A_126 = arith.constant 0 : i32
        %dma_start3A_127 = arith.constant 0 : i32
        %dma_start3A_128 = tpu.memref_slice %arg9[%dma_start3A_126, %dma_start3A_127] : memref<64x256xf32, #tpu.memory_space<vmem>> -> memref<64x256xf32, #tpu.memory_space<vmem>>
        %dma_start3A_129 = arith.constant 0 : i32
        %dma_start3A_130 = tpu.memref_slice %arg4[%add3A_41, %dma_start3A_129] : memref<160000x256xf32, #tpu.memory_space<hbm>> -> memref<64x256xf32, #tpu.memory_space<hbm>>
        tpu.enqueue_dma source(%dma_start3A_130 : memref<64x256xf32, #tpu.memory_space<hbm>>) target(%dma_start3A_128 : memref<64x256xf32, #tpu.memory_space<vmem>>) target_semaphore(%run_scoped3A : memref<!tpu.dma_semaphore, #tpu.memory_space<semaphore_mem>>)
        %dma_wait3A = arith.constant 0 : i32
        %dma_wait3A_131 = arith.constant 0 : i32
        %dma_wait3A_132 = tpu.memref_slice %arg9[%dma_wait3A, %dma_wait3A_131] : memref<64x256xf32, #tpu.memory_space<vmem>> -> memref<64x256xf32, #tpu.memory_space<vmem>>
        %dma_wait3A_133 = arith.constant 0 : i32
        %dma_wait3A_134 = tpu.memref_slice %arg4[%add3A_41, %dma_wait3A_133] : memref<160000x256xf32, #tpu.memory_space<hbm>> -> memref<64x256xf32, #tpu.memory_space<hbm>>
        %dma_wait3A_135 = arith.constant 0 : i32
        %dma_wait3A_136 = arith.constant 0 : i32
        %dma_wait3A_137 = tpu.memref_slice %arg9[%dma_wait3A_135, %dma_wait3A_136] : memref<64x256xf32, #tpu.memory_space<vmem>> -> memref<64x256xf32, #tpu.memory_space<vmem>>
        %dma_wait3A_138 = arith.constant 0 : i32
        %dma_wait3A_139 = tpu.memref_slice %arg4[%add3A_41, %dma_wait3A_138] : memref<160000x256xf32, #tpu.memory_space<hbm>> -> memref<64x256xf32, #tpu.memory_space<hbm>>
        tpu.wait_dma2 semaphore(%run_scoped3A : memref<!tpu.dma_semaphore, #tpu.memory_space<semaphore_mem>>) src(%dma_wait3A_139 : memref<64x256xf32, #tpu.memory_space<hbm>>) dst(%dma_wait3A_137 : memref<64x256xf32, #tpu.memory_space<vmem>>)
        tpu.yield
      }) : () -> ()
      "tpu.region"() ({
        %run_scoped3A = tpu.sem_alloc : memref<!tpu.dma_semaphore, #tpu.memory_space<semaphore_mem>>
        %dma_start3A = arith.constant 0 : i32
        %dma_start3A_122 = arith.constant 0 : i32
        %dma_start3A_123 = tpu.memref_slice %arg9[%dma_start3A, %dma_start3A_122] : memref<64x256xf32, #tpu.memory_space<vmem>> -> memref<64x256xf32, #tpu.memory_space<vmem>>
        %dma_start3A_124 = arith.constant 0 : i32
        %dma_start3A_125 = arith.constant 0 : i32
        %dma_start3A_126 = tpu.memref_slice %arg7[%dma_start3A_124, %dma_start3A_125] : memref<5120x256xf32, #tpu.memory_space<vmem_shared>> -> memref<5120x256xf32, #tpu.memory_space<vmem_shared>>
        tpu.enqueue_indirect_dma source(%dma_start3A_123 : memref<64x256xf32, #tpu.memory_space<vmem>>) target(%dma_start3A_126 : memref<5120x256xf32, #tpu.memory_space<vmem_shared>>) offsets(%arg13 : memref<64xi32, #tpu.memory_space<vmem>>) semaphore(%run_scoped3A : memref<!tpu.dma_semaphore, #tpu.memory_space<semaphore_mem>>) {add = true}
        %dma_wait3A = arith.constant 0 : i32
        %dma_wait3A_127 = arith.constant 0 : i32
        %dma_wait3A_128 = tpu.memref_slice %arg9[%dma_wait3A, %dma_wait3A_127] : memref<64x256xf32, #tpu.memory_space<vmem>> -> memref<64x256xf32, #tpu.memory_space<vmem>>
        %dma_wait3A_129 = arith.constant 0 : i32
        %dma_wait3A_130 = arith.constant 0 : i32
        %dma_wait3A_131 = tpu.memref_slice %arg7[%dma_wait3A_129, %dma_wait3A_130] : memref<5120x256xf32, #tpu.memory_space<vmem_shared>> -> memref<5120x256xf32, #tpu.memory_space<vmem_shared>>
        tpu.wait_indirect_dma semaphore(%run_scoped3A : memref<!tpu.dma_semaphore, #tpu.memory_space<semaphore_mem>>) src(%dma_wait3A_128 : memref<64x256xf32, #tpu.memory_space<vmem>>) dst(%dma_wait3A_131 : memref<5120x256xf32, #tpu.memory_space<vmem_shared>>)
        tpu.yield
      }) : () -> ()
      "tpu.region"() ({
        %run_scoped3A = tpu.sem_alloc : memref<!tpu.dma_semaphore, #tpu.memory_space<semaphore_mem>>
        %dma_start3A = arith.constant 0 : i32
        %dma_start3A_122 = arith.constant 0 : i32
        %dma_start3A_123 = tpu.memref_slice %arg15[%dma_start3A, %dma_start3A_122] : memref<64x16xf32, #tpu.memory_space<vmem>> -> memref<64x16xf32, #tpu.memory_space<vmem>>
        %dma_start3A_124 = arith.constant 0 : i32
        %dma_start3A_125 = arith.constant 0 : i32
        %dma_start3A_126 = tpu.memref_slice %arg8[%dma_start3A_124, %dma_start3A_125] : memref<5120x16xf32, #tpu.memory_space<vmem_shared>> -> memref<5120x16xf32, #tpu.memory_space<vmem_shared>>
        tpu.enqueue_indirect_dma source(%dma_start3A_123 : memref<64x16xf32, #tpu.memory_space<vmem>>) target(%dma_start3A_126 : memref<5120x16xf32, #tpu.memory_space<vmem_shared>>) offsets(%arg13 : memref<64xi32, #tpu.memory_space<vmem>>) semaphore(%run_scoped3A : memref<!tpu.dma_semaphore, #tpu.memory_space<semaphore_mem>>) {add = true}
        %dma_wait3A = arith.constant 0 : i32
        %dma_wait3A_127 = arith.constant 0 : i32
        %dma_wait3A_128 = tpu.memref_slice %arg15[%dma_wait3A, %dma_wait3A_127] : memref<64x16xf32, #tpu.memory_space<vmem>> -> memref<64x16xf32, #tpu.memory_space<vmem>>
        %dma_wait3A_129 = arith.constant 0 : i32
        %dma_wait3A_130 = arith.constant 0 : i32
        %dma_wait3A_131 = tpu.memref_slice %arg8[%dma_wait3A_129, %dma_wait3A_130] : memref<5120x16xf32, #tpu.memory_space<vmem_shared>> -> memref<5120x16xf32, #tpu.memory_space<vmem_shared>>
        tpu.wait_indirect_dma semaphore(%run_scoped3A : memref<!tpu.dma_semaphore, #tpu.memory_space<semaphore_mem>>) src(%dma_wait3A_128 : memref<64x16xf32, #tpu.memory_space<vmem>>) dst(%dma_wait3A_131 : memref<5120x16xf32, #tpu.memory_space<vmem_shared>>)
        tpu.yield
      }) : () -> ()
    }
    %scan3A_19 = arith.constant 156 : i32
    %add3A = arith.constant 9984 : i32
    %add3A_20 = arith.addi %mul3A_0, %add3A : i32
    "tpu.region"() ({
      %run_scoped3A = tpu.sem_alloc : memref<!tpu.dma_semaphore, #tpu.memory_space<semaphore_mem>>
      %dma_start3A = arith.constant 0 : i32
      %dma_start3A_34 = tpu.memref_slice %arg11[%dma_start3A] : memref<64xi32, #tpu.memory_space<vmem>> -> memref<16xi32, #tpu.memory_space<vmem>>
      %dma_start3A_35 = tpu.memref_slice %arg2[%add3A_20] : memref<160000xi32, #tpu.memory_space<hbm>> -> memref<16xi32, #tpu.memory_space<hbm>>
      %dma_start3A_36 = arith.constant 0 : i32
      %dma_start3A_37 = tpu.memref_slice %arg11[%dma_start3A_36] : memref<64xi32, #tpu.memory_space<vmem>> -> memref<16xi32, #tpu.memory_space<vmem>>
      %dma_start3A_38 = tpu.memref_slice %arg2[%add3A_20] : memref<160000xi32, #tpu.memory_space<hbm>> -> memref<16xi32, #tpu.memory_space<hbm>>
      tpu.enqueue_dma source(%dma_start3A_38 : memref<16xi32, #tpu.memory_space<hbm>>) target(%dma_start3A_37 : memref<16xi32, #tpu.memory_space<vmem>>) target_semaphore(%run_scoped3A : memref<!tpu.dma_semaphore, #tpu.memory_space<semaphore_mem>>)
      %dma_wait3A = arith.constant 0 : i32
      %dma_wait3A_39 = tpu.memref_slice %arg11[%dma_wait3A] : memref<64xi32, #tpu.memory_space<vmem>> -> memref<16xi32, #tpu.memory_space<vmem>>
      %dma_wait3A_40 = tpu.memref_slice %arg2[%add3A_20] : memref<160000xi32, #tpu.memory_space<hbm>> -> memref<16xi32, #tpu.memory_space<hbm>>
      %dma_wait3A_41 = arith.constant 0 : i32
      %dma_wait3A_42 = tpu.memref_slice %arg11[%dma_wait3A_41] : memref<64xi32, #tpu.memory_space<vmem>> -> memref<16xi32, #tpu.memory_space<vmem>>
      %dma_wait3A_43 = tpu.memref_slice %arg2[%add3A_20] : memref<160000xi32, #tpu.memory_space<hbm>> -> memref<16xi32, #tpu.memory_space<hbm>>
      tpu.wait_dma2 semaphore(%run_scoped3A : memref<!tpu.dma_semaphore, #tpu.memory_space<semaphore_mem>>) src(%dma_wait3A_43 : memref<16xi32, #tpu.memory_space<hbm>>) dst(%dma_wait3A_42 : memref<16xi32, #tpu.memory_space<vmem>>)
      tpu.yield
    }) : () -> ()
    "tpu.region"() ({
      %run_scoped3A = tpu.sem_alloc : memref<!tpu.dma_semaphore, #tpu.memory_space<semaphore_mem>>
      %dma_start3A = arith.constant 0 : i32
      %dma_start3A_34 = tpu.memref_slice %arg12[%dma_start3A] : memref<64xf32, #tpu.memory_space<vmem>> -> memref<16xf32, #tpu.memory_space<vmem>>
      %dma_start3A_35 = tpu.memref_slice %arg3[%add3A_20] : memref<160000xf32, #tpu.memory_space<hbm>> -> memref<16xf32, #tpu.memory_space<hbm>>
      %dma_start3A_36 = arith.constant 0 : i32
      %dma_start3A_37 = tpu.memref_slice %arg12[%dma_start3A_36] : memref<64xf32, #tpu.memory_space<vmem>> -> memref<16xf32, #tpu.memory_space<vmem>>
      %dma_start3A_38 = tpu.memref_slice %arg3[%add3A_20] : memref<160000xf32, #tpu.memory_space<hbm>> -> memref<16xf32, #tpu.memory_space<hbm>>
      tpu.enqueue_dma source(%dma_start3A_38 : memref<16xf32, #tpu.memory_space<hbm>>) target(%dma_start3A_37 : memref<16xf32, #tpu.memory_space<vmem>>) target_semaphore(%run_scoped3A : memref<!tpu.dma_semaphore, #tpu.memory_space<semaphore_mem>>)
      %dma_wait3A = arith.constant 0 : i32
      %dma_wait3A_39 = tpu.memref_slice %arg12[%dma_wait3A] : memref<64xf32, #tpu.memory_space<vmem>> -> memref<16xf32, #tpu.memory_space<vmem>>
      %dma_wait3A_40 = tpu.memref_slice %arg3[%add3A_20] : memref<160000xf32, #tpu.memory_space<hbm>> -> memref<16xf32, #tpu.memory_space<hbm>>
      %dma_wait3A_41 = arith.constant 0 : i32
      %dma_wait3A_42 = tpu.memref_slice %arg12[%dma_wait3A_41] : memref<64xf32, #tpu.memory_space<vmem>> -> memref<16xf32, #tpu.memory_space<vmem>>
      %dma_wait3A_43 = tpu.memref_slice %arg3[%add3A_20] : memref<160000xf32, #tpu.memory_space<hbm>> -> memref<16xf32, #tpu.memory_space<hbm>>
      tpu.wait_dma2 semaphore(%run_scoped3A : memref<!tpu.dma_semaphore, #tpu.memory_space<semaphore_mem>>) src(%dma_wait3A_43 : memref<16xf32, #tpu.memory_space<hbm>>) dst(%dma_wait3A_42 : memref<16xf32, #tpu.memory_space<vmem>>)
      tpu.yield
    }) : () -> ()
    %get3A = arith.constant 0 : index
    %get3A_21 = tpu.vector_load %arg11[%get3A] {strides = array<i32>} : memref<64xi32, #tpu.memory_space<vmem>>, vector<16xi32>,
    %get3A_22 = arith.constant 0 : index
    %get3A_23 = tpu.vector_load %arg12[%get3A_22] {strides = array<i32>} : memref<64xf32, #tpu.memory_space<vmem>>, vector<16xf32>,
    %sub3A = vector.broadcast %mul3A_2 : i32 to vector<16xi32>
    %sub3A_24 = arith.subi %get3A_21, %sub3A : vector<16xi32>
    %ge3A = arith.constant 0 : i32
    %ge3A_25 = vector.broadcast %ge3A : i32 to vector<16xi32>
    %ge3A_26 = arith.cmpi sge, %sub3A_24, %ge3A_25 : vector<16xi32>
    %lt3A = arith.constant 5000 : i32
    %lt3A_27 = vector.broadcast %lt3A : i32 to vector<16xi32>
    %lt3A_28 = arith.cmpi slt, %sub3A_24, %lt3A_27 : vector<16xi32>
    %and3A = arith.andi %ge3A_26, %lt3A_28 : vector<16xi1>
    %gt3A = arith.constant 0.000000e+00 : f32
    %gt3A_29 = vector.broadcast %gt3A : f32 to vector<16xf32>
    %gt3A_30 = arith.cmpf ogt, %get3A_23, %gt3A_29 : vector<16xf32>
    %and3A_31 = arith.andi %and3A, %gt3A_30 : vector<16xi1>
    %select_n3A = arith.select %and3A_31, %sub3A_24, %broadcast_in_dim3A_14 : vector<16xi1>, vector<16xi32>
    %swap3A = arith.constant 0 : index
    %swap3A_32 = tpu.vector_load %arg14[%swap3A] {strides = array<i32>} : memref<16xi32, #tpu.memory_space<vmem>>, vector<16xi32>,
    tpu.vector_store %arg14[%swap3A], %select_n3A {strides = array<i32>} : memref<16xi32, #tpu.memory_space<vmem>>, vector<16xi32>,
    "tpu.region"() ({
      %run_scoped3A = tpu.sem_alloc : memref<!tpu.dma_semaphore, #tpu.memory_space<semaphore_mem>>
      %dma_start3A = arith.constant 0 : i32
      %dma_start3A_34 = arith.constant 0 : i32
      %dma_start3A_35 = tpu.memref_slice %arg9[%dma_start3A, %dma_start3A_34] : memref<64x256xf32, #tpu.memory_space<vmem>> -> memref<16x256xf32, #tpu.memory_space<vmem>>
      %dma_start3A_36 = arith.constant 0 : i32
      %dma_start3A_37 = tpu.memref_slice %arg4[%add3A_20, %dma_start3A_36] : memref<160000x256xf32, #tpu.memory_space<hbm>> -> memref<16x256xf32, #tpu.memory_space<hbm>>
      %dma_start3A_38 = arith.constant 0 : i32
      %dma_start3A_39 = arith.constant 0 : i32
      %dma_start3A_40 = tpu.memref_slice %arg9[%dma_start3A_38, %dma_start3A_39] : memref<64x256xf32, #tpu.memory_space<vmem>> -> memref<16x256xf32, #tpu.memory_space<vmem>>
      %dma_start3A_41 = arith.constant 0 : i32
      %dma_start3A_42 = tpu.memref_slice %arg4[%add3A_20, %dma_start3A_41] : memref<160000x256xf32, #tpu.memory_space<hbm>> -> memref<16x256xf32, #tpu.memory_space<hbm>>
      tpu.enqueue_dma source(%dma_start3A_42 : memref<16x256xf32, #tpu.memory_space<hbm>>) target(%dma_start3A_40 : memref<16x256xf32, #tpu.memory_space<vmem>>) target_semaphore(%run_scoped3A : memref<!tpu.dma_semaphore, #tpu.memory_space<semaphore_mem>>)
      %dma_wait3A = arith.constant 0 : i32
      %dma_wait3A_43 = arith.constant 0 : i32
      %dma_wait3A_44 = tpu.memref_slice %arg9[%dma_wait3A, %dma_wait3A_43] : memref<64x256xf32, #tpu.memory_space<vmem>> -> memref<16x256xf32, #tpu.memory_space<vmem>>
      %dma_wait3A_45 = arith.constant 0 : i32
      %dma_wait3A_46 = tpu.memref_slice %arg4[%add3A_20, %dma_wait3A_45] : memref<160000x256xf32, #tpu.memory_space<hbm>> -> memref<16x256xf32, #tpu.memory_space<hbm>>
      %dma_wait3A_47 = arith.constant 0 : i32
      %dma_wait3A_48 = arith.constant 0 : i32
      %dma_wait3A_49 = tpu.memref_slice %arg9[%dma_wait3A_47, %dma_wait3A_48] : memref<64x256xf32, #tpu.memory_space<vmem>> -> memref<16x256xf32, #tpu.memory_space<vmem>>
      %dma_wait3A_50 = arith.constant 0 : i32
      %dma_wait3A_51 = tpu.memref_slice %arg4[%add3A_20, %dma_wait3A_50] : memref<160000x256xf32, #tpu.memory_space<hbm>> -> memref<16x256xf32, #tpu.memory_space<hbm>>
      tpu.wait_dma2 semaphore(%run_scoped3A : memref<!tpu.dma_semaphore, #tpu.memory_space<semaphore_mem>>) src(%dma_wait3A_51 : memref<16x256xf32, #tpu.memory_space<hbm>>) dst(%dma_wait3A_49 : memref<16x256xf32, #tpu.memory_space<vmem>>)
      tpu.yield
    }) : () -> ()
    "tpu.region"() ({
      %run_scoped3A = tpu.sem_alloc : memref<!tpu.dma_semaphore, #tpu.memory_space<semaphore_mem>>
      %dma_start3A = arith.constant 0 : i32
      %dma_start3A_34 = arith.constant 0 : i32
      %dma_start3A_35 = tpu.memref_slice %arg9[%dma_start3A, %dma_start3A_34] : memref<64x256xf32, #tpu.memory_space<vmem>> -> memref<16x256xf32, #tpu.memory_space<vmem>>
      %dma_start3A_36 = arith.constant 0 : i32
      %dma_start3A_37 = arith.constant 0 : i32
      %dma_start3A_38 = tpu.memref_slice %arg7[%dma_start3A_36, %dma_start3A_37] : memref<5120x256xf32, #tpu.memory_space<vmem_shared>> -> memref<5120x256xf32, #tpu.memory_space<vmem_shared>>
      tpu.enqueue_indirect_dma source(%dma_start3A_35 : memref<16x256xf32, #tpu.memory_space<vmem>>) target(%dma_start3A_38 : memref<5120x256xf32, #tpu.memory_space<vmem_shared>>) offsets(%arg14 : memref<16xi32, #tpu.memory_space<vmem>>) semaphore(%run_scoped3A : memref<!tpu.dma_semaphore, #tpu.memory_space<semaphore_mem>>) {add = true}
      %dma_wait3A = arith.constant 0 : i32
      %dma_wait3A_39 = arith.constant 0 : i32
      %dma_wait3A_40 = tpu.memref_slice %arg9[%dma_wait3A, %dma_wait3A_39] : memref<64x256xf32, #tpu.memory_space<vmem>> -> memref<16x256xf32, #tpu.memory_space<vmem>>
      %dma_wait3A_41 = arith.constant 0 : i32
      %dma_wait3A_42 = arith.constant 0 : i32
      %dma_wait3A_43 = tpu.memref_slice %arg7[%dma_wait3A_41, %dma_wait3A_42] : memref<5120x256xf32, #tpu.memory_space<vmem_shared>> -> memref<5120x256xf32, #tpu.memory_space<vmem_shared>>
      tpu.wait_indirect_dma semaphore(%run_scoped3A : memref<!tpu.dma_semaphore, #tpu.memory_space<semaphore_mem>>) src(%dma_wait3A_40 : memref<16x256xf32, #tpu.memory_space<vmem>>) dst(%dma_wait3A_43 : memref<5120x256xf32, #tpu.memory_space<vmem_shared>>)
      tpu.yield
    }) : () -> ()
    "tpu.region"() ({
      %run_scoped3A = tpu.sem_alloc : memref<!tpu.dma_semaphore, #tpu.memory_space<semaphore_mem>>
      %dma_start3A = arith.constant 0 : i32
      %dma_start3A_34 = arith.constant 0 : i32
      %dma_start3A_35 = tpu.memref_slice %arg15[%dma_start3A, %dma_start3A_34] : memref<64x16xf32, #tpu.memory_space<vmem>> -> memref<16x16xf32, #tpu.memory_space<vmem>>
      %dma_start3A_36 = arith.constant 0 : i32
      %dma_start3A_37 = arith.constant 0 : i32
      %dma_start3A_38 = tpu.memref_slice %arg8[%dma_start3A_36, %dma_start3A_37] : memref<5120x16xf32, #tpu.memory_space<vmem_shared>> -> memref<5120x16xf32, #tpu.memory_space<vmem_shared>>
      tpu.enqueue_indirect_dma source(%dma_start3A_35 : memref<16x16xf32, #tpu.memory_space<vmem>>) target(%dma_start3A_38 : memref<5120x16xf32, #tpu.memory_space<vmem_shared>>) offsets(%arg14 : memref<16xi32, #tpu.memory_space<vmem>>) semaphore(%run_scoped3A : memref<!tpu.dma_semaphore, #tpu.memory_space<semaphore_mem>>) {add = true}
      %dma_wait3A = arith.constant 0 : i32
      %dma_wait3A_39 = arith.constant 0 : i32
      %dma_wait3A_40 = tpu.memref_slice %arg15[%dma_wait3A, %dma_wait3A_39] : memref<64x16xf32, #tpu.memory_space<vmem>> -> memref<16x16xf32, #tpu.memory_space<vmem>>
      %dma_wait3A_41 = arith.constant 0 : i32
      %dma_wait3A_42 = arith.constant 0 : i32
      %dma_wait3A_43 = tpu.memref_slice %arg8[%dma_wait3A_41, %dma_wait3A_42] : memref<5120x16xf32, #tpu.memory_space<vmem_shared>> -> memref<5120x16xf32, #tpu.memory_space<vmem_shared>>
      tpu.wait_indirect_dma semaphore(%run_scoped3A : memref<!tpu.dma_semaphore, #tpu.memory_space<semaphore_mem>>) src(%dma_wait3A_40 : memref<16x16xf32, #tpu.memory_space<vmem>>) dst(%dma_wait3A_43 : memref<5120x16xf32, #tpu.memory_space<vmem_shared>>)
      tpu.yield
    }) : () -> ()
    %barrier3A_33 = arith.constant 0 : index
    tpu.barrier barrier_id(%barrier3A_33)
    "tpu.region"() ({
      %run_scoped3A = tpu.sem_alloc : memref<!tpu.dma_semaphore, #tpu.memory_space<semaphore_mem>>
      %dma_start3A = arith.constant 0 : i32
      %dma_start3A_34 = tpu.memref_slice %arg5[%arg0, %mul3A_8, %dma_start3A] : memref<2x5120x256xf32, #tpu.memory_space<hbm>> -> memref<1x320x256xf32, #tpu.memory_space<hbm>>
      %dma_start3A_35 = tpu.memref_squeeze %dma_start3A_34 : memref<1x320x256xf32, #tpu.memory_space<hbm>> -> memref<320x256xf32, #tpu.memory_space<hbm>>
      %dma_start3A_36 = arith.constant 0 : i32
      %dma_start3A_37 = tpu.memref_slice %arg7[%mul3A_8, %dma_start3A_36] : memref<5120x256xf32, #tpu.memory_space<vmem_shared>> -> memref<320x256xf32, #tpu.memory_space<vmem_shared>>
      tpu.enqueue_dma source(%dma_start3A_37 : memref<320x256xf32, #tpu.memory_space<vmem_shared>>) target(%dma_start3A_35 : memref<320x256xf32, #tpu.memory_space<hbm>>) target_semaphore(%run_scoped3A : memref<!tpu.dma_semaphore, #tpu.memory_space<semaphore_mem>>)
      %dma_wait3A = arith.constant 0 : i32
      %dma_wait3A_38 = tpu.memref_slice %arg5[%arg0, %mul3A_8, %dma_wait3A] : memref<2x5120x256xf32, #tpu.memory_space<hbm>> -> memref<1x320x256xf32, #tpu.memory_space<hbm>>
      %dma_wait3A_39 = tpu.memref_squeeze %dma_wait3A_38 : memref<1x320x256xf32, #tpu.memory_space<hbm>> -> memref<320x256xf32, #tpu.memory_space<hbm>>
      %dma_wait3A_40 = arith.constant 0 : i32
      %dma_wait3A_41 = tpu.memref_slice %arg7[%mul3A_8, %dma_wait3A_40] : memref<5120x256xf32, #tpu.memory_space<vmem_shared>> -> memref<320x256xf32, #tpu.memory_space<vmem_shared>>
      tpu.wait_dma2 semaphore(%run_scoped3A : memref<!tpu.dma_semaphore, #tpu.memory_space<semaphore_mem>>) src(%dma_wait3A_41 : memref<320x256xf32, #tpu.memory_space<vmem_shared>>) dst(%dma_wait3A_39 : memref<320x256xf32, #tpu.memory_space<hbm>>)
      tpu.yield
    }) : () -> ()
    "tpu.region"() ({
      %run_scoped3A = tpu.sem_alloc : memref<!tpu.dma_semaphore, #tpu.memory_space<semaphore_mem>>
      %dma_start3A = arith.constant 0 : i32
      %dma_start3A_34 = tpu.memref_slice %arg6[%arg0, %mul3A_8, %dma_start3A] : memref<2x5120x16xf32, #tpu.memory_space<hbm>> -> memref<1x320x16xf32, #tpu.memory_space<hbm>>
      %dma_start3A_35 = tpu.memref_squeeze %dma_start3A_34 : memref<1x320x16xf32, #tpu.memory_space<hbm>> -> memref<320x16xf32, #tpu.memory_space<hbm>>
      %dma_start3A_36 = arith.constant 0 : i32
      %dma_start3A_37 = tpu.memref_slice %arg8[%mul3A_8, %dma_start3A_36] : memref<5120x16xf32, #tpu.memory_space<vmem_shared>> -> memref<320x16xf32, #tpu.memory_space<vmem_shared>>
      tpu.enqueue_dma source(%dma_start3A_37 : memref<320x16xf32, #tpu.memory_space<vmem_shared>>) target(%dma_start3A_35 : memref<320x16xf32, #tpu.memory_space<hbm>>) target_semaphore(%run_scoped3A : memref<!tpu.dma_semaphore, #tpu.memory_space<semaphore_mem>>)
      %dma_wait3A = arith.constant 0 : i32
      %dma_wait3A_38 = tpu.memref_slice %arg6[%arg0, %mul3A_8, %dma_wait3A] : memref<2x5120x16xf32, #tpu.memory_space<hbm>> -> memref<1x320x16xf32, #tpu.memory_space<hbm>>
      %dma_wait3A_39 = tpu.memref_squeeze %dma_wait3A_38 : memref<1x320x16xf32, #tpu.memory_space<hbm>> -> memref<320x16xf32, #tpu.memory_space<hbm>>
      %dma_wait3A_40 = arith.constant 0 : i32
      %dma_wait3A_41 = tpu.memref_slice %arg8[%mul3A_8, %dma_wait3A_40] : memref<5120x16xf32, #tpu.memory_space<vmem_shared>> -> memref<320x16xf32, #tpu.memory_space<vmem_shared>>
      tpu.wait_dma2 semaphore(%run_scoped3A : memref<!tpu.dma_semaphore, #tpu.memory_space<semaphore_mem>>) src(%dma_wait3A_41 : memref<320x16xf32, #tpu.memory_space<vmem_shared>>) dst(%dma_wait3A_39 : memref<320x16xf32, #tpu.memory_space<hbm>>)
      tpu.yield
    }) : () -> ()
    return
  }
}

module attributes {stable_mosaic.version = 14 : i64} {
  func.func @_tc0_body(%arg0: i32, %arg1: memref<1000x256xf32, #tpu.memory_space<vmem>>, %arg2: memref<256x128xf32, #tpu.memory_space<vmem>>, %arg3: memref<1x128xf32, #tpu.memory_space<vmem>>, %arg4: memref<128x1xf32, #tpu.memory_space<vmem>>, %arg5: memref<1x1xf32, #tpu.memory_space<vmem>>, %arg6: memref<512x256xf32, #tpu.memory_space<vmem>>, %arg7: memref<1000x16xf32, #tpu.memory_space<vmem>>, %arg8: memref<1000x256xf32, #tpu.memory_space<vmem>>, %arg9: memref<1000x256xf32, #tpu.memory_space<vmem>>) attributes {dimension_semantics = [#tpu.dimension_semantics<arbitrary>], iteration_bounds = array<i64: 10>, scalar_prefetch = 0 : i64, scratch_operands = 0 : i64, tpu.core_type = #tpu.core_type<tc>, window_params = [{transform_indices = @transform_0, window_bounds = array<i64: 1000, 256>}, {pipeline_mode = #tpu.pipeline_mode<synchronous>, transform_indices = @transform_1, window_bounds = array<i64: 256, 128>}, {pipeline_mode = #tpu.pipeline_mode<synchronous>, transform_indices = @transform_2, window_bounds = array<i64: 1, 128>}, {pipeline_mode = #tpu.pipeline_mode<synchronous>, transform_indices = @transform_3, window_bounds = array<i64: 128, 1>}, {pipeline_mode = #tpu.pipeline_mode<synchronous>, transform_indices = @transform_4, window_bounds = array<i64: 1, 1>}, {pipeline_mode = #tpu.pipeline_mode<synchronous>, transform_indices = @transform_5, window_bounds = array<i64: 512, 256>}, {transform_indices = @transform_6, window_bounds = array<i64: 1000, 16>}, {transform_indices = @transform_7, window_bounds = array<i64: 1000, 256>}, {transform_indices = @transform_8, window_bounds = array<i64: 1000, 256>}]} {
    %get3A = arith.constant 0 : index
    %get3A_0 = arith.constant 0 : index
    %get3A_1 = vector.load %arg1[%get3A, %get3A_0] : memref<1000x256xf32, #tpu.memory_space<vmem>>, vector<1000x256xf32>
    %get3A_2 = arith.constant 0 : index
    %get3A_3 = arith.constant 0 : index
    %get3A_4 = vector.load %arg2[%get3A_2, %get3A_3] : memref<256x128xf32, #tpu.memory_space<vmem>>, vector<256x128xf32>
    %dot_general3A = arith.constant dense<0.000000e+00> : vector<1000x128xf32>
    %dot_general3A_5 = tpu.matmul %get3A_1, %get3A_4, %dot_general3A {dimension_numbers = #tpu.dot_dimension_numbers<[1], [0], [0], [1], [0, 0, 1, 1], [], []>, transpose_lhs_hint = false} : vector<1000x256xf32>, vector<256x128xf32>, vector<1000x128xf32> -> vector<1000x128xf32>
    %get3A_6 = arith.constant 0 : index
    %get3A_7 = arith.constant 0 : index
    %get3A_8 = vector.load %arg3[%get3A_6, %get3A_7] : memref<1x128xf32, #tpu.memory_space<vmem>>, vector<1x128xf32>
    %add3A = vector.broadcast %get3A_8 : vector<1x128xf32> to vector<1000x128xf32>
    %add3A_9 = arith.addf %dot_general3A_5, %add3A : vector<1000x128xf32>
    %max3A = arith.constant 0.000000e+00 : f32
    %max3A_10 = vector.broadcast %max3A : f32 to vector<1000x128xf32>
    %max3A_11 = arith.maximumf %add3A_9, %max3A_10 : vector<1000x128xf32>
    %get3A_12 = arith.constant 0 : index
    %get3A_13 = arith.constant 0 : index
    %get3A_14 = vector.load %arg4[%get3A_12, %get3A_13] : memref<128x1xf32, #tpu.memory_space<vmem>>, vector<128x1xf32>
    %dot_general3A_15 = arith.constant dense<0.000000e+00> : vector<1000x1xf32>
    %dot_general3A_16 = tpu.matmul %max3A_11, %get3A_14, %dot_general3A_15 {dimension_numbers = #tpu.dot_dimension_numbers<[1], [0], [0], [1], [0, 0, 1, 1], [], []>, transpose_lhs_hint = false} : vector<1000x128xf32>, vector<128x1xf32>, vector<1000x1xf32> -> vector<1000x1xf32>
    %get3A_17 = arith.constant 0 : index
    %get3A_18 = arith.constant 0 : index
    %get3A_19 = vector.load %arg5[%get3A_17, %get3A_18] : memref<1x1xf32, #tpu.memory_space<vmem>>, vector<1x1xf32>
    %add3A_20 = vector.broadcast %get3A_19 : vector<1x1xf32> to vector<1000x1xf32>
    %add3A_21 = arith.addf %dot_general3A_16, %add3A_20 : vector<1000x1xf32>
    %broadcast_in_dim3A = vector.shape_cast %add3A_21 : vector<1000x1xf32> to vector<1000x1xf32>
    %broadcast_in_dim3A_22 = vector.broadcast %broadcast_in_dim3A : vector<1000x1xf32> to vector<1000x16xf32>
    %swap3A = arith.constant 0 : index
    %swap3A_23 = arith.constant 0 : index
    %swap3A_24 = vector.load %arg7[%swap3A, %swap3A_23] : memref<1000x16xf32, #tpu.memory_space<vmem>>, vector<1000x16xf32>
    tpu.vector_store %arg7[%swap3A, %swap3A_23], %broadcast_in_dim3A_22 {strides = array<i32>} : memref<1000x16xf32, #tpu.memory_space<vmem>>, vector<1000x16xf32>,
    %get3A_25 = arith.constant 0 : index
    %get3A_26 = arith.constant 0 : index
    %get3A_27 = vector.load %arg6[%get3A_25, %get3A_26] : memref<512x256xf32, #tpu.memory_space<vmem>>, vector<256x256xf32>
    %dot_general3A_28 = arith.constant dense<0.000000e+00> : vector<1000x256xf32>
    %dot_general3A_29 = tpu.matmul %get3A_1, %get3A_27, %dot_general3A_28 {dimension_numbers = #tpu.dot_dimension_numbers<[1], [0], [0], [1], [0, 0, 1, 1], [], []>, transpose_lhs_hint = false} : vector<1000x256xf32>, vector<256x256xf32>, vector<1000x256xf32> -> vector<1000x256xf32>
    %swap3A_30 = arith.constant 0 : index
    %swap3A_31 = arith.constant 0 : index
    %swap3A_32 = vector.load %arg8[%swap3A_30, %swap3A_31] : memref<1000x256xf32, #tpu.memory_space<vmem>>, vector<1000x256xf32>
    tpu.vector_store %arg8[%swap3A_30, %swap3A_31], %dot_general3A_29 {strides = array<i32>} : memref<1000x256xf32, #tpu.memory_space<vmem>>, vector<1000x256xf32>,
    %get3A_33 = arith.constant 256 : index
    %get3A_34 = arith.constant 0 : index
    %get3A_35 = vector.load %arg6[%get3A_33, %get3A_34] : memref<512x256xf32, #tpu.memory_space<vmem>>, vector<256x256xf32>
    %dot_general3A_36 = arith.constant dense<0.000000e+00> : vector<1000x256xf32>
    %dot_general3A_37 = tpu.matmul %get3A_1, %get3A_35, %dot_general3A_36 {dimension_numbers = #tpu.dot_dimension_numbers<[1], [0], [0], [1], [0, 0, 1, 1], [], []>, transpose_lhs_hint = false} : vector<1000x256xf32>, vector<256x256xf32>, vector<1000x256xf32> -> vector<1000x256xf32>
    %swap3A_38 = arith.constant 0 : index
    %swap3A_39 = arith.constant 0 : index
    %swap3A_40 = vector.load %arg9[%swap3A_38, %swap3A_39] : memref<1000x256xf32, #tpu.memory_space<vmem>>, vector<1000x256xf32>
    tpu.vector_store %arg9[%swap3A_38, %swap3A_39], %dot_general3A_37 {strides = array<i32>} : memref<1000x256xf32, #tpu.memory_space<vmem>>, vector<1000x256xf32>,
    return
  }
  func.func @transform_0(%arg0: i32) -> (i32, i32) {
    %c0_i32 = arith.constant 0 : i32
    %c0_i32_0 = arith.constant 0 : i32
    return %arg0, %c0_i32 : i32, i32
  }
  func.func @transform_1(%arg0: i32) -> (i32, i32) {
    %c0_i32 = arith.constant 0 : i32
    %c0_i32_0 = arith.constant 0 : i32
    %c0_i32_1 = arith.constant 0 : i32
    return %c0_i32, %c0_i32_0 : i32, i32
  }
  func.func @transform_2(%arg0: i32) -> (i32, i32) {
    %c0_i32 = arith.constant 0 : i32
    %c0_i32_0 = arith.constant 0 : i32
    %c0_i32_1 = arith.constant 0 : i32
    return %c0_i32, %c0_i32_0 : i32, i32
  }
  func.func @transform_3(%arg0: i32) -> (i32, i32) {
    %c0_i32 = arith.constant 0 : i32
    %c0_i32_0 = arith.constant 0 : i32
    %c0_i32_1 = arith.constant 0 : i32
    return %c0_i32, %c0_i32_0 : i32, i32
  }
  func.func @transform_4(%arg0: i32) -> (i32, i32) {
    %c0_i32 = arith.constant 0 : i32
    %c0_i32_0 = arith.constant 0 : i32
    %c0_i32_1 = arith.constant 0 : i32
    return %c0_i32, %c0_i32_0 : i32, i32
  }
  func.func @transform_5(%arg0: i32) -> (i32, i32) {
    %c0_i32 = arith.constant 0 : i32
    %c0_i32_0 = arith.constant 0 : i32
    %c0_i32_1 = arith.constant 0 : i32
    return %c0_i32, %c0_i32_0 : i32, i32
  }
  func.func @transform_6(%arg0: i32) -> (i32, i32) {
    %c0_i32 = arith.constant 0 : i32
    %c0_i32_0 = arith.constant 0 : i32
    return %arg0, %c0_i32 : i32, i32
  }
  func.func @transform_7(%arg0: i32) -> (i32, i32) {
    %c0_i32 = arith.constant 0 : i32
    %c0_i32_0 = arith.constant 0 : i32
    return %arg0, %c0_i32 : i32, i32
  }
  func.func @transform_8(%arg0: i32) -> (i32, i32) {
    %c0_i32 = arith.constant 0 : i32
    %c0_i32_0 = arith.constant 0 : i32
    return %arg0, %c0_i32 : i32, i32
  }
}

module attributes {stable_mosaic.version = 14 : i64} {
  func.func @_tcb_body(%arg0: i32, %arg1: memref<2000x256xf32, #tpu.memory_space<vmem>>, %arg2: memref<2000x256xf32, #tpu.memory_space<vmem>>, %arg3: memref<1x256xf32, #tpu.memory_space<vmem>>, %arg4: memref<1x256xf32, #tpu.memory_space<vmem>>, %arg5: memref<1x256xf32, #tpu.memory_space<vmem>>, %arg6: memref<256x256xf32, #tpu.memory_space<vmem>>, %arg7: memref<1x256xf32, #tpu.memory_space<vmem>>, %arg8: memref<2000x256xf32, #tpu.memory_space<vmem>>) attributes {dimension_semantics = [#tpu.dimension_semantics<arbitrary>], iteration_bounds = array<i64: 80>, scalar_prefetch = 0 : i64, scratch_operands = 0 : i64, tpu.core_type = #tpu.core_type<tc>, window_params = [{transform_indices = @transform_0, window_bounds = array<i64: 2000, 256>}, {transform_indices = @transform_1, window_bounds = array<i64: 2000, 256>}, {pipeline_mode = #tpu.pipeline_mode<synchronous>, transform_indices = @transform_2, window_bounds = array<i64: 1, 256>}, {pipeline_mode = #tpu.pipeline_mode<synchronous>, transform_indices = @transform_3, window_bounds = array<i64: 1, 256>}, {pipeline_mode = #tpu.pipeline_mode<synchronous>, transform_indices = @transform_4, window_bounds = array<i64: 1, 256>}, {pipeline_mode = #tpu.pipeline_mode<synchronous>, transform_indices = @transform_5, window_bounds = array<i64: 256, 256>}, {pipeline_mode = #tpu.pipeline_mode<synchronous>, transform_indices = @transform_6, window_bounds = array<i64: 1, 256>}, {transform_indices = @transform_7, window_bounds = array<i64: 2000, 256>}]} {
    %get3A = arith.constant 0 : index
    %get3A_0 = arith.constant 0 : index
    %get3A_1 = vector.load %arg1[%get3A, %get3A_0] : memref<2000x256xf32, #tpu.memory_space<vmem>>, vector<2000x256xf32>
    %get3A_2 = arith.constant 0 : index
    %get3A_3 = arith.constant 0 : index
    %get3A_4 = vector.load %arg2[%get3A_2, %get3A_3] : memref<2000x256xf32, #tpu.memory_space<vmem>>, vector<2000x256xf32>
    %add3A = arith.addf %get3A_1, %get3A_4 : vector<2000x256xf32>
    %get3A_5 = arith.constant 0 : index
    %get3A_6 = arith.constant 0 : index
    %get3A_7 = vector.load %arg3[%get3A_5, %get3A_6] : memref<1x256xf32, #tpu.memory_space<vmem>>, vector<1x256xf32>
    %add3A_8 = vector.broadcast %get3A_7 : vector<1x256xf32> to vector<2000x256xf32>
    %add3A_9 = arith.addf %add3A, %add3A_8 : vector<2000x256xf32>
    %reduce_sum3A = arith.constant dense<0.000000e+00> : vector<2000xf32>
    %reduce_sum3A_10 = vector.multi_reduction <add>, %add3A_9, %reduce_sum3A [1] : vector<2000x256xf32> to vector<2000xf32>
    %broadcast_in_dim3A = vector.shape_cast %reduce_sum3A_10 : vector<2000xf32> to vector<2000x1xf32>
    %div3A = arith.constant 2.560000e+02 : f32
    %div3A_11 = vector.broadcast %div3A : f32 to vector<2000x1xf32>
    %div3A_12 = arith.divf %broadcast_in_dim3A, %div3A_11 : vector<2000x1xf32>
    %sub3A = vector.broadcast %div3A_12 : vector<2000x1xf32> to vector<2000x256xf32>
    %sub3A_13 = arith.subf %add3A_9, %sub3A : vector<2000x256xf32>
    %mul3A = arith.mulf %sub3A_13, %sub3A_13 : vector<2000x256xf32>
    %reduce_sum3A_14 = arith.constant dense<0.000000e+00> : vector<2000xf32>
    %reduce_sum3A_15 = vector.multi_reduction <add>, %mul3A, %reduce_sum3A_14 [1] : vector<2000x256xf32> to vector<2000xf32>
    %broadcast_in_dim3A_16 = vector.shape_cast %reduce_sum3A_15 : vector<2000xf32> to vector<2000x1xf32>
    %div3A_17 = arith.constant 2.560000e+02 : f32
    %div3A_18 = vector.broadcast %div3A_17 : f32 to vector<2000x1xf32>
    %div3A_19 = arith.divf %broadcast_in_dim3A_16, %div3A_18 : vector<2000x1xf32>
    %add3A_20 = arith.constant 9.99999974E-6 : f32
    %add3A_21 = vector.broadcast %add3A_20 : f32 to vector<2000x1xf32>
    %add3A_22 = arith.addf %div3A_19, %add3A_21 : vector<2000x1xf32>
    %rsqrt3A = math.rsqrt %add3A_22 : vector<2000x1xf32>
    %mul3A_23 = vector.broadcast %rsqrt3A : vector<2000x1xf32> to vector<2000x256xf32>
    %mul3A_24 = arith.mulf %sub3A_13, %mul3A_23 : vector<2000x256xf32>
    %get3A_25 = arith.constant 0 : index
    %get3A_26 = arith.constant 0 : index
    %get3A_27 = vector.load %arg4[%get3A_25, %get3A_26] : memref<1x256xf32, #tpu.memory_space<vmem>>, vector<1x256xf32>
    %mul3A_28 = vector.broadcast %get3A_27 : vector<1x256xf32> to vector<2000x256xf32>
    %mul3A_29 = arith.mulf %mul3A_24, %mul3A_28 : vector<2000x256xf32>
    %get3A_30 = arith.constant 0 : index
    %get3A_31 = arith.constant 0 : index
    %get3A_32 = vector.load %arg5[%get3A_30, %get3A_31] : memref<1x256xf32, #tpu.memory_space<vmem>>, vector<1x256xf32>
    %add3A_33 = vector.broadcast %get3A_32 : vector<1x256xf32> to vector<2000x256xf32>
    %add3A_34 = arith.addf %mul3A_29, %add3A_33 : vector<2000x256xf32>
    %mul3A_35 = arith.constant 5.000000e-01 : f32
    %mul3A_36 = vector.broadcast %mul3A_35 : f32 to vector<2000x256xf32>
    %mul3A_37 = arith.mulf %add3A_34, %mul3A_36 : vector<2000x256xf32>
    %mul3A_38 = arith.constant 0.707106769 : f32
    %mul3A_39 = vector.broadcast %mul3A_38 : f32 to vector<2000x256xf32>
    %mul3A_40 = arith.mulf %add3A_34, %mul3A_39 : vector<2000x256xf32>
    %erf3A = math.erf %mul3A_40 : vector<2000x256xf32>
    %add3A_41 = arith.constant 1.000000e+00 : f32
    %add3A_42 = vector.broadcast %add3A_41 : f32 to vector<2000x256xf32>
    %add3A_43 = arith.addf %add3A_42, %erf3A : vector<2000x256xf32>
    %mul3A_44 = arith.mulf %mul3A_37, %add3A_43 : vector<2000x256xf32>
    %get3A_45 = arith.constant 0 : index
    %get3A_46 = arith.constant 0 : index
    %get3A_47 = vector.load %arg6[%get3A_45, %get3A_46] : memref<256x256xf32, #tpu.memory_space<vmem>>, vector<256x256xf32>
    %dot_general3A = arith.constant dense<0.000000e+00> : vector<2000x256xf32>
    %dot_general3A_48 = tpu.matmul %mul3A_44, %get3A_47, %dot_general3A {dimension_numbers = #tpu.dot_dimension_numbers<[1], [0], [0], [1], [0, 0, 1, 1], [], []>, transpose_lhs_hint = false} : vector<2000x256xf32>, vector<256x256xf32>, vector<2000x256xf32> -> vector<2000x256xf32>
    %get3A_49 = arith.constant 0 : index
    %get3A_50 = arith.constant 0 : index
    %get3A_51 = vector.load %arg7[%get3A_49, %get3A_50] : memref<1x256xf32, #tpu.memory_space<vmem>>, vector<1x256xf32>
    %add3A_52 = vector.broadcast %get3A_51 : vector<1x256xf32> to vector<2000x256xf32>
    %add3A_53 = arith.addf %dot_general3A_48, %add3A_52 : vector<2000x256xf32>
    %swap3A = arith.constant 0 : index
    %swap3A_54 = arith.constant 0 : index
    %swap3A_55 = vector.load %arg8[%swap3A, %swap3A_54] : memref<2000x256xf32, #tpu.memory_space<vmem>>, vector<2000x256xf32>
    tpu.vector_store %arg8[%swap3A, %swap3A_54], %add3A_53 {strides = array<i32>} : memref<2000x256xf32, #tpu.memory_space<vmem>>, vector<2000x256xf32>,
    return
  }
  func.func @transform_0(%arg0: i32) -> (i32, i32) {
    %c0_i32 = arith.constant 0 : i32
    %c0_i32_0 = arith.constant 0 : i32
    return %arg0, %c0_i32 : i32, i32
  }
  func.func @transform_1(%arg0: i32) -> (i32, i32) {
    %c0_i32 = arith.constant 0 : i32
    %c0_i32_0 = arith.constant 0 : i32
    return %arg0, %c0_i32 : i32, i32
  }
  func.func @transform_2(%arg0: i32) -> (i32, i32) {
    %c0_i32 = arith.constant 0 : i32
    %c0_i32_0 = arith.constant 0 : i32
    %c0_i32_1 = arith.constant 0 : i32
    return %c0_i32, %c0_i32_0 : i32, i32
  }
  func.func @transform_3(%arg0: i32) -> (i32, i32) {
    %c0_i32 = arith.constant 0 : i32
    %c0_i32_0 = arith.constant 0 : i32
    %c0_i32_1 = arith.constant 0 : i32
    return %c0_i32, %c0_i32_0 : i32, i32
  }
  func.func @transform_4(%arg0: i32) -> (i32, i32) {
    %c0_i32 = arith.constant 0 : i32
    %c0_i32_0 = arith.constant 0 : i32
    %c0_i32_1 = arith.constant 0 : i32
    return %c0_i32, %c0_i32_0 : i32, i32
  }
  func.func @transform_5(%arg0: i32) -> (i32, i32) {
    %c0_i32 = arith.constant 0 : i32
    %c0_i32_0 = arith.constant 0 : i32
    %c0_i32_1 = arith.constant 0 : i32
    return %c0_i32, %c0_i32_0 : i32, i32
  }
  func.func @transform_6(%arg0: i32) -> (i32, i32) {
    %c0_i32 = arith.constant 0 : i32
    %c0_i32_0 = arith.constant 0 : i32
    %c0_i32_1 = arith.constant 0 : i32
    return %c0_i32, %c0_i32_0 : i32, i32
  }
  func.func @transform_7(%arg0: i32) -> (i32, i32) {
    %c0_i32 = arith.constant 0 : i32
    %c0_i32_0 = arith.constant 0 : i32
    return %arg0, %c0_i32 : i32, i32
  }
}

module attributes {stable_mosaic.version = 14 : i64} {
  func.func @_tcd1_body(%arg0: i32, %arg1: memref<1000x256xf32, #tpu.memory_space<vmem>>, %arg2: memref<1000x256xf32, #tpu.memory_space<vmem>>, %arg3: memref<1000x16xf32, #tpu.memory_space<vmem>>, %arg4: memref<1000x16xf32, #tpu.memory_space<vmem>>, %arg5: memref<1000x16xf32, #tpu.memory_space<vmem>>, %arg6: memref<1000x16xf32, #tpu.memory_space<vmem>>, %arg7: memref<512x256xf32, #tpu.memory_space<vmem>>, %arg8: memref<1000x256xf32, #tpu.memory_space<vmem>>, %arg9: memref<1000x256xf32, #tpu.memory_space<vmem>>, %arg10: memref<1000x256xf32, #tpu.memory_space<vmem>>, %arg11: memref<1000x16xf32, #tpu.memory_space<vmem>>) attributes {dimension_semantics = [#tpu.dimension_semantics<arbitrary>], iteration_bounds = array<i64: 10>, scalar_prefetch = 0 : i64, scratch_operands = 0 : i64, tpu.core_type = #tpu.core_type<tc>, window_params = [{transform_indices = @transform_0, window_bounds = array<i64: 1000, 256>}, {transform_indices = @transform_1, window_bounds = array<i64: 1000, 256>}, {transform_indices = @transform_2, window_bounds = array<i64: 1000, 16>}, {transform_indices = @transform_3, window_bounds = array<i64: 1000, 16>}, {transform_indices = @transform_4, window_bounds = array<i64: 1000, 16>}, {transform_indices = @transform_5, window_bounds = array<i64: 1000, 16>}, {pipeline_mode = #tpu.pipeline_mode<synchronous>, transform_indices = @transform_6, window_bounds = array<i64: 512, 256>}, {transform_indices = @transform_7, window_bounds = array<i64: 1000, 256>}, {transform_indices = @transform_8, window_bounds = array<i64: 1000, 256>}, {transform_indices = @transform_9, window_bounds = array<i64: 1000, 256>}, {transform_indices = @transform_10, window_bounds = array<i64: 1000, 16>}]} {
    %get3A = arith.constant 0 : index
    %get3A_0 = arith.constant 0 : index
    %get3A_1 = vector.load %arg3[%get3A, %get3A_0] : memref<1000x16xf32, #tpu.memory_space<vmem>>, vector<1000x16xf32>
    %slice3A = vector.extract_strided_slice %get3A_1 {offsets = [0, 0], sizes = [1000, 1], strides = [1, 1]} : vector<1000x16xf32> to vector<1000x1xf32>
    %gt3A = arith.constant 0.000000e+00 : f32
    %gt3A_2 = vector.broadcast %gt3A : f32 to vector<1000x1xf32>
    %gt3A_3 = arith.cmpf ogt, %slice3A, %gt3A_2 : vector<1000x1xf32>
    %convert_element_type3A = arith.extui %gt3A_3 : vector<1000x1xi1> to vector<1000x1xi32>
    %convert_element_type3A_4 = arith.sitofp %convert_element_type3A : vector<1000x1xi32> to vector<1000x1xf32>
    %get3A_5 = arith.constant 0 : index
    %get3A_6 = arith.constant 0 : index
    %get3A_7 = vector.load %arg1[%get3A_5, %get3A_6] : memref<1000x256xf32, #tpu.memory_space<vmem>>, vector<1000x256xf32>
    %get3A_8 = arith.constant 0 : index
    %get3A_9 = arith.constant 0 : index
    %get3A_10 = vector.load %arg2[%get3A_8, %get3A_9] : memref<1000x256xf32, #tpu.memory_space<vmem>>, vector<1000x256xf32>
    %add3A = arith.constant 9.99999997E-7 : f32
    %add3A_11 = vector.broadcast %add3A : f32 to vector<1000x1xf32>
    %add3A_12 = arith.addf %slice3A, %add3A_11 : vector<1000x1xf32>
    %div3A = vector.broadcast %add3A_12 : vector<1000x1xf32> to vector<1000x256xf32>
    %div3A_13 = arith.divf %get3A_10, %div3A : vector<1000x256xf32>
    %mul3A = vector.broadcast %convert_element_type3A_4 : vector<1000x1xf32> to vector<1000x256xf32>
    %mul3A_14 = arith.mulf %div3A_13, %mul3A : vector<1000x256xf32>
    %add3A_15 = arith.addf %get3A_7, %mul3A_14 : vector<1000x256xf32>
    %swap3A = arith.constant 0 : index
    %swap3A_16 = arith.constant 0 : index
    %swap3A_17 = vector.load %arg8[%swap3A, %swap3A_16] : memref<1000x256xf32, #tpu.memory_space<vmem>>, vector<1000x256xf32>
    tpu.vector_store %arg8[%swap3A, %swap3A_16], %add3A_15 {strides = array<i32>} : memref<1000x256xf32, #tpu.memory_space<vmem>>, vector<1000x256xf32>,
    %get3A_18 = arith.constant 0 : index
    %get3A_19 = arith.constant 0 : index
    %get3A_20 = vector.load %arg7[%get3A_18, %get3A_19] : memref<512x256xf32, #tpu.memory_space<vmem>>, vector<256x256xf32>
    %dot_general3A = arith.constant dense<0.000000e+00> : vector<1000x256xf32>
    %dot_general3A_21 = tpu.matmul %add3A_15, %get3A_20, %dot_general3A {dimension_numbers = #tpu.dot_dimension_numbers<[1], [0], [0], [1], [0, 0, 1, 1], [], []>, transpose_lhs_hint = false} : vector<1000x256xf32>, vector<256x256xf32>, vector<1000x256xf32> -> vector<1000x256xf32>
    %swap3A_22 = arith.constant 0 : index
    %swap3A_23 = arith.constant 0 : index
    %swap3A_24 = vector.load %arg9[%swap3A_22, %swap3A_23] : memref<1000x256xf32, #tpu.memory_space<vmem>>, vector<1000x256xf32>
    tpu.vector_store %arg9[%swap3A_22, %swap3A_23], %dot_general3A_21 {strides = array<i32>} : memref<1000x256xf32, #tpu.memory_space<vmem>>, vector<1000x256xf32>,
    %get3A_25 = arith.constant 256 : index
    %get3A_26 = arith.constant 0 : index
    %get3A_27 = vector.load %arg7[%get3A_25, %get3A_26] : memref<512x256xf32, #tpu.memory_space<vmem>>, vector<256x256xf32>
    %dot_general3A_28 = arith.constant dense<0.000000e+00> : vector<1000x256xf32>
    %dot_general3A_29 = tpu.matmul %add3A_15, %get3A_27, %dot_general3A_28 {dimension_numbers = #tpu.dot_dimension_numbers<[1], [0], [0], [1], [0, 0, 1, 1], [], []>, transpose_lhs_hint = false} : vector<1000x256xf32>, vector<256x256xf32>, vector<1000x256xf32> -> vector<1000x256xf32>
    %swap3A_30 = arith.constant 0 : index
    %swap3A_31 = arith.constant 0 : index
    %swap3A_32 = vector.load %arg10[%swap3A_30, %swap3A_31] : memref<1000x256xf32, #tpu.memory_space<vmem>>, vector<1000x256xf32>
    tpu.vector_store %arg10[%swap3A_30, %swap3A_31], %dot_general3A_29 {strides = array<i32>} : memref<1000x256xf32, #tpu.memory_space<vmem>>, vector<1000x256xf32>,
    %get3A_33 = arith.constant 0 : index
    %get3A_34 = arith.constant 0 : index
    %get3A_35 = vector.load %arg4[%get3A_33, %get3A_34] : memref<1000x16xf32, #tpu.memory_space<vmem>>, vector<1000x16xf32>
    %slice3A_36 = vector.extract_strided_slice %get3A_35 {offsets = [0, 0], sizes = [1000, 1], strides = [1, 1]} : vector<1000x16xf32> to vector<1000x1xf32>
    %get3A_37 = arith.constant 0 : index
    %get3A_38 = arith.constant 0 : index
    %get3A_39 = vector.load %arg5[%get3A_37, %get3A_38] : memref<1000x16xf32, #tpu.memory_space<vmem>>, vector<1000x16xf32>
    %slice3A_40 = vector.extract_strided_slice %get3A_39 {offsets = [0, 0], sizes = [1000, 1], strides = [1, 1]} : vector<1000x16xf32> to vector<1000x1xf32>
    %add3A_41 = arith.addf %slice3A_36, %slice3A_40 : vector<1000x1xf32>
    %get3A_42 = arith.constant 0 : index
    %get3A_43 = arith.constant 0 : index
    %get3A_44 = vector.load %arg6[%get3A_42, %get3A_43] : memref<1000x16xf32, #tpu.memory_space<vmem>>, vector<1000x16xf32>
    %slice3A_45 = vector.extract_strided_slice %get3A_44 {offsets = [0, 0], sizes = [1000, 1], strides = [1, 1]} : vector<1000x16xf32> to vector<1000x1xf32>
    %mul3A_46 = arith.constant 0.699999988 : f32
    %mul3A_47 = vector.broadcast %mul3A_46 : f32 to vector<1000x1xf32>
    %mul3A_48 = arith.mulf %mul3A_47, %slice3A_45 : vector<1000x1xf32>
    %log1p3A = math.log1p %add3A_41 : vector<1000x1xf32>
    %mul3A_49 = arith.constant 3.000000e-01 : f32
    %mul3A_50 = vector.broadcast %mul3A_49 : f32 to vector<1000x1xf32>
    %mul3A_51 = arith.mulf %mul3A_50, %log1p3A : vector<1000x1xf32>
    %add3A_52 = arith.addf %mul3A_48, %mul3A_51 : vector<1000x1xf32>
    %gt3A_53 = arith.constant 0.000000e+00 : f32
    %gt3A_54 = vector.broadcast %gt3A_53 : f32 to vector<1000x1xf32>
    %gt3A_55 = arith.cmpf ogt, %slice3A, %gt3A_54 : vector<1000x1xf32>
    %jit3A = arith.constant 0xFF800000 : f32
    %broadcast_in_dim3A = vector.broadcast %jit3A : f32 to vector<1000x1xf32>
    %select_n3A = arith.select %gt3A_55, %add3A_52, %broadcast_in_dim3A : vector<1000x1xi1>, vector<1000x1xf32>
    %broadcast_in_dim3A_56 = vector.shape_cast %select_n3A : vector<1000x1xf32> to vector<1000x1xf32>
    %broadcast_in_dim3A_57 = vector.broadcast %broadcast_in_dim3A_56 : vector<1000x1xf32> to vector<1000x16xf32>
    %swap3A_58 = arith.constant 0 : index
    %swap3A_59 = arith.constant 0 : index
    %swap3A_60 = vector.load %arg11[%swap3A_58, %swap3A_59] : memref<1000x16xf32, #tpu.memory_space<vmem>>, vector<1000x16xf32>
    tpu.vector_store %arg11[%swap3A_58, %swap3A_59], %broadcast_in_dim3A_57 {strides = array<i32>} : memref<1000x16xf32, #tpu.memory_space<vmem>>, vector<1000x16xf32>,
    return
  }
  func.func @transform_0(%arg0: i32) -> (i32, i32) {
    %c0_i32 = arith.constant 0 : i32
    %c0_i32_0 = arith.constant 0 : i32
    return %arg0, %c0_i32 : i32, i32
  }
  func.func @transform_1(%arg0: i32) -> (i32, i32) {
    %c0_i32 = arith.constant 0 : i32
    %c0_i32_0 = arith.constant 0 : i32
    return %arg0, %c0_i32 : i32, i32
  }
  func.func @transform_2(%arg0: i32) -> (i32, i32) {
    %c0_i32 = arith.constant 0 : i32
    %c0_i32_0 = arith.constant 0 : i32
    return %arg0, %c0_i32 : i32, i32
  }
  func.func @transform_3(%arg0: i32) -> (i32, i32) {
    %c0_i32 = arith.constant 0 : i32
    %c0_i32_0 = arith.constant 0 : i32
    return %arg0, %c0_i32 : i32, i32
  }
  func.func @transform_4(%arg0: i32) -> (i32, i32) {
    %c0_i32 = arith.constant 0 : i32
    %c0_i32_0 = arith.constant 0 : i32
    return %arg0, %c0_i32 : i32, i32
  }
  func.func @transform_5(%arg0: i32) -> (i32, i32) {
    %c0_i32 = arith.constant 0 : i32
    %c0_i32_0 = arith.constant 0 : i32
    return %arg0, %c0_i32 : i32, i32
  }
  func.func @transform_6(%arg0: i32) -> (i32, i32) {
    %c0_i32 = arith.constant 0 : i32
    %c0_i32_0 = arith.constant 0 : i32
    %c0_i32_1 = arith.constant 0 : i32
    return %c0_i32, %c0_i32_0 : i32, i32
  }
  func.func @transform_7(%arg0: i32) -> (i32, i32) {
    %c0_i32 = arith.constant 0 : i32
    %c0_i32_0 = arith.constant 0 : i32
    return %arg0, %c0_i32 : i32, i32
  }
  func.func @transform_8(%arg0: i32) -> (i32, i32) {
    %c0_i32 = arith.constant 0 : i32
    %c0_i32_0 = arith.constant 0 : i32
    return %arg0, %c0_i32 : i32, i32
  }
  func.func @transform_9(%arg0: i32) -> (i32, i32) {
    %c0_i32 = arith.constant 0 : i32
    %c0_i32_0 = arith.constant 0 : i32
    return %arg0, %c0_i32 : i32, i32
  }
  func.func @transform_10(%arg0: i32) -> (i32, i32) {
    %c0_i32 = arith.constant 0 : i32
    %c0_i32_0 = arith.constant 0 : i32
    return %arg0, %c0_i32 : i32, i32
  }
}

module attributes {stable_mosaic.version = 14 : i64} {
  func.func @_tcdf_body(%arg0: i32, %arg1: memref<1000x256xf32, #tpu.memory_space<vmem>>, %arg2: memref<1000x256xf32, #tpu.memory_space<vmem>>, %arg3: memref<1000x16xf32, #tpu.memory_space<vmem>>, %arg4: memref<1000x256xf32, #tpu.memory_space<vmem>>) attributes {dimension_semantics = [#tpu.dimension_semantics<arbitrary>], iteration_bounds = array<i64: 10>, scalar_prefetch = 0 : i64, scratch_operands = 0 : i64, tpu.core_type = #tpu.core_type<tc>, window_params = [{transform_indices = @transform_0, window_bounds = array<i64: 1000, 256>}, {transform_indices = @transform_1, window_bounds = array<i64: 1000, 256>}, {transform_indices = @transform_2, window_bounds = array<i64: 1000, 16>}, {transform_indices = @transform_3, window_bounds = array<i64: 1000, 256>}]} {
    %get3A = arith.constant 0 : index
    %get3A_0 = arith.constant 0 : index
    %get3A_1 = vector.load %arg3[%get3A, %get3A_0] : memref<1000x16xf32, #tpu.memory_space<vmem>>, vector<1000x16xf32>
    %slice3A = vector.extract_strided_slice %get3A_1 {offsets = [0, 0], sizes = [1000, 1], strides = [1, 1]} : vector<1000x16xf32> to vector<1000x1xf32>
    %gt3A = arith.constant 0.000000e+00 : f32
    %gt3A_2 = vector.broadcast %gt3A : f32 to vector<1000x1xf32>
    %gt3A_3 = arith.cmpf ogt, %slice3A, %gt3A_2 : vector<1000x1xf32>
    %convert_element_type3A = arith.extui %gt3A_3 : vector<1000x1xi1> to vector<1000x1xi32>
    %convert_element_type3A_4 = arith.sitofp %convert_element_type3A : vector<1000x1xi32> to vector<1000x1xf32>
    %get3A_5 = arith.constant 0 : index
    %get3A_6 = arith.constant 0 : index
    %get3A_7 = vector.load %arg1[%get3A_5, %get3A_6] : memref<1000x256xf32, #tpu.memory_space<vmem>>, vector<1000x256xf32>
    %get3A_8 = arith.constant 0 : index
    %get3A_9 = arith.constant 0 : index
    %get3A_10 = vector.load %arg2[%get3A_8, %get3A_9] : memref<1000x256xf32, #tpu.memory_space<vmem>>, vector<1000x256xf32>
    %add3A = arith.constant 9.99999997E-7 : f32
    %add3A_11 = vector.broadcast %add3A : f32 to vector<1000x1xf32>
    %add3A_12 = arith.addf %slice3A, %add3A_11 : vector<1000x1xf32>
    %div3A = vector.broadcast %add3A_12 : vector<1000x1xf32> to vector<1000x256xf32>
    %div3A_13 = arith.divf %get3A_10, %div3A : vector<1000x256xf32>
    %mul3A = vector.broadcast %convert_element_type3A_4 : vector<1000x1xf32> to vector<1000x256xf32>
    %mul3A_14 = arith.mulf %div3A_13, %mul3A : vector<1000x256xf32>
    %add3A_15 = arith.addf %get3A_7, %mul3A_14 : vector<1000x256xf32>
    %swap3A = arith.constant 0 : index
    %swap3A_16 = arith.constant 0 : index
    %swap3A_17 = vector.load %arg4[%swap3A, %swap3A_16] : memref<1000x256xf32, #tpu.memory_space<vmem>>, vector<1000x256xf32>
    tpu.vector_store %arg4[%swap3A, %swap3A_16], %add3A_15 {strides = array<i32>} : memref<1000x256xf32, #tpu.memory_space<vmem>>, vector<1000x256xf32>,
    return
  }
  func.func @transform_0(%arg0: i32) -> (i32, i32) {
    %c0_i32 = arith.constant 0 : i32
    %c0_i32_0 = arith.constant 0 : i32
    return %arg0, %c0_i32 : i32, i32
  }
  func.func @transform_1(%arg0: i32) -> (i32, i32) {
    %c0_i32 = arith.constant 0 : i32
    %c0_i32_0 = arith.constant 0 : i32
    return %arg0, %c0_i32 : i32, i32
  }
  func.func @transform_2(%arg0: i32) -> (i32, i32) {
    %c0_i32 = arith.constant 0 : i32
    %c0_i32_0 = arith.constant 0 : i32
    return %arg0, %c0_i32 : i32, i32
  }
  func.func @transform_3(%arg0: i32) -> (i32, i32) {
    %c0_i32 = arith.constant 0 : i32
    %c0_i32_0 = arith.constant 0 : i32
    return %arg0, %c0_i32 : i32, i32
  }
}

module attributes {stable_mosaic.version = 14 : i64} {
  func.func @_topk_body(%arg0: i32, %arg1: memref<80x128xf32, #tpu.memory_space<vmem>>, %arg2: memref<80x128xf32, #tpu.memory_space<vmem>>) attributes {dimension_semantics = [#tpu.dimension_semantics<arbitrary>], iteration_bounds = array<i64: 1>, scalar_prefetch = 0 : i64, scratch_operands = 0 : i64, tpu.core_type = #tpu.core_type<tc>, window_params = [{pipeline_mode = #tpu.pipeline_mode<synchronous>, transform_indices = @transform_0, window_bounds = array<i64: 80, 128>}, {pipeline_mode = #tpu.pipeline_mode<synchronous>, transform_indices = @transform_1, window_bounds = array<i64: 80, 128>}]} {
    %get3A = arith.constant 0 : index
    %get3A_0 = arith.constant 0 : index
    %get3A_1 = vector.load %arg1[%get3A, %get3A_0] : memref<80x128xf32, #tpu.memory_space<vmem>>, vector<80x128xf32>
    %bitcast_convert_type3A = tpu.bitcast %get3A_1 : vector<80x128xf32> -> vector<80x128xi32>
    %shift_right_arithmetic3A = arith.constant 31 : i32
    %shift_right_arithmetic3A_2 = vector.broadcast %shift_right_arithmetic3A : i32 to vector<80x128xi32>
    %shift_right_arithmetic3A_3 = arith.shrsi %bitcast_convert_type3A, %shift_right_arithmetic3A_2 : vector<80x128xi32>
    %and3A = arith.constant 2147483647 : i32
    %and3A_4 = vector.broadcast %and3A : i32 to vector<80x128xi32>
    %and3A_5 = arith.andi %shift_right_arithmetic3A_3, %and3A_4 : vector<80x128xi32>
    %xor3A = arith.xori %bitcast_convert_type3A, %and3A_5 : vector<80x128xi32>
    %scan3A = arith.constant 0 : i32
    %scan3A_6 = arith.constant 0 : i32
    %scan3A_7 = arith.constant 32 : i32
    %scan3A_8 = arith.addi %scan3A_6, %scan3A_7 : i32
    %scan3A_9 = arith.constant 1 : i32
    %scan3A_10 = scf.for %scan3A_49 = %scan3A_6 to %scan3A_8 step %scan3A_9 iter_args(%scan3A_50 = %scan3A) -> (i32)  : i32 {
      %sub3A_51 = arith.constant 31 : i32
      %sub3A_52 = arith.subi %sub3A_51, %scan3A_49 : i32
      %shift_left3A = arith.constant 1 : i32
      %shift_left3A_53 = arith.shli %shift_left3A, %sub3A_52 : i32
      %or3A_54 = arith.ori %scan3A_50, %shift_left3A_53 : i32
      %xor3A_55 = arith.constant -2147483648 : i32
      %xor3A_56 = arith.xori %or3A_54, %xor3A_55 : i32
      %ge3A = vector.broadcast %xor3A_56 : i32 to vector<80x128xi32>
      %ge3A_57 = arith.cmpi sge, %xor3A, %ge3A : vector<80x128xi32>
      %convert_element_type3A_58 = arith.extui %ge3A_57 : vector<80x128xi1> to vector<80x128xi32>
      %reduce_sum3A_59 = vector.shape_cast %convert_element_type3A_58 : vector<80x128xi32> to vector<1x80x128xi32>
      %reduce_sum3A_60 = arith.constant dense<0> : vector<1xi32>
      %reduce_sum3A_61 = vector.multi_reduction <add>, %reduce_sum3A_59, %reduce_sum3A_60 [1, 2] : vector<1x80x128xi32> to vector<1xi32>
      %reduce_sum3A_62 = vector.shape_cast %reduce_sum3A_61 : vector<1xi32> to vector<1x1x1xi32>
      %reduce_sum3A_63 = vector.extract %reduce_sum3A_62[0, 0, 0] : i32 from vector<1x1x1xi32>
      %ge3A_64 = arith.constant 2048 : i32
      %ge3A_65 = arith.cmpi sge, %reduce_sum3A_63, %ge3A_64 : i32
      %select_n3A = arith.select %ge3A_65, %or3A_54, %scan3A_50 : i32
      scf.yield %select_n3A : i32
    }
    %scan3A_11 = arith.constant 32 : i32
    %xor3A_12 = arith.constant -2147483648 : i32
    %xor3A_13 = arith.xori %scan3A_10, %xor3A_12 : i32
    %gt3A = vector.broadcast %xor3A_13 : i32 to vector<80x128xi32>
    %gt3A_14 = arith.cmpi sgt, %xor3A, %gt3A : vector<80x128xi32>
    %convert_element_type3A = arith.extui %gt3A_14 : vector<80x128xi1> to vector<80x128xi32>
    %reduce_sum3A = vector.shape_cast %convert_element_type3A : vector<80x128xi32> to vector<1x80x128xi32>
    %reduce_sum3A_15 = arith.constant dense<0> : vector<1xi32>
    %reduce_sum3A_16 = vector.multi_reduction <add>, %reduce_sum3A, %reduce_sum3A_15 [1, 2] : vector<1x80x128xi32> to vector<1xi32>
    %reduce_sum3A_17 = vector.shape_cast %reduce_sum3A_16 : vector<1xi32> to vector<1x1x1xi32>
    %reduce_sum3A_18 = vector.extract %reduce_sum3A_17[0, 0, 0] : i32 from vector<1x1x1xi32>
    %sub3A = arith.constant 2048 : i32
    %sub3A_19 = arith.subi %sub3A, %reduce_sum3A_18 : i32
    %convert_element_type3A_20 = arith.sitofp %sub3A_19 : i32 to f32
    %eq3A = vector.broadcast %xor3A_13 : i32 to vector<80x128xi32>
    %eq3A_21 = arith.cmpi eq, %xor3A, %eq3A : vector<80x128xi32>
    %convert_element_type3A_22 = arith.extui %eq3A_21 : vector<80x128xi1> to vector<80x128xi32>
    %convert_element_type3A_23 = arith.sitofp %convert_element_type3A_22 : vector<80x128xi32> to vector<80x128xf32>
    %iota3A = tpu.iota {dimensions = array<i32: 0>} : vector<128x128xi32>
    %iota3A_24 = tpu.iota {dimensions = array<i32: 1>} : vector<128x128xi32>
    %lt3A = arith.cmpi slt, %iota3A, %iota3A_24 : vector<128x128xi32>
    %convert_element_type3A_25 = arith.extui %lt3A : vector<128x128xi1> to vector<128x128xi32>
    %convert_element_type3A_26 = arith.sitofp %convert_element_type3A_25 : vector<128x128xi32> to vector<128x128xf32>
    %dot_general3A = arith.constant dense<0.000000e+00> : vector<80x128xf32>
    %dot_general3A_27 = tpu.matmul %convert_element_type3A_23, %convert_element_type3A_26, %dot_general3A {dimension_numbers = #tpu.dot_dimension_numbers<[1], [0], [0], [1], [0, 0, 1, 1], [], []>, transpose_lhs_hint = false} : vector<80x128xf32>, vector<128x128xf32>, vector<80x128xf32> -> vector<80x128xf32>
    %reduce_sum3A_28 = arith.constant dense<0.000000e+00> : vector<80xf32>
    %reduce_sum3A_29 = vector.multi_reduction <add>, %convert_element_type3A_23, %reduce_sum3A_28 [1] : vector<80x128xf32> to vector<80xf32>
    %broadcast_in_dim3A = vector.shape_cast %reduce_sum3A_29 : vector<80xf32> to vector<80x1xf32>
    %iota3A_30 = tpu.iota {dimensions = array<i32: 1>} : vector<80x80xi32>
    %iota3A_31 = tpu.iota {dimensions = array<i32: 0>} : vector<80x80xi32>
    %lt3A_32 = arith.cmpi slt, %iota3A_30, %iota3A_31 : vector<80x80xi32>
    %convert_element_type3A_33 = arith.extui %lt3A_32 : vector<80x80xi1> to vector<80x80xi32>
    %convert_element_type3A_34 = arith.sitofp %convert_element_type3A_33 : vector<80x80xi32> to vector<80x80xf32>
    %dot_general3A_35 = arith.constant dense<0.000000e+00> : vector<80x1xf32>
    %dot_general3A_36 = tpu.matmul %convert_element_type3A_34, %broadcast_in_dim3A, %dot_general3A_35 {dimension_numbers = #tpu.dot_dimension_numbers<[1], [0], [0], [1], [0, 0, 1, 1], [], []>, transpose_lhs_hint = false} : vector<80x80xf32>, vector<80x1xf32>, vector<80x1xf32> -> vector<80x1xf32>
    %add3A = vector.broadcast %dot_general3A_36 : vector<80x1xf32> to vector<80x128xf32>
    %add3A_37 = arith.addf %dot_general3A_27, %add3A : vector<80x128xf32>
    %gt3A_38 = vector.broadcast %xor3A_13 : i32 to vector<80x128xi32>
    %gt3A_39 = arith.cmpi sgt, %xor3A, %gt3A_38 : vector<80x128xi32>
    %eq3A_40 = vector.broadcast %xor3A_13 : i32 to vector<80x128xi32>
    %eq3A_41 = arith.cmpi eq, %xor3A, %eq3A_40 : vector<80x128xi32>
    %lt3A_42 = vector.broadcast %convert_element_type3A_20 : f32 to vector<80x128xf32>
    %lt3A_43 = arith.cmpf olt, %add3A_37, %lt3A_42 : vector<80x128xf32>
    %and3A_44 = arith.andi %eq3A_41, %lt3A_43 : vector<80x128xi1>
    %or3A = arith.ori %gt3A_39, %and3A_44 : vector<80x128xi1>
    %convert_element_type3A_45 = arith.extui %or3A : vector<80x128xi1> to vector<80x128xi32>
    %convert_element_type3A_46 = arith.sitofp %convert_element_type3A_45 : vector<80x128xi32> to vector<80x128xf32>
    %swap3A = arith.constant 0 : index
    %swap3A_47 = arith.constant 0 : index
    %swap3A_48 = vector.load %arg2[%swap3A, %swap3A_47] : memref<80x128xf32, #tpu.memory_space<vmem>>, vector<80x128xf32>
    tpu.vector_store %arg2[%swap3A, %swap3A_47], %convert_element_type3A_46 {strides = array<i32>} : memref<80x128xf32, #tpu.memory_space<vmem>>, vector<80x128xf32>,
    return
  }
  func.func @transform_0(%arg0: i32) -> (i32, i32) {
    %c0_i32 = arith.constant 0 : i32
    %c0_i32_0 = arith.constant 0 : i32
    %c0_i32_1 = arith.constant 0 : i32
    return %c0_i32, %c0_i32_0 : i32, i32
  }
  func.func @transform_1(%arg0: i32) -> (i32, i32) {
    %c0_i32 = arith.constant 0 : i32
    %c0_i32_0 = arith.constant 0 : i32
    %c0_i32_1 = arith.constant 0 : i32
    return %c0_i32, %c0_i32_0 : i32, i32
  }
}

</mosaic_0001>

<sc_bundles>
// kernel: kernel.12.cloned.1.call-start
scs
__scs_entry_jumppad:
0x0: {  	(pc) =	sbr.rel $0x88, $3  }
0x1: {  	(tag) =	ssettag $0x0;
	lr =	simm.s32 $0x1  }
0x2: {  	[smem:$0x3F8E] =	sst lr;
	_ =	strace $0xD0000000  }
0x3: {  	_ = 	snop  }
0x4: {  	_ = 	snop  }
0x5: {  	_ = 	snop  }
0x6: {  	_ = 	snop  }
0x7: {  	_ = 	snop  }
__scs_overlays_trampoline_lowered:
0x8: {  	[smem:$0x3F9D] =	sst s0  }
0x9: {  	[smem:$0x3F9E] =	sst s1  }
0xa: {  	[smem:$0x3F9F] =	sst s2  }
0xb: {  	[smem:$0x3FA0] =	sst s3  }
0xc: {  	[smem:$0x3FA1] =	sst s4  }
0xd: {  	[smem:$0x3FA2] =	sst s5  }
0xe: {  	[smem:$0x3FA3] =	sst s6  }
0xf: {  	[smem:$0x3FA4] =	sst s7  }
0x10: {  	[smem:$0x3FA5] =	sst s8  }
0x11: {  	[smem:$0x3FA6] =	sst s9;
	s0 =	simm.s32 @!p0 $0x0  }
0x12: {  	s1 =	sld [smem:$0x3F8C];
	s0 =	simm.s32 @p0 $0x1  }
0x13: {  	[smem:$0x3FA7] =	sst s0;
	s0 =	simm.s32 @!p1 $0x0  }
0x14: {  	s2 =	sld [smem:$0x3F8B];
	s0 =	simm.s32 @p1 $0x1  }
0x15: {  	[smem:$0x3FA8] =	sst s0;
	s0 =	simm.s32 @!p2 $0x0  }
0x16: {  	s3 =	sld [smem:$0x3FDB];
	s0 =	simm.s32 @p2 $0x1  }
0x17: {  	s4 =	simm.s32 $0x1BF5;
	[smem:$0x3FAA] =	sst s0  }
0x18: {  	s0 =	sld [smem:$0x3F8D];
	_ =	swait.ge [sflag:s4], $0x0  }
0x19: {  	s7 =	sld [smem:$0x3F8E]  }
0x1a: {  	s8 =	sadd.s32 $0xFFFFE003, lr  }
0x1b: {  	s9 =	sadd.s32 $0xFFFFFEF7, lr;
	s5 =	simm.s32 $0xFFFFFFFF;
	p2 =	slt.u32 s8, $0xFFFFF086  }
0x1c: {  	p1 =	slt.u32 s9, $0xF7A;
	s5 =	simm.s32 @!p2 $0x0  }
0x1d: {  	s5 =	simm.s32 @p1 $0x1;
	p0 =	seq.s32 s7, s2  }
0x1e: {  	s7 =	smul.u32 @!p0 $0xF7A, s2;
	p2 =	seq.s32 @!p0 s5, $0x0  }
0x1f: {  	s9 =	smul.u32 $0xF7A, s1;
	s8 =	simm.s32 @!p0 $0x1BF5;
	p2 =	por !p2, p0  }
0x20: {  	[sflag:s8] =	ssyncset.s32 @!p0 $0xFFFFF086;
	s6 =	sadd.s32 @!p0 s3, s7;
	s7 =	simm.s32 @!p0 $0x108  }
0x21: {  	s3 =	sadd.s32 s3, s9;
	s6 =	sadd.s32 @!p0 $0x88, s6;
	s7 =	simm.s32 @p2 $0x1082  }
0x22: {  	[simem:s7], [sflag:s8] =	dma.local @!p0 [hbm:s6], $0xF7A  }
0x23: {  	s9 =	sor.u32 $0xD0000000, s2;
	s6 =	simm.s32 $0x108;
	_ =	swait.ge @!p0 [sflag:s8], $0x0  }
0x24: {  	s3 =	sadd.s32 $0x88, s3;
	s6 =	simm.s32 @!p1 $0x1082;
	[sflag:s4] =	ssyncset.s32 $0xFFFFF086  }
0x25: {  	[simem:s6], [sflag:s4] =	dma.local [hbm:s3], $0xF7A  }
0x26: {  	[smem:$0x3F8E] =	sst s1;
	(tag) =	ssettag s2;
	_ =	strace s9  }
0x27: {  	s1 =	sld [smem:$0x3F9E]  }
0x28: {  	s2 =	sld [smem:$0x3F9F]  }
0x29: {  	s4 =	sld [smem:$0x3FA1]  }
0x2a: {  	p0 =	seq.s32 s5, $0x0;
	s5 =	sld [smem:$0x3FA2]  }
0x2b: {  	s6 =	sld [smem:$0x3FA3]  }
0x2c: {  	s7 =	sld [smem:$0x3FA4]  }
0x2d: {  	s3 =	simm.s32 $0x108;
	s8 =	sld [smem:$0x3FA5]  }
0x2e: {  	s3 =	simm.s32 @!p0 $0x1082;
	s9 =	sld [smem:$0x3FA6]  }
0x2f: {  	lr =	sadd.s32 s0, s3;
	s0 =	sld [smem:$0x3F9D]  }
0x30: {  	s3 =	sld [smem:$0x3FA0]  }
0x31: {  	[smem:$0x3FA9] =	sst s10  }
0x32: {  	s10 =	sld [smem:$0x3FA7];
	_ =	sdelay $0x3  }
0x33: {  	p0 =	seq.s32 s10, $0x1;
	s10 =	sld [smem:$0x3FA9];
	_ =	sdelay $0x3  }
0x34: {  	[smem:$0x3FA9] =	sst s10  }
0x35: {  	s10 =	sld [smem:$0x3FA8];
	_ =	sdelay $0x3  }
0x36: {  	p1 =	seq.s32 s10, $0x1;
	s10 =	sld [smem:$0x3FA9];
	_ =	sdelay $0x3  }
0x37: {  	[smem:$0x3FA9] =	sst s10  }
0x38: {  	s10 =	sld [smem:$0x3FAA]  }
0x39: {  	_ = 	snop;
	(pc) =	sbr.ind lr, $3  }
0x3a: {  	_ = 	snop  }
0x3b: {  	_ = 	snop  }
0x3c: {  	p2 =	seq.s32 s10, $0x1;
	s10 =	sld [smem:$0x3FA9]  }
0x3d: {  	_ =	shalt  }
0x3e: {  	_ =	shalt  }
0x3f: {  	_ =	shalt  }
0x40: {  	_ =	shalt  }
0x41: {  	_ =	shalt  }
0x42: {  	_ =	shalt  }
0x43: {  	_ =	shalt  }
0x44: {  	_ =	shalt  }
0x45: {  	_ =	shalt  }
0x46: {  	_ =	shalt  }
0x47: {  	_ =	shalt  }
0x48: {  	_ =	shalt  }
0x49: {  	_ =	shalt  }
0x4a: {  	_ =	shalt  }
0x4b: {  	_ =	shalt  }
0x4c: {  	_ =	shalt  }
0x4d: {  	_ =	shalt  }
0x4e: {  	_ =	shalt  }
0x4f: {  	_ =	shalt  }
0x50: {  	_ =	shalt  }
0x51: {  	_ =	shalt  }
0x52: {  	_ =	shalt  }
0x53: {  	_ =	shalt  }
0x54: {  	_ =	shalt  }
0x55: {  	_ =	shalt  }
0x56: {  	_ =	shalt  }
0x57: {  	_ =	shalt  }
0x58: {  	_ =	shalt  }
0x59: {  	_ =	shalt  }
0x5a: {  	_ =	shalt  }
0x5b: {  	_ =	shalt  }
0x5c: {  	_ =	shalt  }
0x5d: {  	_ =	shalt  }
0x5e: {  	_ =	shalt  }
0x5f: {  	_ =	shalt  }
0x60: {  	_ =	shalt  }
0x61: {  	_ =	shalt  }
0x62: {  	_ =	shalt  }
0x63: {  	_ =	shalt  }
0x64: {  	_ =	shalt  }
0x65: {  	_ =	shalt  }
0x66: {  	_ =	shalt  }
0x67: {  	_ =	shalt  }
0x68: {  	_ =	shalt  }
0x69: {  	_ =	shalt  }
0x6a: {  	_ =	shalt  }
0x6b: {  	_ =	shalt  }
0x6c: {  	_ =	shalt  }
0x6d: {  	_ =	shalt  }
0x6e: {  	_ =	shalt  }
0x6f: {  	_ =	shalt  }
0x70: {  	_ =	shalt  }
0x71: {  	_ =	shalt  }
0x72: {  	_ =	shalt  }
0x73: {  	_ =	shalt  }
0x74: {  	_ =	shalt  }
0x75: {  	_ =	shalt  }
0x76: {  	_ =	shalt  }
0x77: {  	_ =	shalt  }
0x78: {  	_ =	shalt  }
0x79: {  	_ =	shalt  }
0x7a: {  	_ =	shalt  }
0x7b: {  	_ =	shalt  }
0x7c: {  	_ =	shalt  }
0x7d: {  	_ =	shalt  }
0x7e: {  	_ =	shalt  }
0x7f: {  	_ =	shalt  }
0x80: {  	_ =	shalt  }
0x81: {  	_ =	shalt  }
0x82: {  	_ =	shalt  }
0x83: {  	_ =	shalt  }
0x84: {  	_ =	shalt  }
0x85: {  	_ =	shalt  }
0x86: {  	_ =	shalt  }
0x87: {  	_ =	shalt  }
.Lfunc_end0:
.L_simem_size_0:
called_computation.2_lowered:
.L_overlay_start_0:
0x88: {  	s2 =	sld [smem:$0x3FD9]  }
0x89: {  	s3 =	sld [smem:$0x3FFE];
	_ =	sdelay $0x1  }
0x8a: {  	s1 =	srdreg.scid  }
0x8b: {  	s0 =	sand.u32 $0x1, s1  }
0x8c: {  	s17 =	sshll.u32 s0, $0xA;
	s2 =	sadd.s32 s3, s2  }
0x8d: {  	s2 =	sadd.s32 s2, s17  }
0x8e: {  	[smem:$0x3FB5] =	sst s2  }
0x8f: {  	_ = 	snop  }
0x90: {  	s2 =	sld [smem:$0x3FC7]  }
0x91: {  	s18 =	sld [smem:$0x3FD0];
	(tm) =	ssettm $0x1  }
0x92: {  	s4 =	sld [smem:$0x3FFB];
	_ =	sdelay $0x3  }
0x93: {  	_ =	strace s4  }
0x94: {  	s4 =	sld [smem:$0x3FFC];
	_ =	sdelay $0x3  }
0x95: {  	_ =	strace s4  }
0x96: {  	s4 =	sld [smem:$0x3FFD];
	_ =	sdelay $0x3  }
0x97: {  	_ =	strace s4  }
0x98: {  	_ =	strace $0x8FFFFFFF  }
0x99: {  	s19 =	sld [smem:$0x3FDB];
	_ =	sdelay $0x1  }
0x9a: {  	s5 =	simm.s32 $_scs_section_size  }
0x9b: {  	s6 =	simm.s32 $_size__tile_overlayer_lowered;
	s7 =	simm.s32 $_tile_overlayer_lowered  }
0x9c: {  	s22 =	simm.s32 $0x1BFF;
	s21 =	sshll.u32 s7, $0x1;
	s4 =	sadd.s32 s5, s19  }
0x9d: {  	s8 =	simm.s32 $0x0;
	s20 =	sshll.u32 s6, $0x1;
	s6 =	sadd.s32 s21, s4  }
0x9e: {  	[timem:s8], [sflag:s22] =	dma.local [hbm:s6], s20  }
0x9f: {  	_ =	swait.ge [sflag:s22], s20  }
0xa0: {  	s5 =	ssub.s32 $0x0, s20;
	[sflag:s22] =	ssyncset.done $0x0  }
0xa1: {  	[sflag:s22] =	ssyncadd.s32 s5;
	_ =	sdelay $0x1  }
0xa2: {  	s23 =	simm.s32 $0x1B8B  }
0xa3: {  	_ =	swait.ge [sflag:s23], $0x1  }
0xa4: {  	[sflag:s23] =	ssyncset.done $0x0  }
0xa5: {  	s25 =	simm.s32 $0x1B8E;
	s24 =	sld [smem:$0x3FFE];
	[sflag:s23] =	ssyncadd.s32 $0xFFFFFFFF  }
0xa6: {  	s26 =	simm.s32 $execute0_lowered;
	[smem:$0x3FD2] =	sst s25  }
0xa7: {  	s6 =	sshll.u32 s26, $0x1;
	_ =	strace $0x80000046;
	[dreg:$0x1] =	wrdreg $0xFFFFFFFF  }
0xa8: {  	s28 =	simm.s32 $_size_execute0_lowered;
	s4 =	sadd.s32 s4, s6;
	[dreg:$0x0] =	wrdreg $0x0  }
0xa9: {  	s6 =	sshll.u32 s28, $0x1;
	[dreg:$0x2] =	wrdreg s4  }
0xaa: {  	[dreg:$0x3] =	wrdreg s6  }
0xab: {  	[dreg:$0x4] =	wrdreg $0xC0  }
0xac: {  	_ =	task [dreg:s8], $0x5FFFF  }
0xad: {  	[dreg:$0x1] =	wrdreg $0xFFFFFFFF  }
0xae: {  	[dreg:$0x0] =	wrdreg $0x60  }
0xaf: {  	[dreg:$0x2] =	wrdreg s24  }
0xb0: {  	[dreg:$0x3] =	wrdreg s18  }
0xb1: {  	[dreg:$0x4] =	wrdreg s2  }
0xb2: {  	[dreg:$0x5] =	wrdreg $0x130900  }
0xb3: {  	[dreg:$0x6] =	wrdreg $0x9  }
0xb4: {  	_ =	task.clear_ibuf [dreg:s8], $0x7FFFF;
	_ =	strace $0x90000046  }
0xb5: {  	s29 =	simm.s32 $0x9;
	_ =	strace $0x80000048  }
0xb6: {  	_ =	swait.ge [sflag:s29], $0x1  }
0xb7: {  	[sflag:s29] =	ssyncadd.s32 $0xFFFFFFFF  }
0xb8: {  	_ =	strace $0x90000048  }
0xb9: {  	_ =	sfence  }
0xba: {  	s30 =	sld [smem:$0x0];
	_ =	sdelay $0x2  }
0xbb: {  	s31 =	sshll.u32 s1, $0xD;
	s1 =	sshrl.u32 s1, $0x2  }
0xbc: {  	s3 =	sand.u32 $0x4000, s31;
	s1 =	sadd.s32 s1, s30  }
0xbd: {  	s0 =	sor.u32 s3, s0;
	s1 =	sshll.u32 s1, $0x11  }
0xbe: {  	s0 =	sor.u32 s1, s0  }
0xbf: {  	s0 =	sadd.s32 $0x8F2B, s0  }
0xc0: {  	[sflag:s0] =	ssyncadd.remote.s32 $0x1  }
0xc1: {  	_ =	sfence.sel $0xFFFF  }
0xc2: {  	[dreg:$0x0] =	wrdreg $0xFFFFFFFF;
	(pc) =	sbr.abs _section_cstart, $3  }
0xc3: {  	[dreg:$0x1] =	wrdreg $0xFFFFFFFF  }
0xc4: {  	_ =	task.clear_ibuf [dreg:s8], $0x2FFFF;
	_ =	strace $0x9FFFFFFF  }
0xc5: {  	(tm) =	ssettm $0x7FFFFFFF  }
tec
execute0_lowered:
.L_overlay_start_1:
0x0: {  	(tag) =	ssettag $0x1  }
0x1: {  	s0 =	rddreg [dreg:$0x0]  }
0x2: {  	s1 =	rddreg [dreg:$0x1]  }
0x3: {  	s3 =	rddreg [dreg:$0x3]  }
0x4: {  	s4 =	simm.s32 $0x0;
	s2 =	srdreg.scid;
	s17 =	stileid.u32  }
0x5: {  	s28 =	simm.s32 $0x80;
	s29 =	simm.s32 $0x3010;
	s9 =	smul.u32 $0x2720, s17  }
0x6: {  	s30 =	simm.s32 $0xB010;
	s31 =	simm.s32 $0x1;
	s15 =	smul.u32 $0x9C80, s17  }
0x7: {  	[smem:$0x7FF] =	sst s4;
	s5 =	sadd.s32 $0x7200, s0;
	s23 =	smul.u32 $0x2710, s17  }
0x8: {  	s2 =	sand.u32 $0x1, s2;
	s8 =	sadd.s32 $0xC200, s0;
	s26 =	smul.u32 $0x4E200, s17  }
0x9: {  	s6 =	sadd.s32 $0x38400, s0;
	s12 =	sadd.s32 $0x568600, s0;
	s7 =	smul.u32 $0x27200, s2  }
0xa: {  	s10 =	sshll.u32 s17, $0x1;
	s13 =	sadd.s32 $0xA54400, s0;
	s24 =	smul.u32 $0x1388, s2  }
0xb: {  	s10 =	sor.u32 s2, s10;
	s14 =	ssub.s32 $0x2, s2;
	s2 =	smul.u32 $0x27100, s2  }
0xc: {  	s11 =	sadd.s32 $0x86600, s0;
	_ =	strace $0x80000047;
	s10 =	smul.u32 $0x1388, s10  }
0xd: {  	s18 =	sshrl.u32 s14, $0x1;
	s19 =	sshrl.u32 s15, $0x2;
	s25 =	sadd.s32 s9, s3  }
0xe: {  	s7 =	sadd.s32 s9, s7;
	s14 =	ssub.s32 s14, s18;
	s9 =	sadd.s32 s26, s11  }
0xf: {  	s25 =	sshrl.u32 s25, $0x3;
	s7 =	sshrl.u32 s7, $0x3;
	s16 =	sadd.s32 $0x1308, s10  }
0x10: {  	s10 =	sshrl.u32 s10, $0x3;
	s14 =	smax.u32 s14, $0x1;
	s20 =	sshrl.u32 s16, $0x3  }
0x11: {  	s17 =	sadd.s32 s2, s9;
	[dreg:$0xc] =	wrdreg s14;
	s18 =	sadd.s32 s5, s20  }
0x12: {  	s16 =	sshll.u32 s16, $0x5;
	s21 =	sadd.s32 s8, s20;
	[dreg:$0x5] =	wrdreg s18  }
0x13: {  	s0 =	sadd.s32 s7, s0;
	s22 =	sadd.s32 s11, s16;
	[dreg:$0x6] =	wrdreg s21  }
0x14: {  	s7 =	sadd.s32 s19, s3;
	s16 =	sadd.s32 s12, s16;
	[dreg:$0x7] =	wrdreg s22  }
0x15: {  	s10 =	sadd.s32 s5, s10;
	s15 =	sadd.s32 s13, s20;
	[dreg:$0x8] =	wrdreg s16  }
0x16: {  	s10 =	sadd.s32 $0x270, s10;
	s0 =	sadd.s32 $0xA4A600, s0;
	[dreg:$0x9] =	wrdreg s15  }
0x17: {  	s12 =	sadd.s32 s26, s12;
	s26 =	simm.s32 $0x2F90;
	[dreg:$0xa] =	wrdreg s10  }
0x18: {  	[dreg:$0xb] =	wrdreg s0;
	s10 =	sadd.s32 s24, s23;
	s16 =	sadd.s32 s2, s12  }
0x19: {  	s22 =	simm.s32 $0x3;
	s23 =	simm.s32 $0x15FB0;
	s24 =	simm.s32 $0x2F10  }
0x1a: {  	s0 =	simm.s32 $0x2;
	s2 =	simm.s32 $0x13010;
	s10 =	sshrl.u32 s10, $0x3  }
0x1b: {  	v0 =	vimm.f32 $0.0e+00;
	vm0 =	vcmask $0x300;
	s21 =	simm.s32 $0x157B0;
	s18 =	sadd.s32 s10, s13;
	s19 =	sadd.s32 s10, s8  }
0x1c: {  	v1 =	vimm.f32 $1.000000000e+00;
	v2 =	vsel vm0, $0x3F800000, v0;
	s20 =	sadd.s32 s10, s5;
	s5 =	simm.s32 $0x15FF0;
	s8 =	simm.s32 $0x0  }
.LBB2_1:
0x1d: {  	s9 =	simm.s32 $0x40;
	s10 =	simm.s32 $0x0  }
.LBB2_2:
0x1e: {  	p0 =	sne.s32 s9, $0x9C00;
	[tilespmem:s10+$0x0] =	vst v0;
	s10 =	smov.u32 s9;
	s9 =	sadd.s32 $0x40, s9  }
.Ltmp0:
0x1f: {  	(pc) =	sbr.rel @p0 .LBB2_2-.Ltmp0, $2  }
0x20: {  	_ =	sdelay $0x2  }
0x21: {  	s10 =	sshra.s32 s10, $0x2  }
0x22: {  	[tilespmem:s10+$0x0] =	vst v0;
	s9 =	simm.s32 $0x0;
	s15 =	rddreg [dreg:$0x2];
	s11 =	simm.s32 $0x2710  }
0x23: {  	[tilespmem:s11], [sflag:$0x3] =	stream.linear.gather [hbm4b:s15+s9], $0x800, $0x38;
	[tilespmem:$0x15FF8] =	vst v63  }
0x24: {  	_ =	swait.ge [sflag:s22], $0x800  }
0x25: {  	[sflag:s22] =	ssyncset.done $0x0  }
0x26: {  	s10 =	simm.s32 $0x40;
	s11 =	simm.s32 $0x0;
	[sflag:s22] =	ssyncadd.s32 $0xFFFFF800  }
.LBB2_4:
0x27: {  	p0 =	sne.s32 s10, $0x1FC0;
	v3 =	vld [tilespmem:s11+$0x2710];
	_ =	sdelay $0x3  }
.Ltmp1:
0x28: {  	(pc) =	sbr.rel @p0 .LBB2_4-.Ltmp1, $2  }
0x29: {  	_ =	sdelay $0x2  }
0x2a: {  	s11 =	sshra.s32 s10, $0x2;
	s10 =	sadd.s32 $0x40, s10;
	[tilespmem:v3+s9+$0x0] =	vst.idx.msk $0xffff, v1  }
0x2b: {  	v3 =	vld [tilespmem:s11+$0x2710];
	_ =	sdelay $0x7  }
0x2c: {  	s10 =	simm.s32 $0x0;
	[tilespmem:v3+s9+$0x0] =	vst.idx.msk $0xffff, v1;
	s9 =	simm.s32 $0x40  }
.LBB2_6:
0x2d: {  	p0 =	sne.s32 s9, $0x1FC0;
	[tilespmem:s10+$0x157B0] =	vst v2;
	s10 =	smov.u32 s9;
	s9 =	sadd.s32 $0x40, s9  }
.Ltmp2:
0x2e: {  	(pc) =	sbr.rel @p0 .LBB2_6-.Ltmp2, $2  }
0x2f: {  	_ =	sdelay $0x2  }
0x30: {  	s10 =	sshra.s32 s10, $0x2  }
0x31: {  	[tilespmem:s10+$0x157B0] =	vst v2  }
0x32: {  	[tilespmem:$0x15FB0] =	vst v0  }
0x33: {  	[tilespmem:$0x15FC0] =	vst v0  }
0x34: {  	[tilespmem:$0x15FD0] =	vst v0  }
0x35: {  	s9 =	sadd.s32 $0x0, s7;
	[tilespmem:$0x15FE0] =	vst v0  }
0x36: {  	[spmem:s9] =	stream.linear.scatter [tilespmem:s23], [sflag:$0x3], $0x40, $0x38;
	[tilespmem:$0x15FF8] =	vst v63  }
0x37: {  	s9 =	simm.s32 $0x100;
	_ =	swait.ge [sflag:s22], $0x40  }
.LBB2_8:
0x38: {  	s10 =	sshra.s32 s9, $0x2;
	[sflag:s22] =	ssyncset.done $0x0;
	p0 =	sne.s32 s9, $0x9B00  }
.Ltmp3:
0x39: {  	s10 =	sadd.s32 s10, s7;
	[sflag:s22] =	ssyncadd.s32 $0xFFFFFFC0;
	(pc) =	sbr.rel @p0 .LBB2_8-.Ltmp3, $3  }
0x3a: {  	[spmem:s10] =	stream.linear.scatter [tilespmem:s23], [sflag:$0x3], $0x40, $0x38;
	[tilespmem:$0x15FF8] =	vst v63  }
0x3b: {  	s9 =	sadd.s32 $0x100, s9;
	_ =	sdelay $0x1  }
0x3c: {  	_ =	swait.ge [sflag:s22], $0x40  }
0x3d: {  	[sflag:s22] =	ssyncset.done $0x0  }
0x3e: {  	[sflag:s22] =	ssyncadd.s32 $0xFFFFFFC0  }
0x3f: {  	s9 =	sadd.s32 $0x0, s20;
	[bflag:$0x0] =	sbarrier.arrive $0xFFFF  }
0x40: {  	[tilespmem:s24], [sflag:$0x3] =	stream.linear.gather [hbm4b:s9+s4], $0x80, $0x38;
	[tilespmem:$0x15FF8] =	vst v63  }
0x41: {  	_ =	swait.ge [sflag:s22], $0x80  }
0x42: {  	[sflag:s22] =	ssyncset.done $0x0  }
0x43: {  	s14 =	sadd.s32 $0x0, s19;
	[sflag:s22] =	ssyncadd.s32 $0xFFFFFF80  }
0x44: {  	[tilespmem:s26], [sflag:$0x3] =	stream.linear.gather [hbm4b:s14+s4], $0x80, $0x38;
	[tilespmem:$0x15FF8] =	vst v63  }
0x45: {  	_ =	swait.ge [sflag:s22], $0x80  }
0x46: {  	[sflag:s22] =	ssyncset.done $0x0  }
0x47: {  	[sflag:s22] =	ssyncadd.s32 $0xFFFFFF80  }
0x48: {  	[tilespmem:s29], [sflag:$0x1] =	stream.indirect.gather [hbm4b:s6+s28], $0x100, s24, s28, $0xb8;
	[tilespmem:$0x15FF8] =	vst v63  }
0x49: {  	_ = 	snop  }
0x4a: {  	[tilespmem:s30], [sflag:$0x2] =	stream.indirect.gather [hbm4b:s1+s28], $0x100, s26, s28, $0xb8;
	[tilespmem:$0x15FF8] =	vst v63  }
0x4b: {  	v3 =	vld [tilespmem:$0x2F10];
	_ =	sdelay $0x5  }
0x4c: {  	v4 =	vld [tilespmem:$0x2F20];
	_ =	sdelay $0x1  }
0x4d: {  	v3 =	vld.idx.msk [tilespmem:v3+s4+$0x0], $0xffff;
	_ =	sdelay $0x3  }
0x4e: {  	v5 =	vld [tilespmem:$0x2F30]  }
0x4f: {  	[tilespmem:$0x13010] =	vst v3  }
0x50: {  	v3 =	vld.idx.msk [tilespmem:v4+s4+$0x0], $0xffff;
	_ =	sdelay $0x3  }
0x51: {  	v59 =	vld [tilespmem:$0x2F40]  }
0x52: {  	[tilespmem:$0x13020] =	vst v3  }
0x53: {  	v3 =	vld.idx.msk [tilespmem:v5+s4+$0x0], $0xffff;
	_ =	sdelay $0x3  }
0x54: {  	v60 =	vld [tilespmem:$0x2F50]  }
0x55: {  	[tilespmem:$0x13030] =	vst v3  }
0x56: {  	v3 =	vld.idx.msk [tilespmem:v59+s4+$0x0], $0xffff;
	_ =	sdelay $0x3  }
0x57: {  	v61 =	vld [tilespmem:$0x2F60]  }
0x58: {  	[tilespmem:$0x13040] =	vst v3  }
0x59: {  	v3 =	vld.idx.msk [tilespmem:v60+s4+$0x0], $0xffff;
	_ =	sdelay $0x3  }
0x5a: {  	v62 =	vld [tilespmem:$0x2F70]  }
0x5b: {  	[tilespmem:$0x13050] =	vst v3  }
0x5c: {  	v3 =	vld.idx.msk [tilespmem:v61+s4+$0x0], $0xffff;
	_ =	sdelay $0x3  }
0x5d: {  	v63 =	vld [tilespmem:$0x2F80]  }
0x5e: {  	[tilespmem:$0x13060] =	vst v3  }
0x5f: {  	v3 =	vld.idx.msk [tilespmem:v62+s4+$0x0], $0xffff;
	_ =	sdelay $0x4  }
0x60: {  	[tilespmem:$0x13070] =	vst v3  }
0x61: {  	v3 =	vld.idx.msk [tilespmem:v63+s4+$0x0], $0xffff;
	_ =	sdelay $0x4  }
0x62: {  	[tilespmem:$0x13080] =	vst v3  }
0x63: {  	_ =	swait.ge [sflag:s31], $0x8000  }
0x64: {  	[sflag:s31] =	ssyncset.done $0x0  }
0x65: {  	[sflag:s31] =	ssyncadd.s32 $0xFFFF8000  }
0x66: {  	_ =	swait.ge [sflag:s0], $0x8000  }
0x67: {  	[sflag:s0] =	ssyncset.done $0x0  }
0x68: {  	[sflag:s0] =	ssyncadd.s32 $0xFFFF8000  }
0x69: {  	[hbm4b:s17+s4] =	stream.linear.scatter [tilespmem:s29], [sflag:$0x3], $0x8000, $0x38;
	[tilespmem:$0x15FF8] =	vst v63  }
0x6a: {  	_ =	swait.ge [sflag:s22], $0x8000  }
0x6b: {  	[sflag:s22] =	ssyncset.done $0x0  }
0x6c: {  	[sflag:s22] =	ssyncadd.s32 $0xFFFF8000  }
0x6d: {  	[hbm4b:s16+s4] =	stream.linear.scatter [tilespmem:s30], [sflag:$0x3], $0x8000, $0x38;
	[tilespmem:$0x15FF8] =	vst v63  }
0x6e: {  	_ =	swait.ge [sflag:s22], $0x8000  }
0x6f: {  	[sflag:s22] =	ssyncset.done $0x0  }
0x70: {  	s15 =	sadd.s32 $0x0, s18;
	[sflag:s22] =	ssyncadd.s32 $0xFFFF8000  }
0x71: {  	[hbm4b:s15+s4] =	stream.linear.scatter [tilespmem:s2], [sflag:$0x3], $0x80, $0x38;
	[tilespmem:$0x15FF8] =	vst v63  }
0x72: {  	_ =	swait.ge [sflag:s22], $0x80  }
0x73: {  	[sflag:s22] =	ssyncset.done $0x0  }
0x74: {  	[sflag:s22] =	ssyncadd.s32 $0xFFFFFF80  }
0x75: {  	[spmem:s3] =	stream.indirect.scatter.add.f32 [tilespmem:s21], [sflag:$0x3], $0x10, s24, s28, $0xb8;
	[tilespmem:$0x15FF8] =	vst v63  }
0x76: {  	s12 =	simm.s32 $0x20;
	s10 =	sadd.s32 $0x1000, s16;
	_ =	swait.ge [sflag:s22], $0x800  }
0x77: {  	s11 =	sadd.s32 $0x1000, s17;
	s9 =	simm.s32 $0x10;
	[sflag:s22] =	ssyncset.done $0x0  }
.LBB2_10:
0x78: {  	s15 =	sadd.s32 s9, s20  }
0x79: {  	[sflag:s22] =	ssyncadd.s32 $0xFFFFF800;
	s13 =	smov.u32 s12;
	s14 =	sadd.s32 $0x10, s12  }
0x7a: {  	[tilespmem:s24], [sflag:$0x3] =	stream.linear.gather [hbm4b:s15+s4], $0x80, $0x38;
	[tilespmem:$0x15FF8] =	vst v63  }
0x7b: {  	p0 =	sne.s32 s12, $0x260;
	_ =	swait.ge [sflag:s22], $0x80  }
0x7c: {  	[sflag:s22] =	ssyncset.done $0x0  }
0x7d: {  	s12 =	sadd.s32 s9, s19;
	[sflag:s22] =	ssyncadd.s32 $0xFFFFFF80  }
0x7e: {  	[tilespmem:s26], [sflag:$0x3] =	stream.linear.gather [hbm4b:s12+s4], $0x80, $0x38;
	[tilespmem:$0x15FF8] =	vst v63  }
0x7f: {  	_ =	swait.ge [sflag:s22], $0x80  }
0x80: {  	[sflag:s22] =	ssyncset.done $0x0  }
0x81: {  	[sflag:s22] =	ssyncadd.s32 $0xFFFFFF80  }
0x82: {  	[tilespmem:s29], [sflag:$0x1] =	stream.indirect.gather [hbm4b:s6+s28], $0x100, s24, s28, $0xb8;
	[tilespmem:$0x15FF8] =	vst v63  }
0x83: {  	_ = 	snop  }
0x84: {  	[tilespmem:s30], [sflag:$0x2] =	stream.indirect.gather [hbm4b:s1+s28], $0x100, s26, s28, $0xb8;
	[tilespmem:$0x15FF8] =	vst v63  }
0x85: {  	v3 =	vld [tilespmem:$0x2F10]  }
0x86: {  	v4 =	vld [tilespmem:$0x2F20]  }
0x87: {  	v5 =	vld [tilespmem:$0x2F30]  }
0x88: {  	v6 =	vld [tilespmem:$0x2F40]  }
0x89: {  	v7 =	vld [tilespmem:$0x2F50]  }
0x8a: {  	v8 =	vld [tilespmem:$0x2F60]  }
0x8b: {  	v9 =	vld [tilespmem:$0x2F70]  }
0x8c: {  	v10 =	vld [tilespmem:$0x2F80]  }
0x8d: {  	v3 =	vld.idx.msk [tilespmem:v3+s4+$0x0], $0xffff;
	_ =	sdelay $0x5  }
0x8e: {  	[tilespmem:$0x13010] =	vst v3  }
0x8f: {  	v3 =	vld.idx.msk [tilespmem:v4+s4+$0x0], $0xffff;
	_ =	sdelay $0x5  }
0x90: {  	[tilespmem:$0x13020] =	vst v3  }
0x91: {  	v3 =	vld.idx.msk [tilespmem:v5+s4+$0x0], $0xffff;
	_ =	sdelay $0x5  }
0x92: {  	[tilespmem:$0x13030] =	vst v3  }
0x93: {  	v3 =	vld.idx.msk [tilespmem:v6+s4+$0x0], $0xffff;
	_ =	sdelay $0x5  }
0x94: {  	[tilespmem:$0x13040] =	vst v3  }
0x95: {  	v3 =	vld.idx.msk [tilespmem:v7+s4+$0x0], $0xffff;
	_ =	sdelay $0x5  }
0x96: {  	[tilespmem:$0x13050] =	vst v3  }
0x97: {  	v3 =	vld.idx.msk [tilespmem:v8+s4+$0x0], $0xffff;
	_ =	sdelay $0x5  }
0x98: {  	[tilespmem:$0x13060] =	vst v3  }
0x99: {  	v3 =	vld.idx.msk [tilespmem:v9+s4+$0x0], $0xffff;
	_ =	sdelay $0x5  }
0x9a: {  	[tilespmem:$0x13070] =	vst v3  }
0x9b: {  	v3 =	vld.idx.msk [tilespmem:v10+s4+$0x0], $0xffff;
	_ =	sdelay $0x5  }
0x9c: {  	[tilespmem:$0x13080] =	vst v3  }
0x9d: {  	_ =	swait.ge [sflag:s31], $0x8000  }
0x9e: {  	[sflag:s31] =	ssyncset.done $0x0  }
0x9f: {  	[sflag:s31] =	ssyncadd.s32 $0xFFFF8000  }
0xa0: {  	_ =	swait.ge [sflag:s0], $0x8000  }
0xa1: {  	[sflag:s0] =	ssyncset.done $0x0  }
0xa2: {  	[sflag:s0] =	ssyncadd.s32 $0xFFFF8000  }
0xa3: {  	[hbm4b:s11+s4] =	stream.linear.scatter [tilespmem:s29], [sflag:$0x3], $0x8000, $0x38;
	[tilespmem:$0x15FF8] =	vst v63  }
0xa4: {  	_ =	swait.ge [sflag:s22], $0x8000  }
0xa5: {  	[sflag:s22] =	ssyncset.done $0x0  }
0xa6: {  	[sflag:s22] =	ssyncadd.s32 $0xFFFF8000  }
0xa7: {  	[hbm4b:s10+s4] =	stream.linear.scatter [tilespmem:s30], [sflag:$0x3], $0x8000, $0x38;
	[tilespmem:$0x15FF8] =	vst v63  }
0xa8: {  	_ =	swait.ge [sflag:s22], $0x8000  }
0xa9: {  	[sflag:s22] =	ssyncset.done $0x0  }
0xaa: {  	s12 =	sadd.s32 s9, s18;
	s9 =	smov.u32 s13;
	[sflag:s22] =	ssyncadd.s32 $0xFFFF8000  }
0xab: {  	[hbm4b:s12+s4] =	stream.linear.scatter [tilespmem:s2], [sflag:$0x3], $0x80, $0x38;
	[tilespmem:$0x15FF8] =	vst v63  }
0xac: {  	_ =	swait.ge [sflag:s22], $0x80  }
.Ltmp4:
0xad: {  	[sflag:s22] =	ssyncset.done $0x0;
	(pc) =	sbr.rel @p0 .LBB2_10-.Ltmp4, $4  }
0xae: {  	[sflag:s22] =	ssyncadd.s32 $0xFFFFFF80  }
0xaf: {  	[spmem:s3] =	stream.indirect.scatter.add.f32 [tilespmem:s21], [sflag:$0x3], $0x10, s24, s28, $0xb8;
	[tilespmem:$0x15FF8] =	vst v63  }
0xb0: {  	s11 =	sadd.s32 $0x1000, s11;
	_ =	swait.ge [sflag:s22], $0x800  }
0xb1: {  	s10 =	sadd.s32 $0x1000, s10;
	s12 =	smov.u32 s14;
	[sflag:s22] =	ssyncset.done $0x0  }
0xb2: {  	s12 =	sadd.s32 s9, s20;
	[sflag:s22] =	ssyncadd.s32 $0xFFFFF800  }
0xb3: {  	[tilespmem:s24], [sflag:$0x3] =	stream.linear.gather [hbm4b:s12+s4], $0x80, $0x38;
	[tilespmem:$0x15FF8] =	vst v63  }
0xb4: {  	_ =	swait.ge [sflag:s22], $0x80  }
0xb5: {  	[sflag:s22] =	ssyncset.done $0x0  }
0xb6: {  	s15 =	sadd.s32 s9, s19;
	[sflag:s22] =	ssyncadd.s32 $0xFFFFFF80  }
0xb7: {  	[tilespmem:s26], [sflag:$0x3] =	stream.linear.gather [hbm4b:s15+s4], $0x80, $0x38;
	[tilespmem:$0x15FF8] =	vst v63  }
0xb8: {  	_ =	swait.ge [sflag:s22], $0x80  }
0xb9: {  	[sflag:s22] =	ssyncset.done $0x0  }
0xba: {  	[sflag:s22] =	ssyncadd.s32 $0xFFFFFF80  }
0xbb: {  	[tilespmem:s29], [sflag:$0x1] =	stream.indirect.gather [hbm4b:s6+s28], $0x100, s24, s28, $0xb8;
	[tilespmem:$0x15FF8] =	vst v63  }
0xbc: {  	_ = 	snop  }
0xbd: {  	[tilespmem:s30], [sflag:$0x2] =	stream.indirect.gather [hbm4b:s1+s28], $0x100, s26, s28, $0xb8;
	[tilespmem:$0x15FF8] =	vst v63  }
0xbe: {  	v3 =	vld [tilespmem:$0x2F10];
	_ =	sdelay $0x5  }
0xbf: {  	v4 =	vld [tilespmem:$0x2F20];
	_ =	sdelay $0x1  }
0xc0: {  	v3 =	vld.idx.msk [tilespmem:v3+s4+$0x0], $0xffff;
	_ =	sdelay $0x3  }
0xc1: {  	v5 =	vld [tilespmem:$0x2F30]  }
0xc2: {  	[tilespmem:$0x13010] =	vst v3  }
0xc3: {  	v3 =	vld.idx.msk [tilespmem:v4+s4+$0x0], $0xffff;
	_ =	sdelay $0x3  }
0xc4: {  	v52 =	vld [tilespmem:$0x2F40]  }
0xc5: {  	[tilespmem:$0x13020] =	vst v3  }
0xc6: {  	v3 =	vld.idx.msk [tilespmem:v5+s4+$0x0], $0xffff;
	_ =	sdelay $0x3  }
0xc7: {  	v53 =	vld [tilespmem:$0x2F50]  }
0xc8: {  	[tilespmem:$0x13030] =	vst v3  }
0xc9: {  	v3 =	vld.idx.msk [tilespmem:v52+s4+$0x0], $0xffff;
	_ =	sdelay $0x3  }
0xca: {  	v54 =	vld [tilespmem:$0x2F60]  }
0xcb: {  	[tilespmem:$0x13040] =	vst v3  }
0xcc: {  	v3 =	vld.idx.msk [tilespmem:v53+s4+$0x0], $0xffff;
	_ =	sdelay $0x3  }
0xcd: {  	v55 =	vld [tilespmem:$0x2F70]  }
0xce: {  	[tilespmem:$0x13050] =	vst v3  }
0xcf: {  	v3 =	vld.idx.msk [tilespmem:v54+s4+$0x0], $0xffff;
	_ =	sdelay $0x3  }
0xd0: {  	v56 =	vld [tilespmem:$0x2F80]  }
0xd1: {  	[tilespmem:$0x13060] =	vst v3  }
0xd2: {  	v3 =	vld.idx.msk [tilespmem:v55+s4+$0x0], $0xffff;
	_ =	sdelay $0x4  }
0xd3: {  	[tilespmem:$0x13070] =	vst v3  }
0xd4: {  	v3 =	vld.idx.msk [tilespmem:v56+s4+$0x0], $0xffff;
	_ =	sdelay $0x4  }
0xd5: {  	[tilespmem:$0x13080] =	vst v3  }
0xd6: {  	_ =	swait.ge [sflag:s31], $0x8000  }
0xd7: {  	[sflag:s31] =	ssyncset.done $0x0  }
0xd8: {  	[sflag:s31] =	ssyncadd.s32 $0xFFFF8000  }
0xd9: {  	_ =	swait.ge [sflag:s0], $0x8000  }
0xda: {  	[sflag:s0] =	ssyncset.done $0x0  }
0xdb: {  	[sflag:s0] =	ssyncadd.s32 $0xFFFF8000  }
0xdc: {  	[hbm4b:s11+s4] =	stream.linear.scatter [tilespmem:s29], [sflag:$0x3], $0x8000, $0x38;
	[tilespmem:$0x15FF8] =	vst v63  }
0xdd: {  	_ =	swait.ge [sflag:s22], $0x8000  }
0xde: {  	[sflag:s22] =	ssyncset.done $0x0  }
0xdf: {  	[sflag:s22] =	ssyncadd.s32 $0xFFFF8000  }
0xe0: {  	[hbm4b:s10+s4] =	stream.linear.scatter [tilespmem:s30], [sflag:$0x3], $0x8000, $0x38;
	[tilespmem:$0x15FF8] =	vst v63  }
0xe1: {  	_ =	swait.ge [sflag:s22], $0x8000  }
0xe2: {  	[sflag:s22] =	ssyncset.done $0x0  }
0xe3: {  	s11 =	sadd.s32 s9, s18;
	[sflag:s22] =	ssyncadd.s32 $0xFFFF8000  }
0xe4: {  	[hbm4b:s11+s4] =	stream.linear.scatter [tilespmem:s2], [sflag:$0x3], $0x80, $0x38;
	[tilespmem:$0x15FF8] =	vst v63  }
0xe5: {  	_ =	swait.ge [sflag:s22], $0x80  }
0xe6: {  	[sflag:s22] =	ssyncset.done $0x0  }
0xe7: {  	[sflag:s22] =	ssyncadd.s32 $0xFFFFFF80  }
0xe8: {  	[spmem:s3] =	stream.indirect.scatter.add.f32 [tilespmem:s21], [sflag:$0x3], $0x10, s24, s28, $0xb8;
	[tilespmem:$0x15FF8] =	vst v63  }
0xe9: {  	_ =	swait.ge [sflag:s22], $0x800  }
0xea: {  	[sflag:s22] =	ssyncset.done $0x0  }
0xeb: {  	s12 =	rddreg [dreg:$0x5];
	[sflag:s22] =	ssyncadd.s32 $0xFFFFF800  }
0xec: {  	[tilespmem:s24], [sflag:$0x3] =	stream.linear.gather [hbm4b:s12+s4], $0x80, $0x38;
	[tilespmem:$0x15FF8] =	vst v63  }
0xed: {  	_ =	swait.ge [sflag:s22], $0x80  }
0xee: {  	[sflag:s22] =	ssyncset.done $0x0  }
0xef: {  	s13 =	rddreg [dreg:$0x6];
	[sflag:s22] =	ssyncadd.s32 $0xFFFFFF80  }
0xf0: {  	[tilespmem:s26], [sflag:$0x3] =	stream.linear.gather [hbm4b:s13+s4], $0x80, $0x38;
	[tilespmem:$0x15FF8] =	vst v63  }
0xf1: {  	_ =	swait.ge [sflag:s22], $0x80  }
0xf2: {  	[sflag:s22] =	ssyncset.done $0x0  }
0xf3: {  	[sflag:s22] =	ssyncadd.s32 $0xFFFFFF80  }
0xf4: {  	[tilespmem:s29], [sflag:$0x1] =	stream.indirect.gather [hbm4b:s6+s28], $0x100, s24, s28, $0xb8;
	[tilespmem:$0x15FF8] =	vst v63  }
0xf5: {  	_ = 	snop  }
0xf6: {  	[tilespmem:s30], [sflag:$0x2] =	stream.indirect.gather [hbm4b:s1+s28], $0x100, s26, s28, $0xb8;
	[tilespmem:$0x15FF8] =	vst v63  }
0xf7: {  	v3 =	vld [tilespmem:$0x2F10];
	_ =	sdelay $0x5  }
0xf8: {  	v57 =	vld [tilespmem:$0x2F20];
	_ =	sdelay $0x1  }
0xf9: {  	v3 =	vld.idx.msk [tilespmem:v3+s4+$0x0], $0xffff;
	_ =	sdelay $0x3  }
0xfa: {  	v58 =	vld [tilespmem:$0x2F30]  }
0xfb: {  	[tilespmem:$0x13010] =	vst v3  }
0xfc: {  	v3 =	vld.idx.msk [tilespmem:v57+s4+$0x0], $0xffff;
	_ =	sdelay $0x3  }
0xfd: {  	v59 =	vld [tilespmem:$0x2F40]  }
0xfe: {  	[tilespmem:$0x13020] =	vst v3  }
0xff: {  	v3 =	vld.idx.msk [tilespmem:v58+s4+$0x0], $0xffff;
	_ =	sdelay $0x3  }
0x100: {  	v60 =	vld [tilespmem:$0x2F50]  }
0x101: {  	[tilespmem:$0x13030] =	vst v3  }
0x102: {  	v3 =	vld.idx.msk [tilespmem:v59+s4+$0x0], $0xffff;
	_ =	sdelay $0x3  }
0x103: {  	v61 =	vld [tilespmem:$0x2F60]  }
0x104: {  	[tilespmem:$0x13040] =	vst v3  }
0x105: {  	v3 =	vld.idx.msk [tilespmem:v60+s4+$0x0], $0xffff;
	_ =	sdelay $0x3  }
0x106: {  	v62 =	vld [tilespmem:$0x2F70]  }
0x107: {  	[tilespmem:$0x13050] =	vst v3  }
0x108: {  	v3 =	vld.idx.msk [tilespmem:v61+s4+$0x0], $0xffff;
	_ =	sdelay $0x3  }
0x109: {  	v63 =	vld [tilespmem:$0x2F80]  }
0x10a: {  	[tilespmem:$0x13060] =	vst v3  }
0x10b: {  	v3 =	vld.idx.msk [tilespmem:v62+s4+$0x0], $0xffff;
	_ =	sdelay $0x4  }
0x10c: {  	[tilespmem:$0x13070] =	vst v3  }
0x10d: {  	v3 =	vld.idx.msk [tilespmem:v63+s4+$0x0], $0xffff;
	_ =	sdelay $0x4  }
0x10e: {  	[tilespmem:$0x13080] =	vst v3  }
0x10f: {  	_ =	swait.ge [sflag:s31], $0x8000  }
0x110: {  	[sflag:s31] =	ssyncset.done $0x0  }
0x111: {  	[sflag:s31] =	ssyncadd.s32 $0xFFFF8000  }
0x112: {  	_ =	swait.ge [sflag:s0], $0x8000  }
0x113: {  	[sflag:s0] =	ssyncset.done $0x0  }
0x114: {  	s14 =	rddreg [dreg:$0x7];
	[sflag:s0] =	ssyncadd.s32 $0xFFFF8000  }
0x115: {  	[hbm4b:s14+s4] =	stream.linear.scatter [tilespmem:s29], [sflag:$0x3], $0x8000, $0x38;
	[tilespmem:$0x15FF8] =	vst v63  }
0x116: {  	_ =	swait.ge [sflag:s22], $0x8000  }
0x117: {  	[sflag:s22] =	ssyncset.done $0x0  }
0x118: {  	s15 =	rddreg [dreg:$0x8];
	[sflag:s22] =	ssyncadd.s32 $0xFFFF8000  }
0x119: {  	[hbm4b:s15+s4] =	stream.linear.scatter [tilespmem:s30], [sflag:$0x3], $0x8000, $0x38;
	[tilespmem:$0x15FF8] =	vst v63  }
0x11a: {  	_ =	swait.ge [sflag:s22], $0x8000  }
0x11b: {  	[sflag:s22] =	ssyncset.done $0x0  }
0x11c: {  	s10 =	rddreg [dreg:$0x9];
	[sflag:s22] =	ssyncadd.s32 $0xFFFF8000  }
0x11d: {  	[hbm4b:s10+s4] =	stream.linear.scatter [tilespmem:s2], [sflag:$0x3], $0x80, $0x38;
	[tilespmem:$0x15FF8] =	vst v63  }
0x11e: {  	_ =	swait.ge [sflag:s22], $0x80  }
0x11f: {  	[sflag:s22] =	ssyncset.done $0x0  }
0x120: {  	s11 =	rddreg [dreg:$0xa];
	[sflag:s22] =	ssyncadd.s32 $0xFFFFFF80  }
0x121: {  	[tilespmem:s5], [sflag:$0x3] =	stream.linear.gather [hbm4b:s11+s4], $0x8, $0x38;
	[tilespmem:$0x15FF8] =	vst v63  }
0x122: {  	_ =	swait.ge [sflag:s22], $0x8  }
0x123: {  	[sflag:s22] =	ssyncset.done $0x0  }
0x124: {  	s12 =	simm.s32 $0x8;
	[sflag:s22] =	ssyncadd.s32 $0xFFFFFFF8  }
0x125: {  	[spmem:s3] =	stream.indirect.scatter.add.f32 [tilespmem:s21], [sflag:$0x3], $0x10, s5, s12, $0xb8;
	[tilespmem:$0x15FF8] =	vst v63  }
0x126: {  	_ =	swait.ge [sflag:s22], $0x80  }
0x127: {  	[sflag:s22] =	ssyncset.done $0x0  }
0x128: {  	s13 =	stileid.u32;
	[sflag:s22] =	ssyncadd.s32 $0xFFFFFF80  }
0x129: {  	s9 =	sshll.u32 s13, $0x6;
	[bflag:$0x0] =	sbarrier.arrive $0xFFFF  }
0x12a: {  	s9 =	sor.u32 $0x1C03, s9;
	s14 =	rddreg [dreg:$0xb]  }
0x12b: {  	[hbm:s14], [sflag:s9] =	dma.local [spmem:s25], $0x4E4  }
0x12c: {  	_ =	swait.ge [sflag:s22], $0x4E4  }
0x12d: {  	s8 =	sadd.s32 $0x1, s8;
	s15 =	rddreg [dreg:$0xc]  }
0x12e: {  	p0 =	sne.s32 s8, s15  }
.Ltmp5:
0x12f: {  	_ = 	snop;
	(pc) =	sbr.rel @p0 .LBB2_1-.Ltmp5, $3  }
0x130: {  	_ =	sdelay $0x1  }
0x131: {  	[sflag:s22] =	ssyncset.done $0x0  }
0x132: {  	[sflag:s22] =	ssyncadd.s32 $0xFFFFFB1C  }
0x133: {  	_ =	sfence.sel $0x180000  }
0x134: {  	[bflag:$0x0] =	sbarrier.arrive $0xFFFF  }
0x135: {  	_ =	strace $0x90000047  }
0x136: {  	s0 =	stileid.u32;
	[bflag:$0x2] =	sbarrier.arrive $0xFFFF  }
0x137: {  	p0 =	sne.s32 s0, $0x0;
	s0 =	rddreg [dreg:$0x4]  }
0x138: {  	s0 =	sadd.s32 @!p0 $0x100000, s0  }
0x139: {  	[sflag:s0] =	ssyncadd.tile.s32 @!p0 $0x1;
	_ =	shalt  }
.Lfunc_end2:
_tile_overlayer_lowered:
.L_overlay_start_2:
0x13a: {  	(tag) =	ssettag $0x2  }
0x13b: {  	s0 =	rddreg [dreg:$0x0];
	s2 =	stileid.u32  }
0x13c: {  	s1 =	rddreg [dreg:$0x1];
	p0 =	sne.s32 s2, $0x0  }
0x13d: {  	s3 =	rddreg [dreg:$0x2];
	[bflag:$0x3] =	sbarrier.arrive $0xFFFF;
	s2 =	simm.s32 @!p0 $0x1C03  }
0x13e: {  	[timem:s3], [sflag:s2] =	dma.local @!p0 [hbm:s0], s1  }
0x13f: {  	s0 =	simm.s32 @!p0 $0x3  }
0x140: {  	_ =	swait.ge @!p0 [sflag:s0], s1  }
0x141: {  	s1 =	ssub.s32 @!p0 $0x0, s1;
	[sflag:s0] =	ssyncset.done @!p0 $0x0  }
0x142: {  	[sflag:s0] =	ssyncadd.s32 @!p0 s1  }
0x143: {  	[bflag:$0x3] =	sbarrier.arrive $0xFFFF  }
0x144: {  	_ =	shalt  }

// kernel: kernel.15.cloned.1.call-start
scs
__scs_entry_jumppad:
0x0: {  	(pc) =	sbr.rel $0x88, $3  }
0x1: {  	(tag) =	ssettag $0x0;
	lr =	simm.s32 $0x1  }
0x2: {  	[smem:$0x3F8E] =	sst lr;
	_ =	strace $0xD0000000  }
0x3: {  	_ = 	snop  }
0x4: {  	_ = 	snop  }
0x5: {  	_ = 	snop  }
0x6: {  	_ = 	snop  }
0x7: {  	_ = 	snop  }
__scs_overlays_trampoline_lowered:
0x8: {  	[smem:$0x3F9D] =	sst s0  }
0x9: {  	[smem:$0x3F9E] =	sst s1  }
0xa: {  	[smem:$0x3F9F] =	sst s2  }
0xb: {  	[smem:$0x3FA0] =	sst s3  }
0xc: {  	[smem:$0x3FA1] =	sst s4  }
0xd: {  	[smem:$0x3FA2] =	sst s5  }
0xe: {  	[smem:$0x3FA3] =	sst s6  }
0xf: {  	[smem:$0x3FA4] =	sst s7  }
0x10: {  	[smem:$0x3FA5] =	sst s8  }
0x11: {  	[smem:$0x3FA6] =	sst s9;
	s0 =	simm.s32 @!p0 $0x0  }
0x12: {  	s1 =	sld [smem:$0x3F8C];
	s0 =	simm.s32 @p0 $0x1  }
0x13: {  	[smem:$0x3FA7] =	sst s0;
	s0 =	simm.s32 @!p1 $0x0  }
0x14: {  	s2 =	sld [smem:$0x3F8B];
	s0 =	simm.s32 @p1 $0x1  }
0x15: {  	[smem:$0x3FA8] =	sst s0;
	s0 =	simm.s32 @!p2 $0x0  }
0x16: {  	s3 =	sld [smem:$0x3FDB];
	s0 =	simm.s32 @p2 $0x1  }
0x17: {  	s4 =	simm.s32 $0x1BF5;
	[smem:$0x3FAA] =	sst s0  }
0x18: {  	s0 =	sld [smem:$0x3F8D];
	_ =	swait.ge [sflag:s4], $0x0  }
0x19: {  	s7 =	sld [smem:$0x3F8E]  }
0x1a: {  	s8 =	sadd.s32 $0xFFFFE003, lr  }
0x1b: {  	s9 =	sadd.s32 $0xFFFFFEF7, lr;
	s5 =	simm.s32 $0xFFFFFFFF;
	p2 =	slt.u32 s8, $0xFFFFF086  }
0x1c: {  	p1 =	slt.u32 s9, $0xF7A;
	s5 =	simm.s32 @!p2 $0x0  }
0x1d: {  	s5 =	simm.s32 @p1 $0x1;
	p0 =	seq.s32 s7, s2  }
0x1e: {  	s7 =	smul.u32 @!p0 $0xF7A, s2;
	p2 =	seq.s32 @!p0 s5, $0x0  }
0x1f: {  	s9 =	smul.u32 $0xF7A, s1;
	s8 =	simm.s32 @!p0 $0x1BF5;
	p2 =	por !p2, p0  }
0x20: {  	[sflag:s8] =	ssyncset.s32 @!p0 $0xFFFFF086;
	s6 =	sadd.s32 @!p0 s3, s7;
	s7 =	simm.s32 @!p0 $0x108  }
0x21: {  	s3 =	sadd.s32 s3, s9;
	s6 =	sadd.s32 @!p0 $0x88, s6;
	s7 =	simm.s32 @p2 $0x1082  }
0x22: {  	[simem:s7], [sflag:s8] =	dma.local @!p0 [hbm:s6], $0xF7A  }
0x23: {  	s9 =	sor.u32 $0xD0000000, s2;
	s6 =	simm.s32 $0x108;
	_ =	swait.ge @!p0 [sflag:s8], $0x0  }
0x24: {  	s3 =	sadd.s32 $0x88, s3;
	s6 =	simm.s32 @!p1 $0x1082;
	[sflag:s4] =	ssyncset.s32 $0xFFFFF086  }
0x25: {  	[simem:s6], [sflag:s4] =	dma.local [hbm:s3], $0xF7A  }
0x26: {  	[smem:$0x3F8E] =	sst s1;
	(tag) =	ssettag s2;
	_ =	strace s9  }
0x27: {  	s1 =	sld [smem:$0x3F9E]  }
0x28: {  	s2 =	sld [smem:$0x3F9F]  }
0x29: {  	s4 =	sld [smem:$0x3FA1]  }
0x2a: {  	p0 =	seq.s32 s5, $0x0;
	s5 =	sld [smem:$0x3FA2]  }
0x2b: {  	s6 =	sld [smem:$0x3FA3]  }
0x2c: {  	s7 =	sld [smem:$0x3FA4]  }
0x2d: {  	s3 =	simm.s32 $0x108;
	s8 =	sld [smem:$0x3FA5]  }
0x2e: {  	s3 =	simm.s32 @!p0 $0x1082;
	s9 =	sld [smem:$0x3FA6]  }
0x2f: {  	lr =	sadd.s32 s0, s3;
	s0 =	sld [smem:$0x3F9D]  }
0x30: {  	s3 =	sld [smem:$0x3FA0]  }
0x31: {  	[smem:$0x3FA9] =	sst s10  }
0x32: {  	s10 =	sld [smem:$0x3FA7];
	_ =	sdelay $0x3  }
0x33: {  	p0 =	seq.s32 s10, $0x1;
	s10 =	sld [smem:$0x3FA9];
	_ =	sdelay $0x3  }
0x34: {  	[smem:$0x3FA9] =	sst s10  }
0x35: {  	s10 =	sld [smem:$0x3FA8];
	_ =	sdelay $0x3  }
0x36: {  	p1 =	seq.s32 s10, $0x1;
	s10 =	sld [smem:$0x3FA9];
	_ =	sdelay $0x3  }
0x37: {  	[smem:$0x3FA9] =	sst s10  }
0x38: {  	s10 =	sld [smem:$0x3FAA]  }
0x39: {  	_ = 	snop;
	(pc) =	sbr.ind lr, $3  }
0x3a: {  	_ = 	snop  }
0x3b: {  	_ = 	snop  }
0x3c: {  	p2 =	seq.s32 s10, $0x1;
	s10 =	sld [smem:$0x3FA9]  }
0x3d: {  	_ =	shalt  }
0x3e: {  	_ =	shalt  }
0x3f: {  	_ =	shalt  }
0x40: {  	_ =	shalt  }
0x41: {  	_ =	shalt  }
0x42: {  	_ =	shalt  }
0x43: {  	_ =	shalt  }
0x44: {  	_ =	shalt  }
0x45: {  	_ =	shalt  }
0x46: {  	_ =	shalt  }
0x47: {  	_ =	shalt  }
0x48: {  	_ =	shalt  }
0x49: {  	_ =	shalt  }
0x4a: {  	_ =	shalt  }
0x4b: {  	_ =	shalt  }
0x4c: {  	_ =	shalt  }
0x4d: {  	_ =	shalt  }
0x4e: {  	_ =	shalt  }
0x4f: {  	_ =	shalt  }
0x50: {  	_ =	shalt  }
0x51: {  	_ =	shalt  }
0x52: {  	_ =	shalt  }
0x53: {  	_ =	shalt  }
0x54: {  	_ =	shalt  }
0x55: {  	_ =	shalt  }
0x56: {  	_ =	shalt  }
0x57: {  	_ =	shalt  }
0x58: {  	_ =	shalt  }
0x59: {  	_ =	shalt  }
0x5a: {  	_ =	shalt  }
0x5b: {  	_ =	shalt  }
0x5c: {  	_ =	shalt  }
0x5d: {  	_ =	shalt  }
0x5e: {  	_ =	shalt  }
0x5f: {  	_ =	shalt  }
0x60: {  	_ =	shalt  }
0x61: {  	_ =	shalt  }
0x62: {  	_ =	shalt  }
0x63: {  	_ =	shalt  }
0x64: {  	_ =	shalt  }
0x65: {  	_ =	shalt  }
0x66: {  	_ =	shalt  }
0x67: {  	_ =	shalt  }
0x68: {  	_ =	shalt  }
0x69: {  	_ =	shalt  }
0x6a: {  	_ =	shalt  }
0x6b: {  	_ =	shalt  }
0x6c: {  	_ =	shalt  }
0x6d: {  	_ =	shalt  }
0x6e: {  	_ =	shalt  }
0x6f: {  	_ =	shalt  }
0x70: {  	_ =	shalt  }
0x71: {  	_ =	shalt  }
0x72: {  	_ =	shalt  }
0x73: {  	_ =	shalt  }
0x74: {  	_ =	shalt  }
0x75: {  	_ =	shalt  }
0x76: {  	_ =	shalt  }
0x77: {  	_ =	shalt  }
0x78: {  	_ =	shalt  }
0x79: {  	_ =	shalt  }
0x7a: {  	_ =	shalt  }
0x7b: {  	_ =	shalt  }
0x7c: {  	_ =	shalt  }
0x7d: {  	_ =	shalt  }
0x7e: {  	_ =	shalt  }
0x7f: {  	_ =	shalt  }
0x80: {  	_ =	shalt  }
0x81: {  	_ =	shalt  }
0x82: {  	_ =	shalt  }
0x83: {  	_ =	shalt  }
0x84: {  	_ =	shalt  }
0x85: {  	_ =	shalt  }
0x86: {  	_ =	shalt  }
0x87: {  	_ =	shalt  }
.Lfunc_end0:
.L_simem_size_0:
called_computation.3_lowered:
.L_overlay_start_0:
0x88: {  	s2 =	sld [smem:$0x3FD9]  }
0x89: {  	s3 =	sld [smem:$0x3FFE];
	_ =	sdelay $0x1  }
0x8a: {  	s1 =	srdreg.scid  }
0x8b: {  	s0 =	sand.u32 $0x1, s1  }
0x8c: {  	s17 =	sshll.u32 s0, $0xA;
	s2 =	sadd.s32 s3, s2  }
0x8d: {  	s2 =	sadd.s32 s2, s17  }
0x8e: {  	[smem:$0x3FB5] =	sst s2  }
0x8f: {  	_ = 	snop  }
0x90: {  	s2 =	sld [smem:$0x3FD0];
	(tm) =	ssettm $0x1  }
0x91: {  	s18 =	sld [smem:$0x3FFB];
	_ =	sdelay $0x3  }
0x92: {  	_ =	strace s18  }
0x93: {  	s3 =	sld [smem:$0x3FFC];
	_ =	sdelay $0x3  }
0x94: {  	_ =	strace s3  }
0x95: {  	s3 =	sld [smem:$0x3FFD];
	_ =	sdelay $0x3  }
0x96: {  	_ =	strace s3  }
0x97: {  	_ =	strace $0x8FFFFFFF  }
0x98: {  	s19 =	sld [smem:$0x3FDB];
	_ =	sdelay $0x1  }
0x99: {  	s4 =	simm.s32 $_scs_section_size  }
0x9a: {  	s5 =	simm.s32 $_size__tile_overlayer_lowered;
	s6 =	simm.s32 $_tile_overlayer_lowered  }
0x9b: {  	s22 =	simm.s32 $0x1BFF;
	s21 =	sshll.u32 s6, $0x1;
	s3 =	sadd.s32 s4, s19  }
0x9c: {  	s7 =	simm.s32 $0x0;
	s20 =	sshll.u32 s5, $0x1;
	s5 =	sadd.s32 s21, s3  }
0x9d: {  	[timem:s7], [sflag:s22] =	dma.local [hbm:s5], s20  }
0x9e: {  	_ =	swait.ge [sflag:s22], s20  }
0x9f: {  	s4 =	ssub.s32 $0x0, s20;
	[sflag:s22] =	ssyncset.done $0x0  }
0xa0: {  	[sflag:s22] =	ssyncadd.s32 s4;
	_ =	sdelay $0x1  }
0xa1: {  	s23 =	simm.s32 $0x1B8B  }
0xa2: {  	_ =	swait.ge [sflag:s23], $0x1  }
0xa3: {  	[sflag:s23] =	ssyncset.done $0x0  }
0xa4: {  	s25 =	simm.s32 $0x1B8E;
	s24 =	sld [smem:$0x3FFE];
	[sflag:s23] =	ssyncadd.s32 $0xFFFFFFFF  }
0xa5: {  	s26 =	simm.s32 $execute0_lowered;
	[smem:$0x3FD2] =	sst s25  }
0xa6: {  	s5 =	sshll.u32 s26, $0x1;
	_ =	strace $0x8000004C;
	[dreg:$0x1] =	wrdreg $0xFFFFFFFF  }
0xa7: {  	s28 =	simm.s32 $_size_execute0_lowered;
	s3 =	sadd.s32 s3, s5;
	[dreg:$0x0] =	wrdreg $0x0  }
0xa8: {  	s5 =	sshll.u32 s28, $0x1;
	[dreg:$0x2] =	wrdreg s3  }
0xa9: {  	[dreg:$0x3] =	wrdreg s5  }
0xaa: {  	[dreg:$0x4] =	wrdreg $0xC0  }
0xab: {  	_ =	task [dreg:s7], $0x5FFFF  }
0xac: {  	[dreg:$0x1] =	wrdreg $0xFFFFFFFF  }
0xad: {  	[dreg:$0x0] =	wrdreg $0x60  }
0xae: {  	[dreg:$0x2] =	wrdreg s24  }
0xaf: {  	[dreg:$0x3] =	wrdreg s2  }
0xb0: {  	[dreg:$0x4] =	wrdreg $0x0  }
0xb1: {  	[dreg:$0x5] =	wrdreg $0x140000  }
0xb2: {  	[dreg:$0x6] =	wrdreg $0x9  }
0xb3: {  	_ =	task.clear_ibuf [dreg:s7], $0x7FFFF;
	_ =	strace $0x9000004C  }
0xb4: {  	s29 =	simm.s32 $0x9;
	_ =	strace $0x8000004E  }
0xb5: {  	_ =	swait.ge [sflag:s29], $0x1  }
0xb6: {  	[sflag:s29] =	ssyncadd.s32 $0xFFFFFFFF  }
0xb7: {  	_ =	strace $0x9000004E  }
0xb8: {  	_ =	sfence  }
0xb9: {  	s30 =	sld [smem:$0x0];
	_ =	sdelay $0x2  }
0xba: {  	s31 =	sshll.u32 s1, $0xD;
	s1 =	sshrl.u32 s1, $0x2  }
0xbb: {  	s3 =	sand.u32 $0x4000, s31;
	s1 =	sadd.s32 s1, s30  }
0xbc: {  	s0 =	sor.u32 s3, s0;
	s1 =	sshll.u32 s1, $0x11  }
0xbd: {  	s0 =	sor.u32 s1, s0  }
0xbe: {  	s0 =	sadd.s32 $0x8F2B, s0  }
0xbf: {  	[sflag:s0] =	ssyncadd.remote.s32 $0x1  }
0xc0: {  	_ =	sfence.sel $0xFFFF  }
0xc1: {  	[dreg:$0x0] =	wrdreg $0xFFFFFFFF;
	(pc) =	sbr.abs _section_cstart, $3  }
0xc2: {  	[dreg:$0x1] =	wrdreg $0xFFFFFFFF  }
0xc3: {  	_ =	task.clear_ibuf [dreg:s7], $0x2FFFF;
	_ =	strace $0x9FFFFFFF  }
0xc4: {  	(tm) =	ssettm $0x7FFFFFFF  }
0xc5: {  	_ =	shalt  }
tec
execute0_lowered:
.L_overlay_start_1:
0x0: {  	(tag) =	ssettag $0x1  }
0x1: {  	s0 =	rddreg [dreg:$0x0]  }
0x2: {  	s3 =	rddreg [dreg:$0x1]  }
0x3: {  	s1 =	rddreg [dreg:$0x2];
	s16 =	stileid.u32  }
0x4: {  	s2 =	rddreg [dreg:$0x3];
	s7 =	smul.u32 $0x14000, s16  }
0x5: {  	s4 =	simm.s32 $0x0;
	s5 =	srdreg.scid;
	s11 =	smul.u32 $0x2710, s16  }
0x6: {  	s28 =	simm.s32 $0x1;
	s29 =	simm.s32 $0x19400;
	s14 =	smul.u32 $0x140, s16  }
0x7: {  	s30 =	simm.s32 $0x19800;
	s31 =	simm.s32 $0x19840;
	s15 =	smul.u32 $0x1400, s16  }
0x8: {  	[smem:$0x7FF] =	sst s4;
	s5 =	sand.u32 $0x1, s5;
	s24 =	smul.u32 $0x50000, s16  }
0x9: {  	s8 =	sadd.s32 $0xC200, s0;
	s9 =	sadd.s32 $0xA54400, s0;
	s25 =	smul.u32 $0x5000, s16  }
0xa: {  	s10 =	sadd.s32 $0x38400, s0;
	s6 =	smul.u32 $0x140000, s5;
	s13 =	ssub.s32 $0x2, s5  }
0xb: {  	s20 =	smul.u32 $0x4E200, s16;
	_ =	strace $0x8000004D;
	s21 =	sshrl.u32 s13, $0x1  }
0xc: {  	s11 =	sadd.s32 $0x2700, s11;
	s18 =	sadd.s32 $0x80, s14;
	s6 =	sadd.s32 s7, s6  }
0xd: {  	s22 =	sshrl.u32 s11, $0x3;
	s11 =	sshll.u32 s11, $0x5;
	s7 =	sadd.s32 s7, s1  }
0xe: {  	s19 =	sshll.u32 s18, $0x8;
	s12 =	sshrl.u32 s6, $0x3;
	s6 =	smul.u32 $0x1388, s5  }
0xf: {  	s5 =	smul.u32 $0x14000, s5;
	s17 =	sadd.s32 s8, s22;
	s11 =	sadd.s32 s10, s11  }
0x10: {  	s0 =	sadd.s32 s12, s0;
	s12 =	ssub.s32 s13, s21;
	[dreg:$0x5] =	wrdreg s17  }
0x11: {  	s13 =	sadd.s32 s9, s22;
	[dreg:$0x7] =	wrdreg s11;
	s11 =	sshrl.u32 s25, $0x2  }
0x12: {  	s21 =	sshll.u32 s18, $0x4;
	s22 =	smul.u32 $0x4E2, s16;
	s25 =	sadd.s32 $0x100, s14  }
0x13: {  	[dreg:$0x6] =	wrdreg s13;
	s0 =	sadd.s32 $0x51A400, s0;
	s23 =	sadd.s32 s15, s5  }
0x14: {  	s26 =	smax.u32 s12, $0x1;
	s5 =	sshrl.u32 s24, $0x2;
	[dreg:$0x8] =	wrdreg s0  }
0x15: {  	s12 =	sadd.s32 $0x40, s14;
	s13 =	sadd.s32 s11, s2;
	[dreg:$0xa] =	wrdreg s26  }
0x16: {  	v1 =	vmov s6;
	s6 =	simm.s32 $0x10;
	s0 =	sshrl.u32 s23, $0x3;
	[dreg:$0xc] =	wrdreg s13  }
0x17: {  	s17 =	sshll.u32 s12, $0x4;
	s13 =	sadd.s32 s20, s10;
	s23 =	sadd.s32 $0xC0, s14  }
0x18: {  	s18 =	sadd.s32 s22, s9;
	s26 =	sshll.u32 s25, $0x8;
	s0 =	sadd.s32 s3, s0  }
0x19: {  	s3 =	sadd.s32 s5, s1;
	s24 =	sshll.u32 s23, $0x8;
	[dreg:$0x9] =	wrdreg s0  }
0x1a: {  	s0 =	sadd.s32 s15, s2;
	[dreg:$0xb] =	wrdreg s3;
	s15 =	sshll.u32 s12, $0x8  }
0x1b: {  	s5 =	sadd.s32 s24, s1;
	s24 =	sshrl.u32 s7, $0x3;
	s7 =	simm.s32 $0x198C0  }
0x1c: {  	s3 =	sadd.s32 s15, s1;
	[dreg:$0x11] =	wrdreg s5;
	s5 =	sshll.u32 s25, $0x4  }
0x1d: {  	s25 =	sshrl.u32 s0, $0x3;
	[dreg:$0xd] =	wrdreg s3;
	s3 =	sadd.s32 s17, s2  }
0x1e: {  	s0 =	simm.s32 $0x40;
	[dreg:$0xe] =	wrdreg s3;
	s3 =	sadd.s32 s19, s1  }
0x1f: {  	s19 =	sadd.s32 s22, s8;
	s22 =	sadd.s32 s26, s1;
	s26 =	simm.s32 $0x15400  }
0x20: {  	s8 =	simm.s32 $0x0;
	[dreg:$0xf] =	wrdreg s3;
	s3 =	sadd.s32 s21, s2  }
0x21: {  	v0 =	vimm.f32 $0.0e+00;
	vm0 =	vcmask $0x300;
	[dreg:$0x10] =	wrdreg s3;
	s3 =	sshll.u32 s23, $0x4;
	s23 =	sadd.s32 s5, s2  }
0x22: {  	v2 =	vsel vm0, $0x3F800000, v0;
	s5 =	simm.s32 $0x198D0;
	s21 =	sadd.s32 s3, s2;
	s3 =	simm.s32 $0x19880  }
.LBB2_1:
0x23: {  	s9 =	simm.s32 $0x15480  }
0x24: {  	[tilespmem:s9+$0x60] =	vst v0  }
0x25: {  	[tilespmem:s9+$0x50] =	vst v0  }
0x26: {  	[tilespmem:s9+$0x40] =	vst v0  }
0x27: {  	[tilespmem:s9+$0x30] =	vst v0  }
0x28: {  	[tilespmem:s9+$0x20] =	vst v0  }
0x29: {  	[tilespmem:s9+$0x10] =	vst v0  }
0x2a: {  	[tilespmem:s9+$0x0] =	vst v0  }
0x2b: {  	[tilespmem:s9+$0xFFFFFFF0] =	vst v0  }
0x2c: {  	[tilespmem:s9+$0xFFFFFFE0] =	vst v0  }
0x2d: {  	[tilespmem:s9+$0xFFFFFFD0] =	vst v0  }
0x2e: {  	[tilespmem:s9+$0xFFFFFFC0] =	vst v0  }
0x2f: {  	[tilespmem:s9+$0xFFFFFFB0] =	vst v0  }
0x30: {  	[tilespmem:s9+$0xFFFFFFA0] =	vst v0  }
0x31: {  	[tilespmem:s9+$0xFFFFFF90] =	vst v0  }
0x32: {  	[tilespmem:s9+$0xFFFFFF80] =	vst v0  }
0x33: {  	s11 =	simm.s32 $0x0;
	s10 =	simm.s32 $0x40;
	[tilespmem:s9+$0x70] =	vst v0  }
.LBB2_2:
0x34: {  	p0 =	sne.s32 s10, $0xFC0;
	[tilespmem:s11+$0x198D0] =	vst v2  }
0x35: {  	s9 =	sadd.s32 $0x100, s9;
	[tilespmem:s11+$0x19400] =	vst v0  }
0x36: {  	[tilespmem:s9+$0x60] =	vst v0  }
0x37: {  	[tilespmem:s9+$0x50] =	vst v0  }
0x38: {  	[tilespmem:s9+$0x40] =	vst v0  }
0x39: {  	[tilespmem:s9+$0x30] =	vst v0  }
0x3a: {  	[tilespmem:s9+$0x20] =	vst v0  }
0x3b: {  	[tilespmem:s9+$0x10] =	vst v0  }
0x3c: {  	[tilespmem:s9+$0x0] =	vst v0  }
0x3d: {  	[tilespmem:s9+$0xFFFFFFF0] =	vst v0  }
0x3e: {  	[tilespmem:s9+$0xFFFFFFE0] =	vst v0  }
0x3f: {  	[tilespmem:s9+$0xFFFFFFD0] =	vst v0  }
0x40: {  	[tilespmem:s9+$0xFFFFFFC0] =	vst v0  }
.Ltmp0:
0x41: {  	[tilespmem:s9+$0xFFFFFFB0] =	vst v0;
	(pc) =	sbr.rel @p0 .LBB2_2-.Ltmp0, $4  }
0x42: {  	[tilespmem:s9+$0xFFFFFFA0] =	vst v0  }
0x43: {  	[tilespmem:s9+$0xFFFFFF90] =	vst v0  }
0x44: {  	[tilespmem:s9+$0xFFFFFF80] =	vst v0  }
0x45: {  	s11 =	sshra.s32 s10, $0x2;
	s10 =	sadd.s32 $0x40, s10;
	[tilespmem:s9+$0x70] =	vst v0  }
0x46: {  	[tilespmem:s11+$0x198D0] =	vst v2  }
0x47: {  	[tilespmem:s11+$0x19400] =	vst v0;
	s9 =	rddreg [dreg:$0xb]  }
0x48: {  	[spmem:s9] =	stream.linear.scatter [tilespmem:s26], [sflag:$0x1], $0x4000, $0x38;
	[tilespmem:$0x19CD0] =	vst v63  }
0x49: {  	_ =	swait.ge [sflag:s28], $0x4000  }
0x4a: {  	[sflag:s28] =	ssyncset.done $0x0  }
0x4b: {  	s10 =	rddreg [dreg:$0xc];
	[sflag:s28] =	ssyncadd.s32 $0xFFFFC000  }
0x4c: {  	[spmem:s10] =	stream.linear.scatter [tilespmem:s29], [sflag:$0x1], $0x400, $0x38;
	[tilespmem:$0x19CD0] =	vst v63  }
0x4d: {  	_ =	swait.ge [sflag:s28], $0x400  }
0x4e: {  	[sflag:s28] =	ssyncset.done $0x0  }
0x4f: {  	s11 =	rddreg [dreg:$0xd];
	[sflag:s28] =	ssyncadd.s32 $0xFFFFFC00  }
0x50: {  	[spmem:s11] =	stream.linear.scatter [tilespmem:s26], [sflag:$0x1], $0x4000, $0x38;
	[tilespmem:$0x19CD0] =	vst v63  }
0x51: {  	_ =	swait.ge [sflag:s28], $0x4000  }
0x52: {  	[sflag:s28] =	ssyncset.done $0x0  }
0x53: {  	s12 =	rddreg [dreg:$0xe];
	[sflag:s28] =	ssyncadd.s32 $0xFFFFC000  }
0x54: {  	[spmem:s12] =	stream.linear.scatter [tilespmem:s29], [sflag:$0x1], $0x400, $0x38;
	[tilespmem:$0x19CD0] =	vst v63  }
0x55: {  	_ =	swait.ge [sflag:s28], $0x400  }
0x56: {  	[sflag:s28] =	ssyncset.done $0x0  }
0x57: {  	s14 =	rddreg [dreg:$0xf];
	[sflag:s28] =	ssyncadd.s32 $0xFFFFFC00  }
0x58: {  	[spmem:s14] =	stream.linear.scatter [tilespmem:s26], [sflag:$0x1], $0x4000, $0x38;
	[tilespmem:$0x19CD0] =	vst v63  }
0x59: {  	_ =	swait.ge [sflag:s28], $0x4000  }
0x5a: {  	[sflag:s28] =	ssyncset.done $0x0  }
0x5b: {  	s15 =	rddreg [dreg:$0x10];
	[sflag:s28] =	ssyncadd.s32 $0xFFFFC000  }
0x5c: {  	[spmem:s15] =	stream.linear.scatter [tilespmem:s29], [sflag:$0x1], $0x400, $0x38;
	[tilespmem:$0x19CD0] =	vst v63  }
0x5d: {  	_ =	swait.ge [sflag:s28], $0x400  }
0x5e: {  	[sflag:s28] =	ssyncset.done $0x0  }
0x5f: {  	s16 =	rddreg [dreg:$0x11];
	[sflag:s28] =	ssyncadd.s32 $0xFFFFFC00  }
0x60: {  	[spmem:s16] =	stream.linear.scatter [tilespmem:s26], [sflag:$0x1], $0x4000, $0x38;
	[tilespmem:$0x19CD0] =	vst v63  }
0x61: {  	_ =	swait.ge [sflag:s28], $0x4000  }
0x62: {  	[sflag:s28] =	ssyncset.done $0x0  }
0x63: {  	[sflag:s28] =	ssyncadd.s32 $0xFFFFC000  }
0x64: {  	[spmem:s21] =	stream.linear.scatter [tilespmem:s29], [sflag:$0x1], $0x400, $0x38;
	[tilespmem:$0x19CD0] =	vst v63  }
0x65: {  	_ =	swait.ge [sflag:s28], $0x400  }
0x66: {  	[sflag:s28] =	ssyncset.done $0x0  }
0x67: {  	[sflag:s28] =	ssyncadd.s32 $0xFFFFFC00  }
0x68: {  	[spmem:s22] =	stream.linear.scatter [tilespmem:s26], [sflag:$0x1], $0x4000, $0x38;
	[tilespmem:$0x19CD0] =	vst v63  }
0x69: {  	_ =	swait.ge [sflag:s28], $0x4000  }
0x6a: {  	[sflag:s28] =	ssyncset.done $0x0  }
0x6b: {  	[sflag:s28] =	ssyncadd.s32 $0xFFFFC000  }
0x6c: {  	[spmem:s23] =	stream.linear.scatter [tilespmem:s29], [sflag:$0x1], $0x400, $0x38;
	[tilespmem:$0x19CD0] =	vst v63  }
0x6d: {  	_ =	swait.ge [sflag:s28], $0x400  }
0x6e: {  	[sflag:s28] =	ssyncset.done $0x0  }
0x6f: {  	[sflag:s28] =	ssyncadd.s32 $0xFFFFFC00  }
0x70: {  	s17 =	sadd.s32 $0x0, s19;
	[bflag:$0x0] =	sbarrier.arrive $0xFFFF  }
0x71: {  	[tilespmem:s30], [sflag:$0x1] =	stream.linear.gather [hbm4b:s17+s4], $0x40, $0x38;
	[tilespmem:$0x19CD0] =	vst v63  }
0x72: {  	_ =	swait.ge [sflag:s28], $0x40  }
0x73: {  	[sflag:s28] =	ssyncset.done $0x0  }
0x74: {  	s20 =	sadd.s32 $0x0, s18;
	s11 =	sadd.s32 $0x800, s13;
	[sflag:s28] =	ssyncadd.s32 $0xFFFFFFC0  }
0x75: {  	[tilespmem:s31], [sflag:$0x1] =	stream.linear.gather [hbm4b:s20+s4], $0x40, $0x38;
	[tilespmem:$0x19CD0] =	vst v63  }
0x76: {  	s10 =	simm.s32 $0x10;
	s9 =	sadd.s32 $0x800, s11;
	_ =	swait.ge [sflag:s28], $0x40  }
0x77: {  	s12 =	simm.s32 $0x8;
	s14 =	smov.u32 s9;
	[sflag:s28] =	ssyncset.done $0x0  }
0x78: {  	s15 =	simm.s32 $0x18;
	s17 =	smov.u32 s13;
	[sflag:s28] =	ssyncadd.s32 $0xFFFFFFC0  }
.LBB2_4:
0x79: {  	p0 =	sne.s32 s15, $0x4D8  }
0x7a: {  	s9 =	sadd.s32 $0x800, s9;
	v3 =	vld [tilespmem:$0x19850];
	s16 =	smov.u32 s15;
	s15 =	sadd.s32 $0x8, s15  }
0x7b: {  	v4 =	vld [tilespmem:$0x19810]  }
0x7c: {  	v5 =	vld [tilespmem:$0x19860]  }
0x7d: {  	v6 =	vld [tilespmem:$0x19820]  }
0x7e: {  	v7 =	vld [tilespmem:$0x19870]  }
0x7f: {  	v8 =	vld [tilespmem:$0x19830]  }
0x80: {  	vm0 =	vgt.f32 v3, $0.0e+00;
	v9 =	vld [tilespmem:$0x19800];
	v4 =	vsub.s32 v4, v1  }
0x81: {  	v3 =	vld [tilespmem:$0x19840];
	vm1 =	vlt.u32 v4, $0x1388;
	vm2 =	vgt.f32 v5, $0.0e+00  }
0x82: {  	vm0 =	vmand vm1, vm0;
	v5 =	vsub.s32 v6, v1  }
0x83: {  	v4 =	vnsel vm0, $0x13EC, v4;
	vm0 =	vlt.u32 v5, $0x1388  }
0x84: {  	vm1 =	vgt.f32 v7, $0.0e+00;
	[tilespmem:$0x19890] =	vst v4;
	vm0 =	vmand vm0, vm2;
	v4 =	vsub.s32 v8, v1  }
0x85: {  	v6 =	vsub.s32 v9, v1;
	v5 =	vnsel vm0, $0x13EC, v5;
	vm0 =	vlt.u32 v4, $0x1388  }
0x86: {  	vm2 =	vlt.u32 v6, $0x1388;
	vm3 =	vgt.f32 v3, $0.0e+00;
	[tilespmem:$0x198A0] =	vst v5;
	vm0 =	vmand vm0, vm1  }
0x87: {  	vm1 =	vmand vm2, vm3;
	v3 =	vnsel vm0, $0x13EC, v4  }
0x88: {  	v4 =	vnsel vm1, $0x13EC, v6;
	[tilespmem:$0x198B0] =	vst v3  }
0x89: {  	[tilespmem:$0x19880] =	vst v4  }
0x8a: {  	[tilespmem:s26], [sflag:$0x1] =	stream.linear.gather [hbm4b:s17+s4], $0x4000, $0x38;
	[tilespmem:$0x19CD0] =	vst v63  }
0x8b: {  	s17 =	smov.u32 s11;
	s11 =	smov.u32 s14;
	_ =	swait.ge [sflag:s28], $0x4000  }
0x8c: {  	s14 =	smov.u32 s9;
	[sflag:s28] =	ssyncset.done $0x0  }
0x8d: {  	[sflag:s28] =	ssyncadd.s32 $0xFFFFC000  }
0x8e: {  	[spmem:s1] =	stream.indirect.scatter.add.f32 [tilespmem:s26], [sflag:$0x1], $0x100, s3, s0, $0xb8;
	[tilespmem:$0x19CD0] =	vst v63  }
0x8f: {  	_ =	swait.ge [sflag:s28], $0x4000  }
0x90: {  	[sflag:s28] =	ssyncset.done $0x0  }
0x91: {  	[sflag:s28] =	ssyncadd.s32 $0xFFFFC000  }
0x92: {  	[spmem:s2] =	stream.indirect.scatter.add.f32 [tilespmem:s5], [sflag:$0x1], $0x10, s3, s0, $0xb8;
	[tilespmem:$0x19CD0] =	vst v63  }
0x93: {  	_ =	swait.ge [sflag:s28], $0x400  }
0x94: {  	[sflag:s28] =	ssyncset.done $0x0  }
0x95: {  	s20 =	sadd.s32 s12, s19;
	[sflag:s28] =	ssyncadd.s32 $0xFFFFFC00  }
0x96: {  	[tilespmem:s30], [sflag:$0x1] =	stream.linear.gather [hbm4b:s20+s4], $0x40, $0x38;
	[tilespmem:$0x19CD0] =	vst v63  }
0x97: {  	_ =	swait.ge [sflag:s28], $0x40  }
0x98: {  	[sflag:s28] =	ssyncset.done $0x0  }
.Ltmp1:
0x99: {  	s12 =	sadd.s32 s12, s18;
	[sflag:s28] =	ssyncadd.s32 $0xFFFFFFC0;
	(pc) =	sbr.rel @p0 .LBB2_4-.Ltmp1, $4  }
0x9a: {  	[tilespmem:s31], [sflag:$0x1] =	stream.linear.gather [hbm4b:s12+s4], $0x40, $0x38;
	[tilespmem:$0x19CD0] =	vst v63  }
0x9b: {  	s12 =	smov.u32 s10;
	s10 =	smov.u32 s16;
	_ =	swait.ge [sflag:s28], $0x40  }
0x9c: {  	[sflag:s28] =	ssyncset.done $0x0  }
0x9d: {  	[sflag:s28] =	ssyncadd.s32 $0xFFFFFFC0  }
0x9e: {  	v3 =	vld [tilespmem:$0x19850]  }
0x9f: {  	v4 =	vld [tilespmem:$0x19810]  }
0xa0: {  	v5 =	vld [tilespmem:$0x19860]  }
0xa1: {  	v6 =	vld [tilespmem:$0x19820]  }
0xa2: {  	v7 =	vld [tilespmem:$0x19870]  }
0xa3: {  	v8 =	vld [tilespmem:$0x19830]  }
0xa4: {  	v9 =	vld [tilespmem:$0x19800];
	_ =	sdelay $0x2  }
0xa5: {  	v4 =	vsub.s32 v4, v1;
	vm0 =	vgt.f32 v3, $0.0e+00;
	v3 =	vld [tilespmem:$0x19840]  }
0xa6: {  	v6 =	vsub.s32 v6, v1;
	vm13 =	vgt.f32 v5, $0.0e+00;
	v42 =	vsub.s32 v8, v1  }
0xa7: {  	vm15 =	vgt.f32 v7, $0.0e+00;
	v43 =	vsub.s32 v9, v1;
	vm1 =	vlt.u32 v4, $0x1388  }
0xa8: {  	vm14 =	vlt.u32 v6, $0x1388;
	vm6 =	vlt.u32 v42, $0x1388;
	vm0 =	vmand vm1, vm0  }
0xa9: {  	vm2 =	vlt.u32 v43, $0x1388;
	v4 =	vnsel vm0, $0x13EC, v4;
	vm0 =	vmand vm14, vm13  }
0xaa: {  	v6 =	vnsel vm0, $0x13EC, v6;
	[tilespmem:$0x19890] =	vst v4;
	vm0 =	vmand vm6, vm15;
	vm3 =	vgt.f32 v3, $0.0e+00  }
0xab: {  	[tilespmem:$0x198A0] =	vst v6;
	v3 =	vnsel vm0, $0x13EC, v42;
	vm7 =	vmand vm2, vm3  }
0xac: {  	[tilespmem:$0x198B0] =	vst v3;
	v44 =	vnsel vm7, $0x13EC, v43  }
0xad: {  	[tilespmem:$0x19880] =	vst v44  }
0xae: {  	[tilespmem:s26], [sflag:$0x1] =	stream.linear.gather [hbm4b:s17+s4], $0x4000, $0x38;
	[tilespmem:$0x19CD0] =	vst v63  }
0xaf: {  	_ =	swait.ge [sflag:s28], $0x4000  }
0xb0: {  	[sflag:s28] =	ssyncset.done $0x0  }
0xb1: {  	[sflag:s28] =	ssyncadd.s32 $0xFFFFC000  }
0xb2: {  	[spmem:s1] =	stream.indirect.scatter.add.f32 [tilespmem:s26], [sflag:$0x1], $0x100, s3, s0, $0xb8;
	[tilespmem:$0x19CD0] =	vst v63  }
0xb3: {  	_ =	swait.ge [sflag:s28], $0x4000  }
0xb4: {  	[sflag:s28] =	ssyncset.done $0x0  }
0xb5: {  	[sflag:s28] =	ssyncadd.s32 $0xFFFFC000  }
0xb6: {  	[spmem:s2] =	stream.indirect.scatter.add.f32 [tilespmem:s5], [sflag:$0x1], $0x10, s3, s0, $0xb8;
	[tilespmem:$0x19CD0] =	vst v63  }
0xb7: {  	_ =	swait.ge [sflag:s28], $0x400  }
0xb8: {  	[sflag:s28] =	ssyncset.done $0x0  }
0xb9: {  	s9 =	sadd.s32 s12, s19;
	[sflag:s28] =	ssyncadd.s32 $0xFFFFFC00  }
0xba: {  	[tilespmem:s30], [sflag:$0x1] =	stream.linear.gather [hbm4b:s9+s4], $0x40, $0x38;
	[tilespmem:$0x19CD0] =	vst v63  }
0xbb: {  	_ =	swait.ge [sflag:s28], $0x40  }
0xbc: {  	[sflag:s28] =	ssyncset.done $0x0  }
0xbd: {  	s17 =	sadd.s32 s12, s18;
	[sflag:s28] =	ssyncadd.s32 $0xFFFFFFC0  }
0xbe: {  	[tilespmem:s31], [sflag:$0x1] =	stream.linear.gather [hbm4b:s17+s4], $0x40, $0x38;
	[tilespmem:$0x19CD0] =	vst v63  }
0xbf: {  	_ =	swait.ge [sflag:s28], $0x40  }
0xc0: {  	[sflag:s28] =	ssyncset.done $0x0  }
0xc1: {  	[sflag:s28] =	ssyncadd.s32 $0xFFFFFFC0  }
0xc2: {  	v3 =	vld [tilespmem:$0x19850]  }
0xc3: {  	v45 =	vld [tilespmem:$0x19810]  }
0xc4: {  	v46 =	vld [tilespmem:$0x19860]  }
0xc5: {  	v47 =	vld [tilespmem:$0x19820]  }
0xc6: {  	v48 =	vld [tilespmem:$0x19870]  }
0xc7: {  	v49 =	vld [tilespmem:$0x19830]  }
0xc8: {  	v50 =	vld [tilespmem:$0x19800];
	_ =	sdelay $0x2  }
0xc9: {  	v4 =	vsub.s32 v45, v1;
	vm8 =	vgt.f32 v3, $0.0e+00;
	v3 =	vld [tilespmem:$0x19840]  }
0xca: {  	v6 =	vsub.s32 v47, v1;
	vm10 =	vgt.f32 v46, $0.0e+00;
	v51 =	vsub.s32 v49, v1  }
0xcb: {  	vm12 =	vgt.f32 v48, $0.0e+00;
	v52 =	vsub.s32 v50, v1;
	vm9 =	vlt.u32 v4, $0x1388  }
0xcc: {  	vm11 =	vlt.u32 v6, $0x1388;
	vm13 =	vlt.u32 v51, $0x1388;
	vm0 =	vmand vm9, vm8  }
0xcd: {  	vm14 =	vlt.u32 v52, $0x1388;
	v4 =	vnsel vm0, $0x13EC, v4;
	vm0 =	vmand vm11, vm10  }
0xce: {  	v6 =	vnsel vm0, $0x13EC, v6;
	[tilespmem:$0x19890] =	vst v4;
	vm0 =	vmand vm13, vm12;
	vm15 =	vgt.f32 v3, $0.0e+00  }
0xcf: {  	[tilespmem:$0x198A0] =	vst v6;
	v3 =	vnsel vm0, $0x13EC, v51;
	vm4 =	vmand vm14, vm15  }
0xd0: {  	[tilespmem:$0x198B0] =	vst v3;
	v53 =	vnsel vm4, $0x13EC, v52  }
0xd1: {  	[tilespmem:$0x19880] =	vst v53  }
0xd2: {  	[tilespmem:s26], [sflag:$0x1] =	stream.linear.gather [hbm4b:s11+s4], $0x4000, $0x38;
	[tilespmem:$0x19CD0] =	vst v63  }
0xd3: {  	_ =	swait.ge [sflag:s28], $0x4000  }
0xd4: {  	[sflag:s28] =	ssyncset.done $0x0  }
0xd5: {  	[sflag:s28] =	ssyncadd.s32 $0xFFFFC000  }
0xd6: {  	[spmem:s1] =	stream.indirect.scatter.add.f32 [tilespmem:s26], [sflag:$0x1], $0x100, s3, s0, $0xb8;
	[tilespmem:$0x19CD0] =	vst v63  }
0xd7: {  	_ =	swait.ge [sflag:s28], $0x4000  }
0xd8: {  	[sflag:s28] =	ssyncset.done $0x0  }
0xd9: {  	[sflag:s28] =	ssyncadd.s32 $0xFFFFC000  }
0xda: {  	[spmem:s2] =	stream.indirect.scatter.add.f32 [tilespmem:s5], [sflag:$0x1], $0x10, s3, s0, $0xb8;
	[tilespmem:$0x19CD0] =	vst v63  }
0xdb: {  	_ =	swait.ge [sflag:s28], $0x400  }
0xdc: {  	[sflag:s28] =	ssyncset.done $0x0  }
0xdd: {  	s20 =	sadd.s32 s10, s19;
	[sflag:s28] =	ssyncadd.s32 $0xFFFFFC00  }
0xde: {  	[tilespmem:s30], [sflag:$0x1] =	stream.linear.gather [hbm4b:s20+s4], $0x40, $0x38;
	[tilespmem:$0x19CD0] =	vst v63  }
0xdf: {  	_ =	swait.ge [sflag:s28], $0x40  }
0xe0: {  	[sflag:s28] =	ssyncset.done $0x0  }
0xe1: {  	s10 =	sadd.s32 s10, s18;
	[sflag:s28] =	ssyncadd.s32 $0xFFFFFFC0  }
0xe2: {  	[tilespmem:s31], [sflag:$0x1] =	stream.linear.gather [hbm4b:s10+s4], $0x40, $0x38;
	[tilespmem:$0x19CD0] =	vst v63  }
0xe3: {  	_ =	swait.ge [sflag:s28], $0x40  }
0xe4: {  	[sflag:s28] =	ssyncset.done $0x0  }
0xe5: {  	[sflag:s28] =	ssyncadd.s32 $0xFFFFFFC0  }
0xe6: {  	v3 =	vld [tilespmem:$0x19850]  }
0xe7: {  	v54 =	vld [tilespmem:$0x19810]  }
0xe8: {  	v55 =	vld [tilespmem:$0x19860]  }
0xe9: {  	v56 =	vld [tilespmem:$0x19820]  }
0xea: {  	v57 =	vld [tilespmem:$0x19870]  }
0xeb: {  	v58 =	vld [tilespmem:$0x19830]  }
0xec: {  	v59 =	vld [tilespmem:$0x19800];
	_ =	sdelay $0x2  }
0xed: {  	v4 =	vsub.s32 v54, v1;
	vm5 =	vgt.f32 v3, $0.0e+00;
	v3 =	vld [tilespmem:$0x19840]  }
0xee: {  	v6 =	vsub.s32 v56, v1;
	vm7 =	vgt.f32 v55, $0.0e+00;
	v60 =	vsub.s32 v58, v1  }
0xef: {  	vm9 =	vgt.f32 v57, $0.0e+00;
	v61 =	vsub.s32 v59, v1;
	vm6 =	vlt.u32 v4, $0x1388  }
0xf0: {  	vm8 =	vlt.u32 v6, $0x1388;
	vm10 =	vlt.u32 v60, $0x1388;
	vm0 =	vmand vm6, vm5  }
0xf1: {  	vm11 =	vlt.u32 v61, $0x1388;
	v4 =	vnsel vm0, $0x13EC, v4;
	vm0 =	vmand vm8, vm7  }
0xf2: {  	v6 =	vnsel vm0, $0x13EC, v6;
	[tilespmem:$0x19890] =	vst v4;
	vm0 =	vmand vm10, vm9;
	vm12 =	vgt.f32 v3, $0.0e+00  }
0xf3: {  	[tilespmem:$0x198A0] =	vst v6;
	v3 =	vnsel vm0, $0x13EC, v60;
	vm13 =	vmand vm11, vm12  }
0xf4: {  	[tilespmem:$0x198B0] =	vst v3;
	v62 =	vnsel vm13, $0x13EC, v61  }
0xf5: {  	[tilespmem:$0x19880] =	vst v62  }
0xf6: {  	[tilespmem:s26], [sflag:$0x1] =	stream.linear.gather [hbm4b:s14+s4], $0x4000, $0x38;
	[tilespmem:$0x19CD0] =	vst v63  }
0xf7: {  	_ =	swait.ge [sflag:s28], $0x4000  }
0xf8: {  	[sflag:s28] =	ssyncset.done $0x0  }
0xf9: {  	[sflag:s28] =	ssyncadd.s32 $0xFFFFC000  }
0xfa: {  	[spmem:s1] =	stream.indirect.scatter.add.f32 [tilespmem:s26], [sflag:$0x1], $0x100, s3, s0, $0xb8;
	[tilespmem:$0x19CD0] =	vst v63  }
0xfb: {  	_ =	swait.ge [sflag:s28], $0x4000  }
0xfc: {  	[sflag:s28] =	ssyncset.done $0x0  }
0xfd: {  	[sflag:s28] =	ssyncadd.s32 $0xFFFFC000  }
0xfe: {  	[spmem:s2] =	stream.indirect.scatter.add.f32 [tilespmem:s5], [sflag:$0x1], $0x10, s3, s0, $0xb8;
	[tilespmem:$0x19CD0] =	vst v63  }
0xff: {  	_ =	swait.ge [sflag:s28], $0x400  }
0x100: {  	[sflag:s28] =	ssyncset.done $0x0  }
0x101: {  	s11 =	rddreg [dreg:$0x5];
	[sflag:s28] =	ssyncadd.s32 $0xFFFFFC00  }
0x102: {  	[tilespmem:s30], [sflag:$0x1] =	stream.linear.gather [hbm4b:s11+s4], $0x10, $0x38;
	[tilespmem:$0x19CD0] =	vst v63  }
0x103: {  	_ =	swait.ge [sflag:s28], $0x10  }
0x104: {  	[sflag:s28] =	ssyncset.done $0x0  }
0x105: {  	s12 =	rddreg [dreg:$0x6];
	[sflag:s28] =	ssyncadd.s32 $0xFFFFFFF0  }
0x106: {  	[tilespmem:s31], [sflag:$0x1] =	stream.linear.gather [hbm4b:s12+s4], $0x10, $0x38;
	[tilespmem:$0x19CD0] =	vst v63  }
0x107: {  	_ =	swait.ge [sflag:s28], $0x10  }
0x108: {  	[sflag:s28] =	ssyncset.done $0x0  }
0x109: {  	[sflag:s28] =	ssyncadd.s32 $0xFFFFFFF0  }
0x10a: {  	v3 =	vld [tilespmem:$0x19800]  }
0x10b: {  	v63 =	vld [tilespmem:$0x19840];
	_ =	sdelay $0x3  }
0x10c: {  	v3 =	vsub.s32 v3, v1  }
0x10d: {  	vm15 =	vgt.f32 v63, $0.0e+00;
	vm14 =	vlt.u32 v3, $0x1388  }
0x10e: {  	vm0 =	vmand vm14, vm15  }
0x10f: {  	v3 =	vnsel vm0, $0x13EC, v3  }
0x110: {  	s14 =	rddreg [dreg:$0x7];
	[tilespmem:$0x198C0] =	vst v3  }
0x111: {  	[tilespmem:s26], [sflag:$0x1] =	stream.linear.gather [hbm4b:s14+s4], $0x1000, $0x38;
	[tilespmem:$0x19CD0] =	vst v63  }
0x112: {  	_ =	swait.ge [sflag:s28], $0x1000  }
0x113: {  	[sflag:s28] =	ssyncset.done $0x0  }
0x114: {  	[sflag:s28] =	ssyncadd.s32 $0xFFFFF000  }
0x115: {  	[spmem:s1] =	stream.indirect.scatter.add.f32 [tilespmem:s26], [sflag:$0x1], $0x100, s7, s6, $0xb8;
	[tilespmem:$0x19CD0] =	vst v63  }
0x116: {  	_ =	swait.ge [sflag:s28], $0x1000  }
0x117: {  	[sflag:s28] =	ssyncset.done $0x0  }
0x118: {  	[sflag:s28] =	ssyncadd.s32 $0xFFFFF000  }
0x119: {  	[spmem:s2] =	stream.indirect.scatter.add.f32 [tilespmem:s5], [sflag:$0x1], $0x10, s7, s6, $0xb8;
	[tilespmem:$0x19CD0] =	vst v63  }
0x11a: {  	_ =	swait.ge [sflag:s28], $0x100  }
0x11b: {  	[sflag:s28] =	ssyncset.done $0x0  }
0x11c: {  	s15 =	stileid.u32;
	[sflag:s28] =	ssyncadd.s32 $0xFFFFFF00  }
0x11d: {  	s9 =	sshll.u32 s15, $0x6;
	[bflag:$0x0] =	sbarrier.arrive $0xFFFF  }
0x11e: {  	s9 =	sor.u32 $0x1C01, s9;
	s16 =	rddreg [dreg:$0x8]  }
0x11f: {  	[hbm:s16], [sflag:s9] =	dma.local [spmem:s24], $0x2800  }
0x120: {  	_ =	swait.ge [sflag:s28], $0x2800  }
0x121: {  	[sflag:s28] =	ssyncset.done $0x0  }
0x122: {  	s17 =	rddreg [dreg:$0x9];
	[sflag:s28] =	ssyncadd.s32 $0xFFFFD800  }
0x123: {  	[hbm:s17], [sflag:s9] =	dma.local [spmem:s25], $0x280  }
0x124: {  	_ =	swait.ge [sflag:s28], $0x280  }
0x125: {  	s8 =	sadd.s32 $0x1, s8;
	s20 =	rddreg [dreg:$0xa]  }
0x126: {  	p0 =	sne.s32 s8, s20  }
.Ltmp2:
0x127: {  	_ = 	snop;
	(pc) =	sbr.rel @p0 .LBB2_1-.Ltmp2, $3  }
0x128: {  	_ =	sdelay $0x1  }
0x129: {  	[sflag:s28] =	ssyncset.done $0x0  }
0x12a: {  	[sflag:s28] =	ssyncadd.s32 $0xFFFFFD80  }
0x12b: {  	_ =	sfence.sel $0x180000  }
0x12c: {  	[bflag:$0x0] =	sbarrier.arrive $0xFFFF  }
0x12d: {  	_ =	strace $0x9000004D  }
0x12e: {  	s0 =	stileid.u32;
	[bflag:$0x2] =	sbarrier.arrive $0xFFFF  }
0x12f: {  	p0 =	sne.s32 s0, $0x0;
	s0 =	rddreg [dreg:$0x4]  }
0x130: {  	s0 =	sadd.s32 @!p0 $0x100000, s0  }
0x131: {  	[sflag:s0] =	ssyncadd.tile.s32 @!p0 $0x1;
	_ =	shalt  }
.Lfunc_end2:
_tile_overlayer_lowered:
.L_overlay_start_2:
0x132: {  	(tag) =	ssettag $0x2  }
0x133: {  	s0 =	rddreg [dreg:$0x0];
	s2 =	stileid.u32  }
0x134: {  	s1 =	rddreg [dreg:$0x1];
	p0 =	sne.s32 s2, $0x0  }
0x135: {  	s3 =	rddreg [dreg:$0x2];
	[bflag:$0x3] =	sbarrier.arrive $0xFFFF;
	s2 =	simm.s32 @!p0 $0x1C01  }
0x136: {  	[timem:s3], [sflag:s2] =	dma.local @!p0 [hbm:s0], s1  }
0x137: {  	s0 =	simm.s32 @!p0 $0x1  }
0x138: {  	_ =	swait.ge @!p0 [sflag:s0], s1  }
0x139: {  	s1 =	ssub.s32 @!p0 $0x0, s1;
	[sflag:s0] =	ssyncset.done @!p0 $0x0  }
0x13a: {  	[sflag:s0] =	ssyncadd.s32 @!p0 s1  }
0x13b: {  	[bflag:$0x3] =	sbarrier.arrive $0xFFFF  }
0x13c: {  	_ =	shalt  }

// kernel: kernel.18.cloned.1.call-start
scs
__scs_entry_jumppad:
0x0: {  	(pc) =	sbr.rel $0x88, $3  }
0x1: {  	(tag) =	ssettag $0x0;
	lr =	simm.s32 $0x1  }
0x2: {  	[smem:$0x3F8E] =	sst lr;
	_ =	strace $0xD0000000  }
0x3: {  	_ = 	snop  }
0x4: {  	_ = 	snop  }
0x5: {  	_ = 	snop  }
0x6: {  	_ = 	snop  }
0x7: {  	_ = 	snop  }
__scs_overlays_trampoline_lowered:
0x8: {  	[smem:$0x3F9D] =	sst s0  }
0x9: {  	[smem:$0x3F9E] =	sst s1  }
0xa: {  	[smem:$0x3F9F] =	sst s2  }
0xb: {  	[smem:$0x3FA0] =	sst s3  }
0xc: {  	[smem:$0x3FA1] =	sst s4  }
0xd: {  	[smem:$0x3FA2] =	sst s5  }
0xe: {  	[smem:$0x3FA3] =	sst s6  }
0xf: {  	[smem:$0x3FA4] =	sst s7  }
0x10: {  	[smem:$0x3FA5] =	sst s8  }
0x11: {  	[smem:$0x3FA6] =	sst s9;
	s0 =	simm.s32 @!p0 $0x0  }
0x12: {  	s1 =	sld [smem:$0x3F8C];
	s0 =	simm.s32 @p0 $0x1  }
0x13: {  	[smem:$0x3FA7] =	sst s0;
	s0 =	simm.s32 @!p1 $0x0  }
0x14: {  	s2 =	sld [smem:$0x3F8B];
	s0 =	simm.s32 @p1 $0x1  }
0x15: {  	[smem:$0x3FA8] =	sst s0;
	s0 =	simm.s32 @!p2 $0x0  }
0x16: {  	s3 =	sld [smem:$0x3FDB];
	s0 =	simm.s32 @p2 $0x1  }
0x17: {  	s4 =	simm.s32 $0x1BF5;
	[smem:$0x3FAA] =	sst s0  }
0x18: {  	s0 =	sld [smem:$0x3F8D];
	_ =	swait.ge [sflag:s4], $0x0  }
0x19: {  	s7 =	sld [smem:$0x3F8E]  }
0x1a: {  	s8 =	sadd.s32 $0xFFFFE003, lr  }
0x1b: {  	s9 =	sadd.s32 $0xFFFFFEF7, lr;
	s5 =	simm.s32 $0xFFFFFFFF;
	p2 =	slt.u32 s8, $0xFFFFF086  }
0x1c: {  	p1 =	slt.u32 s9, $0xF7A;
	s5 =	simm.s32 @!p2 $0x0  }
0x1d: {  	s5 =	simm.s32 @p1 $0x1;
	p0 =	seq.s32 s7, s2  }
0x1e: {  	s7 =	smul.u32 @!p0 $0xF7A, s2;
	p2 =	seq.s32 @!p0 s5, $0x0  }
0x1f: {  	s9 =	smul.u32 $0xF7A, s1;
	s8 =	simm.s32 @!p0 $0x1BF5;
	p2 =	por !p2, p0  }
0x20: {  	[sflag:s8] =	ssyncset.s32 @!p0 $0xFFFFF086;
	s6 =	sadd.s32 @!p0 s3, s7;
	s7 =	simm.s32 @!p0 $0x108  }
0x21: {  	s3 =	sadd.s32 s3, s9;
	s6 =	sadd.s32 @!p0 $0x88, s6;
	s7 =	simm.s32 @p2 $0x1082  }
0x22: {  	[simem:s7], [sflag:s8] =	dma.local @!p0 [hbm:s6], $0xF7A  }
0x23: {  	s9 =	sor.u32 $0xD0000000, s2;
	s6 =	simm.s32 $0x108;
	_ =	swait.ge @!p0 [sflag:s8], $0x0  }
0x24: {  	s3 =	sadd.s32 $0x88, s3;
	s6 =	simm.s32 @!p1 $0x1082;
	[sflag:s4] =	ssyncset.s32 $0xFFFFF086  }
0x25: {  	[simem:s6], [sflag:s4] =	dma.local [hbm:s3], $0xF7A  }
0x26: {  	[smem:$0x3F8E] =	sst s1;
	(tag) =	ssettag s2;
	_ =	strace s9  }
0x27: {  	s1 =	sld [smem:$0x3F9E]  }
0x28: {  	s2 =	sld [smem:$0x3F9F]  }
0x29: {  	s4 =	sld [smem:$0x3FA1]  }
0x2a: {  	p0 =	seq.s32 s5, $0x0;
	s5 =	sld [smem:$0x3FA2]  }
0x2b: {  	s6 =	sld [smem:$0x3FA3]  }
0x2c: {  	s7 =	sld [smem:$0x3FA4]  }
0x2d: {  	s3 =	simm.s32 $0x108;
	s8 =	sld [smem:$0x3FA5]  }
0x2e: {  	s3 =	simm.s32 @!p0 $0x1082;
	s9 =	sld [smem:$0x3FA6]  }
0x2f: {  	lr =	sadd.s32 s0, s3;
	s0 =	sld [smem:$0x3F9D]  }
0x30: {  	s3 =	sld [smem:$0x3FA0]  }
0x31: {  	[smem:$0x3FA9] =	sst s10  }
0x32: {  	s10 =	sld [smem:$0x3FA7];
	_ =	sdelay $0x3  }
0x33: {  	p0 =	seq.s32 s10, $0x1;
	s10 =	sld [smem:$0x3FA9];
	_ =	sdelay $0x3  }
0x34: {  	[smem:$0x3FA9] =	sst s10  }
0x35: {  	s10 =	sld [smem:$0x3FA8];
	_ =	sdelay $0x3  }
0x36: {  	p1 =	seq.s32 s10, $0x1;
	s10 =	sld [smem:$0x3FA9];
	_ =	sdelay $0x3  }
0x37: {  	[smem:$0x3FA9] =	sst s10  }
0x38: {  	s10 =	sld [smem:$0x3FAA]  }
0x39: {  	_ = 	snop;
	(pc) =	sbr.ind lr, $3  }
0x3a: {  	_ = 	snop  }
0x3b: {  	_ = 	snop  }
0x3c: {  	p2 =	seq.s32 s10, $0x1;
	s10 =	sld [smem:$0x3FA9]  }
0x3d: {  	_ =	shalt  }
0x3e: {  	_ =	shalt  }
0x3f: {  	_ =	shalt  }
0x40: {  	_ =	shalt  }
0x41: {  	_ =	shalt  }
0x42: {  	_ =	shalt  }
0x43: {  	_ =	shalt  }
0x44: {  	_ =	shalt  }
0x45: {  	_ =	shalt  }
0x46: {  	_ =	shalt  }
0x47: {  	_ =	shalt  }
0x48: {  	_ =	shalt  }
0x49: {  	_ =	shalt  }
0x4a: {  	_ =	shalt  }
0x4b: {  	_ =	shalt  }
0x4c: {  	_ =	shalt  }
0x4d: {  	_ =	shalt  }
0x4e: {  	_ =	shalt  }
0x4f: {  	_ =	shalt  }
0x50: {  	_ =	shalt  }
0x51: {  	_ =	shalt  }
0x52: {  	_ =	shalt  }
0x53: {  	_ =	shalt  }
0x54: {  	_ =	shalt  }
0x55: {  	_ =	shalt  }
0x56: {  	_ =	shalt  }
0x57: {  	_ =	shalt  }
0x58: {  	_ =	shalt  }
0x59: {  	_ =	shalt  }
0x5a: {  	_ =	shalt  }
0x5b: {  	_ =	shalt  }
0x5c: {  	_ =	shalt  }
0x5d: {  	_ =	shalt  }
0x5e: {  	_ =	shalt  }
0x5f: {  	_ =	shalt  }
0x60: {  	_ =	shalt  }
0x61: {  	_ =	shalt  }
0x62: {  	_ =	shalt  }
0x63: {  	_ =	shalt  }
0x64: {  	_ =	shalt  }
0x65: {  	_ =	shalt  }
0x66: {  	_ =	shalt  }
0x67: {  	_ =	shalt  }
0x68: {  	_ =	shalt  }
0x69: {  	_ =	shalt  }
0x6a: {  	_ =	shalt  }
0x6b: {  	_ =	shalt  }
0x6c: {  	_ =	shalt  }
0x6d: {  	_ =	shalt  }
0x6e: {  	_ =	shalt  }
0x6f: {  	_ =	shalt  }
0x70: {  	_ =	shalt  }
0x71: {  	_ =	shalt  }
0x72: {  	_ =	shalt  }
0x73: {  	_ =	shalt  }
0x74: {  	_ =	shalt  }
0x75: {  	_ =	shalt  }
0x76: {  	_ =	shalt  }
0x77: {  	_ =	shalt  }
0x78: {  	_ =	shalt  }
0x79: {  	_ =	shalt  }
0x7a: {  	_ =	shalt  }
0x7b: {  	_ =	shalt  }
0x7c: {  	_ =	shalt  }
0x7d: {  	_ =	shalt  }
0x7e: {  	_ =	shalt  }
0x7f: {  	_ =	shalt  }
0x80: {  	_ =	shalt  }
0x81: {  	_ =	shalt  }
0x82: {  	_ =	shalt  }
0x83: {  	_ =	shalt  }
0x84: {  	_ =	shalt  }
0x85: {  	_ =	shalt  }
0x86: {  	_ =	shalt  }
0x87: {  	_ =	shalt  }
.Lfunc_end0:
.L_simem_size_0:
called_computation.4_lowered:
.L_overlay_start_0:
0x88: {  	s2 =	sld [smem:$0x3FD9]  }
0x89: {  	s3 =	sld [smem:$0x3FFE];
	_ =	sdelay $0x1  }
0x8a: {  	s1 =	srdreg.scid  }
0x8b: {  	s0 =	sand.u32 $0x1, s1  }
0x8c: {  	s17 =	sshll.u32 s0, $0xA;
	s2 =	sadd.s32 s3, s2  }
0x8d: {  	s2 =	sadd.s32 s2, s17  }
0x8e: {  	[smem:$0x3FB5] =	sst s2  }
0x8f: {  	_ = 	snop  }
0x90: {  	s2 =	sld [smem:$0x3FD0];
	(tm) =	ssettm $0x1  }
0x91: {  	s18 =	sld [smem:$0x3FFB];
	_ =	sdelay $0x3  }
0x92: {  	_ =	strace s18  }
0x93: {  	s3 =	sld [smem:$0x3FFC];
	_ =	sdelay $0x3  }
0x94: {  	_ =	strace s3  }
0x95: {  	s3 =	sld [smem:$0x3FFD];
	_ =	sdelay $0x3  }
0x96: {  	_ =	strace s3  }
0x97: {  	_ =	strace $0x8FFFFFFF  }
0x98: {  	s19 =	sld [smem:$0x3FDB];
	_ =	sdelay $0x1  }
0x99: {  	s4 =	simm.s32 $_scs_section_size  }
0x9a: {  	s5 =	simm.s32 $_size__tile_overlayer_lowered;
	s6 =	simm.s32 $_tile_overlayer_lowered  }
0x9b: {  	s22 =	simm.s32 $0x1BFF;
	s21 =	sshll.u32 s6, $0x1;
	s3 =	sadd.s32 s4, s19  }
0x9c: {  	s7 =	simm.s32 $0x0;
	s20 =	sshll.u32 s5, $0x1;
	s5 =	sadd.s32 s21, s3  }
0x9d: {  	[timem:s7], [sflag:s22] =	dma.local [hbm:s5], s20  }
0x9e: {  	_ =	swait.ge [sflag:s22], s20  }
0x9f: {  	s4 =	ssub.s32 $0x0, s20;
	[sflag:s22] =	ssyncset.done $0x0  }
0xa0: {  	[sflag:s22] =	ssyncadd.s32 s4;
	_ =	sdelay $0x1  }
0xa1: {  	s23 =	simm.s32 $0x1B8B  }
0xa2: {  	_ =	swait.ge [sflag:s23], $0x1  }
0xa3: {  	[sflag:s23] =	ssyncset.done $0x0  }
0xa4: {  	s25 =	simm.s32 $0x1B8E;
	s24 =	sld [smem:$0x3FFE];
	[sflag:s23] =	ssyncadd.s32 $0xFFFFFFFF  }
0xa5: {  	s26 =	simm.s32 $execute0_lowered;
	[smem:$0x3FD2] =	sst s25  }
0xa6: {  	s5 =	sshll.u32 s26, $0x1;
	_ =	strace $0x8000004F;
	[dreg:$0x1] =	wrdreg $0xFFFFFFFF  }
0xa7: {  	s28 =	simm.s32 $_size_execute0_lowered;
	s3 =	sadd.s32 s3, s5;
	[dreg:$0x0] =	wrdreg $0x0  }
0xa8: {  	s5 =	sshll.u32 s28, $0x1;
	[dreg:$0x2] =	wrdreg s3  }
0xa9: {  	[dreg:$0x3] =	wrdreg s5  }
0xaa: {  	[dreg:$0x4] =	wrdreg $0xC0  }
0xab: {  	_ =	task [dreg:s7], $0x5FFFF  }
0xac: {  	[dreg:$0x1] =	wrdreg $0xFFFFFFFF  }
0xad: {  	[dreg:$0x0] =	wrdreg $0x60  }
0xae: {  	[dreg:$0x2] =	wrdreg s24  }
0xaf: {  	[dreg:$0x3] =	wrdreg s2  }
0xb0: {  	[dreg:$0x4] =	wrdreg $0x9  }
0xb1: {  	_ =	task.clear_ibuf [dreg:s7], $0x5FFFF;
	_ =	strace $0x9000004F  }
0xb2: {  	s29 =	simm.s32 $0x9;
	_ =	strace $0x80000051  }
0xb3: {  	_ =	swait.ge [sflag:s29], $0x1  }
0xb4: {  	[sflag:s29] =	ssyncadd.s32 $0xFFFFFFFF  }
0xb5: {  	_ =	strace $0x90000051  }
0xb6: {  	_ =	sfence  }
0xb7: {  	s30 =	sld [smem:$0x0];
	_ =	sdelay $0x2  }
0xb8: {  	s31 =	sshll.u32 s1, $0xD;
	s1 =	sshrl.u32 s1, $0x2  }
0xb9: {  	s3 =	sand.u32 $0x4000, s31;
	s1 =	sadd.s32 s1, s30  }
0xba: {  	s0 =	sor.u32 s3, s0;
	s1 =	sshll.u32 s1, $0x11  }
0xbb: {  	s0 =	sor.u32 s1, s0  }
0xbc: {  	s0 =	sadd.s32 $0x8F2B, s0  }
0xbd: {  	[sflag:s0] =	ssyncadd.remote.s32 $0x1  }
0xbe: {  	_ =	sfence.sel $0xFFFF  }
0xbf: {  	[dreg:$0x0] =	wrdreg $0xFFFFFFFF;
	(pc) =	sbr.abs _section_cstart, $3  }
0xc0: {  	[dreg:$0x1] =	wrdreg $0xFFFFFFFF  }
0xc1: {  	_ =	task.clear_ibuf [dreg:s7], $0x2FFFF;
	_ =	strace $0x9FFFFFFF  }
0xc2: {  	(tm) =	ssettm $0x7FFFFFFF  }
0xc3: {  	_ =	shalt  }
tec
execute0_lowered:
.L_overlay_start_1:
0x0: {  	(tag) =	ssettag $0x1  }
0x1: {  	s0 =	rddreg [dreg:$0x0]  }
0x2: {  	s2 =	rddreg [dreg:$0x1];
	s3 =	simm.s32 $0x0  }
0x3: {  	s1 =	srdreg.scid;
	s18 =	stileid.u32;
	s19 =	simm.s32 $0x2790  }
0x4: {  	s20 =	simm.s32 $0x80;
	s21 =	simm.s32 $0x2810;
	s22 =	simm.s32 $0xA810  }
0x5: {  	s23 =	simm.s32 $0x1;
	s24 =	simm.s32 $0x2;
	s25 =	simm.s32 $0x12810  }
0x6: {  	s26 =	simm.s32 $0x0;
	[smem:$0x7FF] =	sst s3;
	s1 =	sand.u32 $0x1, s1  }
0x7: {  	s4 =	sshll.u32 s18, $0x1;
	s16 =	sadd.s32 $0x7200, s0;
	s12 =	sadd.s32 $0x122A00, s0  }
0x8: {  	s15 =	sadd.s32 $0xC200, s0;
	s13 =	sadd.s32 $0x604A00, s0;
	s14 =	smul.u32 $0x2710, s18  }
0x9: {  	s29 =	sadd.s32 $0x5F400, s0;
	s18 =	smul.u32 $0x4E200, s18;
	_ =	strace $0x80000050  }
0xa: {  	s5 =	sor.u32 s1, s4;
	s4 =	sadd.s32 $0x11200, s0;
	s17 =	smul.u32 $0x1388, s1  }
0xb: {  	[dreg:$0x3] =	wrdreg s29;
	s7 =	ssub.s32 $0x2, s1;
	s1 =	smul.u32 $0x27100, s1  }
0xc: {  	s0 =	sadd.s32 $0x5FA00, s0;
	s6 =	smul.u32 $0x1388, s5;
	s8 =	sshrl.u32 s7, $0x1  }
0xd: {  	s30 =	sadd.s32 s18, s12;
	s11 =	ssub.s32 s7, s8;
	s14 =	sadd.s32 s17, s14  }
0xe: {  	s17 =	simm.s32 $0x3;
	s9 =	sadd.s32 $0x1308, s6;
	s11 =	smax.u32 s11, $0x1  }
0xf: {  	s31 =	sshrl.u32 s14, $0x3;
	s10 =	sshrl.u32 s9, $0x3;
	s9 =	sshll.u32 s9, $0x5  }
0x10: {  	s14 =	sadd.s32 s31, s0;
	s6 =	sadd.s32 s16, s10;
	s7 =	sadd.s32 s15, s10  }
0x11: {  	s8 =	sadd.s32 s12, s9;
	s9 =	sadd.s32 s13, s9;
	s10 =	sadd.s32 s0, s10  }
0x12: {  	s13 =	sadd.s32 s18, s13;
	s15 =	sadd.s32 s31, s15;
	s16 =	sadd.s32 s31, s16  }
0x13: {  	s18 =	simm.s32 $0x2710;
	s12 =	sadd.s32 s1, s13;
	s13 =	sadd.s32 s1, s30  }
.LBB2_1:
0x14: {  	s0 =	rddreg [dreg:$0x3]  }
0x15: {  	[tilespmem:s3], [sflag:$0x3] =	stream.linear.gather [hbm4b:s0+s3], $0x2710, $0x38;
	[tilespmem:$0x12890] =	vst v63  }
0x16: {  	_ =	swait.ge [sflag:s17], $0x2710  }
0x17: {  	[sflag:s17] =	ssyncset.done $0x0  }
0x18: {  	s5 =	sadd.s32 $0x0, s16;
	[sflag:s17] =	ssyncadd.s32 $0xFFFFD8F0  }
0x19: {  	[tilespmem:s18], [sflag:$0x3] =	stream.linear.gather [hbm4b:s5+s3], $0x80, $0x38;
	[tilespmem:$0x12890] =	vst v63  }
0x1a: {  	_ =	swait.ge [sflag:s17], $0x80  }
0x1b: {  	[sflag:s17] =	ssyncset.done $0x0  }
0x1c: {  	s1 =	sadd.s32 $0x0, s15;
	[sflag:s17] =	ssyncadd.s32 $0xFFFFFF80  }
0x1d: {  	[tilespmem:s19], [sflag:$0x3] =	stream.linear.gather [hbm4b:s1+s3], $0x80, $0x38;
	[tilespmem:$0x12890] =	vst v63  }
0x1e: {  	_ =	swait.ge [sflag:s17], $0x80  }
0x1f: {  	[sflag:s17] =	ssyncset.done $0x0  }
0x20: {  	[sflag:s17] =	ssyncadd.s32 $0xFFFFFF80  }
0x21: {  	[tilespmem:s21], [sflag:$0x1] =	stream.indirect.gather [hbm4b:s2+s20], $0x100, s18, s20, $0xb8;
	[tilespmem:$0x12890] =	vst v63  }
0x22: {  	_ = 	snop  }
0x23: {  	[tilespmem:s22], [sflag:$0x2] =	stream.indirect.gather [hbm4b:s4+s20], $0x100, s19, s20, $0xb8;
	[tilespmem:$0x12890] =	vst v63  }
0x24: {  	v0 =	vld [tilespmem:$0x2710];
	_ =	sdelay $0x5  }
0x25: {  	v1 =	vld [tilespmem:$0x2720];
	_ =	sdelay $0x1  }
0x26: {  	v0 =	vld.idx.msk [tilespmem:v0+s3+$0x0], $0xffff;
	_ =	sdelay $0x3  }
0x27: {  	v2 =	vld [tilespmem:$0x2730]  }
0x28: {  	[tilespmem:$0x12810] =	vst v0  }
0x29: {  	v0 =	vld.idx.msk [tilespmem:v1+s3+$0x0], $0xffff;
	_ =	sdelay $0x3  }
0x2a: {  	v59 =	vld [tilespmem:$0x2740]  }
0x2b: {  	[tilespmem:$0x12820] =	vst v0  }
0x2c: {  	v0 =	vld.idx.msk [tilespmem:v2+s3+$0x0], $0xffff;
	_ =	sdelay $0x3  }
0x2d: {  	v60 =	vld [tilespmem:$0x2750]  }
0x2e: {  	[tilespmem:$0x12830] =	vst v0  }
0x2f: {  	v0 =	vld.idx.msk [tilespmem:v59+s3+$0x0], $0xffff;
	_ =	sdelay $0x3  }
0x30: {  	v61 =	vld [tilespmem:$0x2760]  }
0x31: {  	[tilespmem:$0x12840] =	vst v0  }
0x32: {  	v0 =	vld.idx.msk [tilespmem:v60+s3+$0x0], $0xffff;
	_ =	sdelay $0x3  }
0x33: {  	v62 =	vld [tilespmem:$0x2770]  }
0x34: {  	[tilespmem:$0x12850] =	vst v0  }
0x35: {  	v0 =	vld.idx.msk [tilespmem:v61+s3+$0x0], $0xffff;
	_ =	sdelay $0x3  }
0x36: {  	v63 =	vld [tilespmem:$0x2780]  }
0x37: {  	[tilespmem:$0x12860] =	vst v0  }
0x38: {  	v0 =	vld.idx.msk [tilespmem:v62+s3+$0x0], $0xffff;
	_ =	sdelay $0x4  }
0x39: {  	[tilespmem:$0x12870] =	vst v0  }
0x3a: {  	v0 =	vld.idx.msk [tilespmem:v63+s3+$0x0], $0xffff;
	_ =	sdelay $0x4  }
0x3b: {  	[tilespmem:$0x12880] =	vst v0  }
0x3c: {  	_ =	swait.ge [sflag:s23], $0x8000  }
0x3d: {  	[sflag:s23] =	ssyncset.done $0x0  }
0x3e: {  	[sflag:s23] =	ssyncadd.s32 $0xFFFF8000  }
0x3f: {  	_ =	swait.ge [sflag:s24], $0x8000  }
0x40: {  	[sflag:s24] =	ssyncset.done $0x0  }
0x41: {  	[sflag:s24] =	ssyncadd.s32 $0xFFFF8000  }
0x42: {  	[hbm4b:s13+s3] =	stream.linear.scatter [tilespmem:s21], [sflag:$0x3], $0x8000, $0x38;
	[tilespmem:$0x12890] =	vst v63  }
0x43: {  	_ =	swait.ge [sflag:s17], $0x8000  }
0x44: {  	[sflag:s17] =	ssyncset.done $0x0  }
0x45: {  	[sflag:s17] =	ssyncadd.s32 $0xFFFF8000  }
0x46: {  	[hbm4b:s12+s3] =	stream.linear.scatter [tilespmem:s22], [sflag:$0x3], $0x8000, $0x38;
	[tilespmem:$0x12890] =	vst v63  }
0x47: {  	_ =	swait.ge [sflag:s17], $0x8000  }
0x48: {  	[sflag:s17] =	ssyncset.done $0x0  }
0x49: {  	s5 =	sadd.s32 $0x0, s14;
	[sflag:s17] =	ssyncadd.s32 $0xFFFF8000  }
0x4a: {  	[hbm4b:s5+s3] =	stream.linear.scatter [tilespmem:s25], [sflag:$0x3], $0x80, $0x38;
	[tilespmem:$0x12890] =	vst v63  }
0x4b: {  	s28 =	simm.s32 $0x10;
	s31 =	simm.s32 $0x20;
	_ =	swait.ge [sflag:s17], $0x80  }
0x4c: {  	s29 =	sadd.s32 $0x1000, s12;
	s30 =	sadd.s32 $0x1000, s13;
	[sflag:s17] =	ssyncset.done $0x0  }
.LBB2_2:
0x4d: {  	s5 =	sadd.s32 s28, s16  }
0x4e: {  	[sflag:s17] =	ssyncadd.s32 $0xFFFFFF80;
	s0 =	smov.u32 s31;
	s1 =	sadd.s32 $0x10, s31  }
0x4f: {  	[tilespmem:s18], [sflag:$0x3] =	stream.linear.gather [hbm4b:s5+s3], $0x80, $0x38;
	[tilespmem:$0x12890] =	vst v63  }
0x50: {  	p0 =	sne.s32 s31, $0x260;
	_ =	swait.ge [sflag:s17], $0x80  }
0x51: {  	[sflag:s17] =	ssyncset.done $0x0  }
0x52: {  	s5 =	sadd.s32 s28, s15;
	[sflag:s17] =	ssyncadd.s32 $0xFFFFFF80  }
0x53: {  	[tilespmem:s19], [sflag:$0x3] =	stream.linear.gather [hbm4b:s5+s3], $0x80, $0x38;
	[tilespmem:$0x12890] =	vst v63  }
0x54: {  	_ =	swait.ge [sflag:s17], $0x80  }
0x55: {  	[sflag:s17] =	ssyncset.done $0x0  }
0x56: {  	[sflag:s17] =	ssyncadd.s32 $0xFFFFFF80  }
0x57: {  	[tilespmem:s21], [sflag:$0x1] =	stream.indirect.gather [hbm4b:s2+s20], $0x100, s18, s20, $0xb8;
	[tilespmem:$0x12890] =	vst v63  }
0x58: {  	_ = 	snop  }
0x59: {  	[tilespmem:s22], [sflag:$0x2] =	stream.indirect.gather [hbm4b:s4+s20], $0x100, s19, s20, $0xb8;
	[tilespmem:$0x12890] =	vst v63  }
0x5a: {  	v0 =	vld [tilespmem:$0x2710]  }
0x5b: {  	v1 =	vld [tilespmem:$0x2720]  }
0x5c: {  	v2 =	vld [tilespmem:$0x2730]  }
0x5d: {  	v3 =	vld [tilespmem:$0x2740]  }
0x5e: {  	v4 =	vld [tilespmem:$0x2750]  }
0x5f: {  	v5 =	vld [tilespmem:$0x2760]  }
0x60: {  	v6 =	vld [tilespmem:$0x2770]  }
0x61: {  	v7 =	vld [tilespmem:$0x2780]  }
0x62: {  	v0 =	vld.idx.msk [tilespmem:v0+s3+$0x0], $0xffff;
	_ =	sdelay $0x5  }
0x63: {  	[tilespmem:$0x12810] =	vst v0  }
0x64: {  	v0 =	vld.idx.msk [tilespmem:v1+s3+$0x0], $0xffff;
	_ =	sdelay $0x5  }
0x65: {  	[tilespmem:$0x12820] =	vst v0  }
0x66: {  	v0 =	vld.idx.msk [tilespmem:v2+s3+$0x0], $0xffff;
	_ =	sdelay $0x5  }
0x67: {  	[tilespmem:$0x12830] =	vst v0  }
0x68: {  	v0 =	vld.idx.msk [tilespmem:v3+s3+$0x0], $0xffff;
	_ =	sdelay $0x5  }
0x69: {  	[tilespmem:$0x12840] =	vst v0  }
0x6a: {  	v0 =	vld.idx.msk [tilespmem:v4+s3+$0x0], $0xffff;
	_ =	sdelay $0x5  }
0x6b: {  	[tilespmem:$0x12850] =	vst v0  }
0x6c: {  	v0 =	vld.idx.msk [tilespmem:v5+s3+$0x0], $0xffff;
	_ =	sdelay $0x5  }
0x6d: {  	[tilespmem:$0x12860] =	vst v0  }
0x6e: {  	v0 =	vld.idx.msk [tilespmem:v6+s3+$0x0], $0xffff;
	_ =	sdelay $0x5  }
0x6f: {  	[tilespmem:$0x12870] =	vst v0  }
0x70: {  	v0 =	vld.idx.msk [tilespmem:v7+s3+$0x0], $0xffff;
	_ =	sdelay $0x5  }
0x71: {  	[tilespmem:$0x12880] =	vst v0  }
0x72: {  	_ =	swait.ge [sflag:s23], $0x8000  }
0x73: {  	[sflag:s23] =	ssyncset.done $0x0  }
0x74: {  	[sflag:s23] =	ssyncadd.s32 $0xFFFF8000  }
0x75: {  	_ =	swait.ge [sflag:s24], $0x8000  }
0x76: {  	[sflag:s24] =	ssyncset.done $0x0  }
0x77: {  	[sflag:s24] =	ssyncadd.s32 $0xFFFF8000  }
0x78: {  	[hbm4b:s30+s3] =	stream.linear.scatter [tilespmem:s21], [sflag:$0x3], $0x8000, $0x38;
	[tilespmem:$0x12890] =	vst v63  }
0x79: {  	_ =	swait.ge [sflag:s17], $0x8000  }
0x7a: {  	[sflag:s17] =	ssyncset.done $0x0  }
0x7b: {  	[sflag:s17] =	ssyncadd.s32 $0xFFFF8000  }
0x7c: {  	[hbm4b:s29+s3] =	stream.linear.scatter [tilespmem:s22], [sflag:$0x3], $0x8000, $0x38;
	[tilespmem:$0x12890] =	vst v63  }
0x7d: {  	_ =	swait.ge [sflag:s17], $0x8000  }
.Ltmp0:
0x7e: {  	[sflag:s17] =	ssyncset.done $0x0;
	(pc) =	sbr.rel @p0 .LBB2_2-.Ltmp0, $4  }
0x7f: {  	s5 =	sadd.s32 s28, s14;
	s28 =	smov.u32 s0;
	[sflag:s17] =	ssyncadd.s32 $0xFFFF8000  }
0x80: {  	[hbm4b:s5+s3] =	stream.linear.scatter [tilespmem:s25], [sflag:$0x3], $0x80, $0x38;
	[tilespmem:$0x12890] =	vst v63  }
0x81: {  	s31 =	smov.u32 s1;
	_ =	swait.ge [sflag:s17], $0x80  }
0x82: {  	s30 =	sadd.s32 $0x1000, s30;
	s29 =	sadd.s32 $0x1000, s29;
	[sflag:s17] =	ssyncset.done $0x0  }
0x83: {  	s0 =	sadd.s32 s28, s16;
	[sflag:s17] =	ssyncadd.s32 $0xFFFFFF80  }
0x84: {  	[tilespmem:s18], [sflag:$0x3] =	stream.linear.gather [hbm4b:s0+s3], $0x80, $0x38;
	[tilespmem:$0x12890] =	vst v63  }
0x85: {  	_ =	swait.ge [sflag:s17], $0x80  }
0x86: {  	[sflag:s17] =	ssyncset.done $0x0  }
0x87: {  	s5 =	sadd.s32 s28, s15;
	[sflag:s17] =	ssyncadd.s32 $0xFFFFFF80  }
0x88: {  	[tilespmem:s19], [sflag:$0x3] =	stream.linear.gather [hbm4b:s5+s3], $0x80, $0x38;
	[tilespmem:$0x12890] =	vst v63  }
0x89: {  	_ =	swait.ge [sflag:s17], $0x80  }
0x8a: {  	[sflag:s17] =	ssyncset.done $0x0  }
0x8b: {  	[sflag:s17] =	ssyncadd.s32 $0xFFFFFF80  }
0x8c: {  	[tilespmem:s21], [sflag:$0x1] =	stream.indirect.gather [hbm4b:s2+s20], $0x100, s18, s20, $0xb8;
	[tilespmem:$0x12890] =	vst v63  }
0x8d: {  	_ = 	snop  }
0x8e: {  	[tilespmem:s22], [sflag:$0x2] =	stream.indirect.gather [hbm4b:s4+s20], $0x100, s19, s20, $0xb8;
	[tilespmem:$0x12890] =	vst v63  }
0x8f: {  	v0 =	vld [tilespmem:$0x2710];
	_ =	sdelay $0x5  }
0x90: {  	v1 =	vld [tilespmem:$0x2720];
	_ =	sdelay $0x1  }
0x91: {  	v0 =	vld.idx.msk [tilespmem:v0+s3+$0x0], $0xffff;
	_ =	sdelay $0x3  }
0x92: {  	v2 =	vld [tilespmem:$0x2730]  }
0x93: {  	[tilespmem:$0x12810] =	vst v0  }
0x94: {  	v0 =	vld.idx.msk [tilespmem:v1+s3+$0x0], $0xffff;
	_ =	sdelay $0x3  }
0x95: {  	v51 =	vld [tilespmem:$0x2740]  }
0x96: {  	[tilespmem:$0x12820] =	vst v0  }
0x97: {  	v0 =	vld.idx.msk [tilespmem:v2+s3+$0x0], $0xffff;
	_ =	sdelay $0x3  }
0x98: {  	v52 =	vld [tilespmem:$0x2750]  }
0x99: {  	[tilespmem:$0x12830] =	vst v0  }
0x9a: {  	v0 =	vld.idx.msk [tilespmem:v51+s3+$0x0], $0xffff;
	_ =	sdelay $0x3  }
0x9b: {  	v53 =	vld [tilespmem:$0x2760]  }
0x9c: {  	[tilespmem:$0x12840] =	vst v0  }
0x9d: {  	v0 =	vld.idx.msk [tilespmem:v52+s3+$0x0], $0xffff;
	_ =	sdelay $0x3  }
0x9e: {  	v54 =	vld [tilespmem:$0x2770]  }
0x9f: {  	[tilespmem:$0x12850] =	vst v0  }
0xa0: {  	v0 =	vld.idx.msk [tilespmem:v53+s3+$0x0], $0xffff;
	_ =	sdelay $0x3  }
0xa1: {  	v55 =	vld [tilespmem:$0x2780]  }
0xa2: {  	[tilespmem:$0x12860] =	vst v0  }
0xa3: {  	v0 =	vld.idx.msk [tilespmem:v54+s3+$0x0], $0xffff;
	_ =	sdelay $0x4  }
0xa4: {  	[tilespmem:$0x12870] =	vst v0  }
0xa5: {  	v0 =	vld.idx.msk [tilespmem:v55+s3+$0x0], $0xffff;
	_ =	sdelay $0x4  }
0xa6: {  	[tilespmem:$0x12880] =	vst v0  }
0xa7: {  	_ =	swait.ge [sflag:s23], $0x8000  }
0xa8: {  	[sflag:s23] =	ssyncset.done $0x0  }
0xa9: {  	[sflag:s23] =	ssyncadd.s32 $0xFFFF8000  }
0xaa: {  	_ =	swait.ge [sflag:s24], $0x8000  }
0xab: {  	[sflag:s24] =	ssyncset.done $0x0  }
0xac: {  	[sflag:s24] =	ssyncadd.s32 $0xFFFF8000  }
0xad: {  	[hbm4b:s30+s3] =	stream.linear.scatter [tilespmem:s21], [sflag:$0x3], $0x8000, $0x38;
	[tilespmem:$0x12890] =	vst v63  }
0xae: {  	_ =	swait.ge [sflag:s17], $0x8000  }
0xaf: {  	[sflag:s17] =	ssyncset.done $0x0  }
0xb0: {  	[sflag:s17] =	ssyncadd.s32 $0xFFFF8000  }
0xb1: {  	[hbm4b:s29+s3] =	stream.linear.scatter [tilespmem:s22], [sflag:$0x3], $0x8000, $0x38;
	[tilespmem:$0x12890] =	vst v63  }
0xb2: {  	_ =	swait.ge [sflag:s17], $0x8000  }
0xb3: {  	[sflag:s17] =	ssyncset.done $0x0  }
0xb4: {  	s31 =	sadd.s32 s28, s14;
	[sflag:s17] =	ssyncadd.s32 $0xFFFF8000  }
0xb5: {  	[hbm4b:s31+s3] =	stream.linear.scatter [tilespmem:s25], [sflag:$0x3], $0x80, $0x38;
	[tilespmem:$0x12890] =	vst v63  }
0xb6: {  	_ =	swait.ge [sflag:s17], $0x80  }
0xb7: {  	[sflag:s17] =	ssyncset.done $0x0  }
0xb8: {  	[sflag:s17] =	ssyncadd.s32 $0xFFFFFF80  }
0xb9: {  	[tilespmem:s18], [sflag:$0x3] =	stream.linear.gather [hbm4b:s6+s3], $0x80, $0x38;
	[tilespmem:$0x12890] =	vst v63  }
0xba: {  	_ =	swait.ge [sflag:s17], $0x80  }
0xbb: {  	[sflag:s17] =	ssyncset.done $0x0  }
0xbc: {  	[sflag:s17] =	ssyncadd.s32 $0xFFFFFF80  }
0xbd: {  	[tilespmem:s19], [sflag:$0x3] =	stream.linear.gather [hbm4b:s7+s3], $0x80, $0x38;
	[tilespmem:$0x12890] =	vst v63  }
0xbe: {  	_ =	swait.ge [sflag:s17], $0x80  }
0xbf: {  	[sflag:s17] =	ssyncset.done $0x0  }
0xc0: {  	[sflag:s17] =	ssyncadd.s32 $0xFFFFFF80  }
0xc1: {  	[tilespmem:s21], [sflag:$0x1] =	stream.indirect.gather [hbm4b:s2+s20], $0x100, s18, s20, $0xb8;
	[tilespmem:$0x12890] =	vst v63  }
0xc2: {  	_ = 	snop  }
0xc3: {  	[tilespmem:s22], [sflag:$0x2] =	stream.indirect.gather [hbm4b:s4+s20], $0x100, s19, s20, $0xb8;
	[tilespmem:$0x12890] =	vst v63  }
0xc4: {  	v56 =	vld [tilespmem:$0x2710];
	_ =	sdelay $0x5  }
0xc5: {  	v57 =	vld [tilespmem:$0x2720];
	_ =	sdelay $0x1  }
0xc6: {  	v0 =	vld.idx.msk [tilespmem:v56+s3+$0x0], $0xffff;
	_ =	sdelay $0x3  }
0xc7: {  	v58 =	vld [tilespmem:$0x2730]  }
0xc8: {  	[tilespmem:$0x12810] =	vst v0  }
0xc9: {  	v0 =	vld.idx.msk [tilespmem:v57+s3+$0x0], $0xffff;
	_ =	sdelay $0x3  }
0xca: {  	v59 =	vld [tilespmem:$0x2740]  }
0xcb: {  	[tilespmem:$0x12820] =	vst v0  }
0xcc: {  	v0 =	vld.idx.msk [tilespmem:v58+s3+$0x0], $0xffff;
	_ =	sdelay $0x3  }
0xcd: {  	v60 =	vld [tilespmem:$0x2750]  }
0xce: {  	[tilespmem:$0x12830] =	vst v0  }
0xcf: {  	v0 =	vld.idx.msk [tilespmem:v59+s3+$0x0], $0xffff;
	_ =	sdelay $0x3  }
0xd0: {  	v61 =	vld [tilespmem:$0x2760]  }
0xd1: {  	[tilespmem:$0x12840] =	vst v0  }
0xd2: {  	v0 =	vld.idx.msk [tilespmem:v60+s3+$0x0], $0xffff;
	_ =	sdelay $0x3  }
0xd3: {  	v62 =	vld [tilespmem:$0x2770]  }
0xd4: {  	[tilespmem:$0x12850] =	vst v0  }
0xd5: {  	v0 =	vld.idx.msk [tilespmem:v61+s3+$0x0], $0xffff;
	_ =	sdelay $0x3  }
0xd6: {  	v63 =	vld [tilespmem:$0x2780]  }
0xd7: {  	[tilespmem:$0x12860] =	vst v0  }
0xd8: {  	v0 =	vld.idx.msk [tilespmem:v62+s3+$0x0], $0xffff;
	_ =	sdelay $0x4  }
0xd9: {  	[tilespmem:$0x12870] =	vst v0  }
0xda: {  	v0 =	vld.idx.msk [tilespmem:v63+s3+$0x0], $0xffff;
	_ =	sdelay $0x4  }
0xdb: {  	[tilespmem:$0x12880] =	vst v0  }
0xdc: {  	_ =	swait.ge [sflag:s23], $0x8000  }
0xdd: {  	[sflag:s23] =	ssyncset.done $0x0  }
0xde: {  	[sflag:s23] =	ssyncadd.s32 $0xFFFF8000  }
0xdf: {  	_ =	swait.ge [sflag:s24], $0x8000  }
0xe0: {  	[sflag:s24] =	ssyncset.done $0x0  }
0xe1: {  	[sflag:s24] =	ssyncadd.s32 $0xFFFF8000  }
0xe2: {  	[hbm4b:s8+s3] =	stream.linear.scatter [tilespmem:s21], [sflag:$0x3], $0x8000, $0x38;
	[tilespmem:$0x12890] =	vst v63  }
0xe3: {  	_ =	swait.ge [sflag:s17], $0x8000  }
0xe4: {  	[sflag:s17] =	ssyncset.done $0x0  }
0xe5: {  	[sflag:s17] =	ssyncadd.s32 $0xFFFF8000  }
0xe6: {  	[hbm4b:s9+s3] =	stream.linear.scatter [tilespmem:s22], [sflag:$0x3], $0x8000, $0x38;
	[tilespmem:$0x12890] =	vst v63  }
0xe7: {  	s26 =	sadd.s32 $0x1, s26;
	_ =	swait.ge [sflag:s17], $0x8000  }
0xe8: {  	p0 =	sne.s32 s26, s11;
	[sflag:s17] =	ssyncset.done $0x0  }
.Ltmp1:
0xe9: {  	[sflag:s17] =	ssyncadd.s32 $0xFFFF8000;
	(pc) =	sbr.rel @p0 .LBB2_1-.Ltmp1, $4  }
0xea: {  	[hbm4b:s10+s3] =	stream.linear.scatter [tilespmem:s25], [sflag:$0x3], $0x80, $0x38;
	[tilespmem:$0x12890] =	vst v63  }
0xeb: {  	_ =	swait.ge [sflag:s17], $0x80  }
0xec: {  	[sflag:s17] =	ssyncset.done $0x0  }
0xed: {  	[sflag:s17] =	ssyncadd.s32 $0xFFFFFF80  }
0xee: {  	_ =	sfence.sel $0x180000  }
0xef: {  	[bflag:$0x0] =	sbarrier.arrive $0xFFFF  }
0xf0: {  	_ =	strace $0x90000050  }
0xf1: {  	s0 =	stileid.u32;
	[bflag:$0x2] =	sbarrier.arrive $0xFFFF  }
0xf2: {  	p0 =	sne.s32 s0, $0x0;
	s0 =	rddreg [dreg:$0x2]  }
0xf3: {  	s0 =	sadd.s32 @!p0 $0x100000, s0  }
0xf4: {  	[sflag:s0] =	ssyncadd.tile.s32 @!p0 $0x1;
	_ =	shalt  }
.Lfunc_end2:
_tile_overlayer_lowered:
.L_overlay_start_2:
0xf5: {  	(tag) =	ssettag $0x2  }
0xf6: {  	s0 =	rddreg [dreg:$0x0];
	s2 =	stileid.u32  }
0xf7: {  	s1 =	rddreg [dreg:$0x1];
	p0 =	sne.s32 s2, $0x0  }
0xf8: {  	s3 =	rddreg [dreg:$0x2];
	[bflag:$0x3] =	sbarrier.arrive $0xFFFF;
	s2 =	simm.s32 @!p0 $0x1C03  }
0xf9: {  	[timem:s3], [sflag:s2] =	dma.local @!p0 [hbm:s0], s1  }
0xfa: {  	s0 =	simm.s32 @!p0 $0x3  }
0xfb: {  	_ =	swait.ge @!p0 [sflag:s0], s1  }
0xfc: {  	s1 =	ssub.s32 @!p0 $0x0, s1;
	[sflag:s0] =	ssyncset.done @!p0 $0x0  }
0xfd: {  	[sflag:s0] =	ssyncadd.s32 @!p0 s1  }
0xfe: {  	[bflag:$0x3] =	sbarrier.arrive $0xFFFF  }
0xff: {  	_ =	shalt  }

// kernel: kernel.21.cloned.1.call-start
scs
__scs_entry_jumppad:
0x0: {  	(pc) =	sbr.rel $0x88, $3  }
0x1: {  	(tag) =	ssettag $0x0;
	lr =	simm.s32 $0x1  }
0x2: {  	[smem:$0x3F8E] =	sst lr;
	_ =	strace $0xD0000000  }
0x3: {  	_ = 	snop  }
0x4: {  	_ = 	snop  }
0x5: {  	_ = 	snop  }
0x6: {  	_ = 	snop  }
0x7: {  	_ = 	snop  }
__scs_overlays_trampoline_lowered:
0x8: {  	[smem:$0x3F9D] =	sst s0  }
0x9: {  	[smem:$0x3F9E] =	sst s1  }
0xa: {  	[smem:$0x3F9F] =	sst s2  }
0xb: {  	[smem:$0x3FA0] =	sst s3  }
0xc: {  	[smem:$0x3FA1] =	sst s4  }
0xd: {  	[smem:$0x3FA2] =	sst s5  }
0xe: {  	[smem:$0x3FA3] =	sst s6  }
0xf: {  	[smem:$0x3FA4] =	sst s7  }
0x10: {  	[smem:$0x3FA5] =	sst s8  }
0x11: {  	[smem:$0x3FA6] =	sst s9;
	s0 =	simm.s32 @!p0 $0x0  }
0x12: {  	s1 =	sld [smem:$0x3F8C];
	s0 =	simm.s32 @p0 $0x1  }
0x13: {  	[smem:$0x3FA7] =	sst s0;
	s0 =	simm.s32 @!p1 $0x0  }
0x14: {  	s2 =	sld [smem:$0x3F8B];
	s0 =	simm.s32 @p1 $0x1  }
0x15: {  	[smem:$0x3FA8] =	sst s0;
	s0 =	simm.s32 @!p2 $0x0  }
0x16: {  	s3 =	sld [smem:$0x3FDB];
	s0 =	simm.s32 @p2 $0x1  }
0x17: {  	s4 =	simm.s32 $0x1BF5;
	[smem:$0x3FAA] =	sst s0  }
0x18: {  	s0 =	sld [smem:$0x3F8D];
	_ =	swait.ge [sflag:s4], $0x0  }
0x19: {  	s7 =	sld [smem:$0x3F8E]  }
0x1a: {  	s8 =	sadd.s32 $0xFFFFE003, lr  }
0x1b: {  	s9 =	sadd.s32 $0xFFFFFEF7, lr;
	s5 =	simm.s32 $0xFFFFFFFF;
	p2 =	slt.u32 s8, $0xFFFFF086  }
0x1c: {  	p1 =	slt.u32 s9, $0xF7A;
	s5 =	simm.s32 @!p2 $0x0  }
0x1d: {  	s5 =	simm.s32 @p1 $0x1;
	p0 =	seq.s32 s7, s2  }
0x1e: {  	s7 =	smul.u32 @!p0 $0xF7A, s2;
	p2 =	seq.s32 @!p0 s5, $0x0  }
0x1f: {  	s9 =	smul.u32 $0xF7A, s1;
	s8 =	simm.s32 @!p0 $0x1BF5;
	p2 =	por !p2, p0  }
0x20: {  	[sflag:s8] =	ssyncset.s32 @!p0 $0xFFFFF086;
	s6 =	sadd.s32 @!p0 s3, s7;
	s7 =	simm.s32 @!p0 $0x108  }
0x21: {  	s3 =	sadd.s32 s3, s9;
	s6 =	sadd.s32 @!p0 $0x88, s6;
	s7 =	simm.s32 @p2 $0x1082  }
0x22: {  	[simem:s7], [sflag:s8] =	dma.local @!p0 [hbm:s6], $0xF7A  }
0x23: {  	s9 =	sor.u32 $0xD0000000, s2;
	s6 =	simm.s32 $0x108;
	_ =	swait.ge @!p0 [sflag:s8], $0x0  }
0x24: {  	s3 =	sadd.s32 $0x88, s3;
	s6 =	simm.s32 @!p1 $0x1082;
	[sflag:s4] =	ssyncset.s32 $0xFFFFF086  }
0x25: {  	[simem:s6], [sflag:s4] =	dma.local [hbm:s3], $0xF7A  }
0x26: {  	[smem:$0x3F8E] =	sst s1;
	(tag) =	ssettag s2;
	_ =	strace s9  }
0x27: {  	s1 =	sld [smem:$0x3F9E]  }
0x28: {  	s2 =	sld [smem:$0x3F9F]  }
0x29: {  	s4 =	sld [smem:$0x3FA1]  }
0x2a: {  	p0 =	seq.s32 s5, $0x0;
	s5 =	sld [smem:$0x3FA2]  }
0x2b: {  	s6 =	sld [smem:$0x3FA3]  }
0x2c: {  	s7 =	sld [smem:$0x3FA4]  }
0x2d: {  	s3 =	simm.s32 $0x108;
	s8 =	sld [smem:$0x3FA5]  }
0x2e: {  	s3 =	simm.s32 @!p0 $0x1082;
	s9 =	sld [smem:$0x3FA6]  }
0x2f: {  	lr =	sadd.s32 s0, s3;
	s0 =	sld [smem:$0x3F9D]  }
0x30: {  	s3 =	sld [smem:$0x3FA0]  }
0x31: {  	[smem:$0x3FA9] =	sst s10  }
0x32: {  	s10 =	sld [smem:$0x3FA7];
	_ =	sdelay $0x3  }
0x33: {  	p0 =	seq.s32 s10, $0x1;
	s10 =	sld [smem:$0x3FA9];
	_ =	sdelay $0x3  }
0x34: {  	[smem:$0x3FA9] =	sst s10  }
0x35: {  	s10 =	sld [smem:$0x3FA8];
	_ =	sdelay $0x3  }
0x36: {  	p1 =	seq.s32 s10, $0x1;
	s10 =	sld [smem:$0x3FA9];
	_ =	sdelay $0x3  }
0x37: {  	[smem:$0x3FA9] =	sst s10  }
0x38: {  	s10 =	sld [smem:$0x3FAA]  }
0x39: {  	_ = 	snop;
	(pc) =	sbr.ind lr, $3  }
0x3a: {  	_ = 	snop  }
0x3b: {  	_ = 	snop  }
0x3c: {  	p2 =	seq.s32 s10, $0x1;
	s10 =	sld [smem:$0x3FA9]  }
0x3d: {  	_ =	shalt  }
0x3e: {  	_ =	shalt  }
0x3f: {  	_ =	shalt  }
0x40: {  	_ =	shalt  }
0x41: {  	_ =	shalt  }
0x42: {  	_ =	shalt  }
0x43: {  	_ =	shalt  }
0x44: {  	_ =	shalt  }
0x45: {  	_ =	shalt  }
0x46: {  	_ =	shalt  }
0x47: {  	_ =	shalt  }
0x48: {  	_ =	shalt  }
0x49: {  	_ =	shalt  }
0x4a: {  	_ =	shalt  }
0x4b: {  	_ =	shalt  }
0x4c: {  	_ =	shalt  }
0x4d: {  	_ =	shalt  }
0x4e: {  	_ =	shalt  }
0x4f: {  	_ =	shalt  }
0x50: {  	_ =	shalt  }
0x51: {  	_ =	shalt  }
0x52: {  	_ =	shalt  }
0x53: {  	_ =	shalt  }
0x54: {  	_ =	shalt  }
0x55: {  	_ =	shalt  }
0x56: {  	_ =	shalt  }
0x57: {  	_ =	shalt  }
0x58: {  	_ =	shalt  }
0x59: {  	_ =	shalt  }
0x5a: {  	_ =	shalt  }
0x5b: {  	_ =	shalt  }
0x5c: {  	_ =	shalt  }
0x5d: {  	_ =	shalt  }
0x5e: {  	_ =	shalt  }
0x5f: {  	_ =	shalt  }
0x60: {  	_ =	shalt  }
0x61: {  	_ =	shalt  }
0x62: {  	_ =	shalt  }
0x63: {  	_ =	shalt  }
0x64: {  	_ =	shalt  }
0x65: {  	_ =	shalt  }
0x66: {  	_ =	shalt  }
0x67: {  	_ =	shalt  }
0x68: {  	_ =	shalt  }
0x69: {  	_ =	shalt  }
0x6a: {  	_ =	shalt  }
0x6b: {  	_ =	shalt  }
0x6c: {  	_ =	shalt  }
0x6d: {  	_ =	shalt  }
0x6e: {  	_ =	shalt  }
0x6f: {  	_ =	shalt  }
0x70: {  	_ =	shalt  }
0x71: {  	_ =	shalt  }
0x72: {  	_ =	shalt  }
0x73: {  	_ =	shalt  }
0x74: {  	_ =	shalt  }
0x75: {  	_ =	shalt  }
0x76: {  	_ =	shalt  }
0x77: {  	_ =	shalt  }
0x78: {  	_ =	shalt  }
0x79: {  	_ =	shalt  }
0x7a: {  	_ =	shalt  }
0x7b: {  	_ =	shalt  }
0x7c: {  	_ =	shalt  }
0x7d: {  	_ =	shalt  }
0x7e: {  	_ =	shalt  }
0x7f: {  	_ =	shalt  }
0x80: {  	_ =	shalt  }
0x81: {  	_ =	shalt  }
0x82: {  	_ =	shalt  }
0x83: {  	_ =	shalt  }
0x84: {  	_ =	shalt  }
0x85: {  	_ =	shalt  }
0x86: {  	_ =	shalt  }
0x87: {  	_ =	shalt  }
.Lfunc_end0:
.L_simem_size_0:
called_computation.5_lowered:
.L_overlay_start_0:
0x88: {  	s2 =	sld [smem:$0x3FD9]  }
0x89: {  	s3 =	sld [smem:$0x3FFE];
	_ =	sdelay $0x1  }
0x8a: {  	s1 =	srdreg.scid  }
0x8b: {  	s0 =	sand.u32 $0x1, s1  }
0x8c: {  	s17 =	sshll.u32 s0, $0xA;
	s2 =	sadd.s32 s3, s2  }
0x8d: {  	s2 =	sadd.s32 s2, s17  }
0x8e: {  	[smem:$0x3FB5] =	sst s2  }
0x8f: {  	_ = 	snop  }
0x90: {  	s2 =	sld [smem:$0x3FD0];
	(tm) =	ssettm $0x1  }
0x91: {  	s18 =	sld [smem:$0x3FFB];
	_ =	sdelay $0x3  }
0x92: {  	_ =	strace s18  }
0x93: {  	s3 =	sld [smem:$0x3FFC];
	_ =	sdelay $0x3  }
0x94: {  	_ =	strace s3  }
0x95: {  	s3 =	sld [smem:$0x3FFD];
	_ =	sdelay $0x3  }
0x96: {  	_ =	strace s3  }
0x97: {  	_ =	strace $0x8FFFFFFF  }
0x98: {  	s19 =	sld [smem:$0x3FDB];
	_ =	sdelay $0x1  }
0x99: {  	s4 =	simm.s32 $_scs_section_size  }
0x9a: {  	s5 =	simm.s32 $_size__tile_overlayer_lowered;
	s6 =	simm.s32 $_tile_overlayer_lowered  }
0x9b: {  	s22 =	simm.s32 $0x1BFF;
	s21 =	sshll.u32 s6, $0x1;
	s3 =	sadd.s32 s4, s19  }
0x9c: {  	s7 =	simm.s32 $0x0;
	s20 =	sshll.u32 s5, $0x1;
	s5 =	sadd.s32 s21, s3  }
0x9d: {  	[timem:s7], [sflag:s22] =	dma.local [hbm:s5], s20  }
0x9e: {  	_ =	swait.ge [sflag:s22], s20  }
0x9f: {  	s4 =	ssub.s32 $0x0, s20;
	[sflag:s22] =	ssyncset.done $0x0  }
0xa0: {  	[sflag:s22] =	ssyncadd.s32 s4;
	_ =	sdelay $0x1  }
0xa1: {  	s23 =	simm.s32 $0x1B8B  }
0xa2: {  	_ =	swait.ge [sflag:s23], $0x1  }
0xa3: {  	[sflag:s23] =	ssyncset.done $0x0  }
0xa4: {  	s25 =	simm.s32 $0x1B8E;
	s24 =	sld [smem:$0x3FFE];
	[sflag:s23] =	ssyncadd.s32 $0xFFFFFFFF  }
0xa5: {  	s26 =	simm.s32 $execute0_lowered;
	[smem:$0x3FD2] =	sst s25  }
0xa6: {  	s5 =	sshll.u32 s26, $0x1;
	_ =	strace $0x80000055;
	[dreg:$0x1] =	wrdreg $0xFFFFFFFF  }
0xa7: {  	s28 =	simm.s32 $_size_execute0_lowered;
	s3 =	sadd.s32 s3, s5;
	[dreg:$0x0] =	wrdreg $0x0  }
0xa8: {  	s5 =	sshll.u32 s28, $0x1;
	[dreg:$0x2] =	wrdreg s3  }
0xa9: {  	[dreg:$0x3] =	wrdreg s5  }
0xaa: {  	[dreg:$0x4] =	wrdreg $0xC0  }
0xab: {  	_ =	task [dreg:s7], $0x5FFFF  }
0xac: {  	[dreg:$0x1] =	wrdreg $0xFFFFFFFF  }
0xad: {  	[dreg:$0x0] =	wrdreg $0x60  }
0xae: {  	[dreg:$0x2] =	wrdreg s24  }
0xaf: {  	[dreg:$0x3] =	wrdreg s2  }
0xb0: {  	[dreg:$0x4] =	wrdreg $0x0  }
0xb1: {  	[dreg:$0x5] =	wrdreg $0x140000  }
0xb2: {  	[dreg:$0x6] =	wrdreg $0x9  }
0xb3: {  	_ =	task.clear_ibuf [dreg:s7], $0x7FFFF;
	_ =	strace $0x90000055  }
0xb4: {  	s29 =	simm.s32 $0x9;
	_ =	strace $0x80000057  }
0xb5: {  	_ =	swait.ge [sflag:s29], $0x1  }
0xb6: {  	[sflag:s29] =	ssyncadd.s32 $0xFFFFFFFF  }
0xb7: {  	_ =	strace $0x90000057  }
0xb8: {  	_ =	sfence  }
0xb9: {  	s30 =	sld [smem:$0x0];
	_ =	sdelay $0x2  }
0xba: {  	s31 =	sshll.u32 s1, $0xD;
	s1 =	sshrl.u32 s1, $0x2  }
0xbb: {  	s3 =	sand.u32 $0x4000, s31;
	s1 =	sadd.s32 s1, s30  }
0xbc: {  	s0 =	sor.u32 s3, s0;
	s1 =	sshll.u32 s1, $0x11  }
0xbd: {  	s0 =	sor.u32 s1, s0  }
0xbe: {  	s0 =	sadd.s32 $0x8F2B, s0  }
0xbf: {  	[sflag:s0] =	ssyncadd.remote.s32 $0x1  }
0xc0: {  	_ =	sfence.sel $0xFFFF  }
0xc1: {  	[dreg:$0x0] =	wrdreg $0xFFFFFFFF;
	(pc) =	sbr.abs _section_cstart, $3  }
0xc2: {  	[dreg:$0x1] =	wrdreg $0xFFFFFFFF  }
0xc3: {  	_ =	task.clear_ibuf [dreg:s7], $0x2FFFF;
	_ =	strace $0x9FFFFFFF  }
0xc4: {  	(tm) =	ssettm $0x7FFFFFFF  }
0xc5: {  	_ =	shalt  }
tec
execute0_lowered:
.L_overlay_start_1:
0x0: {  	(tag) =	ssettag $0x1  }
0x1: {  	s0 =	rddreg [dreg:$0x0]  }
0x2: {  	s3 =	rddreg [dreg:$0x1]  }
0x3: {  	s1 =	rddreg [dreg:$0x2];
	s16 =	stileid.u32  }
0x4: {  	s2 =	rddreg [dreg:$0x3];
	s7 =	smul.u32 $0x14000, s16  }
0x5: {  	s4 =	srdreg.scid;
	s28 =	simm.s32 $0x1;
	s11 =	smul.u32 $0x2710, s16  }
0x6: {  	s29 =	simm.s32 $0x19400;
	s30 =	simm.s32 $0x19800;
	s14 =	smul.u32 $0x140, s16  }
0x7: {  	s31 =	simm.s32 $0x19840;
	s5 =	sand.u32 $0x1, s4;
	s15 =	smul.u32 $0x1400, s16  }
0x8: {  	s4 =	simm.s32 $0x0;
	s8 =	sadd.s32 $0xC200, s0;
	s24 =	smul.u32 $0x50000, s16  }
0x9: {  	s9 =	sadd.s32 $0x5FA00, s0;
	s10 =	sadd.s32 $0x122A00, s0;
	s25 =	smul.u32 $0x5000, s16  }
0xa: {  	s6 =	smul.u32 $0x140000, s5;
	[smem:$0x7FF] =	sst s4;
	s13 =	ssub.s32 $0x2, s5  }
0xb: {  	s20 =	smul.u32 $0x4E200, s16;
	_ =	strace $0x80000056;
	s21 =	sshrl.u32 s13, $0x1  }
0xc: {  	s11 =	sadd.s32 $0x2700, s11;
	s18 =	sadd.s32 $0x80, s14;
	s6 =	sadd.s32 s7, s6  }
0xd: {  	s22 =	sshrl.u32 s11, $0x3;
	s11 =	sshll.u32 s11, $0x5;
	s7 =	sadd.s32 s7, s1  }
0xe: {  	s19 =	sshll.u32 s18, $0x8;
	s12 =	sshrl.u32 s6, $0x3;
	s6 =	smul.u32 $0x1388, s5  }
0xf: {  	s5 =	smul.u32 $0x14000, s5;
	s17 =	sadd.s32 s8, s22;
	s11 =	sadd.s32 s10, s11  }
0x10: {  	s0 =	sadd.s32 s12, s0;
	s12 =	ssub.s32 s13, s21;
	[dreg:$0x5] =	wrdreg s17  }
0x11: {  	s13 =	sadd.s32 s9, s22;
	[dreg:$0x7] =	wrdreg s11;
	s11 =	sshrl.u32 s25, $0x2  }
0x12: {  	s21 =	sshll.u32 s18, $0x4;
	s22 =	smul.u32 $0x4E2, s16;
	s25 =	sadd.s32 $0x100, s14  }
0x13: {  	[dreg:$0x6] =	wrdreg s13;
	s0 =	sadd.s32 $0x64A00, s0;
	s23 =	sadd.s32 s15, s5  }
0x14: {  	s26 =	smax.u32 s12, $0x1;
	s5 =	sshrl.u32 s24, $0x2;
	[dreg:$0x8] =	wrdreg s0  }
0x15: {  	s12 =	sadd.s32 $0x40, s14;
	s13 =	sadd.s32 s11, s2;
	[dreg:$0xa] =	wrdreg s26  }
0x16: {  	v1 =	vmov s6;
	s6 =	simm.s32 $0x10;
	s0 =	sshrl.u32 s23, $0x3;
	[dreg:$0xc] =	wrdreg s13  }
0x17: {  	s17 =	sshll.u32 s12, $0x4;
	s13 =	sadd.s32 s20, s10;
	s23 =	sadd.s32 $0xC0, s14  }
0x18: {  	s18 =	sadd.s32 s22, s9;
	s26 =	sshll.u32 s25, $0x8;
	s0 =	sadd.s32 s3, s0  }
0x19: {  	s3 =	sadd.s32 s5, s1;
	s24 =	sshll.u32 s23, $0x8;
	[dreg:$0x9] =	wrdreg s0  }
0x1a: {  	s0 =	sadd.s32 s15, s2;
	[dreg:$0xb] =	wrdreg s3;
	s15 =	sshll.u32 s12, $0x8  }
0x1b: {  	s5 =	sadd.s32 s24, s1;
	s24 =	sshrl.u32 s7, $0x3;
	s7 =	simm.s32 $0x198C0  }
0x1c: {  	s3 =	sadd.s32 s15, s1;
	[dreg:$0x11] =	wrdreg s5;
	s5 =	sshll.u32 s25, $0x4  }
0x1d: {  	s25 =	sshrl.u32 s0, $0x3;
	[dreg:$0xd] =	wrdreg s3;
	s3 =	sadd.s32 s17, s2  }
0x1e: {  	s0 =	simm.s32 $0x40;
	[dreg:$0xe] =	wrdreg s3;
	s3 =	sadd.s32 s19, s1  }
0x1f: {  	s19 =	sadd.s32 s22, s8;
	s22 =	sadd.s32 s26, s1;
	s26 =	simm.s32 $0x15400  }
0x20: {  	s8 =	simm.s32 $0x0;
	[dreg:$0xf] =	wrdreg s3;
	s3 =	sadd.s32 s21, s2  }
0x21: {  	v0 =	vimm.f32 $0.0e+00;
	vm0 =	vcmask $0x300;
	[dreg:$0x10] =	wrdreg s3;
	s3 =	sshll.u32 s23, $0x4;
	s23 =	sadd.s32 s5, s2  }
0x22: {  	v2 =	vsel vm0, $0x3F800000, v0;
	s5 =	simm.s32 $0x198D0;
	s21 =	sadd.s32 s3, s2;
	s3 =	simm.s32 $0x19880  }
.LBB2_1:
0x23: {  	s9 =	simm.s32 $0x15480  }
0x24: {  	[tilespmem:s9+$0x60] =	vst v0  }
0x25: {  	[tilespmem:s9+$0x50] =	vst v0  }
0x26: {  	[tilespmem:s9+$0x40] =	vst v0  }
0x27: {  	[tilespmem:s9+$0x30] =	vst v0  }
0x28: {  	[tilespmem:s9+$0x20] =	vst v0  }
0x29: {  	[tilespmem:s9+$0x10] =	vst v0  }
0x2a: {  	[tilespmem:s9+$0x0] =	vst v0  }
0x2b: {  	[tilespmem:s9+$0xFFFFFFF0] =	vst v0  }
0x2c: {  	[tilespmem:s9+$0xFFFFFFE0] =	vst v0  }
0x2d: {  	[tilespmem:s9+$0xFFFFFFD0] =	vst v0  }
0x2e: {  	[tilespmem:s9+$0xFFFFFFC0] =	vst v0  }
0x2f: {  	[tilespmem:s9+$0xFFFFFFB0] =	vst v0  }
0x30: {  	[tilespmem:s9+$0xFFFFFFA0] =	vst v0  }
0x31: {  	[tilespmem:s9+$0xFFFFFF90] =	vst v0  }
0x32: {  	[tilespmem:s9+$0xFFFFFF80] =	vst v0  }
0x33: {  	s11 =	simm.s32 $0x0;
	s10 =	simm.s32 $0x40;
	[tilespmem:s9+$0x70] =	vst v0  }
.LBB2_2:
0x34: {  	p0 =	sne.s32 s10, $0xFC0;
	[tilespmem:s11+$0x198D0] =	vst v2  }
0x35: {  	s9 =	sadd.s32 $0x100, s9;
	[tilespmem:s11+$0x19400] =	vst v0  }
0x36: {  	[tilespmem:s9+$0x60] =	vst v0  }
0x37: {  	[tilespmem:s9+$0x50] =	vst v0  }
0x38: {  	[tilespmem:s9+$0x40] =	vst v0  }
0x39: {  	[tilespmem:s9+$0x30] =	vst v0  }
0x3a: {  	[tilespmem:s9+$0x20] =	vst v0  }
0x3b: {  	[tilespmem:s9+$0x10] =	vst v0  }
0x3c: {  	[tilespmem:s9+$0x0] =	vst v0  }
0x3d: {  	[tilespmem:s9+$0xFFFFFFF0] =	vst v0  }
0x3e: {  	[tilespmem:s9+$0xFFFFFFE0] =	vst v0  }
0x3f: {  	[tilespmem:s9+$0xFFFFFFD0] =	vst v0  }
0x40: {  	[tilespmem:s9+$0xFFFFFFC0] =	vst v0  }
.Ltmp0:
0x41: {  	[tilespmem:s9+$0xFFFFFFB0] =	vst v0;
	(pc) =	sbr.rel @p0 .LBB2_2-.Ltmp0, $4  }
0x42: {  	[tilespmem:s9+$0xFFFFFFA0] =	vst v0  }
0x43: {  	[tilespmem:s9+$0xFFFFFF90] =	vst v0  }
0x44: {  	[tilespmem:s9+$0xFFFFFF80] =	vst v0  }
0x45: {  	s11 =	sshra.s32 s10, $0x2;
	s10 =	sadd.s32 $0x40, s10;
	[tilespmem:s9+$0x70] =	vst v0  }
0x46: {  	[tilespmem:s11+$0x198D0] =	vst v2  }
0x47: {  	[tilespmem:s11+$0x19400] =	vst v0;
	s9 =	rddreg [dreg:$0xb]  }
0x48: {  	[spmem:s9] =	stream.linear.scatter [tilespmem:s26], [sflag:$0x1], $0x4000, $0x38;
	[tilespmem:$0x19CD0] =	vst v63  }
0x49: {  	_ =	swait.ge [sflag:s28], $0x4000  }
0x4a: {  	[sflag:s28] =	ssyncset.done $0x0  }
0x4b: {  	s10 =	rddreg [dreg:$0xc];
	[sflag:s28] =	ssyncadd.s32 $0xFFFFC000  }
0x4c: {  	[spmem:s10] =	stream.linear.scatter [tilespmem:s29], [sflag:$0x1], $0x400, $0x38;
	[tilespmem:$0x19CD0] =	vst v63  }
0x4d: {  	_ =	swait.ge [sflag:s28], $0x400  }
0x4e: {  	[sflag:s28] =	ssyncset.done $0x0  }
0x4f: {  	s11 =	rddreg [dreg:$0xd];
	[sflag:s28] =	ssyncadd.s32 $0xFFFFFC00  }
0x50: {  	[spmem:s11] =	stream.linear.scatter [tilespmem:s26], [sflag:$0x1], $0x4000, $0x38;
	[tilespmem:$0x19CD0] =	vst v63  }
0x51: {  	_ =	swait.ge [sflag:s28], $0x4000  }
0x52: {  	[sflag:s28] =	ssyncset.done $0x0  }
0x53: {  	s12 =	rddreg [dreg:$0xe];
	[sflag:s28] =	ssyncadd.s32 $0xFFFFC000  }
0x54: {  	[spmem:s12] =	stream.linear.scatter [tilespmem:s29], [sflag:$0x1], $0x400, $0x38;
	[tilespmem:$0x19CD0] =	vst v63  }
0x55: {  	_ =	swait.ge [sflag:s28], $0x400  }
0x56: {  	[sflag:s28] =	ssyncset.done $0x0  }
0x57: {  	s14 =	rddreg [dreg:$0xf];
	[sflag:s28] =	ssyncadd.s32 $0xFFFFFC00  }
0x58: {  	[spmem:s14] =	stream.linear.scatter [tilespmem:s26], [sflag:$0x1], $0x4000, $0x38;
	[tilespmem:$0x19CD0] =	vst v63  }
0x59: {  	_ =	swait.ge [sflag:s28], $0x4000  }
0x5a: {  	[sflag:s28] =	ssyncset.done $0x0  }
0x5b: {  	s15 =	rddreg [dreg:$0x10];
	[sflag:s28] =	ssyncadd.s32 $0xFFFFC000  }
0x5c: {  	[spmem:s15] =	stream.linear.scatter [tilespmem:s29], [sflag:$0x1], $0x400, $0x38;
	[tilespmem:$0x19CD0] =	vst v63  }
0x5d: {  	_ =	swait.ge [sflag:s28], $0x400  }
0x5e: {  	[sflag:s28] =	ssyncset.done $0x0  }
0x5f: {  	s16 =	rddreg [dreg:$0x11];
	[sflag:s28] =	ssyncadd.s32 $0xFFFFFC00  }
0x60: {  	[spmem:s16] =	stream.linear.scatter [tilespmem:s26], [sflag:$0x1], $0x4000, $0x38;
	[tilespmem:$0x19CD0] =	vst v63  }
0x61: {  	_ =	swait.ge [sflag:s28], $0x4000  }
0x62: {  	[sflag:s28] =	ssyncset.done $0x0  }
0x63: {  	[sflag:s28] =	ssyncadd.s32 $0xFFFFC000  }
0x64: {  	[spmem:s21] =	stream.linear.scatter [tilespmem:s29], [sflag:$0x1], $0x400, $0x38;
	[tilespmem:$0x19CD0] =	vst v63  }
0x65: {  	_ =	swait.ge [sflag:s28], $0x400  }
0x66: {  	[sflag:s28] =	ssyncset.done $0x0  }
0x67: {  	[sflag:s28] =	ssyncadd.s32 $0xFFFFFC00  }
0x68: {  	[spmem:s22] =	stream.linear.scatter [tilespmem:s26], [sflag:$0x1], $0x4000, $0x38;
	[tilespmem:$0x19CD0] =	vst v63  }
0x69: {  	_ =	swait.ge [sflag:s28], $0x4000  }
0x6a: {  	[sflag:s28] =	ssyncset.done $0x0  }
0x6b: {  	[sflag:s28] =	ssyncadd.s32 $0xFFFFC000  }
0x6c: {  	[spmem:s23] =	stream.linear.scatter [tilespmem:s29], [sflag:$0x1], $0x400, $0x38;
	[tilespmem:$0x19CD0] =	vst v63  }
0x6d: {  	_ =	swait.ge [sflag:s28], $0x400  }
0x6e: {  	[sflag:s28] =	ssyncset.done $0x0  }
0x6f: {  	[sflag:s28] =	ssyncadd.s32 $0xFFFFFC00  }
0x70: {  	s17 =	sadd.s32 $0x0, s19;
	[bflag:$0x0] =	sbarrier.arrive $0xFFFF  }
0x71: {  	[tilespmem:s30], [sflag:$0x1] =	stream.linear.gather [hbm4b:s17+s4], $0x40, $0x38;
	[tilespmem:$0x19CD0] =	vst v63  }
0x72: {  	_ =	swait.ge [sflag:s28], $0x40  }
0x73: {  	[sflag:s28] =	ssyncset.done $0x0  }
0x74: {  	s20 =	sadd.s32 $0x0, s18;
	s11 =	sadd.s32 $0x800, s13;
	[sflag:s28] =	ssyncadd.s32 $0xFFFFFFC0  }
0x75: {  	[tilespmem:s31], [sflag:$0x1] =	stream.linear.gather [hbm4b:s20+s4], $0x40, $0x38;
	[tilespmem:$0x19CD0] =	vst v63  }
0x76: {  	s10 =	simm.s32 $0x10;
	s9 =	sadd.s32 $0x800, s11;
	_ =	swait.ge [sflag:s28], $0x40  }
0x77: {  	s12 =	simm.s32 $0x8;
	s14 =	smov.u32 s9;
	[sflag:s28] =	ssyncset.done $0x0  }
0x78: {  	s15 =	simm.s32 $0x18;
	s17 =	smov.u32 s13;
	[sflag:s28] =	ssyncadd.s32 $0xFFFFFFC0  }
.LBB2_4:
0x79: {  	p0 =	sne.s32 s15, $0x4D8  }
0x7a: {  	s9 =	sadd.s32 $0x800, s9;
	v3 =	vld [tilespmem:$0x19850];
	s16 =	smov.u32 s15;
	s15 =	sadd.s32 $0x8, s15  }
0x7b: {  	v4 =	vld [tilespmem:$0x19810]  }
0x7c: {  	v5 =	vld [tilespmem:$0x19860]  }
0x7d: {  	v6 =	vld [tilespmem:$0x19820]  }
0x7e: {  	v7 =	vld [tilespmem:$0x19870]  }
0x7f: {  	v8 =	vld [tilespmem:$0x19830]  }
0x80: {  	vm0 =	vgt.f32 v3, $0.0e+00;
	v9 =	vld [tilespmem:$0x19800];
	v4 =	vsub.s32 v4, v1  }
0x81: {  	v3 =	vld [tilespmem:$0x19840];
	vm1 =	vlt.u32 v4, $0x1388;
	vm2 =	vgt.f32 v5, $0.0e+00  }
0x82: {  	vm0 =	vmand vm1, vm0;
	v5 =	vsub.s32 v6, v1  }
0x83: {  	v4 =	vnsel vm0, $0x13EC, v4;
	vm0 =	vlt.u32 v5, $0x1388  }
0x84: {  	vm1 =	vgt.f32 v7, $0.0e+00;
	[tilespmem:$0x19890] =	vst v4;
	vm0 =	vmand vm0, vm2;
	v4 =	vsub.s32 v8, v1  }
0x85: {  	v6 =	vsub.s32 v9, v1;
	v5 =	vnsel vm0, $0x13EC, v5;
	vm0 =	vlt.u32 v4, $0x1388  }
0x86: {  	vm2 =	vlt.u32 v6, $0x1388;
	vm3 =	vgt.f32 v3, $0.0e+00;
	[tilespmem:$0x198A0] =	vst v5;
	vm0 =	vmand vm0, vm1  }
0x87: {  	vm1 =	vmand vm2, vm3;
	v3 =	vnsel vm0, $0x13EC, v4  }
0x88: {  	v4 =	vnsel vm1, $0x13EC, v6;
	[tilespmem:$0x198B0] =	vst v3  }
0x89: {  	[tilespmem:$0x19880] =	vst v4  }
0x8a: {  	[tilespmem:s26], [sflag:$0x1] =	stream.linear.gather [hbm4b:s17+s4], $0x4000, $0x38;
	[tilespmem:$0x19CD0] =	vst v63  }
0x8b: {  	s17 =	smov.u32 s11;
	s11 =	smov.u32 s14;
	_ =	swait.ge [sflag:s28], $0x4000  }
0x8c: {  	s14 =	smov.u32 s9;
	[sflag:s28] =	ssyncset.done $0x0  }
0x8d: {  	[sflag:s28] =	ssyncadd.s32 $0xFFFFC000  }
0x8e: {  	[spmem:s1] =	stream.indirect.scatter.add.f32 [tilespmem:s26], [sflag:$0x1], $0x100, s3, s0, $0xb8;
	[tilespmem:$0x19CD0] =	vst v63  }
0x8f: {  	_ =	swait.ge [sflag:s28], $0x4000  }
0x90: {  	[sflag:s28] =	ssyncset.done $0x0  }
0x91: {  	[sflag:s28] =	ssyncadd.s32 $0xFFFFC000  }
0x92: {  	[spmem:s2] =	stream.indirect.scatter.add.f32 [tilespmem:s5], [sflag:$0x1], $0x10, s3, s0, $0xb8;
	[tilespmem:$0x19CD0] =	vst v63  }
0x93: {  	_ =	swait.ge [sflag:s28], $0x400  }
0x94: {  	[sflag:s28] =	ssyncset.done $0x0  }
0x95: {  	s20 =	sadd.s32 s12, s19;
	[sflag:s28] =	ssyncadd.s32 $0xFFFFFC00  }
0x96: {  	[tilespmem:s30], [sflag:$0x1] =	stream.linear.gather [hbm4b:s20+s4], $0x40, $0x38;
	[tilespmem:$0x19CD0] =	vst v63  }
0x97: {  	_ =	swait.ge [sflag:s28], $0x40  }
0x98: {  	[sflag:s28] =	ssyncset.done $0x0  }
.Ltmp1:
0x99: {  	s12 =	sadd.s32 s12, s18;
	[sflag:s28] =	ssyncadd.s32 $0xFFFFFFC0;
	(pc) =	sbr.rel @p0 .LBB2_4-.Ltmp1, $4  }
0x9a: {  	[tilespmem:s31], [sflag:$0x1] =	stream.linear.gather [hbm4b:s12+s4], $0x40, $0x38;
	[tilespmem:$0x19CD0] =	vst v63  }
0x9b: {  	s12 =	smov.u32 s10;
	s10 =	smov.u32 s16;
	_ =	swait.ge [sflag:s28], $0x40  }
0x9c: {  	[sflag:s28] =	ssyncset.done $0x0  }
0x9d: {  	[sflag:s28] =	ssyncadd.s32 $0xFFFFFFC0  }
0x9e: {  	v3 =	vld [tilespmem:$0x19850]  }
0x9f: {  	v4 =	vld [tilespmem:$0x19810]  }
0xa0: {  	v5 =	vld [tilespmem:$0x19860]  }
0xa1: {  	v6 =	vld [tilespmem:$0x19820]  }
0xa2: {  	v7 =	vld [tilespmem:$0x19870]  }
0xa3: {  	v8 =	vld [tilespmem:$0x19830]  }
0xa4: {  	v9 =	vld [tilespmem:$0x19800];
	_ =	sdelay $0x2  }
0xa5: {  	v4 =	vsub.s32 v4, v1;
	vm0 =	vgt.f32 v3, $0.0e+00;
	v3 =	vld [tilespmem:$0x19840]  }
0xa6: {  	v6 =	vsub.s32 v6, v1;
	vm13 =	vgt.f32 v5, $0.0e+00;
	v42 =	vsub.s32 v8, v1  }
0xa7: {  	vm15 =	vgt.f32 v7, $0.0e+00;
	v43 =	vsub.s32 v9, v1;
	vm1 =	vlt.u32 v4, $0x1388  }
0xa8: {  	vm14 =	vlt.u32 v6, $0x1388;
	vm6 =	vlt.u32 v42, $0x1388;
	vm0 =	vmand vm1, vm0  }
0xa9: {  	vm2 =	vlt.u32 v43, $0x1388;
	v4 =	vnsel vm0, $0x13EC, v4;
	vm0 =	vmand vm14, vm13  }
0xaa: {  	v6 =	vnsel vm0, $0x13EC, v6;
	[tilespmem:$0x19890] =	vst v4;
	vm0 =	vmand vm6, vm15;
	vm3 =	vgt.f32 v3, $0.0e+00  }
0xab: {  	[tilespmem:$0x198A0] =	vst v6;
	v3 =	vnsel vm0, $0x13EC, v42;
	vm7 =	vmand vm2, vm3  }
0xac: {  	[tilespmem:$0x198B0] =	vst v3;
	v44 =	vnsel vm7, $0x13EC, v43  }
0xad: {  	[tilespmem:$0x19880] =	vst v44  }
0xae: {  	[tilespmem:s26], [sflag:$0x1] =	stream.linear.gather [hbm4b:s17+s4], $0x4000, $0x38;
	[tilespmem:$0x19CD0] =	vst v63  }
0xaf: {  	_ =	swait.ge [sflag:s28], $0x4000  }
0xb0: {  	[sflag:s28] =	ssyncset.done $0x0  }
0xb1: {  	[sflag:s28] =	ssyncadd.s32 $0xFFFFC000  }
0xb2: {  	[spmem:s1] =	stream.indirect.scatter.add.f32 [tilespmem:s26], [sflag:$0x1], $0x100, s3, s0, $0xb8;
	[tilespmem:$0x19CD0] =	vst v63  }
0xb3: {  	_ =	swait.ge [sflag:s28], $0x4000  }
0xb4: {  	[sflag:s28] =	ssyncset.done $0x0  }
0xb5: {  	[sflag:s28] =	ssyncadd.s32 $0xFFFFC000  }
0xb6: {  	[spmem:s2] =	stream.indirect.scatter.add.f32 [tilespmem:s5], [sflag:$0x1], $0x10, s3, s0, $0xb8;
	[tilespmem:$0x19CD0] =	vst v63  }
0xb7: {  	_ =	swait.ge [sflag:s28], $0x400  }
0xb8: {  	[sflag:s28] =	ssyncset.done $0x0  }
0xb9: {  	s9 =	sadd.s32 s12, s19;
	[sflag:s28] =	ssyncadd.s32 $0xFFFFFC00  }
0xba: {  	[tilespmem:s30], [sflag:$0x1] =	stream.linear.gather [hbm4b:s9+s4], $0x40, $0x38;
	[tilespmem:$0x19CD0] =	vst v63  }
0xbb: {  	_ =	swait.ge [sflag:s28], $0x40  }
0xbc: {  	[sflag:s28] =	ssyncset.done $0x0  }
0xbd: {  	s17 =	sadd.s32 s12, s18;
	[sflag:s28] =	ssyncadd.s32 $0xFFFFFFC0  }
0xbe: {  	[tilespmem:s31], [sflag:$0x1] =	stream.linear.gather [hbm4b:s17+s4], $0x40, $0x38;
	[tilespmem:$0x19CD0] =	vst v63  }
0xbf: {  	_ =	swait.ge [sflag:s28], $0x40  }
0xc0: {  	[sflag:s28] =	ssyncset.done $0x0  }
0xc1: {  	[sflag:s28] =	ssyncadd.s32 $0xFFFFFFC0  }
0xc2: {  	v3 =	vld [tilespmem:$0x19850]  }
0xc3: {  	v45 =	vld [tilespmem:$0x19810]  }
0xc4: {  	v46 =	vld [tilespmem:$0x19860]  }
0xc5: {  	v47 =	vld [tilespmem:$0x19820]  }
0xc6: {  	v48 =	vld [tilespmem:$0x19870]  }
0xc7: {  	v49 =	vld [tilespmem:$0x19830]  }
0xc8: {  	v50 =	vld [tilespmem:$0x19800];
	_ =	sdelay $0x2  }
0xc9: {  	v4 =	vsub.s32 v45, v1;
	vm8 =	vgt.f32 v3, $0.0e+00;
	v3 =	vld [tilespmem:$0x19840]  }
0xca: {  	v6 =	vsub.s32 v47, v1;
	vm10 =	vgt.f32 v46, $0.0e+00;
	v51 =	vsub.s32 v49, v1  }
0xcb: {  	vm12 =	vgt.f32 v48, $0.0e+00;
	v52 =	vsub.s32 v50, v1;
	vm9 =	vlt.u32 v4, $0x1388  }
0xcc: {  	vm11 =	vlt.u32 v6, $0x1388;
	vm13 =	vlt.u32 v51, $0x1388;
	vm0 =	vmand vm9, vm8  }
0xcd: {  	vm14 =	vlt.u32 v52, $0x1388;
	v4 =	vnsel vm0, $0x13EC, v4;
	vm0 =	vmand vm11, vm10  }
0xce: {  	v6 =	vnsel vm0, $0x13EC, v6;
	[tilespmem:$0x19890] =	vst v4;
	vm0 =	vmand vm13, vm12;
	vm15 =	vgt.f32 v3, $0.0e+00  }
0xcf: {  	[tilespmem:$0x198A0] =	vst v6;
	v3 =	vnsel vm0, $0x13EC, v51;
	vm4 =	vmand vm14, vm15  }
0xd0: {  	[tilespmem:$0x198B0] =	vst v3;
	v53 =	vnsel vm4, $0x13EC, v52  }
0xd1: {  	[tilespmem:$0x19880] =	vst v53  }
0xd2: {  	[tilespmem:s26], [sflag:$0x1] =	stream.linear.gather [hbm4b:s11+s4], $0x4000, $0x38;
	[tilespmem:$0x19CD0] =	vst v63  }
0xd3: {  	_ =	swait.ge [sflag:s28], $0x4000  }
0xd4: {  	[sflag:s28] =	ssyncset.done $0x0  }
0xd5: {  	[sflag:s28] =	ssyncadd.s32 $0xFFFFC000  }
0xd6: {  	[spmem:s1] =	stream.indirect.scatter.add.f32 [tilespmem:s26], [sflag:$0x1], $0x100, s3, s0, $0xb8;
	[tilespmem:$0x19CD0] =	vst v63  }
0xd7: {  	_ =	swait.ge [sflag:s28], $0x4000  }
0xd8: {  	[sflag:s28] =	ssyncset.done $0x0  }
0xd9: {  	[sflag:s28] =	ssyncadd.s32 $0xFFFFC000  }
0xda: {  	[spmem:s2] =	stream.indirect.scatter.add.f32 [tilespmem:s5], [sflag:$0x1], $0x10, s3, s0, $0xb8;
	[tilespmem:$0x19CD0] =	vst v63  }
0xdb: {  	_ =	swait.ge [sflag:s28], $0x400  }
0xdc: {  	[sflag:s28] =	ssyncset.done $0x0  }
0xdd: {  	s20 =	sadd.s32 s10, s19;
	[sflag:s28] =	ssyncadd.s32 $0xFFFFFC00  }
0xde: {  	[tilespmem:s30], [sflag:$0x1] =	stream.linear.gather [hbm4b:s20+s4], $0x40, $0x38;
	[tilespmem:$0x19CD0] =	vst v63  }
0xdf: {  	_ =	swait.ge [sflag:s28], $0x40  }
0xe0: {  	[sflag:s28] =	ssyncset.done $0x0  }
0xe1: {  	s10 =	sadd.s32 s10, s18;
	[sflag:s28] =	ssyncadd.s32 $0xFFFFFFC0  }
0xe2: {  	[tilespmem:s31], [sflag:$0x1] =	stream.linear.gather [hbm4b:s10+s4], $0x40, $0x38;
	[tilespmem:$0x19CD0] =	vst v63  }
0xe3: {  	_ =	swait.ge [sflag:s28], $0x40  }
0xe4: {  	[sflag:s28] =	ssyncset.done $0x0  }
0xe5: {  	[sflag:s28] =	ssyncadd.s32 $0xFFFFFFC0  }
0xe6: {  	v3 =	vld [tilespmem:$0x19850]  }
0xe7: {  	v54 =	vld [tilespmem:$0x19810]  }
0xe8: {  	v55 =	vld [tilespmem:$0x19860]  }
0xe9: {  	v56 =	vld [tilespmem:$0x19820]  }
0xea: {  	v57 =	vld [tilespmem:$0x19870]  }
0xeb: {  	v58 =	vld [tilespmem:$0x19830]  }
0xec: {  	v59 =	vld [tilespmem:$0x19800];
	_ =	sdelay $0x2  }
0xed: {  	v4 =	vsub.s32 v54, v1;
	vm5 =	vgt.f32 v3, $0.0e+00;
	v3 =	vld [tilespmem:$0x19840]  }
0xee: {  	v6 =	vsub.s32 v56, v1;
	vm7 =	vgt.f32 v55, $0.0e+00;
	v60 =	vsub.s32 v58, v1  }
0xef: {  	vm9 =	vgt.f32 v57, $0.0e+00;
	v61 =	vsub.s32 v59, v1;
	vm6 =	vlt.u32 v4, $0x1388  }
0xf0: {  	vm8 =	vlt.u32 v6, $0x1388;
	vm10 =	vlt.u32 v60, $0x1388;
	vm0 =	vmand vm6, vm5  }
0xf1: {  	vm11 =	vlt.u32 v61, $0x1388;
	v4 =	vnsel vm0, $0x13EC, v4;
	vm0 =	vmand vm8, vm7  }
0xf2: {  	v6 =	vnsel vm0, $0x13EC, v6;
	[tilespmem:$0x19890] =	vst v4;
	vm0 =	vmand vm10, vm9;
	vm12 =	vgt.f32 v3, $0.0e+00  }
0xf3: {  	[tilespmem:$0x198A0] =	vst v6;
	v3 =	vnsel vm0, $0x13EC, v60;
	vm13 =	vmand vm11, vm12  }
0xf4: {  	[tilespmem:$0x198B0] =	vst v3;
	v62 =	vnsel vm13, $0x13EC, v61  }
0xf5: {  	[tilespmem:$0x19880] =	vst v62  }
0xf6: {  	[tilespmem:s26], [sflag:$0x1] =	stream.linear.gather [hbm4b:s14+s4], $0x4000, $0x38;
	[tilespmem:$0x19CD0] =	vst v63  }
0xf7: {  	_ =	swait.ge [sflag:s28], $0x4000  }
0xf8: {  	[sflag:s28] =	ssyncset.done $0x0  }
0xf9: {  	[sflag:s28] =	ssyncadd.s32 $0xFFFFC000  }
0xfa: {  	[spmem:s1] =	stream.indirect.scatter.add.f32 [tilespmem:s26], [sflag:$0x1], $0x100, s3, s0, $0xb8;
	[tilespmem:$0x19CD0] =	vst v63  }
0xfb: {  	_ =	swait.ge [sflag:s28], $0x4000  }
0xfc: {  	[sflag:s28] =	ssyncset.done $0x0  }
0xfd: {  	[sflag:s28] =	ssyncadd.s32 $0xFFFFC000  }
0xfe: {  	[spmem:s2] =	stream.indirect.scatter.add.f32 [tilespmem:s5], [sflag:$0x1], $0x10, s3, s0, $0xb8;
	[tilespmem:$0x19CD0] =	vst v63  }
0xff: {  	_ =	swait.ge [sflag:s28], $0x400  }
0x100: {  	[sflag:s28] =	ssyncset.done $0x0  }
0x101: {  	s11 =	rddreg [dreg:$0x5];
	[sflag:s28] =	ssyncadd.s32 $0xFFFFFC00  }
0x102: {  	[tilespmem:s30], [sflag:$0x1] =	stream.linear.gather [hbm4b:s11+s4], $0x10, $0x38;
	[tilespmem:$0x19CD0] =	vst v63  }
0x103: {  	_ =	swait.ge [sflag:s28], $0x10  }
0x104: {  	[sflag:s28] =	ssyncset.done $0x0  }
0x105: {  	s12 =	rddreg [dreg:$0x6];
	[sflag:s28] =	ssyncadd.s32 $0xFFFFFFF0  }
0x106: {  	[tilespmem:s31], [sflag:$0x1] =	stream.linear.gather [hbm4b:s12+s4], $0x10, $0x38;
	[tilespmem:$0x19CD0] =	vst v63  }
0x107: {  	_ =	swait.ge [sflag:s28], $0x10  }
0x108: {  	[sflag:s28] =	ssyncset.done $0x0  }
0x109: {  	[sflag:s28] =	ssyncadd.s32 $0xFFFFFFF0  }
0x10a: {  	v3 =	vld [tilespmem:$0x19800]  }
0x10b: {  	v63 =	vld [tilespmem:$0x19840];
	_ =	sdelay $0x3  }
0x10c: {  	v3 =	vsub.s32 v3, v1  }
0x10d: {  	vm15 =	vgt.f32 v63, $0.0e+00;
	vm14 =	vlt.u32 v3, $0x1388  }
0x10e: {  	vm0 =	vmand vm14, vm15  }
0x10f: {  	v3 =	vnsel vm0, $0x13EC, v3  }
0x110: {  	s14 =	rddreg [dreg:$0x7];
	[tilespmem:$0x198C0] =	vst v3  }
0x111: {  	[tilespmem:s26], [sflag:$0x1] =	stream.linear.gather [hbm4b:s14+s4], $0x1000, $0x38;
	[tilespmem:$0x19CD0] =	vst v63  }
0x112: {  	_ =	swait.ge [sflag:s28], $0x1000  }
0x113: {  	[sflag:s28] =	ssyncset.done $0x0  }
0x114: {  	[sflag:s28] =	ssyncadd.s32 $0xFFFFF000  }
0x115: {  	[spmem:s1] =	stream.indirect.scatter.add.f32 [tilespmem:s26], [sflag:$0x1], $0x100, s7, s6, $0xb8;
	[tilespmem:$0x19CD0] =	vst v63  }
0x116: {  	_ =	swait.ge [sflag:s28], $0x1000  }
0x117: {  	[sflag:s28] =	ssyncset.done $0x0  }
0x118: {  	[sflag:s28] =	ssyncadd.s32 $0xFFFFF000  }
0x119: {  	[spmem:s2] =	stream.indirect.scatter.add.f32 [tilespmem:s5], [sflag:$0x1], $0x10, s7, s6, $0xb8;
	[tilespmem:$0x19CD0] =	vst v63  }
0x11a: {  	_ =	swait.ge [sflag:s28], $0x100  }
0x11b: {  	[sflag:s28] =	ssyncset.done $0x0  }
0x11c: {  	s15 =	stileid.u32;
	[sflag:s28] =	ssyncadd.s32 $0xFFFFFF00  }
0x11d: {  	s9 =	sshll.u32 s15, $0x6;
	[bflag:$0x0] =	sbarrier.arrive $0xFFFF  }
0x11e: {  	s9 =	sor.u32 $0x1C01, s9;
	s16 =	rddreg [dreg:$0x8]  }
0x11f: {  	[hbm:s16], [sflag:s9] =	dma.local [spmem:s24], $0x2800  }
0x120: {  	_ =	swait.ge [sflag:s28], $0x2800  }
0x121: {  	[sflag:s28] =	ssyncset.done $0x0  }
0x122: {  	s17 =	rddreg [dreg:$0x9];
	[sflag:s28] =	ssyncadd.s32 $0xFFFFD800  }
0x123: {  	[hbm:s17], [sflag:s9] =	dma.local [spmem:s25], $0x280  }
0x124: {  	_ =	swait.ge [sflag:s28], $0x280  }
0x125: {  	s8 =	sadd.s32 $0x1, s8;
	s20 =	rddreg [dreg:$0xa]  }
0x126: {  	p0 =	sne.s32 s8, s20  }
.Ltmp2:
0x127: {  	_ = 	snop;
	(pc) =	sbr.rel @p0 .LBB2_1-.Ltmp2, $3  }
0x128: {  	_ =	sdelay $0x1  }
0x129: {  	[sflag:s28] =	ssyncset.done $0x0  }
0x12a: {  	[sflag:s28] =	ssyncadd.s32 $0xFFFFFD80  }
0x12b: {  	_ =	sfence.sel $0x180000  }
0x12c: {  	[bflag:$0x0] =	sbarrier.arrive $0xFFFF  }
0x12d: {  	_ =	strace $0x90000056  }
0x12e: {  	s0 =	stileid.u32;
	[bflag:$0x2] =	sbarrier.arrive $0xFFFF  }
0x12f: {  	p0 =	sne.s32 s0, $0x0;
	s0 =	rddreg [dreg:$0x4]  }
0x130: {  	s0 =	sadd.s32 @!p0 $0x100000, s0  }
0x131: {  	[sflag:s0] =	ssyncadd.tile.s32 @!p0 $0x1;
	_ =	shalt  }
.Lfunc_end2:
_tile_overlayer_lowered:
.L_overlay_start_2:
0x132: {  	(tag) =	ssettag $0x2  }
0x133: {  	s0 =	rddreg [dreg:$0x0];
	s2 =	stileid.u32  }
0x134: {  	s1 =	rddreg [dreg:$0x1];
	p0 =	sne.s32 s2, $0x0  }
0x135: {  	s3 =	rddreg [dreg:$0x2];
	[bflag:$0x3] =	sbarrier.arrive $0xFFFF;
	s2 =	simm.s32 @!p0 $0x1C01  }
0x136: {  	[timem:s3], [sflag:s2] =	dma.local @!p0 [hbm:s0], s1  }
0x137: {  	s0 =	simm.s32 @!p0 $0x1  }
0x138: {  	_ =	swait.ge @!p0 [sflag:s0], s1  }
0x139: {  	s1 =	ssub.s32 @!p0 $0x0, s1;
	[sflag:s0] =	ssyncset.done @!p0 $0x0  }
0x13a: {  	[sflag:s0] =	ssyncadd.s32 @!p0 s1  }
0x13b: {  	[bflag:$0x3] =	sbarrier.arrive $0xFFFF  }
0x13c: {  	_ =	shalt  }

// kernel: sparse-core-data-format-call.1.cloned.1.call-start
scs
called_computation.1_lowered:
.L_overlay_start_0:
0x0: {  	s1 =	sld [smem:$0x3FD9]  }
0x1: {  	s2 =	sld [smem:$0x3FFE];
	_ =	sdelay $0x1  }
0x2: {  	s3 =	srdreg.scid  }
0x3: {  	s0 =	sand.u32 $0x1, s3  }
0x4: {  	s17 =	sshll.u32 s0, $0xA;
	s1 =	sadd.s32 s2, s1  }
0x5: {  	s1 =	sadd.s32 s1, s17  }
0x6: {  	[smem:$0x3FB5] =	sst s1  }
0x7: {  	_ = 	snop  }
0x8: {  	(tm) =	ssettm $0x1  }
0x9: {  	s18 =	sld [smem:$0x3FFB];
	_ =	sdelay $0x3  }
0xa: {  	_ =	strace s18  }
0xb: {  	s1 =	sld [smem:$0x3FFC];
	_ =	sdelay $0x3  }
0xc: {  	_ =	strace s1  }
0xd: {  	s1 =	sld [smem:$0x3FFD];
	_ =	sdelay $0x3  }
0xe: {  	_ =	strace s1  }
0xf: {  	_ =	strace $0x8FFFFFFF  }
0x10: {  	s19 =	sld [smem:$0x3FDB];
	_ =	sdelay $0x1  }
0x11: {  	s20 =	simm.s32 $_scs_section_size  }
0x12: {  	s4 =	simm.s32 $_size__tile_overlayer_lowered;
	s5 =	simm.s32 $_tile_overlayer_lowered  }
0x13: {  	s23 =	simm.s32 $0x1BFF;
	s22 =	sshll.u32 s5, $0x1;
	s1 =	sadd.s32 s20, s19  }
0x14: {  	s6 =	simm.s32 $0x0;
	s21 =	sshll.u32 s4, $0x1;
	s4 =	sadd.s32 s22, s1  }
0x15: {  	[timem:s6], [sflag:s23] =	dma.local [hbm:s4], s21  }
0x16: {  	_ =	swait.ge [sflag:s23], s21  }
0x17: {  	s2 =	ssub.s32 $0x0, s21;
	[sflag:s23] =	ssyncset.done $0x0  }
0x18: {  	[sflag:s23] =	ssyncadd.s32 s2;
	_ =	sdelay $0x1  }
0x19: {  	s24 =	simm.s32 $0x1B8B  }
0x1a: {  	_ =	swait.ge [sflag:s24], $0x1  }
0x1b: {  	[sflag:s24] =	ssyncset.done $0x0  }
0x1c: {  	s26 =	simm.s32 $0x1B8E;
	s25 =	sld [smem:$0x3FFE];
	[sflag:s24] =	ssyncadd.s32 $0xFFFFFFFF  }
0x1d: {  	s27 =	simm.s32 $execute0_lowered;
	[smem:$0x3FD2] =	sst s26  }
0x1e: {  	s4 =	sshll.u32 s27, $0x1;
	_ =	strace $0x80000049;
	[dreg:$0x1] =	wrdreg $0xFFFFFFFF  }
0x1f: {  	s28 =	simm.s32 $_size_execute0_lowered;
	s1 =	sadd.s32 s1, s4;
	[dreg:$0x0] =	wrdreg $0x0  }
0x20: {  	s4 =	sshll.u32 s28, $0x1;
	[dreg:$0x2] =	wrdreg s1  }
0x21: {  	[dreg:$0x3] =	wrdreg s4  }
0x22: {  	[dreg:$0x4] =	wrdreg $0xC0  }
0x23: {  	_ =	task [dreg:s6], $0x5FFFF  }
0x24: {  	[dreg:$0x1] =	wrdreg $0xFFFFFFFF  }
0x25: {  	[dreg:$0x0] =	wrdreg $0x60  }
0x26: {  	[dreg:$0x2] =	wrdreg s25  }
0x27: {  	[dreg:$0x3] =	wrdreg $0x9  }
0x28: {  	_ =	task.clear_ibuf [dreg:s6], $0x4FFFF;
	_ =	strace $0x90000049  }
0x29: {  	s29 =	simm.s32 $0x9;
	_ =	strace $0x8000004B  }
0x2a: {  	_ =	swait.ge [sflag:s29], $0x1  }
0x2b: {  	[sflag:s29] =	ssyncadd.s32 $0xFFFFFFFF  }
0x2c: {  	_ =	strace $0x9000004B  }
0x2d: {  	_ =	sfence  }
0x2e: {  	s30 =	sld [smem:$0x0];
	_ =	sdelay $0x2  }
0x2f: {  	s31 =	sshll.u32 s3, $0xD;
	s3 =	sshrl.u32 s3, $0x2  }
0x30: {  	s2 =	sand.u32 $0x4000, s31;
	s1 =	sadd.s32 s3, s30  }
0x31: {  	s0 =	sor.u32 s2, s0;
	s1 =	sshll.u32 s1, $0x11  }
0x32: {  	s0 =	sor.u32 s1, s0  }
0x33: {  	s0 =	sadd.s32 $0x8F2B, s0  }
0x34: {  	[sflag:s0] =	ssyncadd.remote.s32 $0x1  }
0x35: {  	_ =	sfence.sel $0xFFFF  }
0x36: {  	[dreg:$0x0] =	wrdreg $0xFFFFFFFF;
	(pc) =	sbr.abs _section_cstart, $3  }
0x37: {  	[dreg:$0x1] =	wrdreg $0xFFFFFFFF  }
0x38: {  	_ =	task.clear_ibuf [dreg:s6], $0x2FFFF;
	_ =	strace $0x9FFFFFFF  }
0x39: {  	(tm) =	ssettm $0x7FFFFFFF  }
tec
execute0_lowered:
.L_overlay_start_1:
0x0: {  	(tag) =	ssettag $0x1  }
0x1: {  	s0 =	srdreg.scid  }
0x2: {  	s1 =	sshll.u32 s0, $0x4  }
0x3: {  	s4 =	rddreg [dreg:$0x0];
	s0 =	stileid.u32;
	s1 =	sand.u32 $0x10, s1  }
0x4: {  	s7 =	simm.s32 $0x1;
	s8 =	simm.s32 $0x2;
	s2 =	sor.u32 s0, s1  }
0x5: {  	s9 =	simm.s32 $0x0;
	s12 =	simm.s32 $0x0;
	s2 =	sshll.u32 s2, $0x3  }
0x6: {  	s11 =	simm.s32 $0x0;
	s3 =	sadd.s32 $0x51A400, s4;
	s6 =	ssub.s32 $0x4E20, s2  }
.Ltmp0:
0x7: {  	s4 =	sadd.s32 $0x38400, s4;
	s5 =	sand.u32 $0xF8, s6;
	(pc) =	sbr.rel .LBB1_1-.Ltmp0, $4  }
0x8: {  	s1 =	rddreg [dreg:$0x1];
	_ =	strace $0x8000004A;
	p0 =	sne.s32 s5, $0x0  }
0x9: {  	s6 =	sshrl.u32 s6, $0x8;
	s5 =	simm.s32 $0x1;
	s7 =	simm.s32 @!p0 $0x0  }
0xa: {  	s10 =	smov.u32 s2;
	[sflag:s5] =	ssyncpa.u1 $0x0;
	s6 =	sadd.s32 s7, s6  }
0xb: {  	[sflag:s8] =	ssyncpa.u1 $0x0;
	s8 =	simm.s32 $0x0;
	s7 =	sadd.s32 $0x1, s6  }
.LBB1_9:
0xc: {  	s14 =	sadd.s32 $0x100, s10  }
0xd: {  	p1 =	sgt.s32 s14, $0x4E1F  }
0xe: {  	s14 =	smov.u32 @p1 s2;
	p1 =	sne.s32 s11, s7  }
.Ltmp1:
0xf: {  	p0 =	slt.u32 s11, $0x2;
	(pc) =	sbr.rel @!p1 .LBB1_10-.Ltmp1, $4  }
0x10: {  	s13 =	simm.s32 @!p0 $0x2  }
0x11: {  	s15 =	sadd.s32 $0x1, s11;
	_ =	swait.ge @!p0 [sflag:s13], $0x4000  }
0x12: {  	s12 =	smov.u32 s10;
	s9 =	sadd.s32 $0x4000, s9;
	[sflag:s13] =	ssyncset.done @!p0 $0x0  }
0x13: {  	s11 =	smov.u32 s15;
	s10 =	smov.u32 s14;
	[sflag:s13] =	ssyncadd.s32 @!p0 $0xFFFFC000  }
.LBB1_1:
0x14: {  	p0 =	sge.u32 s11, s6  }
0x15: {  	s13 =	sxor.u32 @!p0 $0xFFFFFFFF, s11  }
0x16: {  	s31 =	sadd.s32 $0xFFFFFFFF, s11;
	s14 =	sshll.u32 @!p0 s10, $0x8;
	s13 =	sshll.u32 @!p0 s13, $0xE  }
0x17: {  	s15 =	simm.s32 @!p0 $0x0;
	s14 =	sadd.s32 @!p0 s3, s14;
	s13 =	sand.u32 @!p0 $0x4000, s13  }
0x18: {  	[tilespmem:s13], [sflag:$0x1] =	stream.linear.gather @!p0 [hbm4b:s14+s15], $0x4000, $0x38;
	[tilespmem:$0x10000] =	vst v63  }
0x19: {  	p0 =	sge.u32 s31, s6  }
.Ltmp2:
0x1a: {  	_ = 	snop;
	(pc) =	sbr.rel @p0 .LBB1_9-.Ltmp2, $1  }
0x1b: {  	_ =	sdelay $0x3  }
0x1c: {  	s13 =	sshll.u32 s9, $0x2;
	_ =	swait.ge [sflag:s5], $0x4000;
	s14 =	sshll.u32 s11, $0xE  }
0x1d: {  	s16 =	simm.s32 $0x0;
	s17 =	simm.s32 $0x0;
	s15 =	sand.u32 $0x10000, s13  }
0x1e: {  	[sflag:s5] =	ssyncset.done $0x0;
	s31 =	sand.u32 $0x4000, s14;
	s14 =	sshrl.u32 s15, $0x2  }
0x1f: {  	[sflag:s5] =	ssyncadd.s32 $0xFFFFC000;
	s13 =	sor.u32 $0x8000, s31;
	s15 =	sor.u32 $0x8000, s14  }
.LBB1_3:
0x20: {  	s18 =	sshra.s32 s16, $0x2  }
0x21: {  	v0 =	vmov s18;
	_ =	sdelay $0x3  }
0x22: {  	p1 =	por $0x1, $0x1;
	s18 =	simm.s32 $0x0  }
.LBB1_4:
0x23: {  	_ = 	snop  }
0x24: {  	s19 =	sshll.u32 s18, $0xA  }
0x25: {  	s19 =	sand.u32 $0x3FFFFC00, s19  }
0x26: {  	s19 =	sadd.s32 s19, s14  }
0x27: {  	v5 =	vld.idx.msk [tilespmem:v0+s19+$0x70 ss:$0x1], $0xffff  }
0x28: {  	v6 =	vld.idx.msk [tilespmem:v0+s19+$0x10 ss:$0x1], $0xffff  }
0x29: {  	v7 =	vld.idx.msk [tilespmem:v0+s19+$0x20 ss:$0x1], $0xffff  }
0x2a: {  	s31 =	sshll.u32 s18, $0x7;
	v1 =	vld.idx.msk [tilespmem:v0+s19+$0x30 ss:$0x1], $0xffff  }
0x2b: {  	s18 =	sand.u32 $0x3FFFFF80, s31;
	v2 =	vld.idx.msk [tilespmem:v0+s19+$0x40 ss:$0x1], $0xffff  }
0x2c: {  	s18 =	sadd.s32 s18, s15;
	v3 =	vld.idx.msk [tilespmem:v0+s19+$0x50 ss:$0x1], $0xffff  }
0x2d: {  	v4 =	vld.idx.msk [tilespmem:v0+s19+$0x60 ss:$0x1], $0xffff;
	[tilespmem:v0+s18+$0x70 ss:$0x1] =	vst.idx.msk $0xffff, v5  }
0x2e: {  	v5 =	vld.idx.msk [tilespmem:v0+s19+$0x0 ss:$0x1], $0xffff;
	[tilespmem:v0+s18+$0x10 ss:$0x1] =	vst.idx.msk $0xffff, v6;
	s19 =	sadd.s32 $0x80, s19  }
0x2f: {  	p0 =	por p1, p1;
	s20 =	simm.s32 $0x6;
	[tilespmem:v0+s18+$0x20 ss:$0x1] =	vst.idx.msk $0xffff, v7;
	v6 =	vld.idx.msk [tilespmem:v0+s19+$0x70 ss:$0x1], $0xffff  }
.LBB1_5:
0x30: {  	p1 =	sne.s32 s20, $0x1;
	v7 =	vld.idx.msk [tilespmem:v0+s19+$0x10 ss:$0x1], $0xffff;
	[tilespmem:v0+s18+$0x30 ss:$0x1] =	vst.idx.msk $0xffff, v1  }
0x31: {  	v8 =	vld.idx.msk [tilespmem:v0+s19+$0x20 ss:$0x1], $0xffff;
	[tilespmem:v0+s18+$0x40 ss:$0x1] =	vst.idx.msk $0xffff, v2  }
0x32: {  	v1 =	vld.idx.msk [tilespmem:v0+s19+$0x30 ss:$0x1], $0xffff;
	[tilespmem:v0+s18+$0x50 ss:$0x1] =	vst.idx.msk $0xffff, v3  }
.Ltmp3:
0x33: {  	v2 =	vld.idx.msk [tilespmem:v0+s19+$0x40 ss:$0x1], $0xffff;
	[tilespmem:v0+s18+$0x60 ss:$0x1] =	vst.idx.msk $0xffff, v4;
	(pc) =	sbr.rel @p1 .LBB1_5-.Ltmp3, $4  }
0x34: {  	v3 =	vld.idx.msk [tilespmem:v0+s19+$0x50 ss:$0x1], $0xffff;
	[tilespmem:v0+s18+$0x0 ss:$0x1] =	vst.idx.msk $0xffff, v5;
	s18 =	sadd.s32 $0x100, s18  }
0x35: {  	v4 =	vld.idx.msk [tilespmem:v0+s19+$0x60 ss:$0x1], $0xffff;
	[tilespmem:v0+s18+$0x70 ss:$0x1] =	vst.idx.msk $0xffff, v6  }
0x36: {  	v5 =	vld.idx.msk [tilespmem:v0+s19+$0x0 ss:$0x1], $0xffff;
	[tilespmem:v0+s18+$0x10 ss:$0x1] =	vst.idx.msk $0xffff, v7;
	s19 =	sadd.s32 $0x80, s19  }
0x37: {  	s20 =	sadd.s32 $0xFFFFFFFF, s20;
	v6 =	vld.idx.msk [tilespmem:v0+s19+$0x70 ss:$0x1], $0xffff;
	[tilespmem:v0+s18+$0x20 ss:$0x1] =	vst.idx.msk $0xffff, v8  }
0x38: {  	_ =	sdelay $0x3  }
0x39: {  	[tilespmem:v0+s18+$0x30 ss:$0x1] =	vst.idx.msk $0xffff, v1  }
0x3a: {  	v1 =	vld.idx.msk [tilespmem:v0+s19+$0x10 ss:$0x1], $0xffff;
	[tilespmem:v0+s18+$0x40 ss:$0x1] =	vst.idx.msk $0xffff, v2  }
0x3b: {  	v2 =	vld.idx.msk [tilespmem:v0+s19+$0x20 ss:$0x1], $0xffff;
	[tilespmem:v0+s18+$0x50 ss:$0x1] =	vst.idx.msk $0xffff, v3  }
0x3c: {  	v61 =	vld.idx.msk [tilespmem:v0+s19+$0x40 ss:$0x1], $0xffff;
	[tilespmem:v0+s18+$0x60 ss:$0x1] =	vst.idx.msk $0xffff, v4  }
0x3d: {  	s31 =	sadd.s32 $0x100, s18;
	v62 =	vld.idx.msk [tilespmem:v0+s19+$0x50 ss:$0x1], $0xffff;
	[tilespmem:v0+s18+$0x0 ss:$0x1] =	vst.idx.msk $0xffff, v5  }
0x3e: {  	v63 =	vld.idx.msk [tilespmem:v0+s19+$0x60 ss:$0x1], $0xffff;
	[tilespmem:v0+s31+$0x70 ss:$0x1] =	vst.idx.msk $0xffff, v6  }
0x3f: {  	v3 =	vld.idx.msk [tilespmem:v0+s19+$0x30 ss:$0x1], $0xffff;
	[tilespmem:v0+s31+$0x10 ss:$0x1] =	vst.idx.msk $0xffff, v1  }
0x40: {  	v1 =	vld.idx.msk [tilespmem:v0+s19+$0x0 ss:$0x1], $0xffff;
	[tilespmem:v0+s31+$0x20 ss:$0x1] =	vst.idx.msk $0xffff, v2  }
.Ltmp4:
0x41: {  	[tilespmem:v0+s31+$0x40 ss:$0x1] =	vst.idx.msk $0xffff, v61;
	(pc) =	sbr.rel @p0 .LBB1_4-.Ltmp4, $4  }
0x42: {  	[tilespmem:v0+s31+$0x50 ss:$0x1] =	vst.idx.msk $0xffff, v62  }
0x43: {  	[tilespmem:v0+s31+$0x60 ss:$0x1] =	vst.idx.msk $0xffff, v63  }
0x44: {  	[tilespmem:v0+s31+$0x30 ss:$0x1] =	vst.idx.msk $0xffff, v3  }
0x45: {  	p1 =	por $0x0, $0x0;
	s18 =	simm.s32 $0x1;
	[tilespmem:v0+s31+$0x0 ss:$0x1] =	vst.idx.msk $0xffff, v1  }
0x46: {  	s17 =	sadd.s32 $0x1, s17  }
0x47: {  	p0 =	sne.s32 s17, $0x8  }
.Ltmp5:
0x48: {  	_ = 	snop;
	(pc) =	sbr.rel @p0 .LBB1_3-.Ltmp5, $2  }
0x49: {  	_ =	sdelay $0x2  }
0x4a: {  	s16 =	sadd.s32 $0x2000, s16  }
.Ltmp6:
0x4b: {  	(pc) =	sbr.rel .LBB1_9-.Ltmp6, $4  }
0x4c: {  	_ = 	snop  }
0x4d: {  	s12 =	sshll.u32 s12, $0x8  }
0x4e: {  	s12 =	sadd.s32 s4, s12  }
0x4f: {  	[hbm4b:s12+s8] =	stream.linear.scatter [tilespmem:s13], [sflag:$0x2], $0x4000, $0x38;
	[tilespmem:$0x10000] =	vst v63  }
.LBB1_10:
0x50: {  	_ =	sfence.sel $0x180000  }
0x51: {  	s2 =	simm.s32 $0x1;
	[bflag:$0x0] =	sbarrier.arrive $0xFFFF  }
0x52: {  	s31 =	simm.s32 $0x2;
	[sflag:s2] =	ssyncpa.u1 $0x1  }
0x53: {  	[sflag:s31] =	ssyncpa.u1 $0x1  }
0x54: {  	p0 =	sne.s32 s0, $0x0;
	_ =	strace $0x9000004A  }
0x55: {  	s0 =	sadd.s32 @!p0 $0x100000, s1;
	[bflag:$0x2] =	sbarrier.arrive $0xFFFF  }
0x56: {  	[sflag:s0] =	ssyncadd.tile.s32 @!p0 $0x1;
	_ =	shalt  }
.Lfunc_end1:
_tile_overlayer_lowered:
.L_overlay_start_2:
0x57: {  	(tag) =	ssettag $0x2  }
0x58: {  	s0 =	rddreg [dreg:$0x0];
	s2 =	stileid.u32  }
0x59: {  	s1 =	rddreg [dreg:$0x1];
	p0 =	sne.s32 s2, $0x0  }
0x5a: {  	s3 =	rddreg [dreg:$0x2];
	[bflag:$0x3] =	sbarrier.arrive $0xFFFF;
	s2 =	simm.s32 @!p0 $0x1C01  }
0x5b: {  	[timem:s3], [sflag:s2] =	dma.local @!p0 [hbm:s0], s1  }
0x5c: {  	s0 =	simm.s32 @!p0 $0x1  }
0x5d: {  	_ =	swait.ge @!p0 [sflag:s0], s1  }
0x5e: {  	s1 =	ssub.s32 @!p0 $0x0, s1;
	[sflag:s0] =	ssyncset.done @!p0 $0x0  }
0x5f: {  	[sflag:s0] =	ssyncadd.s32 @!p0 s1  }
0x60: {  	[bflag:$0x3] =	sbarrier.arrive $0xFFFF  }
0x61: {  	_ =	shalt  }

// kernel: sparse-core-data-format-call.cloned.1.call-start
scs
called_computation_lowered:
.L_overlay_start_0:
0x0: {  	s1 =	sld [smem:$0x3FD9]  }
0x1: {  	s2 =	sld [smem:$0x3FFE];
	_ =	sdelay $0x1  }
0x2: {  	s3 =	srdreg.scid  }
0x3: {  	s0 =	sand.u32 $0x1, s3  }
0x4: {  	s17 =	sshll.u32 s0, $0xA;
	s1 =	sadd.s32 s2, s1  }
0x5: {  	s1 =	sadd.s32 s1, s17  }
0x6: {  	[smem:$0x3FB5] =	sst s1  }
0x7: {  	_ = 	snop  }
0x8: {  	(tm) =	ssettm $0x1  }
0x9: {  	s18 =	sld [smem:$0x3FFB];
	_ =	sdelay $0x3  }
0xa: {  	_ =	strace s18  }
0xb: {  	s1 =	sld [smem:$0x3FFC];
	_ =	sdelay $0x3  }
0xc: {  	_ =	strace s1  }
0xd: {  	s1 =	sld [smem:$0x3FFD];
	_ =	sdelay $0x3  }
0xe: {  	_ =	strace s1  }
0xf: {  	_ =	strace $0x8FFFFFFF  }
0x10: {  	s19 =	sld [smem:$0x3FDB];
	_ =	sdelay $0x1  }
0x11: {  	s20 =	simm.s32 $_scs_section_size  }
0x12: {  	s4 =	simm.s32 $_size__tile_overlayer_lowered;
	s5 =	simm.s32 $_tile_overlayer_lowered  }
0x13: {  	s23 =	simm.s32 $0x1BFF;
	s22 =	sshll.u32 s5, $0x1;
	s1 =	sadd.s32 s20, s19  }
0x14: {  	s6 =	simm.s32 $0x0;
	s21 =	sshll.u32 s4, $0x1;
	s4 =	sadd.s32 s22, s1  }
0x15: {  	[timem:s6], [sflag:s23] =	dma.local [hbm:s4], s21  }
0x16: {  	_ =	swait.ge [sflag:s23], s21  }
0x17: {  	s2 =	ssub.s32 $0x0, s21;
	[sflag:s23] =	ssyncset.done $0x0  }
0x18: {  	[sflag:s23] =	ssyncadd.s32 s2;
	_ =	sdelay $0x1  }
0x19: {  	s24 =	simm.s32 $0x1B8B  }
0x1a: {  	_ =	swait.ge [sflag:s24], $0x1  }
0x1b: {  	[sflag:s24] =	ssyncset.done $0x0  }
0x1c: {  	s26 =	simm.s32 $0x1B8E;
	s25 =	sld [smem:$0x3FFE];
	[sflag:s24] =	ssyncadd.s32 $0xFFFFFFFF  }
0x1d: {  	s27 =	simm.s32 $execute0_lowered;
	[smem:$0x3FD2] =	sst s26  }
0x1e: {  	s4 =	sshll.u32 s27, $0x1;
	_ =	strace $0x80000052;
	[dreg:$0x1] =	wrdreg $0xFFFFFFFF  }
0x1f: {  	s28 =	simm.s32 $_size_execute0_lowered;
	s1 =	sadd.s32 s1, s4;
	[dreg:$0x0] =	wrdreg $0x0  }
0x20: {  	s4 =	sshll.u32 s28, $0x1;
	[dreg:$0x2] =	wrdreg s1  }
0x21: {  	[dreg:$0x3] =	wrdreg s4  }
0x22: {  	[dreg:$0x4] =	wrdreg $0xC0  }
0x23: {  	_ =	task [dreg:s6], $0x5FFFF  }
0x24: {  	[dreg:$0x1] =	wrdreg $0xFFFFFFFF  }
0x25: {  	[dreg:$0x0] =	wrdreg $0x60  }
0x26: {  	[dreg:$0x2] =	wrdreg s25  }
0x27: {  	[dreg:$0x3] =	wrdreg $0x9  }
0x28: {  	_ =	task.clear_ibuf [dreg:s6], $0x4FFFF;
	_ =	strace $0x90000052  }
0x29: {  	s29 =	simm.s32 $0x9;
	_ =	strace $0x80000054  }
0x2a: {  	_ =	swait.ge [sflag:s29], $0x1  }
0x2b: {  	[sflag:s29] =	ssyncadd.s32 $0xFFFFFFFF  }
0x2c: {  	_ =	strace $0x90000054  }
0x2d: {  	_ =	sfence  }
0x2e: {  	s30 =	sld [smem:$0x0];
	_ =	sdelay $0x2  }
0x2f: {  	s31 =	sshll.u32 s3, $0xD;
	s3 =	sshrl.u32 s3, $0x2  }
0x30: {  	s2 =	sand.u32 $0x4000, s31;
	s1 =	sadd.s32 s3, s30  }
0x31: {  	s0 =	sor.u32 s2, s0;
	s1 =	sshll.u32 s1, $0x11  }
0x32: {  	s0 =	sor.u32 s1, s0  }
0x33: {  	s0 =	sadd.s32 $0x8F2B, s0  }
0x34: {  	[sflag:s0] =	ssyncadd.remote.s32 $0x1  }
0x35: {  	_ =	sfence.sel $0xFFFF  }
0x36: {  	[dreg:$0x0] =	wrdreg $0xFFFFFFFF;
	(pc) =	sbr.abs _section_cstart, $3  }
0x37: {  	[dreg:$0x1] =	wrdreg $0xFFFFFFFF  }
0x38: {  	_ =	task.clear_ibuf [dreg:s6], $0x2FFFF;
	_ =	strace $0x9FFFFFFF  }
0x39: {  	(tm) =	ssettm $0x7FFFFFFF  }
tec
execute0_lowered:
.L_overlay_start_1:
0x0: {  	(tag) =	ssettag $0x1  }
0x1: {  	s0 =	srdreg.scid  }
0x2: {  	s1 =	sshll.u32 s0, $0x4  }
0x3: {  	s4 =	rddreg [dreg:$0x0];
	s0 =	stileid.u32;
	s1 =	sand.u32 $0x10, s1  }
0x4: {  	s7 =	simm.s32 $0x1;
	s8 =	simm.s32 $0x2;
	s2 =	sor.u32 s0, s1  }
0x5: {  	s9 =	simm.s32 $0x0;
	s12 =	simm.s32 $0x0;
	s2 =	sshll.u32 s2, $0x3  }
0x6: {  	s11 =	simm.s32 $0x0;
	s3 =	sadd.s32 $0x604A00, s4;
	s6 =	ssub.s32 $0x4E20, s2  }
.Ltmp0:
0x7: {  	s4 =	sadd.s32 $0x122A00, s4;
	s5 =	sand.u32 $0xF8, s6;
	(pc) =	sbr.rel .LBB1_1-.Ltmp0, $4  }
0x8: {  	s1 =	rddreg [dreg:$0x1];
	_ =	strace $0x80000053;
	p0 =	sne.s32 s5, $0x0  }
0x9: {  	s6 =	sshrl.u32 s6, $0x8;
	s5 =	simm.s32 $0x1;
	s7 =	simm.s32 @!p0 $0x0  }
0xa: {  	s10 =	smov.u32 s2;
	[sflag:s5] =	ssyncpa.u1 $0x0;
	s6 =	sadd.s32 s7, s6  }
0xb: {  	[sflag:s8] =	ssyncpa.u1 $0x0;
	s8 =	simm.s32 $0x0;
	s7 =	sadd.s32 $0x1, s6  }
.LBB1_9:
0xc: {  	s14 =	sadd.s32 $0x100, s10  }
0xd: {  	p1 =	sgt.s32 s14, $0x4E1F  }
0xe: {  	s14 =	smov.u32 @p1 s2;
	p1 =	sne.s32 s11, s7  }
.Ltmp1:
0xf: {  	p0 =	slt.u32 s11, $0x2;
	(pc) =	sbr.rel @!p1 .LBB1_10-.Ltmp1, $4  }
0x10: {  	s13 =	simm.s32 @!p0 $0x2  }
0x11: {  	s15 =	sadd.s32 $0x1, s11;
	_ =	swait.ge @!p0 [sflag:s13], $0x4000  }
0x12: {  	s12 =	smov.u32 s10;
	s9 =	sadd.s32 $0x4000, s9;
	[sflag:s13] =	ssyncset.done @!p0 $0x0  }
0x13: {  	s11 =	smov.u32 s15;
	s10 =	smov.u32 s14;
	[sflag:s13] =	ssyncadd.s32 @!p0 $0xFFFFC000  }
.LBB1_1:
0x14: {  	p0 =	sge.u32 s11, s6  }
0x15: {  	s13 =	sxor.u32 @!p0 $0xFFFFFFFF, s11  }
0x16: {  	s31 =	sadd.s32 $0xFFFFFFFF, s11;
	s14 =	sshll.u32 @!p0 s10, $0x8;
	s13 =	sshll.u32 @!p0 s13, $0xE  }
0x17: {  	s15 =	simm.s32 @!p0 $0x0;
	s14 =	sadd.s32 @!p0 s3, s14;
	s13 =	sand.u32 @!p0 $0x4000, s13  }
0x18: {  	[tilespmem:s13], [sflag:$0x1] =	stream.linear.gather @!p0 [hbm4b:s14+s15], $0x4000, $0x38;
	[tilespmem:$0x10000] =	vst v63  }
0x19: {  	p0 =	sge.u32 s31, s6  }
.Ltmp2:
0x1a: {  	_ = 	snop;
	(pc) =	sbr.rel @p0 .LBB1_9-.Ltmp2, $1  }
0x1b: {  	_ =	sdelay $0x3  }
0x1c: {  	s13 =	sshll.u32 s9, $0x2;
	_ =	swait.ge [sflag:s5], $0x4000;
	s14 =	sshll.u32 s11, $0xE  }
0x1d: {  	s16 =	simm.s32 $0x0;
	s17 =	simm.s32 $0x0;
	s15 =	sand.u32 $0x10000, s13  }
0x1e: {  	[sflag:s5] =	ssyncset.done $0x0;
	s31 =	sand.u32 $0x4000, s14;
	s14 =	sshrl.u32 s15, $0x2  }
0x1f: {  	[sflag:s5] =	ssyncadd.s32 $0xFFFFC000;
	s13 =	sor.u32 $0x8000, s31;
	s15 =	sor.u32 $0x8000, s14  }
.LBB1_3:
0x20: {  	s18 =	sshra.s32 s16, $0x2  }
0x21: {  	v0 =	vmov s18;
	_ =	sdelay $0x3  }
0x22: {  	p1 =	por $0x1, $0x1;
	s18 =	simm.s32 $0x0  }
.LBB1_4:
0x23: {  	_ = 	snop  }
0x24: {  	s19 =	sshll.u32 s18, $0xA  }
0x25: {  	s19 =	sand.u32 $0x3FFFFC00, s19  }
0x26: {  	s19 =	sadd.s32 s19, s14  }
0x27: {  	v5 =	vld.idx.msk [tilespmem:v0+s19+$0x70 ss:$0x1], $0xffff  }
0x28: {  	v6 =	vld.idx.msk [tilespmem:v0+s19+$0x10 ss:$0x1], $0xffff  }
0x29: {  	v7 =	vld.idx.msk [tilespmem:v0+s19+$0x20 ss:$0x1], $0xffff  }
0x2a: {  	s31 =	sshll.u32 s18, $0x7;
	v1 =	vld.idx.msk [tilespmem:v0+s19+$0x30 ss:$0x1], $0xffff  }
0x2b: {  	s18 =	sand.u32 $0x3FFFFF80, s31;
	v2 =	vld.idx.msk [tilespmem:v0+s19+$0x40 ss:$0x1], $0xffff  }
0x2c: {  	s18 =	sadd.s32 s18, s15;
	v3 =	vld.idx.msk [tilespmem:v0+s19+$0x50 ss:$0x1], $0xffff  }
0x2d: {  	v4 =	vld.idx.msk [tilespmem:v0+s19+$0x60 ss:$0x1], $0xffff;
	[tilespmem:v0+s18+$0x70 ss:$0x1] =	vst.idx.msk $0xffff, v5  }
0x2e: {  	v5 =	vld.idx.msk [tilespmem:v0+s19+$0x0 ss:$0x1], $0xffff;
	[tilespmem:v0+s18+$0x10 ss:$0x1] =	vst.idx.msk $0xffff, v6;
	s19 =	sadd.s32 $0x80, s19  }
0x2f: {  	p0 =	por p1, p1;
	s20 =	simm.s32 $0x6;
	[tilespmem:v0+s18+$0x20 ss:$0x1] =	vst.idx.msk $0xffff, v7;
	v6 =	vld.idx.msk [tilespmem:v0+s19+$0x70 ss:$0x1], $0xffff  }
.LBB1_5:
0x30: {  	p1 =	sne.s32 s20, $0x1;
	v7 =	vld.idx.msk [tilespmem:v0+s19+$0x10 ss:$0x1], $0xffff;
	[tilespmem:v0+s18+$0x30 ss:$0x1] =	vst.idx.msk $0xffff, v1  }
0x31: {  	v8 =	vld.idx.msk [tilespmem:v0+s19+$0x20 ss:$0x1], $0xffff;
	[tilespmem:v0+s18+$0x40 ss:$0x1] =	vst.idx.msk $0xffff, v2  }
0x32: {  	v1 =	vld.idx.msk [tilespmem:v0+s19+$0x30 ss:$0x1], $0xffff;
	[tilespmem:v0+s18+$0x50 ss:$0x1] =	vst.idx.msk $0xffff, v3  }
.Ltmp3:
0x33: {  	v2 =	vld.idx.msk [tilespmem:v0+s19+$0x40 ss:$0x1], $0xffff;
	[tilespmem:v0+s18+$0x60 ss:$0x1] =	vst.idx.msk $0xffff, v4;
	(pc) =	sbr.rel @p1 .LBB1_5-.Ltmp3, $4  }
0x34: {  	v3 =	vld.idx.msk [tilespmem:v0+s19+$0x50 ss:$0x1], $0xffff;
	[tilespmem:v0+s18+$0x0 ss:$0x1] =	vst.idx.msk $0xffff, v5;
	s18 =	sadd.s32 $0x100, s18  }
0x35: {  	v4 =	vld.idx.msk [tilespmem:v0+s19+$0x60 ss:$0x1], $0xffff;
	[tilespmem:v0+s18+$0x70 ss:$0x1] =	vst.idx.msk $0xffff, v6  }
0x36: {  	v5 =	vld.idx.msk [tilespmem:v0+s19+$0x0 ss:$0x1], $0xffff;
	[tilespmem:v0+s18+$0x10 ss:$0x1] =	vst.idx.msk $0xffff, v7;
	s19 =	sadd.s32 $0x80, s19  }
0x37: {  	s20 =	sadd.s32 $0xFFFFFFFF, s20;
	v6 =	vld.idx.msk [tilespmem:v0+s19+$0x70 ss:$0x1], $0xffff;
	[tilespmem:v0+s18+$0x20 ss:$0x1] =	vst.idx.msk $0xffff, v8  }
0x38: {  	_ =	sdelay $0x3  }
0x39: {  	[tilespmem:v0+s18+$0x30 ss:$0x1] =	vst.idx.msk $0xffff, v1  }
0x3a: {  	v1 =	vld.idx.msk [tilespmem:v0+s19+$0x10 ss:$0x1], $0xffff;
	[tilespmem:v0+s18+$0x40 ss:$0x1] =	vst.idx.msk $0xffff, v2  }
0x3b: {  	v2 =	vld.idx.msk [tilespmem:v0+s19+$0x20 ss:$0x1], $0xffff;
	[tilespmem:v0+s18+$0x50 ss:$0x1] =	vst.idx.msk $0xffff, v3  }
0x3c: {  	v61 =	vld.idx.msk [tilespmem:v0+s19+$0x40 ss:$0x1], $0xffff;
	[tilespmem:v0+s18+$0x60 ss:$0x1] =	vst.idx.msk $0xffff, v4  }
0x3d: {  	s31 =	sadd.s32 $0x100, s18;
	v62 =	vld.idx.msk [tilespmem:v0+s19+$0x50 ss:$0x1], $0xffff;
	[tilespmem:v0+s18+$0x0 ss:$0x1] =	vst.idx.msk $0xffff, v5  }
0x3e: {  	v63 =	vld.idx.msk [tilespmem:v0+s19+$0x60 ss:$0x1], $0xffff;
	[tilespmem:v0+s31+$0x70 ss:$0x1] =	vst.idx.msk $0xffff, v6  }
0x3f: {  	v3 =	vld.idx.msk [tilespmem:v0+s19+$0x30 ss:$0x1], $0xffff;
	[tilespmem:v0+s31+$0x10 ss:$0x1] =	vst.idx.msk $0xffff, v1  }
0x40: {  	v1 =	vld.idx.msk [tilespmem:v0+s19+$0x0 ss:$0x1], $0xffff;
	[tilespmem:v0+s31+$0x20 ss:$0x1] =	vst.idx.msk $0xffff, v2  }
.Ltmp4:
0x41: {  	[tilespmem:v0+s31+$0x40 ss:$0x1] =	vst.idx.msk $0xffff, v61;
	(pc) =	sbr.rel @p0 .LBB1_4-.Ltmp4, $4  }
0x42: {  	[tilespmem:v0+s31+$0x50 ss:$0x1] =	vst.idx.msk $0xffff, v62  }
0x43: {  	[tilespmem:v0+s31+$0x60 ss:$0x1] =	vst.idx.msk $0xffff, v63  }
0x44: {  	[tilespmem:v0+s31+$0x30 ss:$0x1] =	vst.idx.msk $0xffff, v3  }
0x45: {  	p1 =	por $0x0, $0x0;
	s18 =	simm.s32 $0x1;
	[tilespmem:v0+s31+$0x0 ss:$0x1] =	vst.idx.msk $0xffff, v1  }
0x46: {  	s17 =	sadd.s32 $0x1, s17  }
0x47: {  	p0 =	sne.s32 s17, $0x8  }
.Ltmp5:
0x48: {  	_ = 	snop;
	(pc) =	sbr.rel @p0 .LBB1_3-.Ltmp5, $2  }
0x49: {  	_ =	sdelay $0x2  }
0x4a: {  	s16 =	sadd.s32 $0x2000, s16  }
.Ltmp6:
0x4b: {  	(pc) =	sbr.rel .LBB1_9-.Ltmp6, $4  }
0x4c: {  	_ = 	snop  }
0x4d: {  	s12 =	sshll.u32 s12, $0x8  }
0x4e: {  	s12 =	sadd.s32 s4, s12  }
0x4f: {  	[hbm4b:s12+s8] =	stream.linear.scatter [tilespmem:s13], [sflag:$0x2], $0x4000, $0x38;
	[tilespmem:$0x10000] =	vst v63  }
.LBB1_10:
0x50: {  	_ =	sfence.sel $0x180000  }
0x51: {  	s2 =	simm.s32 $0x1;
	[bflag:$0x0] =	sbarrier.arrive $0xFFFF  }
0x52: {  	s31 =	simm.s32 $0x2;
	[sflag:s2] =	ssyncpa.u1 $0x1  }
0x53: {  	[sflag:s31] =	ssyncpa.u1 $0x1  }
0x54: {  	p0 =	sne.s32 s0, $0x0;
	_ =	strace $0x90000053  }
0x55: {  	s0 =	sadd.s32 @!p0 $0x100000, s1;
	[bflag:$0x2] =	sbarrier.arrive $0xFFFF  }
0x56: {  	[sflag:s0] =	ssyncadd.tile.s32 @!p0 $0x1;
	_ =	shalt  }
.Lfunc_end1:
_tile_overlayer_lowered:
.L_overlay_start_2:
0x57: {  	(tag) =	ssettag $0x2  }
0x58: {  	s0 =	rddreg [dreg:$0x0];
	s2 =	stileid.u32  }
0x59: {  	s1 =	rddreg [dreg:$0x1];
	p0 =	sne.s32 s2, $0x0  }
0x5a: {  	s3 =	rddreg [dreg:$0x2];
	[bflag:$0x3] =	sbarrier.arrive $0xFFFF;
	s2 =	simm.s32 @!p0 $0x1C01  }
0x5b: {  	[timem:s3], [sflag:s2] =	dma.local @!p0 [hbm:s0], s1  }
0x5c: {  	s0 =	simm.s32 @!p0 $0x1  }
0x5d: {  	_ =	swait.ge @!p0 [sflag:s0], s1  }
0x5e: {  	s1 =	ssub.s32 @!p0 $0x0, s1;
	[sflag:s0] =	ssyncset.done @!p0 $0x0  }
0x5f: {  	[sflag:s0] =	ssyncadd.s32 @!p0 s1  }
0x60: {  	[bflag:$0x3] =	sbarrier.arrive $0xFFFF  }
0x61: {  	_ =	shalt  }

</sc_bundles>
